<compile_context>
chip_gen: v7x
topology: tpu7x:2x2x1
jax: 0.10.2.dev20260603
libtpu: 0.0.44.dev20260713+nightly
codegen_flags: <defaults>
</compile_context>

<pallas_src>
import functools

import jax
import jax.numpy as jnp
from jax import lax
from jax.experimental import pallas as pl
from jax.experimental.pallas import tpu as pltpu
from jax.experimental.pallas import tpu_sc as plsc

N_NODES = 10000
D_IN = 128
D = 16

NC = 2
NS = 16
NW = NC * NS

N_PAD = 10240
CHUNK = N_PAD // NS
F_ROWS = N_PAD * D // 128
F_REAL = N_NODES * D // 128

EW = 128
E_EDGES = 320000
W_TOT = E_EDGES // EW
W_BASE = W_TOT // NW
W_EXTRA = W_TOT - W_BASE * NW
W_MAX = W_BASE + 1

_mesh = plsc.VectorSubcoreMesh(core_axis_name="c", subcore_axis_name="s")
_sc_params = pltpu.CompilerParams(use_tc_tiling_on_sc=False)


def _worker_windows(w):
    cnt = jnp.where(w < W_EXTRA, W_BASE + 1, W_BASE)
    base = W_BASE * w + jnp.minimum(w, W_EXTRA)
    clamped = jnp.minimum(base, W_TOT - W_MAX)
    return clamped, base - clamped, cnt




@functools.partial(
    pl.kernel,
    out_type=jax.ShapeDtypeStruct((NC, N_PAD), jnp.float32),
    mesh=_mesh,
    scratch_types=[
        pltpu.VMEM((W_MAX, 1, EW), jnp.int32),
        pltpu.VMEM((EW,), jnp.float32),
        pltpu.VMEM_SHARED((N_PAD,), jnp.float32),
        pltpu.SemaphoreType.DMA,
    ],
    compiler_params=_sc_params,
)
def _sc_degree(ei_hbm, zeros1_hbm, out_hbm, didx_v, ones_v, deg_sh, sem):
    c = lax.axis_index("c")
    s = lax.axis_index("s")
    w = c * NS + s
    clamped, shift, cnt = _worker_windows(w)
    d0 = pltpu.async_copy(zeros1_hbm.at[pl.ds(s * CHUNK, CHUNK)],
                          deg_sh.at[pl.ds(s * CHUNK, CHUNK)], sem)
    d1 = pltpu.async_copy(ei_hbm.at[pl.ds(clamped, W_MAX), pl.ds(1, 1)],
                          didx_v, sem)
    d0.wait()
    d1.wait()
    for i in range(EW // 16):
        ones_v[pl.ds(i * 16, 16)] = jnp.ones((16,), jnp.float32)
    plsc.subcore_barrier()

    def body(j, carry):
        pltpu.async_copy(ones_v, deg_sh.at[didx_v.at[shift + j, 0]], sem,
                         add=True)
        return carry

    lax.fori_loop(0, cnt, body, 0)

    def drain(j, carry):
        pltpu.make_async_copy(ones_v, deg_sh.at[didx_v.at[0, 0]], sem).wait()
        return carry

    lax.fori_loop(0, cnt, drain, 0)
    plsc.subcore_barrier()
    pltpu.sync_copy(deg_sh.at[pl.ds(s * CHUNK, CHUNK)],
                    out_hbm.at[c, pl.ds(s * CHUNK, CHUNK)])


@functools.partial(
    pl.kernel,
    out_type=jax.ShapeDtypeStruct((NC, N_PAD, D), jnp.float32),
    mesh=_mesh,
    scratch_types=[
        pltpu.VMEM((W_MAX, 1, EW), jnp.int32),
        pltpu.VMEM((W_MAX, 1, EW), jnp.int32),
        [pltpu.VMEM((EW, D), jnp.float32)] * 8,
        [pltpu.SemaphoreType.DMA] * 8,
        [pltpu.SemaphoreType.DMA] * 8,
        pltpu.SemaphoreType.DMA,
        pltpu.VMEM_SHARED((N_PAD, D), jnp.float32),
    ],
    compiler_params=_sc_params,
)
def _sc_aggregate(g_hbm, ei_hbm, zeros2_hbm, out_hbm,
                  sidx_v, didx_v, rows, gsem, ssem, zsem, acc_sh):
    c = lax.axis_index("c")
    s = lax.axis_index("s")
    w = c * NS + s
    clamped, shift, cnt = _worker_windows(w)
    d0 = pltpu.async_copy(zeros2_hbm.at[pl.ds(s * CHUNK, CHUNK)],
                          acc_sh.at[pl.ds(s * CHUNK, CHUNK)], zsem)
    d1 = pltpu.async_copy(ei_hbm.at[pl.ds(clamped, W_MAX), pl.ds(0, 1)],
                          sidx_v, gsem[0])
    d2 = pltpu.async_copy(ei_hbm.at[pl.ds(clamped, W_MAX), pl.ds(1, 1)],
                          didx_v, gsem[1])
    d0.wait()
    d1.wait()
    d2.wait()
    plsc.subcore_barrier()

    def slot(j, b, first, tail):
        bb = (b + 4) % 8

        def work():
            pltpu.make_async_copy(g_hbm.at[sidx_v.at[shift + j, 0]],
                                  rows[b], gsem[b]).wait()
            pltpu.async_copy(rows[b], acc_sh.at[didx_v.at[shift + j, 0]],
                             ssem[b], add=True)

        def refill():
            def drain():
                pltpu.make_async_copy(rows[bb], acc_sh.at[didx_v.at[0, 0]],
                                      ssem[bb]).wait()

            if first:
                pl.when(j + 4 >= 8)(drain)
            else:
                drain()
            pltpu.async_copy(g_hbm.at[sidx_v.at[shift + j + 4, 0]],
                             rows[bb], gsem[bb])

        if tail:
            pl.when(j < cnt)(work)
            pl.when(j + 4 < cnt)(refill)
        else:
            work()
            refill()

    for b in range(4):
        pltpu.async_copy(g_hbm.at[sidx_v.at[shift + b, 0]], rows[b], gsem[b])
    for b in range(8):
        slot(b, b, True, False)

    def body(i, carry):
        for b in range(8):
            slot(8 * i + b, b, False, False)
        return carry

    lax.fori_loop(1, (W_MAX - 7) // 8, body, 0)
    for b in range(8):
        slot(72 + b, b, False, True)
    for b in range(8):
        pltpu.make_async_copy(rows[b], acc_sh.at[didx_v.at[0, 0]],
                              ssem[b]).wait()
    plsc.subcore_barrier()
    pltpu.sync_copy(acc_sh.at[pl.ds(s * CHUNK, CHUNK)],
                    out_hbm.at[c, pl.ds(s * CHUNK, CHUNK)])




def _tca_body(x_ref, w1s_ref, hf_ref):
    x3 = x_ref[...].reshape(F_REAL, 8, D_IN)
    hf = jnp.zeros((F_REAL, 128), jnp.float32)
    for k in range(8):
        hf = hf + jnp.dot(x3[:, k, :], w1s_ref[k],
                          preferred_element_type=jnp.float32)
    hf_ref[...] = hf


def _tcb_body(hf_ref, mt_ref, degp_ref, g1f_ref, dinvf_ref):
    deg80 = degp_ref[0] + degp_ref[1] + 1.0
    dinv80 = lax.rsqrt(deg80)
    parts = [jnp.dot(dinv80, mt_ref[t], preferred_element_type=jnp.float32)
             for t in range(16)]
    dinvf = jnp.stack(parts, axis=1).reshape(F_ROWS, 128)
    dinvf_ref[...] = dinvf
    g1f_ref[:F_REAL, :] = hf_ref[...] * dinvf[:F_REAL, :]
    g1f_ref[F_REAL:, :] = jnp.zeros((F_ROWS - F_REAL, 128), jnp.float32)


def _tc2_body(p_ref, g1f_ref, dinvf_ref, b1f_ref, w2b_ref, g2f_ref):
    dinvf = dinvf_ref[...]
    s1 = p_ref[0] + p_ref[1] + g1f_ref[...]
    a1 = s1 * dinvf + b1f_ref[...][None, :]
    h1 = jnp.maximum(a1, 0.0)
    h2 = jnp.dot(h1, w2b_ref[...], preferred_element_type=jnp.float32)
    g2f_ref[...] = h2 * dinvf


def _tc3_body(p_ref, g2f_ref, dinvf_ref, b2f_ref, mavg_ref, msum_ref,
              out_ref):
    dinvf = dinvf_ref[...]
    s2 = p_ref[0] + p_ref[1] + g2f_ref[...]
    a2f = s2 * dinvf + b2f_ref[...][None, :]
    mf = jnp.dot(a2f, mavg_ref[...], preferred_element_type=jnp.float32)
    ef = jnp.exp(a2f - mf)
    sf = jnp.dot(ef, msum_ref[...], preferred_element_type=jnp.float32)
    out_ref[...] = a2f - mf - jnp.log(sf)


_tca = pl.pallas_call(
    _tca_body, out_shape=jax.ShapeDtypeStruct((F_REAL, 128), jnp.float32))
_tcb = pl.pallas_call(
    _tcb_body,
    out_shape=(jax.ShapeDtypeStruct((F_ROWS, 128), jnp.float32),
               jax.ShapeDtypeStruct((F_ROWS, 128), jnp.float32)))
_tc2 = pl.pallas_call(
    _tc2_body, out_shape=jax.ShapeDtypeStruct((F_ROWS, 128), jnp.float32))
_tc3 = pl.pallas_call(
    _tc3_body, out_shape=jax.ShapeDtypeStruct((F_ROWS, 128), jnp.float32))




def kernel(x, edge_index, W1, b1, W2, b2):
    ei_t = edge_index.reshape(2, W_TOT, EW).transpose(1, 0, 2)

    lanes = jnp.arange(128, dtype=jnp.int32)
    kmask = (lanes[None, None, :] // D == jnp.arange(8, dtype=jnp.int32)[:, None, None])
    W1S = jnp.tile(W1, (1, 8))[None, :, :] * kmask.astype(jnp.float32)
    W2b = jnp.kron(jnp.eye(8, dtype=W2.dtype), W2)
    Mt = (jnp.arange(128, dtype=jnp.int32)[None, :, None]
          == 8 * jnp.arange(16, dtype=jnp.int32)[:, None, None]
          + lanes[None, None, :] // D).astype(jnp.float32)
    seg = (lanes[:, None] // D == lanes[None, :] // D).astype(jnp.float32)
    Mavg = seg / float(D)
    Msum = seg
    b1f = jnp.tile(b1, 8)
    b2f = jnp.tile(b2, 8)

    zeros1 = jnp.zeros((N_PAD,), jnp.float32)
    zeros2 = jnp.zeros((N_PAD, D), jnp.float32)

    degp = _sc_degree(ei_t, zeros1)
    hf = _tca(x, W1S)
    g1f, dinvf = _tcb(hf, Mt, degp.reshape(2, 80, 128))
    p1 = _sc_aggregate(g1f.reshape(N_PAD, D), ei_t, zeros2)
    g2f = _tc2(p1.reshape(NC, F_ROWS, 128), g1f, dinvf, b1f, W2b)
    p2 = _sc_aggregate(g2f.reshape(N_PAD, D), ei_t, zeros2)
    outf = _tc3(p2.reshape(NC, F_ROWS, 128), g2f, dinvf, b2f, Mavg, Msum)
    return outf.reshape(N_PAD, D)[:N_NODES]

# --- scband reference (transcript-rebuilt; emitter-appended) ---
"""Pipeline reference for scband-gcn-9698036155053 (READ-ONLY COPY).

The authoritative reference and input builder live on the scoring server;
editing this copy changes nothing except your own understanding.
"""

import jax, jax.numpy as jnp
import numpy as np

N = 10000
E = 320000
D_IN = 128
D_HID = 16
D_OUT = 16


def setup_inputs(seed: int = 0) -> dict:
    key = jax.random.key(seed)
    k1, k2, k3, k4, k5, k6 = jax.random.split(key, 6)
    x = jax.random.normal(k1, (N, D_IN), dtype=jnp.float32)
    edge_index = jax.random.randint(k2, (2, E), 0, N, dtype=jnp.int32)
    W1 = jax.random.normal(k3, (D_IN, D_HID), dtype=jnp.float32) * (1.0 / np.sqrt(D_IN))
    b1 = jnp.zeros((D_HID,), dtype=jnp.float32)
    W2 = jax.random.normal(k4, (D_HID, D_OUT), dtype=jnp.float32) * (1.0 / np.sqrt(D_HID))
    b2 = jnp.zeros((D_OUT,), dtype=jnp.float32)
    return {"x": x, "edge_index": edge_index, "W1": W1, "b1": b1, "W2": W2, "b2": b2}


def _gcn_conv(x, W, b, src, dst, n):
    # GCNConv: out = D^{-1/2} (A + I) D^{-1/2} (x W) + b
    h = x @ W
    deg = jax.ops.segment_sum(jnp.ones_like(dst, dtype=h.dtype), dst, num_segments=n)
    dinv = jnp.where(deg > 0, jax.lax.rsqrt(deg), 0.0)
    norm = dinv[src] * dinv[dst]
    msg = h[src] * norm[:, None]
    out = jax.ops.segment_sum(msg, dst, num_segments=n)
    return out + b


def reference(x, edge_index, W1, b1, W2, b2):
    n = x.shape[0]
    loop = jnp.arange(n, dtype=edge_index.dtype)
    src = jnp.concatenate([edge_index[0], loop])
    dst = jnp.concatenate([edge_index[1], loop])
    h = jax.nn.relu(_gcn_conv(x, W1, b1, src, dst, n))
    out = _gcn_conv(h, W2, b2, src, dst, n)
    return jax.nn.log_softmax(out, axis=1)

if __name__ == "__main__":
    import jax
    _d = setup_inputs()
    print(jax.jit(kernel)(*tuple(_d.values())))

</pallas_src>

<mosaic_0001>
#map = affine_map<(d0, d1) -> (0, 0, 0)>
#map1 = affine_map<(d0, d1) -> (0)>
#map2 = affine_map<(d0, d1) -> (0, 0)>
module attributes {stable_mosaic.version = 14 : i64} {
  func.func @_sc_degree(%arg0: i32, %arg1: i32, %arg2: memref<2500x2x128xi32, #tpu.memory_space<hbm>>, %arg3: memref<10240xf32, #tpu.memory_space<hbm>>, %arg4: memref<2x10240xf32, #tpu.memory_space<hbm>>, %arg5: memref<79x1x128xi32, #tpu.memory_space<vmem>>, %arg6: memref<128xf32, #tpu.memory_space<vmem>>, %arg7: memref<10240xf32, #tpu.memory_space<vmem_shared>>, %arg8: memref<!tpu.dma_semaphore, #tpu.memory_space<semaphore_mem>>) attributes {dimension_semantics = [#tpu.dimension_semantics<core_parallel>, #tpu.dimension_semantics<subcore_parallel>], iteration_bounds = array<i64: 2, 16>, scalar_prefetch = 0 : i64, scratch_operands = 4 : i64, tpu.core_type = #tpu.core_type<sc_vector_subcore>, window_params = [{transform_indices = #map}, {transform_indices = #map1}, {transform_indices = #map2}]} {
    %mul3A = arith.constant 16 : i32
    %mul3A_0 = arith.muli %arg0, %mul3A : i32
    %add3A = arith.addi %mul3A_0, %arg1 : i32
    %lt3A = arith.constant 4 : i32
    %lt3A_1 = arith.cmpi slt, %add3A, %lt3A : i32
    %jit3A = arith.constant 79 : i32
    %jit3A_2 = arith.constant 78 : i32
    %select_n3A = arith.select %lt3A_1, %jit3A, %jit3A_2 : i32
    %mul3A_3 = arith.constant 78 : i32
    %mul3A_4 = arith.muli %mul3A_3, %add3A : i32
    %min3A = arith.constant 4 : i32
    %min3A_5 = arith.minsi %add3A, %min3A : i32
    %add3A_6 = arith.addi %mul3A_4, %min3A_5 : i32
    %min3A_7 = arith.constant 2421 : i32
    %min3A_8 = arith.minsi %add3A_6, %min3A_7 : i32
    %sub3A = arith.subi %add3A_6, %min3A_8 : i32
    %mul3A_9 = arith.constant 640 : i32
    %mul3A_10 = arith.muli %arg1, %mul3A_9 : i32
    %mul3A_11 = arith.constant 640 : i32
    %mul3A_12 = arith.muli %arg1, %mul3A_11 : i32
    %dma_start3A = tpu.memref_slice %arg7[%mul3A_12] : memref<10240xf32, #tpu.memory_space<vmem_shared>> -> memref<640xf32, #tpu.memory_space<vmem_shared>>
    %dma_start3A_13 = tpu.memref_slice %arg3[%mul3A_10] : memref<10240xf32, #tpu.memory_space<hbm>> -> memref<640xf32, #tpu.memory_space<hbm>>
    tpu.enqueue_dma source(%dma_start3A_13 : memref<640xf32, #tpu.memory_space<hbm>>) target(%dma_start3A : memref<640xf32, #tpu.memory_space<vmem_shared>>) target_semaphore(%arg8 : memref<!tpu.dma_semaphore, #tpu.memory_space<semaphore_mem>>)
    %dma_start3A_14 = arith.constant 1 : i32
    %dma_start3A_15 = arith.constant 0 : i32
    %dma_start3A_16 = tpu.memref_slice %arg2[%min3A_8, %dma_start3A_14, %dma_start3A_15] : memref<2500x2x128xi32, #tpu.memory_space<hbm>> -> memref<79x1x128xi32, #tpu.memory_space<hbm>>
    %dma_start3A_17 = arith.constant 1 : i32
    %dma_start3A_18 = arith.constant 0 : i32
    %dma_start3A_19 = tpu.memref_slice %arg2[%min3A_8, %dma_start3A_17, %dma_start3A_18] : memref<2500x2x128xi32, #tpu.memory_space<hbm>> -> memref<79x1x128xi32, #tpu.memory_space<hbm>>
    tpu.enqueue_dma source(%dma_start3A_19 : memref<79x1x128xi32, #tpu.memory_space<hbm>>) target(%arg5 : memref<79x1x128xi32, #tpu.memory_space<vmem>>) target_semaphore(%arg8 : memref<!tpu.dma_semaphore, #tpu.memory_space<semaphore_mem>>)
    %dma_wait3A = tpu.memref_slice %arg7[%mul3A_12] : memref<10240xf32, #tpu.memory_space<vmem_shared>> -> memref<640xf32, #tpu.memory_space<vmem_shared>>
    %dma_wait3A_20 = tpu.memref_slice %arg3[%mul3A_10] : memref<10240xf32, #tpu.memory_space<hbm>> -> memref<640xf32, #tpu.memory_space<hbm>>
    tpu.wait_dma2 semaphore(%arg8 : memref<!tpu.dma_semaphore, #tpu.memory_space<semaphore_mem>>) src(%dma_wait3A_20 : memref<640xf32, #tpu.memory_space<hbm>>) dst(%dma_wait3A : memref<640xf32, #tpu.memory_space<vmem_shared>>)
    %dma_wait3A_21 = arith.constant 1 : i32
    %dma_wait3A_22 = arith.constant 0 : i32
    %dma_wait3A_23 = tpu.memref_slice %arg2[%min3A_8, %dma_wait3A_21, %dma_wait3A_22] : memref<2500x2x128xi32, #tpu.memory_space<hbm>> -> memref<79x1x128xi32, #tpu.memory_space<hbm>>
    %dma_wait3A_24 = arith.constant 1 : i32
    %dma_wait3A_25 = arith.constant 0 : i32
    %dma_wait3A_26 = tpu.memref_slice %arg2[%min3A_8, %dma_wait3A_24, %dma_wait3A_25] : memref<2500x2x128xi32, #tpu.memory_space<hbm>> -> memref<79x1x128xi32, #tpu.memory_space<hbm>>
    tpu.wait_dma2 semaphore(%arg8 : memref<!tpu.dma_semaphore, #tpu.memory_space<semaphore_mem>>) src(%dma_wait3A_26 : memref<79x1x128xi32, #tpu.memory_space<hbm>>) dst(%arg5 : memref<79x1x128xi32, #tpu.memory_space<vmem>>)
    %broadcast_in_dim3A = arith.constant 1.000000e+00 : f32
    %broadcast_in_dim3A_27 = vector.broadcast %broadcast_in_dim3A : f32 to vector<16xf32>
    %swap3A = arith.constant 0 : index
    %swap3A_28 = tpu.vector_load %arg6[%swap3A] {strides = array<i32>} : memref<128xf32, #tpu.memory_space<vmem>>, vector<16xf32>,
    %swap3A_29 = vector.shape_cast %swap3A_28 : vector<16xf32> to vector<16xf32>
    %swap3A_30 = vector.shape_cast %broadcast_in_dim3A_27 : vector<16xf32> to vector<16xf32>
    tpu.vector_store %arg6[%swap3A], %swap3A_30 {strides = array<i32>} : memref<128xf32, #tpu.memory_space<vmem>>, vector<16xf32>,
    %broadcast_in_dim3A_31 = arith.constant 1.000000e+00 : f32
    %broadcast_in_dim3A_32 = vector.broadcast %broadcast_in_dim3A_31 : f32 to vector<16xf32>
    %swap3A_33 = arith.constant 16 : index
    %swap3A_34 = tpu.vector_load %arg6[%swap3A_33] {strides = array<i32>} : memref<128xf32, #tpu.memory_space<vmem>>, vector<16xf32>,
    %swap3A_35 = vector.shape_cast %swap3A_34 : vector<16xf32> to vector<16xf32>
    %swap3A_36 = vector.shape_cast %broadcast_in_dim3A_32 : vector<16xf32> to vector<16xf32>
    tpu.vector_store %arg6[%swap3A_33], %swap3A_36 {strides = array<i32>} : memref<128xf32, #tpu.memory_space<vmem>>, vector<16xf32>,
    %broadcast_in_dim3A_37 = arith.constant 1.000000e+00 : f32
    %broadcast_in_dim3A_38 = vector.broadcast %broadcast_in_dim3A_37 : f32 to vector<16xf32>
    %swap3A_39 = arith.constant 32 : index
    %swap3A_40 = tpu.vector_load %arg6[%swap3A_39] {strides = array<i32>} : memref<128xf32, #tpu.memory_space<vmem>>, vector<16xf32>,
    %swap3A_41 = vector.shape_cast %swap3A_40 : vector<16xf32> to vector<16xf32>
    %swap3A_42 = vector.shape_cast %broadcast_in_dim3A_38 : vector<16xf32> to vector<16xf32>
    tpu.vector_store %arg6[%swap3A_39], %swap3A_42 {strides = array<i32>} : memref<128xf32, #tpu.memory_space<vmem>>, vector<16xf32>,
    %broadcast_in_dim3A_43 = arith.constant 1.000000e+00 : f32
    %broadcast_in_dim3A_44 = vector.broadcast %broadcast_in_dim3A_43 : f32 to vector<16xf32>
    %swap3A_45 = arith.constant 48 : index
    %swap3A_46 = tpu.vector_load %arg6[%swap3A_45] {strides = array<i32>} : memref<128xf32, #tpu.memory_space<vmem>>, vector<16xf32>,
    %swap3A_47 = vector.shape_cast %swap3A_46 : vector<16xf32> to vector<16xf32>
    %swap3A_48 = vector.shape_cast %broadcast_in_dim3A_44 : vector<16xf32> to vector<16xf32>
    tpu.vector_store %arg6[%swap3A_45], %swap3A_48 {strides = array<i32>} : memref<128xf32, #tpu.memory_space<vmem>>, vector<16xf32>,
    %broadcast_in_dim3A_49 = arith.constant 1.000000e+00 : f32
    %broadcast_in_dim3A_50 = vector.broadcast %broadcast_in_dim3A_49 : f32 to vector<16xf32>
    %swap3A_51 = arith.constant 64 : index
    %swap3A_52 = tpu.vector_load %arg6[%swap3A_51] {strides = array<i32>} : memref<128xf32, #tpu.memory_space<vmem>>, vector<16xf32>,
    %swap3A_53 = vector.shape_cast %swap3A_52 : vector<16xf32> to vector<16xf32>
    %swap3A_54 = vector.shape_cast %broadcast_in_dim3A_50 : vector<16xf32> to vector<16xf32>
    tpu.vector_store %arg6[%swap3A_51], %swap3A_54 {strides = array<i32>} : memref<128xf32, #tpu.memory_space<vmem>>, vector<16xf32>,
    %broadcast_in_dim3A_55 = arith.constant 1.000000e+00 : f32
    %broadcast_in_dim3A_56 = vector.broadcast %broadcast_in_dim3A_55 : f32 to vector<16xf32>
    %swap3A_57 = arith.constant 80 : index
    %swap3A_58 = tpu.vector_load %arg6[%swap3A_57] {strides = array<i32>} : memref<128xf32, #tpu.memory_space<vmem>>, vector<16xf32>,
    %swap3A_59 = vector.shape_cast %swap3A_58 : vector<16xf32> to vector<16xf32>
    %swap3A_60 = vector.shape_cast %broadcast_in_dim3A_56 : vector<16xf32> to vector<16xf32>
    tpu.vector_store %arg6[%swap3A_57], %swap3A_60 {strides = array<i32>} : memref<128xf32, #tpu.memory_space<vmem>>, vector<16xf32>,
    %broadcast_in_dim3A_61 = arith.constant 1.000000e+00 : f32
    %broadcast_in_dim3A_62 = vector.broadcast %broadcast_in_dim3A_61 : f32 to vector<16xf32>
    %swap3A_63 = arith.constant 96 : index
    %swap3A_64 = tpu.vector_load %arg6[%swap3A_63] {strides = array<i32>} : memref<128xf32, #tpu.memory_space<vmem>>, vector<16xf32>,
    %swap3A_65 = vector.shape_cast %swap3A_64 : vector<16xf32> to vector<16xf32>
    %swap3A_66 = vector.shape_cast %broadcast_in_dim3A_62 : vector<16xf32> to vector<16xf32>
    tpu.vector_store %arg6[%swap3A_63], %swap3A_66 {strides = array<i32>} : memref<128xf32, #tpu.memory_space<vmem>>, vector<16xf32>,
    %broadcast_in_dim3A_67 = arith.constant 1.000000e+00 : f32
    %broadcast_in_dim3A_68 = vector.broadcast %broadcast_in_dim3A_67 : f32 to vector<16xf32>
    %swap3A_69 = arith.constant 112 : index
    %swap3A_70 = tpu.vector_load %arg6[%swap3A_69] {strides = array<i32>} : memref<128xf32, #tpu.memory_space<vmem>>, vector<16xf32>,
    %swap3A_71 = vector.shape_cast %swap3A_70 : vector<16xf32> to vector<16xf32>
    %swap3A_72 = vector.shape_cast %broadcast_in_dim3A_68 : vector<16xf32> to vector<16xf32>
    tpu.vector_store %arg6[%swap3A_69], %swap3A_72 {strides = array<i32>} : memref<128xf32, #tpu.memory_space<vmem>>, vector<16xf32>,
    %barrier3A = arith.constant 0 : index
    tpu.barrier barrier_id(%barrier3A)
    %while3A = arith.constant 0 : i32
    %while3A_73 = arith.constant 0 : i32
    %while3A_74 = arith.subi %select_n3A, %while3A_73 : i32
    %while3A_75 = arith.addi %while3A_73, %while3A_74 : i32
    %while3A_76 = arith.constant 1 : i32
    %while3A_77 = arith.divsi %while3A_74, %while3A_76 : i32
    %while3A_78 = arith.muli %while3A_77, %while3A_76 : i32
    %while3A_79 = arith.addi %while3A_73, %while3A_78 : i32
    %while3A_80 = arith.constant 1 : i32
    scf.for %while3A_97 = %while3A_73 to %while3A_79 step %while3A_80  : i32 {
      %add3A_98 = arith.addi %sub3A, %while3A_97 : i32
      %dma_start3A_99 = arith.constant 0 : i32
      %dma_start3A_100 = arith.constant 0 : i32
      %dma_start3A_101 = tpu.memref_slice %arg5[%add3A_98, %dma_start3A_99, %dma_start3A_100] : memref<79x1x128xi32, #tpu.memory_space<vmem>> -> memref<1x1x128xi32, #tpu.memory_space<vmem>>
      %dma_start3A_102 = tpu.memref_squeeze %dma_start3A_101 : memref<1x1x128xi32, #tpu.memory_space<vmem>> -> memref<128xi32, #tpu.memory_space<vmem>>
      %dma_start3A_103 = arith.constant 0 : i32
      %dma_start3A_104 = tpu.memref_slice %arg7[%dma_start3A_103] : memref<10240xf32, #tpu.memory_space<vmem_shared>> -> memref<10240xf32, #tpu.memory_space<vmem_shared>>
      tpu.enqueue_indirect_dma source(%arg6 : memref<128xf32, #tpu.memory_space<vmem>>) target(%dma_start3A_104 : memref<10240xf32, #tpu.memory_space<vmem_shared>>) offsets(%dma_start3A_102 : memref<128xi32, #tpu.memory_space<vmem>>) semaphore(%arg8 : memref<!tpu.dma_semaphore, #tpu.memory_space<semaphore_mem>>) {add = true}
    }
    %while3A_81 = arith.constant 1 : i32
    scf.for %while3A_97 = %while3A_79 to %while3A_75 step %while3A_81  : i32 {
      %add3A_98 = arith.addi %sub3A, %while3A_97 : i32
      %dma_start3A_99 = arith.constant 0 : i32
      %dma_start3A_100 = arith.constant 0 : i32
      %dma_start3A_101 = tpu.memref_slice %arg5[%add3A_98, %dma_start3A_99, %dma_start3A_100] : memref<79x1x128xi32, #tpu.memory_space<vmem>> -> memref<1x1x128xi32, #tpu.memory_space<vmem>>
      %dma_start3A_102 = tpu.memref_squeeze %dma_start3A_101 : memref<1x1x128xi32, #tpu.memory_space<vmem>> -> memref<128xi32, #tpu.memory_space<vmem>>
      %dma_start3A_103 = arith.constant 0 : i32
      %dma_start3A_104 = tpu.memref_slice %arg7[%dma_start3A_103] : memref<10240xf32, #tpu.memory_space<vmem_shared>> -> memref<10240xf32, #tpu.memory_space<vmem_shared>>
      tpu.enqueue_indirect_dma source(%arg6 : memref<128xf32, #tpu.memory_space<vmem>>) target(%dma_start3A_104 : memref<10240xf32, #tpu.memory_space<vmem_shared>>) offsets(%dma_start3A_102 : memref<128xi32, #tpu.memory_space<vmem>>) semaphore(%arg8 : memref<!tpu.dma_semaphore, #tpu.memory_space<semaphore_mem>>) {add = true}
    }
    %while3A_82 = arith.constant 0 : i32
    %while3A_83 = arith.constant 0 : i32
    %while3A_84 = arith.subi %select_n3A, %while3A_83 : i32
    %while3A_85 = arith.addi %while3A_83, %while3A_84 : i32
    %while3A_86 = arith.constant 1 : i32
    %while3A_87 = arith.divsi %while3A_84, %while3A_86 : i32
    %while3A_88 = arith.muli %while3A_87, %while3A_86 : i32
    %while3A_89 = arith.addi %while3A_83, %while3A_88 : i32
    %while3A_90 = arith.constant 1 : i32
    scf.for %while3A_97 = %while3A_83 to %while3A_89 step %while3A_90  : i32 {
      %dma_wait3A_98 = arith.constant 0 : i32
      %dma_wait3A_99 = arith.constant 0 : i32
      %dma_wait3A_100 = arith.constant 0 : i32
      %dma_wait3A_101 = tpu.memref_slice %arg5[%dma_wait3A_98, %dma_wait3A_99, %dma_wait3A_100] : memref<79x1x128xi32, #tpu.memory_space<vmem>> -> memref<1x1x128xi32, #tpu.memory_space<vmem>>
      %dma_wait3A_102 = tpu.memref_squeeze %dma_wait3A_101 : memref<1x1x128xi32, #tpu.memory_space<vmem>> -> memref<128xi32, #tpu.memory_space<vmem>>
      %dma_wait3A_103 = arith.constant 0 : i32
      %dma_wait3A_104 = tpu.memref_slice %arg7[%dma_wait3A_103] : memref<10240xf32, #tpu.memory_space<vmem_shared>> -> memref<10240xf32, #tpu.memory_space<vmem_shared>>
      tpu.wait_indirect_dma semaphore(%arg8 : memref<!tpu.dma_semaphore, #tpu.memory_space<semaphore_mem>>) src(%arg6 : memref<128xf32, #tpu.memory_space<vmem>>) dst(%dma_wait3A_104 : memref<10240xf32, #tpu.memory_space<vmem_shared>>)
    }
    %while3A_91 = arith.constant 1 : i32
    scf.for %while3A_97 = %while3A_89 to %while3A_85 step %while3A_91  : i32 {
      %dma_wait3A_98 = arith.constant 0 : i32
      %dma_wait3A_99 = arith.constant 0 : i32
      %dma_wait3A_100 = arith.constant 0 : i32
      %dma_wait3A_101 = tpu.memref_slice %arg5[%dma_wait3A_98, %dma_wait3A_99, %dma_wait3A_100] : memref<79x1x128xi32, #tpu.memory_space<vmem>> -> memref<1x1x128xi32, #tpu.memory_space<vmem>>
      %dma_wait3A_102 = tpu.memref_squeeze %dma_wait3A_101 : memref<1x1x128xi32, #tpu.memory_space<vmem>> -> memref<128xi32, #tpu.memory_space<vmem>>
      %dma_wait3A_103 = arith.constant 0 : i32
      %dma_wait3A_104 = tpu.memref_slice %arg7[%dma_wait3A_103] : memref<10240xf32, #tpu.memory_space<vmem_shared>> -> memref<10240xf32, #tpu.memory_space<vmem_shared>>
      tpu.wait_indirect_dma semaphore(%arg8 : memref<!tpu.dma_semaphore, #tpu.memory_space<semaphore_mem>>) src(%arg6 : memref<128xf32, #tpu.memory_space<vmem>>) dst(%dma_wait3A_104 : memref<10240xf32, #tpu.memory_space<vmem_shared>>)
    }
    %barrier3A_92 = arith.constant 0 : index
    tpu.barrier barrier_id(%barrier3A_92)
    %mul3A_93 = arith.constant 640 : i32
    %mul3A_94 = arith.muli %arg1, %mul3A_93 : i32
    %mul3A_95 = arith.constant 640 : i32
    %mul3A_96 = arith.muli %arg1, %mul3A_95 : i32
    "tpu.region"() ({
      %run_scoped3A = tpu.sem_alloc : memref<!tpu.dma_semaphore, #tpu.memory_space<semaphore_mem>>
      %dma_start3A_97 = tpu.memref_slice %arg4[%arg0, %mul3A_96] : memref<2x10240xf32, #tpu.memory_space<hbm>> -> memref<1x640xf32, #tpu.memory_space<hbm>>
      %dma_start3A_98 = tpu.memref_squeeze %dma_start3A_97 : memref<1x640xf32, #tpu.memory_space<hbm>> -> memref<640xf32, #tpu.memory_space<hbm>>
      %dma_start3A_99 = tpu.memref_slice %arg7[%mul3A_94] : memref<10240xf32, #tpu.memory_space<vmem_shared>> -> memref<640xf32, #tpu.memory_space<vmem_shared>>
      tpu.enqueue_dma source(%dma_start3A_99 : memref<640xf32, #tpu.memory_space<vmem_shared>>) target(%dma_start3A_98 : memref<640xf32, #tpu.memory_space<hbm>>) target_semaphore(%run_scoped3A : memref<!tpu.dma_semaphore, #tpu.memory_space<semaphore_mem>>)
      %dma_wait3A_100 = tpu.memref_slice %arg4[%arg0, %mul3A_96] : memref<2x10240xf32, #tpu.memory_space<hbm>> -> memref<1x640xf32, #tpu.memory_space<hbm>>
      %dma_wait3A_101 = tpu.memref_squeeze %dma_wait3A_100 : memref<1x640xf32, #tpu.memory_space<hbm>> -> memref<640xf32, #tpu.memory_space<hbm>>
      %dma_wait3A_102 = tpu.memref_slice %arg7[%mul3A_94] : memref<10240xf32, #tpu.memory_space<vmem_shared>> -> memref<640xf32, #tpu.memory_space<vmem_shared>>
      tpu.wait_dma2 semaphore(%run_scoped3A : memref<!tpu.dma_semaphore, #tpu.memory_space<semaphore_mem>>) src(%dma_wait3A_102 : memref<640xf32, #tpu.memory_space<vmem_shared>>) dst(%dma_wait3A_101 : memref<640xf32, #tpu.memory_space<hbm>>)
      tpu.yield
    }) : () -> ()
    return
  }
}

#map = affine_map<(d0, d1) -> (0, 0)>
#map1 = affine_map<(d0, d1) -> (0, 0, 0)>
module attributes {stable_mosaic.version = 14 : i64} {
  func.func @_sc_aggregate(%arg0: i32, %arg1: i32, %arg2: memref<10240x16xf32, #tpu.memory_space<hbm>>, %arg3: memref<2500x2x128xi32, #tpu.memory_space<hbm>>, %arg4: memref<10240x16xf32, #tpu.memory_space<hbm>>, %arg5: memref<2x10240x16xf32, #tpu.memory_space<hbm>>, %arg6: memref<79x1x128xi32, #tpu.memory_space<vmem>>, %arg7: memref<79x1x128xi32, #tpu.memory_space<vmem>>, %arg8: memref<128x16xf32, #tpu.memory_space<vmem>>, %arg9: memref<128x16xf32, #tpu.memory_space<vmem>>, %arg10: memref<128x16xf32, #tpu.memory_space<vmem>>, %arg11: memref<128x16xf32, #tpu.memory_space<vmem>>, %arg12: memref<128x16xf32, #tpu.memory_space<vmem>>, %arg13: memref<128x16xf32, #tpu.memory_space<vmem>>, %arg14: memref<128x16xf32, #tpu.memory_space<vmem>>, %arg15: memref<128x16xf32, #tpu.memory_space<vmem>>, %arg16: memref<!tpu.dma_semaphore, #tpu.memory_space<semaphore_mem>>, %arg17: memref<!tpu.dma_semaphore, #tpu.memory_space<semaphore_mem>>, %arg18: memref<!tpu.dma_semaphore, #tpu.memory_space<semaphore_mem>>, %arg19: memref<!tpu.dma_semaphore, #tpu.memory_space<semaphore_mem>>, %arg20: memref<!tpu.dma_semaphore, #tpu.memory_space<semaphore_mem>>, %arg21: memref<!tpu.dma_semaphore, #tpu.memory_space<semaphore_mem>>, %arg22: memref<!tpu.dma_semaphore, #tpu.memory_space<semaphore_mem>>, %arg23: memref<!tpu.dma_semaphore, #tpu.memory_space<semaphore_mem>>, %arg24: memref<!tpu.dma_semaphore, #tpu.memory_space<semaphore_mem>>, %arg25: memref<!tpu.dma_semaphore, #tpu.memory_space<semaphore_mem>>, %arg26: memref<!tpu.dma_semaphore, #tpu.memory_space<semaphore_mem>>, %arg27: memref<!tpu.dma_semaphore, #tpu.memory_space<semaphore_mem>>, %arg28: memref<!tpu.dma_semaphore, #tpu.memory_space<semaphore_mem>>, %arg29: memref<!tpu.dma_semaphore, #tpu.memory_space<semaphore_mem>>, %arg30: memref<!tpu.dma_semaphore, #tpu.memory_space<semaphore_mem>>, %arg31: memref<!tpu.dma_semaphore, #tpu.memory_space<semaphore_mem>>, %arg32: memref<!tpu.dma_semaphore, #tpu.memory_space<semaphore_mem>>, %arg33: memref<10240x16xf32, #tpu.memory_space<vmem_shared>>) attributes {dimension_semantics = [#tpu.dimension_semantics<core_parallel>, #tpu.dimension_semantics<subcore_parallel>], iteration_bounds = array<i64: 2, 16>, scalar_prefetch = 0 : i64, scratch_operands = 28 : i64, tpu.core_type = #tpu.core_type<sc_vector_subcore>, window_params = [{transform_indices = #map}, {transform_indices = #map1}, {transform_indices = #map}, {transform_indices = #map1}]} {
    %mul3A = arith.constant 16 : i32
    %mul3A_0 = arith.muli %arg0, %mul3A : i32
    %add3A = arith.addi %mul3A_0, %arg1 : i32
    %lt3A = arith.constant 4 : i32
    %lt3A_1 = arith.cmpi slt, %add3A, %lt3A : i32
    %jit3A = arith.constant 79 : i32
    %jit3A_2 = arith.constant 78 : i32
    %select_n3A = arith.select %lt3A_1, %jit3A, %jit3A_2 : i32
    %mul3A_3 = arith.constant 78 : i32
    %mul3A_4 = arith.muli %mul3A_3, %add3A : i32
    %min3A = arith.constant 4 : i32
    %min3A_5 = arith.minsi %add3A, %min3A : i32
    %add3A_6 = arith.addi %mul3A_4, %min3A_5 : i32
    %min3A_7 = arith.constant 2421 : i32
    %min3A_8 = arith.minsi %add3A_6, %min3A_7 : i32
    %sub3A = arith.subi %add3A_6, %min3A_8 : i32
    %mul3A_9 = arith.constant 640 : i32
    %mul3A_10 = arith.muli %arg1, %mul3A_9 : i32
    %mul3A_11 = arith.constant 640 : i32
    %mul3A_12 = arith.muli %arg1, %mul3A_11 : i32
    %dma_start3A = arith.constant 0 : i32
    %dma_start3A_13 = tpu.memref_slice %arg33[%mul3A_12, %dma_start3A] : memref<10240x16xf32, #tpu.memory_space<vmem_shared>> -> memref<640x16xf32, #tpu.memory_space<vmem_shared>>
    %dma_start3A_14 = arith.constant 0 : i32
    %dma_start3A_15 = tpu.memref_slice %arg4[%mul3A_10, %dma_start3A_14] : memref<10240x16xf32, #tpu.memory_space<hbm>> -> memref<640x16xf32, #tpu.memory_space<hbm>>
    tpu.enqueue_dma source(%dma_start3A_15 : memref<640x16xf32, #tpu.memory_space<hbm>>) target(%dma_start3A_13 : memref<640x16xf32, #tpu.memory_space<vmem_shared>>) target_semaphore(%arg32 : memref<!tpu.dma_semaphore, #tpu.memory_space<semaphore_mem>>)
    %dma_start3A_16 = arith.constant 0 : i32
    %dma_start3A_17 = arith.constant 0 : i32
    %dma_start3A_18 = tpu.memref_slice %arg3[%min3A_8, %dma_start3A_16, %dma_start3A_17] : memref<2500x2x128xi32, #tpu.memory_space<hbm>> -> memref<79x1x128xi32, #tpu.memory_space<hbm>>
    %dma_start3A_19 = arith.constant 0 : i32
    %dma_start3A_20 = arith.constant 0 : i32
    %dma_start3A_21 = tpu.memref_slice %arg3[%min3A_8, %dma_start3A_19, %dma_start3A_20] : memref<2500x2x128xi32, #tpu.memory_space<hbm>> -> memref<79x1x128xi32, #tpu.memory_space<hbm>>
    tpu.enqueue_dma source(%dma_start3A_21 : memref<79x1x128xi32, #tpu.memory_space<hbm>>) target(%arg6 : memref<79x1x128xi32, #tpu.memory_space<vmem>>) target_semaphore(%arg16 : memref<!tpu.dma_semaphore, #tpu.memory_space<semaphore_mem>>)
    %dma_start3A_22 = arith.constant 1 : i32
    %dma_start3A_23 = arith.constant 0 : i32
    %dma_start3A_24 = tpu.memref_slice %arg3[%min3A_8, %dma_start3A_22, %dma_start3A_23] : memref<2500x2x128xi32, #tpu.memory_space<hbm>> -> memref<79x1x128xi32, #tpu.memory_space<hbm>>
    %dma_start3A_25 = arith.constant 1 : i32
    %dma_start3A_26 = arith.constant 0 : i32
    %dma_start3A_27 = tpu.memref_slice %arg3[%min3A_8, %dma_start3A_25, %dma_start3A_26] : memref<2500x2x128xi32, #tpu.memory_space<hbm>> -> memref<79x1x128xi32, #tpu.memory_space<hbm>>
    tpu.enqueue_dma source(%dma_start3A_27 : memref<79x1x128xi32, #tpu.memory_space<hbm>>) target(%arg7 : memref<79x1x128xi32, #tpu.memory_space<vmem>>) target_semaphore(%arg17 : memref<!tpu.dma_semaphore, #tpu.memory_space<semaphore_mem>>)
    %dma_wait3A = arith.constant 0 : i32
    %dma_wait3A_28 = tpu.memref_slice %arg33[%mul3A_12, %dma_wait3A] : memref<10240x16xf32, #tpu.memory_space<vmem_shared>> -> memref<640x16xf32, #tpu.memory_space<vmem_shared>>
    %dma_wait3A_29 = arith.constant 0 : i32
    %dma_wait3A_30 = tpu.memref_slice %arg4[%mul3A_10, %dma_wait3A_29] : memref<10240x16xf32, #tpu.memory_space<hbm>> -> memref<640x16xf32, #tpu.memory_space<hbm>>
    tpu.wait_dma2 semaphore(%arg32 : memref<!tpu.dma_semaphore, #tpu.memory_space<semaphore_mem>>) src(%dma_wait3A_30 : memref<640x16xf32, #tpu.memory_space<hbm>>) dst(%dma_wait3A_28 : memref<640x16xf32, #tpu.memory_space<vmem_shared>>)
    %dma_wait3A_31 = arith.constant 0 : i32
    %dma_wait3A_32 = arith.constant 0 : i32
    %dma_wait3A_33 = tpu.memref_slice %arg3[%min3A_8, %dma_wait3A_31, %dma_wait3A_32] : memref<2500x2x128xi32, #tpu.memory_space<hbm>> -> memref<79x1x128xi32, #tpu.memory_space<hbm>>
    %dma_wait3A_34 = arith.constant 0 : i32
    %dma_wait3A_35 = arith.constant 0 : i32
    %dma_wait3A_36 = tpu.memref_slice %arg3[%min3A_8, %dma_wait3A_34, %dma_wait3A_35] : memref<2500x2x128xi32, #tpu.memory_space<hbm>> -> memref<79x1x128xi32, #tpu.memory_space<hbm>>
    tpu.wait_dma2 semaphore(%arg16 : memref<!tpu.dma_semaphore, #tpu.memory_space<semaphore_mem>>) src(%dma_wait3A_36 : memref<79x1x128xi32, #tpu.memory_space<hbm>>) dst(%arg6 : memref<79x1x128xi32, #tpu.memory_space<vmem>>)
    %dma_wait3A_37 = arith.constant 1 : i32
    %dma_wait3A_38 = arith.constant 0 : i32
    %dma_wait3A_39 = tpu.memref_slice %arg3[%min3A_8, %dma_wait3A_37, %dma_wait3A_38] : memref<2500x2x128xi32, #tpu.memory_space<hbm>> -> memref<79x1x128xi32, #tpu.memory_space<hbm>>
    %dma_wait3A_40 = arith.constant 1 : i32
    %dma_wait3A_41 = arith.constant 0 : i32
    %dma_wait3A_42 = tpu.memref_slice %arg3[%min3A_8, %dma_wait3A_40, %dma_wait3A_41] : memref<2500x2x128xi32, #tpu.memory_space<hbm>> -> memref<79x1x128xi32, #tpu.memory_space<hbm>>
    tpu.wait_dma2 semaphore(%arg17 : memref<!tpu.dma_semaphore, #tpu.memory_space<semaphore_mem>>) src(%dma_wait3A_42 : memref<79x1x128xi32, #tpu.memory_space<hbm>>) dst(%arg7 : memref<79x1x128xi32, #tpu.memory_space<vmem>>)
    %barrier3A = arith.constant 0 : index
    tpu.barrier barrier_id(%barrier3A)
    %add3A_43 = arith.constant 0 : i32
    %add3A_44 = arith.addi %sub3A, %add3A_43 : i32
    %dma_start3A_45 = arith.constant 0 : i32
    %dma_start3A_46 = arith.constant 0 : i32
    %dma_start3A_47 = tpu.memref_slice %arg6[%add3A_44, %dma_start3A_45, %dma_start3A_46] : memref<79x1x128xi32, #tpu.memory_space<vmem>> -> memref<1x1x128xi32, #tpu.memory_space<vmem>>
    %dma_start3A_48 = tpu.memref_squeeze %dma_start3A_47 : memref<1x1x128xi32, #tpu.memory_space<vmem>> -> memref<128xi32, #tpu.memory_space<vmem>>
    %dma_start3A_49 = arith.constant 0 : i32
    %dma_start3A_50 = arith.constant 0 : i32
    %dma_start3A_51 = tpu.memref_slice %arg2[%dma_start3A_49, %dma_start3A_50] : memref<10240x16xf32, #tpu.memory_space<hbm>> -> memref<10240x16xf32, #tpu.memory_space<hbm>>
    tpu.enqueue_indirect_dma source(%dma_start3A_51 : memref<10240x16xf32, #tpu.memory_space<hbm>>) target(%arg8 : memref<128x16xf32, #tpu.memory_space<vmem>>) offsets(%dma_start3A_48 : memref<128xi32, #tpu.memory_space<vmem>>) semaphore(%arg16 : memref<!tpu.dma_semaphore, #tpu.memory_space<semaphore_mem>>)
    %add3A_52 = arith.constant 1 : i32
    %add3A_53 = arith.addi %sub3A, %add3A_52 : i32
    %dma_start3A_54 = arith.constant 0 : i32
    %dma_start3A_55 = arith.constant 0 : i32
    %dma_start3A_56 = tpu.memref_slice %arg6[%add3A_53, %dma_start3A_54, %dma_start3A_55] : memref<79x1x128xi32, #tpu.memory_space<vmem>> -> memref<1x1x128xi32, #tpu.memory_space<vmem>>
    %dma_start3A_57 = tpu.memref_squeeze %dma_start3A_56 : memref<1x1x128xi32, #tpu.memory_space<vmem>> -> memref<128xi32, #tpu.memory_space<vmem>>
    %dma_start3A_58 = arith.constant 0 : i32
    %dma_start3A_59 = arith.constant 0 : i32
    %dma_start3A_60 = tpu.memref_slice %arg2[%dma_start3A_58, %dma_start3A_59] : memref<10240x16xf32, #tpu.memory_space<hbm>> -> memref<10240x16xf32, #tpu.memory_space<hbm>>
    tpu.enqueue_indirect_dma source(%dma_start3A_60 : memref<10240x16xf32, #tpu.memory_space<hbm>>) target(%arg9 : memref<128x16xf32, #tpu.memory_space<vmem>>) offsets(%dma_start3A_57 : memref<128xi32, #tpu.memory_space<vmem>>) semaphore(%arg17 : memref<!tpu.dma_semaphore, #tpu.memory_space<semaphore_mem>>)
    %add3A_61 = arith.constant 2 : i32
    %add3A_62 = arith.addi %sub3A, %add3A_61 : i32
    %dma_start3A_63 = arith.constant 0 : i32
    %dma_start3A_64 = arith.constant 0 : i32
    %dma_start3A_65 = tpu.memref_slice %arg6[%add3A_62, %dma_start3A_63, %dma_start3A_64] : memref<79x1x128xi32, #tpu.memory_space<vmem>> -> memref<1x1x128xi32, #tpu.memory_space<vmem>>
    %dma_start3A_66 = tpu.memref_squeeze %dma_start3A_65 : memref<1x1x128xi32, #tpu.memory_space<vmem>> -> memref<128xi32, #tpu.memory_space<vmem>>
    %dma_start3A_67 = arith.constant 0 : i32
    %dma_start3A_68 = arith.constant 0 : i32
    %dma_start3A_69 = tpu.memref_slice %arg2[%dma_start3A_67, %dma_start3A_68] : memref<10240x16xf32, #tpu.memory_space<hbm>> -> memref<10240x16xf32, #tpu.memory_space<hbm>>
    tpu.enqueue_indirect_dma source(%dma_start3A_69 : memref<10240x16xf32, #tpu.memory_space<hbm>>) target(%arg10 : memref<128x16xf32, #tpu.memory_space<vmem>>) offsets(%dma_start3A_66 : memref<128xi32, #tpu.memory_space<vmem>>) semaphore(%arg18 : memref<!tpu.dma_semaphore, #tpu.memory_space<semaphore_mem>>)
    %add3A_70 = arith.constant 3 : i32
    %add3A_71 = arith.addi %sub3A, %add3A_70 : i32
    %dma_start3A_72 = arith.constant 0 : i32
    %dma_start3A_73 = arith.constant 0 : i32
    %dma_start3A_74 = tpu.memref_slice %arg6[%add3A_71, %dma_start3A_72, %dma_start3A_73] : memref<79x1x128xi32, #tpu.memory_space<vmem>> -> memref<1x1x128xi32, #tpu.memory_space<vmem>>
    %dma_start3A_75 = tpu.memref_squeeze %dma_start3A_74 : memref<1x1x128xi32, #tpu.memory_space<vmem>> -> memref<128xi32, #tpu.memory_space<vmem>>
    %dma_start3A_76 = arith.constant 0 : i32
    %dma_start3A_77 = arith.constant 0 : i32
    %dma_start3A_78 = tpu.memref_slice %arg2[%dma_start3A_76, %dma_start3A_77] : memref<10240x16xf32, #tpu.memory_space<hbm>> -> memref<10240x16xf32, #tpu.memory_space<hbm>>
    tpu.enqueue_indirect_dma source(%dma_start3A_78 : memref<10240x16xf32, #tpu.memory_space<hbm>>) target(%arg11 : memref<128x16xf32, #tpu.memory_space<vmem>>) offsets(%dma_start3A_75 : memref<128xi32, #tpu.memory_space<vmem>>) semaphore(%arg19 : memref<!tpu.dma_semaphore, #tpu.memory_space<semaphore_mem>>)
    %add3A_79 = arith.constant 0 : i32
    %add3A_80 = arith.addi %sub3A, %add3A_79 : i32
    %dma_wait3A_81 = arith.constant 0 : i32
    %dma_wait3A_82 = arith.constant 0 : i32
    %dma_wait3A_83 = tpu.memref_slice %arg6[%add3A_80, %dma_wait3A_81, %dma_wait3A_82] : memref<79x1x128xi32, #tpu.memory_space<vmem>> -> memref<1x1x128xi32, #tpu.memory_space<vmem>>
    %dma_wait3A_84 = tpu.memref_squeeze %dma_wait3A_83 : memref<1x1x128xi32, #tpu.memory_space<vmem>> -> memref<128xi32, #tpu.memory_space<vmem>>
    %dma_wait3A_85 = arith.constant 0 : i32
    %dma_wait3A_86 = arith.constant 0 : i32
    %dma_wait3A_87 = tpu.memref_slice %arg2[%dma_wait3A_85, %dma_wait3A_86] : memref<10240x16xf32, #tpu.memory_space<hbm>> -> memref<10240x16xf32, #tpu.memory_space<hbm>>
    tpu.wait_indirect_dma semaphore(%arg16 : memref<!tpu.dma_semaphore, #tpu.memory_space<semaphore_mem>>) src(%dma_wait3A_87 : memref<10240x16xf32, #tpu.memory_space<hbm>>) dst(%arg8 : memref<128x16xf32, #tpu.memory_space<vmem>>)
    %add3A_88 = arith.constant 0 : i32
    %add3A_89 = arith.addi %sub3A, %add3A_88 : i32
    %dma_start3A_90 = arith.constant 0 : i32
    %dma_start3A_91 = arith.constant 0 : i32
    %dma_start3A_92 = tpu.memref_slice %arg7[%add3A_89, %dma_start3A_90, %dma_start3A_91] : memref<79x1x128xi32, #tpu.memory_space<vmem>> -> memref<1x1x128xi32, #tpu.memory_space<vmem>>
    %dma_start3A_93 = tpu.memref_squeeze %dma_start3A_92 : memref<1x1x128xi32, #tpu.memory_space<vmem>> -> memref<128xi32, #tpu.memory_space<vmem>>
    %dma_start3A_94 = arith.constant 0 : i32
    %dma_start3A_95 = arith.constant 0 : i32
    %dma_start3A_96 = tpu.memref_slice %arg33[%dma_start3A_94, %dma_start3A_95] : memref<10240x16xf32, #tpu.memory_space<vmem_shared>> -> memref<10240x16xf32, #tpu.memory_space<vmem_shared>>
    tpu.enqueue_indirect_dma source(%arg8 : memref<128x16xf32, #tpu.memory_space<vmem>>) target(%dma_start3A_96 : memref<10240x16xf32, #tpu.memory_space<vmem_shared>>) offsets(%dma_start3A_93 : memref<128xi32, #tpu.memory_space<vmem>>) semaphore(%arg24 : memref<!tpu.dma_semaphore, #tpu.memory_space<semaphore_mem>>) {add = true}
    %add3A_97 = arith.constant 0 : i32
    %add3A_98 = arith.addi %sub3A, %add3A_97 : i32
    %add3A_99 = arith.constant 4 : i32
    %add3A_100 = arith.addi %add3A_98, %add3A_99 : i32
    %dma_start3A_101 = arith.constant 0 : i32
    %dma_start3A_102 = arith.constant 0 : i32
    %dma_start3A_103 = tpu.memref_slice %arg6[%add3A_100, %dma_start3A_101, %dma_start3A_102] : memref<79x1x128xi32, #tpu.memory_space<vmem>> -> memref<1x1x128xi32, #tpu.memory_space<vmem>>
    %dma_start3A_104 = tpu.memref_squeeze %dma_start3A_103 : memref<1x1x128xi32, #tpu.memory_space<vmem>> -> memref<128xi32, #tpu.memory_space<vmem>>
    %dma_start3A_105 = arith.constant 0 : i32
    %dma_start3A_106 = arith.constant 0 : i32
    %dma_start3A_107 = tpu.memref_slice %arg2[%dma_start3A_105, %dma_start3A_106] : memref<10240x16xf32, #tpu.memory_space<hbm>> -> memref<10240x16xf32, #tpu.memory_space<hbm>>
    tpu.enqueue_indirect_dma source(%dma_start3A_107 : memref<10240x16xf32, #tpu.memory_space<hbm>>) target(%arg12 : memref<128x16xf32, #tpu.memory_space<vmem>>) offsets(%dma_start3A_104 : memref<128xi32, #tpu.memory_space<vmem>>) semaphore(%arg20 : memref<!tpu.dma_semaphore, #tpu.memory_space<semaphore_mem>>)
    %add3A_108 = arith.constant 1 : i32
    %add3A_109 = arith.addi %sub3A, %add3A_108 : i32
    %dma_wait3A_110 = arith.constant 0 : i32
    %dma_wait3A_111 = arith.constant 0 : i32
    %dma_wait3A_112 = tpu.memref_slice %arg6[%add3A_109, %dma_wait3A_110, %dma_wait3A_111] : memref<79x1x128xi32, #tpu.memory_space<vmem>> -> memref<1x1x128xi32, #tpu.memory_space<vmem>>
    %dma_wait3A_113 = tpu.memref_squeeze %dma_wait3A_112 : memref<1x1x128xi32, #tpu.memory_space<vmem>> -> memref<128xi32, #tpu.memory_space<vmem>>
    %dma_wait3A_114 = arith.constant 0 : i32
    %dma_wait3A_115 = arith.constant 0 : i32
    %dma_wait3A_116 = tpu.memref_slice %arg2[%dma_wait3A_114, %dma_wait3A_115] : memref<10240x16xf32, #tpu.memory_space<hbm>> -> memref<10240x16xf32, #tpu.memory_space<hbm>>
    tpu.wait_indirect_dma semaphore(%arg17 : memref<!tpu.dma_semaphore, #tpu.memory_space<semaphore_mem>>) src(%dma_wait3A_116 : memref<10240x16xf32, #tpu.memory_space<hbm>>) dst(%arg9 : memref<128x16xf32, #tpu.memory_space<vmem>>)
    %add3A_117 = arith.constant 1 : i32
    %add3A_118 = arith.addi %sub3A, %add3A_117 : i32
    %dma_start3A_119 = arith.constant 0 : i32
    %dma_start3A_120 = arith.constant 0 : i32
    %dma_start3A_121 = tpu.memref_slice %arg7[%add3A_118, %dma_start3A_119, %dma_start3A_120] : memref<79x1x128xi32, #tpu.memory_space<vmem>> -> memref<1x1x128xi32, #tpu.memory_space<vmem>>
    %dma_start3A_122 = tpu.memref_squeeze %dma_start3A_121 : memref<1x1x128xi32, #tpu.memory_space<vmem>> -> memref<128xi32, #tpu.memory_space<vmem>>
    %dma_start3A_123 = arith.constant 0 : i32
    %dma_start3A_124 = arith.constant 0 : i32
    %dma_start3A_125 = tpu.memref_slice %arg33[%dma_start3A_123, %dma_start3A_124] : memref<10240x16xf32, #tpu.memory_space<vmem_shared>> -> memref<10240x16xf32, #tpu.memory_space<vmem_shared>>
    tpu.enqueue_indirect_dma source(%arg9 : memref<128x16xf32, #tpu.memory_space<vmem>>) target(%dma_start3A_125 : memref<10240x16xf32, #tpu.memory_space<vmem_shared>>) offsets(%dma_start3A_122 : memref<128xi32, #tpu.memory_space<vmem>>) semaphore(%arg25 : memref<!tpu.dma_semaphore, #tpu.memory_space<semaphore_mem>>) {add = true}
    %add3A_126 = arith.constant 1 : i32
    %add3A_127 = arith.addi %sub3A, %add3A_126 : i32
    %add3A_128 = arith.constant 4 : i32
    %add3A_129 = arith.addi %add3A_127, %add3A_128 : i32
    %dma_start3A_130 = arith.constant 0 : i32
    %dma_start3A_131 = arith.constant 0 : i32
    %dma_start3A_132 = tpu.memref_slice %arg6[%add3A_129, %dma_start3A_130, %dma_start3A_131] : memref<79x1x128xi32, #tpu.memory_space<vmem>> -> memref<1x1x128xi32, #tpu.memory_space<vmem>>
    %dma_start3A_133 = tpu.memref_squeeze %dma_start3A_132 : memref<1x1x128xi32, #tpu.memory_space<vmem>> -> memref<128xi32, #tpu.memory_space<vmem>>
    %dma_start3A_134 = arith.constant 0 : i32
    %dma_start3A_135 = arith.constant 0 : i32
    %dma_start3A_136 = tpu.memref_slice %arg2[%dma_start3A_134, %dma_start3A_135] : memref<10240x16xf32, #tpu.memory_space<hbm>> -> memref<10240x16xf32, #tpu.memory_space<hbm>>
    tpu.enqueue_indirect_dma source(%dma_start3A_136 : memref<10240x16xf32, #tpu.memory_space<hbm>>) target(%arg13 : memref<128x16xf32, #tpu.memory_space<vmem>>) offsets(%dma_start3A_133 : memref<128xi32, #tpu.memory_space<vmem>>) semaphore(%arg21 : memref<!tpu.dma_semaphore, #tpu.memory_space<semaphore_mem>>)
    %add3A_137 = arith.constant 2 : i32
    %add3A_138 = arith.addi %sub3A, %add3A_137 : i32
    %dma_wait3A_139 = arith.constant 0 : i32
    %dma_wait3A_140 = arith.constant 0 : i32
    %dma_wait3A_141 = tpu.memref_slice %arg6[%add3A_138, %dma_wait3A_139, %dma_wait3A_140] : memref<79x1x128xi32, #tpu.memory_space<vmem>> -> memref<1x1x128xi32, #tpu.memory_space<vmem>>
    %dma_wait3A_142 = tpu.memref_squeeze %dma_wait3A_141 : memref<1x1x128xi32, #tpu.memory_space<vmem>> -> memref<128xi32, #tpu.memory_space<vmem>>
    %dma_wait3A_143 = arith.constant 0 : i32
    %dma_wait3A_144 = arith.constant 0 : i32
    %dma_wait3A_145 = tpu.memref_slice %arg2[%dma_wait3A_143, %dma_wait3A_144] : memref<10240x16xf32, #tpu.memory_space<hbm>> -> memref<10240x16xf32, #tpu.memory_space<hbm>>
    tpu.wait_indirect_dma semaphore(%arg18 : memref<!tpu.dma_semaphore, #tpu.memory_space<semaphore_mem>>) src(%dma_wait3A_145 : memref<10240x16xf32, #tpu.memory_space<hbm>>) dst(%arg10 : memref<128x16xf32, #tpu.memory_space<vmem>>)
    %add3A_146 = arith.constant 2 : i32
    %add3A_147 = arith.addi %sub3A, %add3A_146 : i32
    %dma_start3A_148 = arith.constant 0 : i32
    %dma_start3A_149 = arith.constant 0 : i32
    %dma_start3A_150 = tpu.memref_slice %arg7[%add3A_147, %dma_start3A_148, %dma_start3A_149] : memref<79x1x128xi32, #tpu.memory_space<vmem>> -> memref<1x1x128xi32, #tpu.memory_space<vmem>>
    %dma_start3A_151 = tpu.memref_squeeze %dma_start3A_150 : memref<1x1x128xi32, #tpu.memory_space<vmem>> -> memref<128xi32, #tpu.memory_space<vmem>>
    %dma_start3A_152 = arith.constant 0 : i32
    %dma_start3A_153 = arith.constant 0 : i32
    %dma_start3A_154 = tpu.memref_slice %arg33[%dma_start3A_152, %dma_start3A_153] : memref<10240x16xf32, #tpu.memory_space<vmem_shared>> -> memref<10240x16xf32, #tpu.memory_space<vmem_shared>>
    tpu.enqueue_indirect_dma source(%arg10 : memref<128x16xf32, #tpu.memory_space<vmem>>) target(%dma_start3A_154 : memref<10240x16xf32, #tpu.memory_space<vmem_shared>>) offsets(%dma_start3A_151 : memref<128xi32, #tpu.memory_space<vmem>>) semaphore(%arg26 : memref<!tpu.dma_semaphore, #tpu.memory_space<semaphore_mem>>) {add = true}
    %add3A_155 = arith.constant 2 : i32
    %add3A_156 = arith.addi %sub3A, %add3A_155 : i32
    %add3A_157 = arith.constant 4 : i32
    %add3A_158 = arith.addi %add3A_156, %add3A_157 : i32
    %dma_start3A_159 = arith.constant 0 : i32
    %dma_start3A_160 = arith.constant 0 : i32
    %dma_start3A_161 = tpu.memref_slice %arg6[%add3A_158, %dma_start3A_159, %dma_start3A_160] : memref<79x1x128xi32, #tpu.memory_space<vmem>> -> memref<1x1x128xi32, #tpu.memory_space<vmem>>
    %dma_start3A_162 = tpu.memref_squeeze %dma_start3A_161 : memref<1x1x128xi32, #tpu.memory_space<vmem>> -> memref<128xi32, #tpu.memory_space<vmem>>
    %dma_start3A_163 = arith.constant 0 : i32
    %dma_start3A_164 = arith.constant 0 : i32
    %dma_start3A_165 = tpu.memref_slice %arg2[%dma_start3A_163, %dma_start3A_164] : memref<10240x16xf32, #tpu.memory_space<hbm>> -> memref<10240x16xf32, #tpu.memory_space<hbm>>
    tpu.enqueue_indirect_dma source(%dma_start3A_165 : memref<10240x16xf32, #tpu.memory_space<hbm>>) target(%arg14 : memref<128x16xf32, #tpu.memory_space<vmem>>) offsets(%dma_start3A_162 : memref<128xi32, #tpu.memory_space<vmem>>) semaphore(%arg22 : memref<!tpu.dma_semaphore, #tpu.memory_space<semaphore_mem>>)
    %add3A_166 = arith.constant 3 : i32
    %add3A_167 = arith.addi %sub3A, %add3A_166 : i32
    %dma_wait3A_168 = arith.constant 0 : i32
    %dma_wait3A_169 = arith.constant 0 : i32
    %dma_wait3A_170 = tpu.memref_slice %arg6[%add3A_167, %dma_wait3A_168, %dma_wait3A_169] : memref<79x1x128xi32, #tpu.memory_space<vmem>> -> memref<1x1x128xi32, #tpu.memory_space<vmem>>
    %dma_wait3A_171 = tpu.memref_squeeze %dma_wait3A_170 : memref<1x1x128xi32, #tpu.memory_space<vmem>> -> memref<128xi32, #tpu.memory_space<vmem>>
    %dma_wait3A_172 = arith.constant 0 : i32
    %dma_wait3A_173 = arith.constant 0 : i32
    %dma_wait3A_174 = tpu.memref_slice %arg2[%dma_wait3A_172, %dma_wait3A_173] : memref<10240x16xf32, #tpu.memory_space<hbm>> -> memref<10240x16xf32, #tpu.memory_space<hbm>>
    tpu.wait_indirect_dma semaphore(%arg19 : memref<!tpu.dma_semaphore, #tpu.memory_space<semaphore_mem>>) src(%dma_wait3A_174 : memref<10240x16xf32, #tpu.memory_space<hbm>>) dst(%arg11 : memref<128x16xf32, #tpu.memory_space<vmem>>)
    %add3A_175 = arith.constant 3 : i32
    %add3A_176 = arith.addi %sub3A, %add3A_175 : i32
    %dma_start3A_177 = arith.constant 0 : i32
    %dma_start3A_178 = arith.constant 0 : i32
    %dma_start3A_179 = tpu.memref_slice %arg7[%add3A_176, %dma_start3A_177, %dma_start3A_178] : memref<79x1x128xi32, #tpu.memory_space<vmem>> -> memref<1x1x128xi32, #tpu.memory_space<vmem>>
    %dma_start3A_180 = tpu.memref_squeeze %dma_start3A_179 : memref<1x1x128xi32, #tpu.memory_space<vmem>> -> memref<128xi32, #tpu.memory_space<vmem>>
    %dma_start3A_181 = arith.constant 0 : i32
    %dma_start3A_182 = arith.constant 0 : i32
    %dma_start3A_183 = tpu.memref_slice %arg33[%dma_start3A_181, %dma_start3A_182] : memref<10240x16xf32, #tpu.memory_space<vmem_shared>> -> memref<10240x16xf32, #tpu.memory_space<vmem_shared>>
    tpu.enqueue_indirect_dma source(%arg11 : memref<128x16xf32, #tpu.memory_space<vmem>>) target(%dma_start3A_183 : memref<10240x16xf32, #tpu.memory_space<vmem_shared>>) offsets(%dma_start3A_180 : memref<128xi32, #tpu.memory_space<vmem>>) semaphore(%arg27 : memref<!tpu.dma_semaphore, #tpu.memory_space<semaphore_mem>>) {add = true}
    %add3A_184 = arith.constant 3 : i32
    %add3A_185 = arith.addi %sub3A, %add3A_184 : i32
    %add3A_186 = arith.constant 4 : i32
    %add3A_187 = arith.addi %add3A_185, %add3A_186 : i32
    %dma_start3A_188 = arith.constant 0 : i32
    %dma_start3A_189 = arith.constant 0 : i32
    %dma_start3A_190 = tpu.memref_slice %arg6[%add3A_187, %dma_start3A_188, %dma_start3A_189] : memref<79x1x128xi32, #tpu.memory_space<vmem>> -> memref<1x1x128xi32, #tpu.memory_space<vmem>>
    %dma_start3A_191 = tpu.memref_squeeze %dma_start3A_190 : memref<1x1x128xi32, #tpu.memory_space<vmem>> -> memref<128xi32, #tpu.memory_space<vmem>>
    %dma_start3A_192 = arith.constant 0 : i32
    %dma_start3A_193 = arith.constant 0 : i32
    %dma_start3A_194 = tpu.memref_slice %arg2[%dma_start3A_192, %dma_start3A_193] : memref<10240x16xf32, #tpu.memory_space<hbm>> -> memref<10240x16xf32, #tpu.memory_space<hbm>>
    tpu.enqueue_indirect_dma source(%dma_start3A_194 : memref<10240x16xf32, #tpu.memory_space<hbm>>) target(%arg15 : memref<128x16xf32, #tpu.memory_space<vmem>>) offsets(%dma_start3A_191 : memref<128xi32, #tpu.memory_space<vmem>>) semaphore(%arg23 : memref<!tpu.dma_semaphore, #tpu.memory_space<semaphore_mem>>)
    %add3A_195 = arith.constant 4 : i32
    %add3A_196 = arith.addi %sub3A, %add3A_195 : i32
    %dma_wait3A_197 = arith.constant 0 : i32
    %dma_wait3A_198 = arith.constant 0 : i32
    %dma_wait3A_199 = tpu.memref_slice %arg6[%add3A_196, %dma_wait3A_197, %dma_wait3A_198] : memref<79x1x128xi32, #tpu.memory_space<vmem>> -> memref<1x1x128xi32, #tpu.memory_space<vmem>>
    %dma_wait3A_200 = tpu.memref_squeeze %dma_wait3A_199 : memref<1x1x128xi32, #tpu.memory_space<vmem>> -> memref<128xi32, #tpu.memory_space<vmem>>
    %dma_wait3A_201 = arith.constant 0 : i32
    %dma_wait3A_202 = arith.constant 0 : i32
    %dma_wait3A_203 = tpu.memref_slice %arg2[%dma_wait3A_201, %dma_wait3A_202] : memref<10240x16xf32, #tpu.memory_space<hbm>> -> memref<10240x16xf32, #tpu.memory_space<hbm>>
    tpu.wait_indirect_dma semaphore(%arg20 : memref<!tpu.dma_semaphore, #tpu.memory_space<semaphore_mem>>) src(%dma_wait3A_203 : memref<10240x16xf32, #tpu.memory_space<hbm>>) dst(%arg12 : memref<128x16xf32, #tpu.memory_space<vmem>>)
    %add3A_204 = arith.constant 4 : i32
    %add3A_205 = arith.addi %sub3A, %add3A_204 : i32
    %dma_start3A_206 = arith.constant 0 : i32
    %dma_start3A_207 = arith.constant 0 : i32
    %dma_start3A_208 = tpu.memref_slice %arg7[%add3A_205, %dma_start3A_206, %dma_start3A_207] : memref<79x1x128xi32, #tpu.memory_space<vmem>> -> memref<1x1x128xi32, #tpu.memory_space<vmem>>
    %dma_start3A_209 = tpu.memref_squeeze %dma_start3A_208 : memref<1x1x128xi32, #tpu.memory_space<vmem>> -> memref<128xi32, #tpu.memory_space<vmem>>
    %dma_start3A_210 = arith.constant 0 : i32
    %dma_start3A_211 = arith.constant 0 : i32
    %dma_start3A_212 = tpu.memref_slice %arg33[%dma_start3A_210, %dma_start3A_211] : memref<10240x16xf32, #tpu.memory_space<vmem_shared>> -> memref<10240x16xf32, #tpu.memory_space<vmem_shared>>
    tpu.enqueue_indirect_dma source(%arg12 : memref<128x16xf32, #tpu.memory_space<vmem>>) target(%dma_start3A_212 : memref<10240x16xf32, #tpu.memory_space<vmem_shared>>) offsets(%dma_start3A_209 : memref<128xi32, #tpu.memory_space<vmem>>) semaphore(%arg28 : memref<!tpu.dma_semaphore, #tpu.memory_space<semaphore_mem>>) {add = true}
    %dma_wait3A_213 = arith.constant 0 : i32
    %dma_wait3A_214 = arith.constant 0 : i32
    %dma_wait3A_215 = arith.constant 0 : i32
    %dma_wait3A_216 = tpu.memref_slice %arg7[%dma_wait3A_213, %dma_wait3A_214, %dma_wait3A_215] : memref<79x1x128xi32, #tpu.memory_space<vmem>> -> memref<1x1x128xi32, #tpu.memory_space<vmem>>
    %dma_wait3A_217 = tpu.memref_squeeze %dma_wait3A_216 : memref<1x1x128xi32, #tpu.memory_space<vmem>> -> memref<128xi32, #tpu.memory_space<vmem>>
    %dma_wait3A_218 = arith.constant 0 : i32
    %dma_wait3A_219 = arith.constant 0 : i32
    %dma_wait3A_220 = tpu.memref_slice %arg33[%dma_wait3A_218, %dma_wait3A_219] : memref<10240x16xf32, #tpu.memory_space<vmem_shared>> -> memref<10240x16xf32, #tpu.memory_space<vmem_shared>>
    tpu.wait_indirect_dma semaphore(%arg24 : memref<!tpu.dma_semaphore, #tpu.memory_space<semaphore_mem>>) src(%arg8 : memref<128x16xf32, #tpu.memory_space<vmem>>) dst(%dma_wait3A_220 : memref<10240x16xf32, #tpu.memory_space<vmem_shared>>)
    %add3A_221 = arith.constant 4 : i32
    %add3A_222 = arith.addi %sub3A, %add3A_221 : i32
    %add3A_223 = arith.constant 4 : i32
    %add3A_224 = arith.addi %add3A_222, %add3A_223 : i32
    %dma_start3A_225 = arith.constant 0 : i32
    %dma_start3A_226 = arith.constant 0 : i32
    %dma_start3A_227 = tpu.memref_slice %arg6[%add3A_224, %dma_start3A_225, %dma_start3A_226] : memref<79x1x128xi32, #tpu.memory_space<vmem>> -> memref<1x1x128xi32, #tpu.memory_space<vmem>>
    %dma_start3A_228 = tpu.memref_squeeze %dma_start3A_227 : memref<1x1x128xi32, #tpu.memory_space<vmem>> -> memref<128xi32, #tpu.memory_space<vmem>>
    %dma_start3A_229 = arith.constant 0 : i32
    %dma_start3A_230 = arith.constant 0 : i32
    %dma_start3A_231 = tpu.memref_slice %arg2[%dma_start3A_229, %dma_start3A_230] : memref<10240x16xf32, #tpu.memory_space<hbm>> -> memref<10240x16xf32, #tpu.memory_space<hbm>>
    tpu.enqueue_indirect_dma source(%dma_start3A_231 : memref<10240x16xf32, #tpu.memory_space<hbm>>) target(%arg8 : memref<128x16xf32, #tpu.memory_space<vmem>>) offsets(%dma_start3A_228 : memref<128xi32, #tpu.memory_space<vmem>>) semaphore(%arg16 : memref<!tpu.dma_semaphore, #tpu.memory_space<semaphore_mem>>)
    %add3A_232 = arith.constant 5 : i32
    %add3A_233 = arith.addi %sub3A, %add3A_232 : i32
    %dma_wait3A_234 = arith.constant 0 : i32
    %dma_wait3A_235 = arith.constant 0 : i32
    %dma_wait3A_236 = tpu.memref_slice %arg6[%add3A_233, %dma_wait3A_234, %dma_wait3A_235] : memref<79x1x128xi32, #tpu.memory_space<vmem>> -> memref<1x1x128xi32, #tpu.memory_space<vmem>>
    %dma_wait3A_237 = tpu.memref_squeeze %dma_wait3A_236 : memref<1x1x128xi32, #tpu.memory_space<vmem>> -> memref<128xi32, #tpu.memory_space<vmem>>
    %dma_wait3A_238 = arith.constant 0 : i32
    %dma_wait3A_239 = arith.constant 0 : i32
    %dma_wait3A_240 = tpu.memref_slice %arg2[%dma_wait3A_238, %dma_wait3A_239] : memref<10240x16xf32, #tpu.memory_space<hbm>> -> memref<10240x16xf32, #tpu.memory_space<hbm>>
    tpu.wait_indirect_dma semaphore(%arg21 : memref<!tpu.dma_semaphore, #tpu.memory_space<semaphore_mem>>) src(%dma_wait3A_240 : memref<10240x16xf32, #tpu.memory_space<hbm>>) dst(%arg13 : memref<128x16xf32, #tpu.memory_space<vmem>>)
    %add3A_241 = arith.constant 5 : i32
    %add3A_242 = arith.addi %sub3A, %add3A_241 : i32
    %dma_start3A_243 = arith.constant 0 : i32
    %dma_start3A_244 = arith.constant 0 : i32
    %dma_start3A_245 = tpu.memref_slice %arg7[%add3A_242, %dma_start3A_243, %dma_start3A_244] : memref<79x1x128xi32, #tpu.memory_space<vmem>> -> memref<1x1x128xi32, #tpu.memory_space<vmem>>
    %dma_start3A_246 = tpu.memref_squeeze %dma_start3A_245 : memref<1x1x128xi32, #tpu.memory_space<vmem>> -> memref<128xi32, #tpu.memory_space<vmem>>
    %dma_start3A_247 = arith.constant 0 : i32
    %dma_start3A_248 = arith.constant 0 : i32
    %dma_start3A_249 = tpu.memref_slice %arg33[%dma_start3A_247, %dma_start3A_248] : memref<10240x16xf32, #tpu.memory_space<vmem_shared>> -> memref<10240x16xf32, #tpu.memory_space<vmem_shared>>
    tpu.enqueue_indirect_dma source(%arg13 : memref<128x16xf32, #tpu.memory_space<vmem>>) target(%dma_start3A_249 : memref<10240x16xf32, #tpu.memory_space<vmem_shared>>) offsets(%dma_start3A_246 : memref<128xi32, #tpu.memory_space<vmem>>) semaphore(%arg29 : memref<!tpu.dma_semaphore, #tpu.memory_space<semaphore_mem>>) {add = true}
    %dma_wait3A_250 = arith.constant 0 : i32
    %dma_wait3A_251 = arith.constant 0 : i32
    %dma_wait3A_252 = arith.constant 0 : i32
    %dma_wait3A_253 = tpu.memref_slice %arg7[%dma_wait3A_250, %dma_wait3A_251, %dma_wait3A_252] : memref<79x1x128xi32, #tpu.memory_space<vmem>> -> memref<1x1x128xi32, #tpu.memory_space<vmem>>
    %dma_wait3A_254 = tpu.memref_squeeze %dma_wait3A_253 : memref<1x1x128xi32, #tpu.memory_space<vmem>> -> memref<128xi32, #tpu.memory_space<vmem>>
    %dma_wait3A_255 = arith.constant 0 : i32
    %dma_wait3A_256 = arith.constant 0 : i32
    %dma_wait3A_257 = tpu.memref_slice %arg33[%dma_wait3A_255, %dma_wait3A_256] : memref<10240x16xf32, #tpu.memory_space<vmem_shared>> -> memref<10240x16xf32, #tpu.memory_space<vmem_shared>>
    tpu.wait_indirect_dma semaphore(%arg25 : memref<!tpu.dma_semaphore, #tpu.memory_space<semaphore_mem>>) src(%arg9 : memref<128x16xf32, #tpu.memory_space<vmem>>) dst(%dma_wait3A_257 : memref<10240x16xf32, #tpu.memory_space<vmem_shared>>)
    %add3A_258 = arith.constant 5 : i32
    %add3A_259 = arith.addi %sub3A, %add3A_258 : i32
    %add3A_260 = arith.constant 4 : i32
    %add3A_261 = arith.addi %add3A_259, %add3A_260 : i32
    %dma_start3A_262 = arith.constant 0 : i32
    %dma_start3A_263 = arith.constant 0 : i32
    %dma_start3A_264 = tpu.memref_slice %arg6[%add3A_261, %dma_start3A_262, %dma_start3A_263] : memref<79x1x128xi32, #tpu.memory_space<vmem>> -> memref<1x1x128xi32, #tpu.memory_space<vmem>>
    %dma_start3A_265 = tpu.memref_squeeze %dma_start3A_264 : memref<1x1x128xi32, #tpu.memory_space<vmem>> -> memref<128xi32, #tpu.memory_space<vmem>>
    %dma_start3A_266 = arith.constant 0 : i32
    %dma_start3A_267 = arith.constant 0 : i32
    %dma_start3A_268 = tpu.memref_slice %arg2[%dma_start3A_266, %dma_start3A_267] : memref<10240x16xf32, #tpu.memory_space<hbm>> -> memref<10240x16xf32, #tpu.memory_space<hbm>>
    tpu.enqueue_indirect_dma source(%dma_start3A_268 : memref<10240x16xf32, #tpu.memory_space<hbm>>) target(%arg9 : memref<128x16xf32, #tpu.memory_space<vmem>>) offsets(%dma_start3A_265 : memref<128xi32, #tpu.memory_space<vmem>>) semaphore(%arg17 : memref<!tpu.dma_semaphore, #tpu.memory_space<semaphore_mem>>)
    %add3A_269 = arith.constant 6 : i32
    %add3A_270 = arith.addi %sub3A, %add3A_269 : i32
    %dma_wait3A_271 = arith.constant 0 : i32
    %dma_wait3A_272 = arith.constant 0 : i32
    %dma_wait3A_273 = tpu.memref_slice %arg6[%add3A_270, %dma_wait3A_271, %dma_wait3A_272] : memref<79x1x128xi32, #tpu.memory_space<vmem>> -> memref<1x1x128xi32, #tpu.memory_space<vmem>>
    %dma_wait3A_274 = tpu.memref_squeeze %dma_wait3A_273 : memref<1x1x128xi32, #tpu.memory_space<vmem>> -> memref<128xi32, #tpu.memory_space<vmem>>
    %dma_wait3A_275 = arith.constant 0 : i32
    %dma_wait3A_276 = arith.constant 0 : i32
    %dma_wait3A_277 = tpu.memref_slice %arg2[%dma_wait3A_275, %dma_wait3A_276] : memref<10240x16xf32, #tpu.memory_space<hbm>> -> memref<10240x16xf32, #tpu.memory_space<hbm>>
    tpu.wait_indirect_dma semaphore(%arg22 : memref<!tpu.dma_semaphore, #tpu.memory_space<semaphore_mem>>) src(%dma_wait3A_277 : memref<10240x16xf32, #tpu.memory_space<hbm>>) dst(%arg14 : memref<128x16xf32, #tpu.memory_space<vmem>>)
    %add3A_278 = arith.constant 6 : i32
    %add3A_279 = arith.addi %sub3A, %add3A_278 : i32
    %dma_start3A_280 = arith.constant 0 : i32
    %dma_start3A_281 = arith.constant 0 : i32
    %dma_start3A_282 = tpu.memref_slice %arg7[%add3A_279, %dma_start3A_280, %dma_start3A_281] : memref<79x1x128xi32, #tpu.memory_space<vmem>> -> memref<1x1x128xi32, #tpu.memory_space<vmem>>
    %dma_start3A_283 = tpu.memref_squeeze %dma_start3A_282 : memref<1x1x128xi32, #tpu.memory_space<vmem>> -> memref<128xi32, #tpu.memory_space<vmem>>
    %dma_start3A_284 = arith.constant 0 : i32
    %dma_start3A_285 = arith.constant 0 : i32
    %dma_start3A_286 = tpu.memref_slice %arg33[%dma_start3A_284, %dma_start3A_285] : memref<10240x16xf32, #tpu.memory_space<vmem_shared>> -> memref<10240x16xf32, #tpu.memory_space<vmem_shared>>
    tpu.enqueue_indirect_dma source(%arg14 : memref<128x16xf32, #tpu.memory_space<vmem>>) target(%dma_start3A_286 : memref<10240x16xf32, #tpu.memory_space<vmem_shared>>) offsets(%dma_start3A_283 : memref<128xi32, #tpu.memory_space<vmem>>) semaphore(%arg30 : memref<!tpu.dma_semaphore, #tpu.memory_space<semaphore_mem>>) {add = true}
    %dma_wait3A_287 = arith.constant 0 : i32
    %dma_wait3A_288 = arith.constant 0 : i32
    %dma_wait3A_289 = arith.constant 0 : i32
    %dma_wait3A_290 = tpu.memref_slice %arg7[%dma_wait3A_287, %dma_wait3A_288, %dma_wait3A_289] : memref<79x1x128xi32, #tpu.memory_space<vmem>> -> memref<1x1x128xi32, #tpu.memory_space<vmem>>
    %dma_wait3A_291 = tpu.memref_squeeze %dma_wait3A_290 : memref<1x1x128xi32, #tpu.memory_space<vmem>> -> memref<128xi32, #tpu.memory_space<vmem>>
    %dma_wait3A_292 = arith.constant 0 : i32
    %dma_wait3A_293 = arith.constant 0 : i32
    %dma_wait3A_294 = tpu.memref_slice %arg33[%dma_wait3A_292, %dma_wait3A_293] : memref<10240x16xf32, #tpu.memory_space<vmem_shared>> -> memref<10240x16xf32, #tpu.memory_space<vmem_shared>>
    tpu.wait_indirect_dma semaphore(%arg26 : memref<!tpu.dma_semaphore, #tpu.memory_space<semaphore_mem>>) src(%arg10 : memref<128x16xf32, #tpu.memory_space<vmem>>) dst(%dma_wait3A_294 : memref<10240x16xf32, #tpu.memory_space<vmem_shared>>)
    %add3A_295 = arith.constant 6 : i32
    %add3A_296 = arith.addi %sub3A, %add3A_295 : i32
    %add3A_297 = arith.constant 4 : i32
    %add3A_298 = arith.addi %add3A_296, %add3A_297 : i32
    %dma_start3A_299 = arith.constant 0 : i32
    %dma_start3A_300 = arith.constant 0 : i32
    %dma_start3A_301 = tpu.memref_slice %arg6[%add3A_298, %dma_start3A_299, %dma_start3A_300] : memref<79x1x128xi32, #tpu.memory_space<vmem>> -> memref<1x1x128xi32, #tpu.memory_space<vmem>>
    %dma_start3A_302 = tpu.memref_squeeze %dma_start3A_301 : memref<1x1x128xi32, #tpu.memory_space<vmem>> -> memref<128xi32, #tpu.memory_space<vmem>>
    %dma_start3A_303 = arith.constant 0 : i32
    %dma_start3A_304 = arith.constant 0 : i32
    %dma_start3A_305 = tpu.memref_slice %arg2[%dma_start3A_303, %dma_start3A_304] : memref<10240x16xf32, #tpu.memory_space<hbm>> -> memref<10240x16xf32, #tpu.memory_space<hbm>>
    tpu.enqueue_indirect_dma source(%dma_start3A_305 : memref<10240x16xf32, #tpu.memory_space<hbm>>) target(%arg10 : memref<128x16xf32, #tpu.memory_space<vmem>>) offsets(%dma_start3A_302 : memref<128xi32, #tpu.memory_space<vmem>>) semaphore(%arg18 : memref<!tpu.dma_semaphore, #tpu.memory_space<semaphore_mem>>)
    %add3A_306 = arith.constant 7 : i32
    %add3A_307 = arith.addi %sub3A, %add3A_306 : i32
    %dma_wait3A_308 = arith.constant 0 : i32
    %dma_wait3A_309 = arith.constant 0 : i32
    %dma_wait3A_310 = tpu.memref_slice %arg6[%add3A_307, %dma_wait3A_308, %dma_wait3A_309] : memref<79x1x128xi32, #tpu.memory_space<vmem>> -> memref<1x1x128xi32, #tpu.memory_space<vmem>>
    %dma_wait3A_311 = tpu.memref_squeeze %dma_wait3A_310 : memref<1x1x128xi32, #tpu.memory_space<vmem>> -> memref<128xi32, #tpu.memory_space<vmem>>
    %dma_wait3A_312 = arith.constant 0 : i32
    %dma_wait3A_313 = arith.constant 0 : i32
    %dma_wait3A_314 = tpu.memref_slice %arg2[%dma_wait3A_312, %dma_wait3A_313] : memref<10240x16xf32, #tpu.memory_space<hbm>> -> memref<10240x16xf32, #tpu.memory_space<hbm>>
    tpu.wait_indirect_dma semaphore(%arg23 : memref<!tpu.dma_semaphore, #tpu.memory_space<semaphore_mem>>) src(%dma_wait3A_314 : memref<10240x16xf32, #tpu.memory_space<hbm>>) dst(%arg15 : memref<128x16xf32, #tpu.memory_space<vmem>>)
    %add3A_315 = arith.constant 7 : i32
    %add3A_316 = arith.addi %sub3A, %add3A_315 : i32
    %dma_start3A_317 = arith.constant 0 : i32
    %dma_start3A_318 = arith.constant 0 : i32
    %dma_start3A_319 = tpu.memref_slice %arg7[%add3A_316, %dma_start3A_317, %dma_start3A_318] : memref<79x1x128xi32, #tpu.memory_space<vmem>> -> memref<1x1x128xi32, #tpu.memory_space<vmem>>
    %dma_start3A_320 = tpu.memref_squeeze %dma_start3A_319 : memref<1x1x128xi32, #tpu.memory_space<vmem>> -> memref<128xi32, #tpu.memory_space<vmem>>
    %dma_start3A_321 = arith.constant 0 : i32
    %dma_start3A_322 = arith.constant 0 : i32
    %dma_start3A_323 = tpu.memref_slice %arg33[%dma_start3A_321, %dma_start3A_322] : memref<10240x16xf32, #tpu.memory_space<vmem_shared>> -> memref<10240x16xf32, #tpu.memory_space<vmem_shared>>
    tpu.enqueue_indirect_dma source(%arg15 : memref<128x16xf32, #tpu.memory_space<vmem>>) target(%dma_start3A_323 : memref<10240x16xf32, #tpu.memory_space<vmem_shared>>) offsets(%dma_start3A_320 : memref<128xi32, #tpu.memory_space<vmem>>) semaphore(%arg31 : memref<!tpu.dma_semaphore, #tpu.memory_space<semaphore_mem>>) {add = true}
    %dma_wait3A_324 = arith.constant 0 : i32
    %dma_wait3A_325 = arith.constant 0 : i32
    %dma_wait3A_326 = arith.constant 0 : i32
    %dma_wait3A_327 = tpu.memref_slice %arg7[%dma_wait3A_324, %dma_wait3A_325, %dma_wait3A_326] : memref<79x1x128xi32, #tpu.memory_space<vmem>> -> memref<1x1x128xi32, #tpu.memory_space<vmem>>
    %dma_wait3A_328 = tpu.memref_squeeze %dma_wait3A_327 : memref<1x1x128xi32, #tpu.memory_space<vmem>> -> memref<128xi32, #tpu.memory_space<vmem>>
    %dma_wait3A_329 = arith.constant 0 : i32
    %dma_wait3A_330 = arith.constant 0 : i32
    %dma_wait3A_331 = tpu.memref_slice %arg33[%dma_wait3A_329, %dma_wait3A_330] : memref<10240x16xf32, #tpu.memory_space<vmem_shared>> -> memref<10240x16xf32, #tpu.memory_space<vmem_shared>>
    tpu.wait_indirect_dma semaphore(%arg27 : memref<!tpu.dma_semaphore, #tpu.memory_space<semaphore_mem>>) src(%arg11 : memref<128x16xf32, #tpu.memory_space<vmem>>) dst(%dma_wait3A_331 : memref<10240x16xf32, #tpu.memory_space<vmem_shared>>)
    %add3A_332 = arith.constant 7 : i32
    %add3A_333 = arith.addi %sub3A, %add3A_332 : i32
    %add3A_334 = arith.constant 4 : i32
    %add3A_335 = arith.addi %add3A_333, %add3A_334 : i32
    %dma_start3A_336 = arith.constant 0 : i32
    %dma_start3A_337 = arith.constant 0 : i32
    %dma_start3A_338 = tpu.memref_slice %arg6[%add3A_335, %dma_start3A_336, %dma_start3A_337] : memref<79x1x128xi32, #tpu.memory_space<vmem>> -> memref<1x1x128xi32, #tpu.memory_space<vmem>>
    %dma_start3A_339 = tpu.memref_squeeze %dma_start3A_338 : memref<1x1x128xi32, #tpu.memory_space<vmem>> -> memref<128xi32, #tpu.memory_space<vmem>>
    %dma_start3A_340 = arith.constant 0 : i32
    %dma_start3A_341 = arith.constant 0 : i32
    %dma_start3A_342 = tpu.memref_slice %arg2[%dma_start3A_340, %dma_start3A_341] : memref<10240x16xf32, #tpu.memory_space<hbm>> -> memref<10240x16xf32, #tpu.memory_space<hbm>>
    tpu.enqueue_indirect_dma source(%dma_start3A_342 : memref<10240x16xf32, #tpu.memory_space<hbm>>) target(%arg11 : memref<128x16xf32, #tpu.memory_space<vmem>>) offsets(%dma_start3A_339 : memref<128xi32, #tpu.memory_space<vmem>>) semaphore(%arg19 : memref<!tpu.dma_semaphore, #tpu.memory_space<semaphore_mem>>)
    %scan3A = arith.constant 0 : i32
    %scan3A_343 = arith.constant 1 : i32
    %scan3A_344 = arith.constant 8 : i32
    %scan3A_345 = arith.addi %scan3A_343, %scan3A_344 : i32
    %scan3A_346 = arith.constant 1 : i32
    scf.for %scan3A_494 = %scan3A_343 to %scan3A_345 step %scan3A_346  : i32 {
      %mul3A_495 = arith.constant 8 : i32
      %mul3A_496 = arith.muli %mul3A_495, %scan3A_494 : i32
      %add3A_497 = arith.constant 0 : i32
      %add3A_498 = arith.addi %mul3A_496, %add3A_497 : i32
      %add3A_499 = arith.addi %sub3A, %add3A_498 : i32
      %dma_wait3A_500 = arith.constant 0 : i32
      %dma_wait3A_501 = arith.constant 0 : i32
      %dma_wait3A_502 = tpu.memref_slice %arg6[%add3A_499, %dma_wait3A_500, %dma_wait3A_501] : memref<79x1x128xi32, #tpu.memory_space<vmem>> -> memref<1x1x128xi32, #tpu.memory_space<vmem>>
      %dma_wait3A_503 = tpu.memref_squeeze %dma_wait3A_502 : memref<1x1x128xi32, #tpu.memory_space<vmem>> -> memref<128xi32, #tpu.memory_space<vmem>>
      %dma_wait3A_504 = arith.constant 0 : i32
      %dma_wait3A_505 = arith.constant 0 : i32
      %dma_wait3A_506 = tpu.memref_slice %arg2[%dma_wait3A_504, %dma_wait3A_505] : memref<10240x16xf32, #tpu.memory_space<hbm>> -> memref<10240x16xf32, #tpu.memory_space<hbm>>
      tpu.wait_indirect_dma semaphore(%arg16 : memref<!tpu.dma_semaphore, #tpu.memory_space<semaphore_mem>>) src(%dma_wait3A_506 : memref<10240x16xf32, #tpu.memory_space<hbm>>) dst(%arg8 : memref<128x16xf32, #tpu.memory_space<vmem>>)
      %add3A_507 = arith.addi %sub3A, %add3A_498 : i32
      %dma_start3A_508 = arith.constant 0 : i32
      %dma_start3A_509 = arith.constant 0 : i32
      %dma_start3A_510 = tpu.memref_slice %arg7[%add3A_507, %dma_start3A_508, %dma_start3A_509] : memref<79x1x128xi32, #tpu.memory_space<vmem>> -> memref<1x1x128xi32, #tpu.memory_space<vmem>>
      %dma_start3A_511 = tpu.memref_squeeze %dma_start3A_510 : memref<1x1x128xi32, #tpu.memory_space<vmem>> -> memref<128xi32, #tpu.memory_space<vmem>>
      %dma_start3A_512 = arith.constant 0 : i32
      %dma_start3A_513 = arith.constant 0 : i32
      %dma_start3A_514 = tpu.memref_slice %arg33[%dma_start3A_512, %dma_start3A_513] : memref<10240x16xf32, #tpu.memory_space<vmem_shared>> -> memref<10240x16xf32, #tpu.memory_space<vmem_shared>>
      tpu.enqueue_indirect_dma source(%arg8 : memref<128x16xf32, #tpu.memory_space<vmem>>) target(%dma_start3A_514 : memref<10240x16xf32, #tpu.memory_space<vmem_shared>>) offsets(%dma_start3A_511 : memref<128xi32, #tpu.memory_space<vmem>>) semaphore(%arg24 : memref<!tpu.dma_semaphore, #tpu.memory_space<semaphore_mem>>) {add = true}
      %dma_wait3A_515 = arith.constant 0 : i32
      %dma_wait3A_516 = arith.constant 0 : i32
      %dma_wait3A_517 = arith.constant 0 : i32
      %dma_wait3A_518 = tpu.memref_slice %arg7[%dma_wait3A_515, %dma_wait3A_516, %dma_wait3A_517] : memref<79x1x128xi32, #tpu.memory_space<vmem>> -> memref<1x1x128xi32, #tpu.memory_space<vmem>>
      %dma_wait3A_519 = tpu.memref_squeeze %dma_wait3A_518 : memref<1x1x128xi32, #tpu.memory_space<vmem>> -> memref<128xi32, #tpu.memory_space<vmem>>
      %dma_wait3A_520 = arith.constant 0 : i32
      %dma_wait3A_521 = arith.constant 0 : i32
      %dma_wait3A_522 = tpu.memref_slice %arg33[%dma_wait3A_520, %dma_wait3A_521] : memref<10240x16xf32, #tpu.memory_space<vmem_shared>> -> memref<10240x16xf32, #tpu.memory_space<vmem_shared>>
      tpu.wait_indirect_dma semaphore(%arg28 : memref<!tpu.dma_semaphore, #tpu.memory_space<semaphore_mem>>) src(%arg12 : memref<128x16xf32, #tpu.memory_space<vmem>>) dst(%dma_wait3A_522 : memref<10240x16xf32, #tpu.memory_space<vmem_shared>>)
      %add3A_523 = arith.addi %sub3A, %add3A_498 : i32
      %add3A_524 = arith.constant 4 : i32
      %add3A_525 = arith.addi %add3A_523, %add3A_524 : i32
      %dma_start3A_526 = arith.constant 0 : i32
      %dma_start3A_527 = arith.constant 0 : i32
      %dma_start3A_528 = tpu.memref_slice %arg6[%add3A_525, %dma_start3A_526, %dma_start3A_527] : memref<79x1x128xi32, #tpu.memory_space<vmem>> -> memref<1x1x128xi32, #tpu.memory_space<vmem>>
      %dma_start3A_529 = tpu.memref_squeeze %dma_start3A_528 : memref<1x1x128xi32, #tpu.memory_space<vmem>> -> memref<128xi32, #tpu.memory_space<vmem>>
      %dma_start3A_530 = arith.constant 0 : i32
      %dma_start3A_531 = arith.constant 0 : i32
      %dma_start3A_532 = tpu.memref_slice %arg2[%dma_start3A_530, %dma_start3A_531] : memref<10240x16xf32, #tpu.memory_space<hbm>> -> memref<10240x16xf32, #tpu.memory_space<hbm>>
      tpu.enqueue_indirect_dma source(%dma_start3A_532 : memref<10240x16xf32, #tpu.memory_space<hbm>>) target(%arg12 : memref<128x16xf32, #tpu.memory_space<vmem>>) offsets(%dma_start3A_529 : memref<128xi32, #tpu.memory_space<vmem>>) semaphore(%arg20 : memref<!tpu.dma_semaphore, #tpu.memory_space<semaphore_mem>>)
      %mul3A_533 = arith.constant 8 : i32
      %mul3A_534 = arith.muli %mul3A_533, %scan3A_494 : i32
      %add3A_535 = arith.constant 1 : i32
      %add3A_536 = arith.addi %mul3A_534, %add3A_535 : i32
      %add3A_537 = arith.addi %sub3A, %add3A_536 : i32
      %dma_wait3A_538 = arith.constant 0 : i32
      %dma_wait3A_539 = arith.constant 0 : i32
      %dma_wait3A_540 = tpu.memref_slice %arg6[%add3A_537, %dma_wait3A_538, %dma_wait3A_539] : memref<79x1x128xi32, #tpu.memory_space<vmem>> -> memref<1x1x128xi32, #tpu.memory_space<vmem>>
      %dma_wait3A_541 = tpu.memref_squeeze %dma_wait3A_540 : memref<1x1x128xi32, #tpu.memory_space<vmem>> -> memref<128xi32, #tpu.memory_space<vmem>>
      %dma_wait3A_542 = arith.constant 0 : i32
      %dma_wait3A_543 = arith.constant 0 : i32
      %dma_wait3A_544 = tpu.memref_slice %arg2[%dma_wait3A_542, %dma_wait3A_543] : memref<10240x16xf32, #tpu.memory_space<hbm>> -> memref<10240x16xf32, #tpu.memory_space<hbm>>
      tpu.wait_indirect_dma semaphore(%arg17 : memref<!tpu.dma_semaphore, #tpu.memory_space<semaphore_mem>>) src(%dma_wait3A_544 : memref<10240x16xf32, #tpu.memory_space<hbm>>) dst(%arg9 : memref<128x16xf32, #tpu.memory_space<vmem>>)
      %add3A_545 = arith.addi %sub3A, %add3A_536 : i32
      %dma_start3A_546 = arith.constant 0 : i32
      %dma_start3A_547 = arith.constant 0 : i32
      %dma_start3A_548 = tpu.memref_slice %arg7[%add3A_545, %dma_start3A_546, %dma_start3A_547] : memref<79x1x128xi32, #tpu.memory_space<vmem>> -> memref<1x1x128xi32, #tpu.memory_space<vmem>>
      %dma_start3A_549 = tpu.memref_squeeze %dma_start3A_548 : memref<1x1x128xi32, #tpu.memory_space<vmem>> -> memref<128xi32, #tpu.memory_space<vmem>>
      %dma_start3A_550 = arith.constant 0 : i32
      %dma_start3A_551 = arith.constant 0 : i32
      %dma_start3A_552 = tpu.memref_slice %arg33[%dma_start3A_550, %dma_start3A_551] : memref<10240x16xf32, #tpu.memory_space<vmem_shared>> -> memref<10240x16xf32, #tpu.memory_space<vmem_shared>>
      tpu.enqueue_indirect_dma source(%arg9 : memref<128x16xf32, #tpu.memory_space<vmem>>) target(%dma_start3A_552 : memref<10240x16xf32, #tpu.memory_space<vmem_shared>>) offsets(%dma_start3A_549 : memref<128xi32, #tpu.memory_space<vmem>>) semaphore(%arg25 : memref<!tpu.dma_semaphore, #tpu.memory_space<semaphore_mem>>) {add = true}
      %dma_wait3A_553 = arith.constant 0 : i32
      %dma_wait3A_554 = arith.constant 0 : i32
      %dma_wait3A_555 = arith.constant 0 : i32
      %dma_wait3A_556 = tpu.memref_slice %arg7[%dma_wait3A_553, %dma_wait3A_554, %dma_wait3A_555] : memref<79x1x128xi32, #tpu.memory_space<vmem>> -> memref<1x1x128xi32, #tpu.memory_space<vmem>>
      %dma_wait3A_557 = tpu.memref_squeeze %dma_wait3A_556 : memref<1x1x128xi32, #tpu.memory_space<vmem>> -> memref<128xi32, #tpu.memory_space<vmem>>
      %dma_wait3A_558 = arith.constant 0 : i32
      %dma_wait3A_559 = arith.constant 0 : i32
      %dma_wait3A_560 = tpu.memref_slice %arg33[%dma_wait3A_558, %dma_wait3A_559] : memref<10240x16xf32, #tpu.memory_space<vmem_shared>> -> memref<10240x16xf32, #tpu.memory_space<vmem_shared>>
      tpu.wait_indirect_dma semaphore(%arg29 : memref<!tpu.dma_semaphore, #tpu.memory_space<semaphore_mem>>) src(%arg13 : memref<128x16xf32, #tpu.memory_space<vmem>>) dst(%dma_wait3A_560 : memref<10240x16xf32, #tpu.memory_space<vmem_shared>>)
      %add3A_561 = arith.addi %sub3A, %add3A_536 : i32
      %add3A_562 = arith.constant 4 : i32
      %add3A_563 = arith.addi %add3A_561, %add3A_562 : i32
      %dma_start3A_564 = arith.constant 0 : i32
      %dma_start3A_565 = arith.constant 0 : i32
      %dma_start3A_566 = tpu.memref_slice %arg6[%add3A_563, %dma_start3A_564, %dma_start3A_565] : memref<79x1x128xi32, #tpu.memory_space<vmem>> -> memref<1x1x128xi32, #tpu.memory_space<vmem>>
      %dma_start3A_567 = tpu.memref_squeeze %dma_start3A_566 : memref<1x1x128xi32, #tpu.memory_space<vmem>> -> memref<128xi32, #tpu.memory_space<vmem>>
      %dma_start3A_568 = arith.constant 0 : i32
      %dma_start3A_569 = arith.constant 0 : i32
      %dma_start3A_570 = tpu.memref_slice %arg2[%dma_start3A_568, %dma_start3A_569] : memref<10240x16xf32, #tpu.memory_space<hbm>> -> memref<10240x16xf32, #tpu.memory_space<hbm>>
      tpu.enqueue_indirect_dma source(%dma_start3A_570 : memref<10240x16xf32, #tpu.memory_space<hbm>>) target(%arg13 : memref<128x16xf32, #tpu.memory_space<vmem>>) offsets(%dma_start3A_567 : memref<128xi32, #tpu.memory_space<vmem>>) semaphore(%arg21 : memref<!tpu.dma_semaphore, #tpu.memory_space<semaphore_mem>>)
      %mul3A_571 = arith.constant 8 : i32
      %mul3A_572 = arith.muli %mul3A_571, %scan3A_494 : i32
      %add3A_573 = arith.constant 2 : i32
      %add3A_574 = arith.addi %mul3A_572, %add3A_573 : i32
      %add3A_575 = arith.addi %sub3A, %add3A_574 : i32
      %dma_wait3A_576 = arith.constant 0 : i32
      %dma_wait3A_577 = arith.constant 0 : i32
      %dma_wait3A_578 = tpu.memref_slice %arg6[%add3A_575, %dma_wait3A_576, %dma_wait3A_577] : memref<79x1x128xi32, #tpu.memory_space<vmem>> -> memref<1x1x128xi32, #tpu.memory_space<vmem>>
      %dma_wait3A_579 = tpu.memref_squeeze %dma_wait3A_578 : memref<1x1x128xi32, #tpu.memory_space<vmem>> -> memref<128xi32, #tpu.memory_space<vmem>>
      %dma_wait3A_580 = arith.constant 0 : i32
      %dma_wait3A_581 = arith.constant 0 : i32
      %dma_wait3A_582 = tpu.memref_slice %arg2[%dma_wait3A_580, %dma_wait3A_581] : memref<10240x16xf32, #tpu.memory_space<hbm>> -> memref<10240x16xf32, #tpu.memory_space<hbm>>
      tpu.wait_indirect_dma semaphore(%arg18 : memref<!tpu.dma_semaphore, #tpu.memory_space<semaphore_mem>>) src(%dma_wait3A_582 : memref<10240x16xf32, #tpu.memory_space<hbm>>) dst(%arg10 : memref<128x16xf32, #tpu.memory_space<vmem>>)
      %add3A_583 = arith.addi %sub3A, %add3A_574 : i32
      %dma_start3A_584 = arith.constant 0 : i32
      %dma_start3A_585 = arith.constant 0 : i32
      %dma_start3A_586 = tpu.memref_slice %arg7[%add3A_583, %dma_start3A_584, %dma_start3A_585] : memref<79x1x128xi32, #tpu.memory_space<vmem>> -> memref<1x1x128xi32, #tpu.memory_space<vmem>>
      %dma_start3A_587 = tpu.memref_squeeze %dma_start3A_586 : memref<1x1x128xi32, #tpu.memory_space<vmem>> -> memref<128xi32, #tpu.memory_space<vmem>>
      %dma_start3A_588 = arith.constant 0 : i32
      %dma_start3A_589 = arith.constant 0 : i32
      %dma_start3A_590 = tpu.memref_slice %arg33[%dma_start3A_588, %dma_start3A_589] : memref<10240x16xf32, #tpu.memory_space<vmem_shared>> -> memref<10240x16xf32, #tpu.memory_space<vmem_shared>>
      tpu.enqueue_indirect_dma source(%arg10 : memref<128x16xf32, #tpu.memory_space<vmem>>) target(%dma_start3A_590 : memref<10240x16xf32, #tpu.memory_space<vmem_shared>>) offsets(%dma_start3A_587 : memref<128xi32, #tpu.memory_space<vmem>>) semaphore(%arg26 : memref<!tpu.dma_semaphore, #tpu.memory_space<semaphore_mem>>) {add = true}
      %dma_wait3A_591 = arith.constant 0 : i32
      %dma_wait3A_592 = arith.constant 0 : i32
      %dma_wait3A_593 = arith.constant 0 : i32
      %dma_wait3A_594 = tpu.memref_slice %arg7[%dma_wait3A_591, %dma_wait3A_592, %dma_wait3A_593] : memref<79x1x128xi32, #tpu.memory_space<vmem>> -> memref<1x1x128xi32, #tpu.memory_space<vmem>>
      %dma_wait3A_595 = tpu.memref_squeeze %dma_wait3A_594 : memref<1x1x128xi32, #tpu.memory_space<vmem>> -> memref<128xi32, #tpu.memory_space<vmem>>
      %dma_wait3A_596 = arith.constant 0 : i32
      %dma_wait3A_597 = arith.constant 0 : i32
      %dma_wait3A_598 = tpu.memref_slice %arg33[%dma_wait3A_596, %dma_wait3A_597] : memref<10240x16xf32, #tpu.memory_space<vmem_shared>> -> memref<10240x16xf32, #tpu.memory_space<vmem_shared>>
      tpu.wait_indirect_dma semaphore(%arg30 : memref<!tpu.dma_semaphore, #tpu.memory_space<semaphore_mem>>) src(%arg14 : memref<128x16xf32, #tpu.memory_space<vmem>>) dst(%dma_wait3A_598 : memref<10240x16xf32, #tpu.memory_space<vmem_shared>>)
      %add3A_599 = arith.addi %sub3A, %add3A_574 : i32
      %add3A_600 = arith.constant 4 : i32
      %add3A_601 = arith.addi %add3A_599, %add3A_600 : i32
      %dma_start3A_602 = arith.constant 0 : i32
      %dma_start3A_603 = arith.constant 0 : i32
      %dma_start3A_604 = tpu.memref_slice %arg6[%add3A_601, %dma_start3A_602, %dma_start3A_603] : memref<79x1x128xi32, #tpu.memory_space<vmem>> -> memref<1x1x128xi32, #tpu.memory_space<vmem>>
      %dma_start3A_605 = tpu.memref_squeeze %dma_start3A_604 : memref<1x1x128xi32, #tpu.memory_space<vmem>> -> memref<128xi32, #tpu.memory_space<vmem>>
      %dma_start3A_606 = arith.constant 0 : i32
      %dma_start3A_607 = arith.constant 0 : i32
      %dma_start3A_608 = tpu.memref_slice %arg2[%dma_start3A_606, %dma_start3A_607] : memref<10240x16xf32, #tpu.memory_space<hbm>> -> memref<10240x16xf32, #tpu.memory_space<hbm>>
      tpu.enqueue_indirect_dma source(%dma_start3A_608 : memref<10240x16xf32, #tpu.memory_space<hbm>>) target(%arg14 : memref<128x16xf32, #tpu.memory_space<vmem>>) offsets(%dma_start3A_605 : memref<128xi32, #tpu.memory_space<vmem>>) semaphore(%arg22 : memref<!tpu.dma_semaphore, #tpu.memory_space<semaphore_mem>>)
      %mul3A_609 = arith.constant 8 : i32
      %mul3A_610 = arith.muli %mul3A_609, %scan3A_494 : i32
      %add3A_611 = arith.constant 3 : i32
      %add3A_612 = arith.addi %mul3A_610, %add3A_611 : i32
      %add3A_613 = arith.addi %sub3A, %add3A_612 : i32
      %dma_wait3A_614 = arith.constant 0 : i32
      %dma_wait3A_615 = arith.constant 0 : i32
      %dma_wait3A_616 = tpu.memref_slice %arg6[%add3A_613, %dma_wait3A_614, %dma_wait3A_615] : memref<79x1x128xi32, #tpu.memory_space<vmem>> -> memref<1x1x128xi32, #tpu.memory_space<vmem>>
      %dma_wait3A_617 = tpu.memref_squeeze %dma_wait3A_616 : memref<1x1x128xi32, #tpu.memory_space<vmem>> -> memref<128xi32, #tpu.memory_space<vmem>>
      %dma_wait3A_618 = arith.constant 0 : i32
      %dma_wait3A_619 = arith.constant 0 : i32
      %dma_wait3A_620 = tpu.memref_slice %arg2[%dma_wait3A_618, %dma_wait3A_619] : memref<10240x16xf32, #tpu.memory_space<hbm>> -> memref<10240x16xf32, #tpu.memory_space<hbm>>
      tpu.wait_indirect_dma semaphore(%arg19 : memref<!tpu.dma_semaphore, #tpu.memory_space<semaphore_mem>>) src(%dma_wait3A_620 : memref<10240x16xf32, #tpu.memory_space<hbm>>) dst(%arg11 : memref<128x16xf32, #tpu.memory_space<vmem>>)
      %add3A_621 = arith.addi %sub3A, %add3A_612 : i32
      %dma_start3A_622 = arith.constant 0 : i32
      %dma_start3A_623 = arith.constant 0 : i32
      %dma_start3A_624 = tpu.memref_slice %arg7[%add3A_621, %dma_start3A_622, %dma_start3A_623] : memref<79x1x128xi32, #tpu.memory_space<vmem>> -> memref<1x1x128xi32, #tpu.memory_space<vmem>>
      %dma_start3A_625 = tpu.memref_squeeze %dma_start3A_624 : memref<1x1x128xi32, #tpu.memory_space<vmem>> -> memref<128xi32, #tpu.memory_space<vmem>>
      %dma_start3A_626 = arith.constant 0 : i32
      %dma_start3A_627 = arith.constant 0 : i32
      %dma_start3A_628 = tpu.memref_slice %arg33[%dma_start3A_626, %dma_start3A_627] : memref<10240x16xf32, #tpu.memory_space<vmem_shared>> -> memref<10240x16xf32, #tpu.memory_space<vmem_shared>>
      tpu.enqueue_indirect_dma source(%arg11 : memref<128x16xf32, #tpu.memory_space<vmem>>) target(%dma_start3A_628 : memref<10240x16xf32, #tpu.memory_space<vmem_shared>>) offsets(%dma_start3A_625 : memref<128xi32, #tpu.memory_space<vmem>>) semaphore(%arg27 : memref<!tpu.dma_semaphore, #tpu.memory_space<semaphore_mem>>) {add = true}
      %dma_wait3A_629 = arith.constant 0 : i32
      %dma_wait3A_630 = arith.constant 0 : i32
      %dma_wait3A_631 = arith.constant 0 : i32
      %dma_wait3A_632 = tpu.memref_slice %arg7[%dma_wait3A_629, %dma_wait3A_630, %dma_wait3A_631] : memref<79x1x128xi32, #tpu.memory_space<vmem>> -> memref<1x1x128xi32, #tpu.memory_space<vmem>>
      %dma_wait3A_633 = tpu.memref_squeeze %dma_wait3A_632 : memref<1x1x128xi32, #tpu.memory_space<vmem>> -> memref<128xi32, #tpu.memory_space<vmem>>
      %dma_wait3A_634 = arith.constant 0 : i32
      %dma_wait3A_635 = arith.constant 0 : i32
      %dma_wait3A_636 = tpu.memref_slice %arg33[%dma_wait3A_634, %dma_wait3A_635] : memref<10240x16xf32, #tpu.memory_space<vmem_shared>> -> memref<10240x16xf32, #tpu.memory_space<vmem_shared>>
      tpu.wait_indirect_dma semaphore(%arg31 : memref<!tpu.dma_semaphore, #tpu.memory_space<semaphore_mem>>) src(%arg15 : memref<128x16xf32, #tpu.memory_space<vmem>>) dst(%dma_wait3A_636 : memref<10240x16xf32, #tpu.memory_space<vmem_shared>>)
      %add3A_637 = arith.addi %sub3A, %add3A_612 : i32
      %add3A_638 = arith.constant 4 : i32
      %add3A_639 = arith.addi %add3A_637, %add3A_638 : i32
      %dma_start3A_640 = arith.constant 0 : i32
      %dma_start3A_641 = arith.constant 0 : i32
      %dma_start3A_642 = tpu.memref_slice %arg6[%add3A_639, %dma_start3A_640, %dma_start3A_641] : memref<79x1x128xi32, #tpu.memory_space<vmem>> -> memref<1x1x128xi32, #tpu.memory_space<vmem>>
      %dma_start3A_643 = tpu.memref_squeeze %dma_start3A_642 : memref<1x1x128xi32, #tpu.memory_space<vmem>> -> memref<128xi32, #tpu.memory_space<vmem>>
      %dma_start3A_644 = arith.constant 0 : i32
      %dma_start3A_645 = arith.constant 0 : i32
      %dma_start3A_646 = tpu.memref_slice %arg2[%dma_start3A_644, %dma_start3A_645] : memref<10240x16xf32, #tpu.memory_space<hbm>> -> memref<10240x16xf32, #tpu.memory_space<hbm>>
      tpu.enqueue_indirect_dma source(%dma_start3A_646 : memref<10240x16xf32, #tpu.memory_space<hbm>>) target(%arg15 : memref<128x16xf32, #tpu.memory_space<vmem>>) offsets(%dma_start3A_643 : memref<128xi32, #tpu.memory_space<vmem>>) semaphore(%arg23 : memref<!tpu.dma_semaphore, #tpu.memory_space<semaphore_mem>>)
      %mul3A_647 = arith.constant 8 : i32
      %mul3A_648 = arith.muli %mul3A_647, %scan3A_494 : i32
      %add3A_649 = arith.constant 4 : i32
      %add3A_650 = arith.addi %mul3A_648, %add3A_649 : i32
      %add3A_651 = arith.addi %sub3A, %add3A_650 : i32
      %dma_wait3A_652 = arith.constant 0 : i32
      %dma_wait3A_653 = arith.constant 0 : i32
      %dma_wait3A_654 = tpu.memref_slice %arg6[%add3A_651, %dma_wait3A_652, %dma_wait3A_653] : memref<79x1x128xi32, #tpu.memory_space<vmem>> -> memref<1x1x128xi32, #tpu.memory_space<vmem>>
      %dma_wait3A_655 = tpu.memref_squeeze %dma_wait3A_654 : memref<1x1x128xi32, #tpu.memory_space<vmem>> -> memref<128xi32, #tpu.memory_space<vmem>>
      %dma_wait3A_656 = arith.constant 0 : i32
      %dma_wait3A_657 = arith.constant 0 : i32
      %dma_wait3A_658 = tpu.memref_slice %arg2[%dma_wait3A_656, %dma_wait3A_657] : memref<10240x16xf32, #tpu.memory_space<hbm>> -> memref<10240x16xf32, #tpu.memory_space<hbm>>
      tpu.wait_indirect_dma semaphore(%arg20 : memref<!tpu.dma_semaphore, #tpu.memory_space<semaphore_mem>>) src(%dma_wait3A_658 : memref<10240x16xf32, #tpu.memory_space<hbm>>) dst(%arg12 : memref<128x16xf32, #tpu.memory_space<vmem>>)
      %add3A_659 = arith.addi %sub3A, %add3A_650 : i32
      %dma_start3A_660 = arith.constant 0 : i32
      %dma_start3A_661 = arith.constant 0 : i32
      %dma_start3A_662 = tpu.memref_slice %arg7[%add3A_659, %dma_start3A_660, %dma_start3A_661] : memref<79x1x128xi32, #tpu.memory_space<vmem>> -> memref<1x1x128xi32, #tpu.memory_space<vmem>>
      %dma_start3A_663 = tpu.memref_squeeze %dma_start3A_662 : memref<1x1x128xi32, #tpu.memory_space<vmem>> -> memref<128xi32, #tpu.memory_space<vmem>>
      %dma_start3A_664 = arith.constant 0 : i32
      %dma_start3A_665 = arith.constant 0 : i32
      %dma_start3A_666 = tpu.memref_slice %arg33[%dma_start3A_664, %dma_start3A_665] : memref<10240x16xf32, #tpu.memory_space<vmem_shared>> -> memref<10240x16xf32, #tpu.memory_space<vmem_shared>>
      tpu.enqueue_indirect_dma source(%arg12 : memref<128x16xf32, #tpu.memory_space<vmem>>) target(%dma_start3A_666 : memref<10240x16xf32, #tpu.memory_space<vmem_shared>>) offsets(%dma_start3A_663 : memref<128xi32, #tpu.memory_space<vmem>>) semaphore(%arg28 : memref<!tpu.dma_semaphore, #tpu.memory_space<semaphore_mem>>) {add = true}
      %dma_wait3A_667 = arith.constant 0 : i32
      %dma_wait3A_668 = arith.constant 0 : i32
      %dma_wait3A_669 = arith.constant 0 : i32
      %dma_wait3A_670 = tpu.memref_slice %arg7[%dma_wait3A_667, %dma_wait3A_668, %dma_wait3A_669] : memref<79x1x128xi32, #tpu.memory_space<vmem>> -> memref<1x1x128xi32, #tpu.memory_space<vmem>>
      %dma_wait3A_671 = tpu.memref_squeeze %dma_wait3A_670 : memref<1x1x128xi32, #tpu.memory_space<vmem>> -> memref<128xi32, #tpu.memory_space<vmem>>
      %dma_wait3A_672 = arith.constant 0 : i32
      %dma_wait3A_673 = arith.constant 0 : i32
      %dma_wait3A_674 = tpu.memref_slice %arg33[%dma_wait3A_672, %dma_wait3A_673] : memref<10240x16xf32, #tpu.memory_space<vmem_shared>> -> memref<10240x16xf32, #tpu.memory_space<vmem_shared>>
      tpu.wait_indirect_dma semaphore(%arg24 : memref<!tpu.dma_semaphore, #tpu.memory_space<semaphore_mem>>) src(%arg8 : memref<128x16xf32, #tpu.memory_space<vmem>>) dst(%dma_wait3A_674 : memref<10240x16xf32, #tpu.memory_space<vmem_shared>>)
      %add3A_675 = arith.addi %sub3A, %add3A_650 : i32
      %add3A_676 = arith.constant 4 : i32
      %add3A_677 = arith.addi %add3A_675, %add3A_676 : i32
      %dma_start3A_678 = arith.constant 0 : i32
      %dma_start3A_679 = arith.constant 0 : i32
      %dma_start3A_680 = tpu.memref_slice %arg6[%add3A_677, %dma_start3A_678, %dma_start3A_679] : memref<79x1x128xi32, #tpu.memory_space<vmem>> -> memref<1x1x128xi32, #tpu.memory_space<vmem>>
      %dma_start3A_681 = tpu.memref_squeeze %dma_start3A_680 : memref<1x1x128xi32, #tpu.memory_space<vmem>> -> memref<128xi32, #tpu.memory_space<vmem>>
      %dma_start3A_682 = arith.constant 0 : i32
      %dma_start3A_683 = arith.constant 0 : i32
      %dma_start3A_684 = tpu.memref_slice %arg2[%dma_start3A_682, %dma_start3A_683] : memref<10240x16xf32, #tpu.memory_space<hbm>> -> memref<10240x16xf32, #tpu.memory_space<hbm>>
      tpu.enqueue_indirect_dma source(%dma_start3A_684 : memref<10240x16xf32, #tpu.memory_space<hbm>>) target(%arg8 : memref<128x16xf32, #tpu.memory_space<vmem>>) offsets(%dma_start3A_681 : memref<128xi32, #tpu.memory_space<vmem>>) semaphore(%arg16 : memref<!tpu.dma_semaphore, #tpu.memory_space<semaphore_mem>>)
      %mul3A_685 = arith.constant 8 : i32
      %mul3A_686 = arith.muli %mul3A_685, %scan3A_494 : i32
      %add3A_687 = arith.constant 5 : i32
      %add3A_688 = arith.addi %mul3A_686, %add3A_687 : i32
      %add3A_689 = arith.addi %sub3A, %add3A_688 : i32
      %dma_wait3A_690 = arith.constant 0 : i32
      %dma_wait3A_691 = arith.constant 0 : i32
      %dma_wait3A_692 = tpu.memref_slice %arg6[%add3A_689, %dma_wait3A_690, %dma_wait3A_691] : memref<79x1x128xi32, #tpu.memory_space<vmem>> -> memref<1x1x128xi32, #tpu.memory_space<vmem>>
      %dma_wait3A_693 = tpu.memref_squeeze %dma_wait3A_692 : memref<1x1x128xi32, #tpu.memory_space<vmem>> -> memref<128xi32, #tpu.memory_space<vmem>>
      %dma_wait3A_694 = arith.constant 0 : i32
      %dma_wait3A_695 = arith.constant 0 : i32
      %dma_wait3A_696 = tpu.memref_slice %arg2[%dma_wait3A_694, %dma_wait3A_695] : memref<10240x16xf32, #tpu.memory_space<hbm>> -> memref<10240x16xf32, #tpu.memory_space<hbm>>
      tpu.wait_indirect_dma semaphore(%arg21 : memref<!tpu.dma_semaphore, #tpu.memory_space<semaphore_mem>>) src(%dma_wait3A_696 : memref<10240x16xf32, #tpu.memory_space<hbm>>) dst(%arg13 : memref<128x16xf32, #tpu.memory_space<vmem>>)
      %add3A_697 = arith.addi %sub3A, %add3A_688 : i32
      %dma_start3A_698 = arith.constant 0 : i32
      %dma_start3A_699 = arith.constant 0 : i32
      %dma_start3A_700 = tpu.memref_slice %arg7[%add3A_697, %dma_start3A_698, %dma_start3A_699] : memref<79x1x128xi32, #tpu.memory_space<vmem>> -> memref<1x1x128xi32, #tpu.memory_space<vmem>>
      %dma_start3A_701 = tpu.memref_squeeze %dma_start3A_700 : memref<1x1x128xi32, #tpu.memory_space<vmem>> -> memref<128xi32, #tpu.memory_space<vmem>>
      %dma_start3A_702 = arith.constant 0 : i32
      %dma_start3A_703 = arith.constant 0 : i32
      %dma_start3A_704 = tpu.memref_slice %arg33[%dma_start3A_702, %dma_start3A_703] : memref<10240x16xf32, #tpu.memory_space<vmem_shared>> -> memref<10240x16xf32, #tpu.memory_space<vmem_shared>>
      tpu.enqueue_indirect_dma source(%arg13 : memref<128x16xf32, #tpu.memory_space<vmem>>) target(%dma_start3A_704 : memref<10240x16xf32, #tpu.memory_space<vmem_shared>>) offsets(%dma_start3A_701 : memref<128xi32, #tpu.memory_space<vmem>>) semaphore(%arg29 : memref<!tpu.dma_semaphore, #tpu.memory_space<semaphore_mem>>) {add = true}
      %dma_wait3A_705 = arith.constant 0 : i32
      %dma_wait3A_706 = arith.constant 0 : i32
      %dma_wait3A_707 = arith.constant 0 : i32
      %dma_wait3A_708 = tpu.memref_slice %arg7[%dma_wait3A_705, %dma_wait3A_706, %dma_wait3A_707] : memref<79x1x128xi32, #tpu.memory_space<vmem>> -> memref<1x1x128xi32, #tpu.memory_space<vmem>>
      %dma_wait3A_709 = tpu.memref_squeeze %dma_wait3A_708 : memref<1x1x128xi32, #tpu.memory_space<vmem>> -> memref<128xi32, #tpu.memory_space<vmem>>
      %dma_wait3A_710 = arith.constant 0 : i32
      %dma_wait3A_711 = arith.constant 0 : i32
      %dma_wait3A_712 = tpu.memref_slice %arg33[%dma_wait3A_710, %dma_wait3A_711] : memref<10240x16xf32, #tpu.memory_space<vmem_shared>> -> memref<10240x16xf32, #tpu.memory_space<vmem_shared>>
      tpu.wait_indirect_dma semaphore(%arg25 : memref<!tpu.dma_semaphore, #tpu.memory_space<semaphore_mem>>) src(%arg9 : memref<128x16xf32, #tpu.memory_space<vmem>>) dst(%dma_wait3A_712 : memref<10240x16xf32, #tpu.memory_space<vmem_shared>>)
      %add3A_713 = arith.addi %sub3A, %add3A_688 : i32
      %add3A_714 = arith.constant 4 : i32
      %add3A_715 = arith.addi %add3A_713, %add3A_714 : i32
      %dma_start3A_716 = arith.constant 0 : i32
      %dma_start3A_717 = arith.constant 0 : i32
      %dma_start3A_718 = tpu.memref_slice %arg6[%add3A_715, %dma_start3A_716, %dma_start3A_717] : memref<79x1x128xi32, #tpu.memory_space<vmem>> -> memref<1x1x128xi32, #tpu.memory_space<vmem>>
      %dma_start3A_719 = tpu.memref_squeeze %dma_start3A_718 : memref<1x1x128xi32, #tpu.memory_space<vmem>> -> memref<128xi32, #tpu.memory_space<vmem>>
      %dma_start3A_720 = arith.constant 0 : i32
      %dma_start3A_721 = arith.constant 0 : i32
      %dma_start3A_722 = tpu.memref_slice %arg2[%dma_start3A_720, %dma_start3A_721] : memref<10240x16xf32, #tpu.memory_space<hbm>> -> memref<10240x16xf32, #tpu.memory_space<hbm>>
      tpu.enqueue_indirect_dma source(%dma_start3A_722 : memref<10240x16xf32, #tpu.memory_space<hbm>>) target(%arg9 : memref<128x16xf32, #tpu.memory_space<vmem>>) offsets(%dma_start3A_719 : memref<128xi32, #tpu.memory_space<vmem>>) semaphore(%arg17 : memref<!tpu.dma_semaphore, #tpu.memory_space<semaphore_mem>>)
      %mul3A_723 = arith.constant 8 : i32
      %mul3A_724 = arith.muli %mul3A_723, %scan3A_494 : i32
      %add3A_725 = arith.constant 6 : i32
      %add3A_726 = arith.addi %mul3A_724, %add3A_725 : i32
      %add3A_727 = arith.addi %sub3A, %add3A_726 : i32
      %dma_wait3A_728 = arith.constant 0 : i32
      %dma_wait3A_729 = arith.constant 0 : i32
      %dma_wait3A_730 = tpu.memref_slice %arg6[%add3A_727, %dma_wait3A_728, %dma_wait3A_729] : memref<79x1x128xi32, #tpu.memory_space<vmem>> -> memref<1x1x128xi32, #tpu.memory_space<vmem>>
      %dma_wait3A_731 = tpu.memref_squeeze %dma_wait3A_730 : memref<1x1x128xi32, #tpu.memory_space<vmem>> -> memref<128xi32, #tpu.memory_space<vmem>>
      %dma_wait3A_732 = arith.constant 0 : i32
      %dma_wait3A_733 = arith.constant 0 : i32
      %dma_wait3A_734 = tpu.memref_slice %arg2[%dma_wait3A_732, %dma_wait3A_733] : memref<10240x16xf32, #tpu.memory_space<hbm>> -> memref<10240x16xf32, #tpu.memory_space<hbm>>
      tpu.wait_indirect_dma semaphore(%arg22 : memref<!tpu.dma_semaphore, #tpu.memory_space<semaphore_mem>>) src(%dma_wait3A_734 : memref<10240x16xf32, #tpu.memory_space<hbm>>) dst(%arg14 : memref<128x16xf32, #tpu.memory_space<vmem>>)
      %add3A_735 = arith.addi %sub3A, %add3A_726 : i32
      %dma_start3A_736 = arith.constant 0 : i32
      %dma_start3A_737 = arith.constant 0 : i32
      %dma_start3A_738 = tpu.memref_slice %arg7[%add3A_735, %dma_start3A_736, %dma_start3A_737] : memref<79x1x128xi32, #tpu.memory_space<vmem>> -> memref<1x1x128xi32, #tpu.memory_space<vmem>>
      %dma_start3A_739 = tpu.memref_squeeze %dma_start3A_738 : memref<1x1x128xi32, #tpu.memory_space<vmem>> -> memref<128xi32, #tpu.memory_space<vmem>>
      %dma_start3A_740 = arith.constant 0 : i32
      %dma_start3A_741 = arith.constant 0 : i32
      %dma_start3A_742 = tpu.memref_slice %arg33[%dma_start3A_740, %dma_start3A_741] : memref<10240x16xf32, #tpu.memory_space<vmem_shared>> -> memref<10240x16xf32, #tpu.memory_space<vmem_shared>>
      tpu.enqueue_indirect_dma source(%arg14 : memref<128x16xf32, #tpu.memory_space<vmem>>) target(%dma_start3A_742 : memref<10240x16xf32, #tpu.memory_space<vmem_shared>>) offsets(%dma_start3A_739 : memref<128xi32, #tpu.memory_space<vmem>>) semaphore(%arg30 : memref<!tpu.dma_semaphore, #tpu.memory_space<semaphore_mem>>) {add = true}
      %dma_wait3A_743 = arith.constant 0 : i32
      %dma_wait3A_744 = arith.constant 0 : i32
      %dma_wait3A_745 = arith.constant 0 : i32
      %dma_wait3A_746 = tpu.memref_slice %arg7[%dma_wait3A_743, %dma_wait3A_744, %dma_wait3A_745] : memref<79x1x128xi32, #tpu.memory_space<vmem>> -> memref<1x1x128xi32, #tpu.memory_space<vmem>>
      %dma_wait3A_747 = tpu.memref_squeeze %dma_wait3A_746 : memref<1x1x128xi32, #tpu.memory_space<vmem>> -> memref<128xi32, #tpu.memory_space<vmem>>
      %dma_wait3A_748 = arith.constant 0 : i32
      %dma_wait3A_749 = arith.constant 0 : i32
      %dma_wait3A_750 = tpu.memref_slice %arg33[%dma_wait3A_748, %dma_wait3A_749] : memref<10240x16xf32, #tpu.memory_space<vmem_shared>> -> memref<10240x16xf32, #tpu.memory_space<vmem_shared>>
      tpu.wait_indirect_dma semaphore(%arg26 : memref<!tpu.dma_semaphore, #tpu.memory_space<semaphore_mem>>) src(%arg10 : memref<128x16xf32, #tpu.memory_space<vmem>>) dst(%dma_wait3A_750 : memref<10240x16xf32, #tpu.memory_space<vmem_shared>>)
      %add3A_751 = arith.addi %sub3A, %add3A_726 : i32
      %add3A_752 = arith.constant 4 : i32
      %add3A_753 = arith.addi %add3A_751, %add3A_752 : i32
      %dma_start3A_754 = arith.constant 0 : i32
      %dma_start3A_755 = arith.constant 0 : i32
      %dma_start3A_756 = tpu.memref_slice %arg6[%add3A_753, %dma_start3A_754, %dma_start3A_755] : memref<79x1x128xi32, #tpu.memory_space<vmem>> -> memref<1x1x128xi32, #tpu.memory_space<vmem>>
      %dma_start3A_757 = tpu.memref_squeeze %dma_start3A_756 : memref<1x1x128xi32, #tpu.memory_space<vmem>> -> memref<128xi32, #tpu.memory_space<vmem>>
      %dma_start3A_758 = arith.constant 0 : i32
      %dma_start3A_759 = arith.constant 0 : i32
      %dma_start3A_760 = tpu.memref_slice %arg2[%dma_start3A_758, %dma_start3A_759] : memref<10240x16xf32, #tpu.memory_space<hbm>> -> memref<10240x16xf32, #tpu.memory_space<hbm>>
      tpu.enqueue_indirect_dma source(%dma_start3A_760 : memref<10240x16xf32, #tpu.memory_space<hbm>>) target(%arg10 : memref<128x16xf32, #tpu.memory_space<vmem>>) offsets(%dma_start3A_757 : memref<128xi32, #tpu.memory_space<vmem>>) semaphore(%arg18 : memref<!tpu.dma_semaphore, #tpu.memory_space<semaphore_mem>>)
      %mul3A_761 = arith.constant 8 : i32
      %mul3A_762 = arith.muli %mul3A_761, %scan3A_494 : i32
      %add3A_763 = arith.constant 7 : i32
      %add3A_764 = arith.addi %mul3A_762, %add3A_763 : i32
      %add3A_765 = arith.addi %sub3A, %add3A_764 : i32
      %dma_wait3A_766 = arith.constant 0 : i32
      %dma_wait3A_767 = arith.constant 0 : i32
      %dma_wait3A_768 = tpu.memref_slice %arg6[%add3A_765, %dma_wait3A_766, %dma_wait3A_767] : memref<79x1x128xi32, #tpu.memory_space<vmem>> -> memref<1x1x128xi32, #tpu.memory_space<vmem>>
      %dma_wait3A_769 = tpu.memref_squeeze %dma_wait3A_768 : memref<1x1x128xi32, #tpu.memory_space<vmem>> -> memref<128xi32, #tpu.memory_space<vmem>>
      %dma_wait3A_770 = arith.constant 0 : i32
      %dma_wait3A_771 = arith.constant 0 : i32
      %dma_wait3A_772 = tpu.memref_slice %arg2[%dma_wait3A_770, %dma_wait3A_771] : memref<10240x16xf32, #tpu.memory_space<hbm>> -> memref<10240x16xf32, #tpu.memory_space<hbm>>
      tpu.wait_indirect_dma semaphore(%arg23 : memref<!tpu.dma_semaphore, #tpu.memory_space<semaphore_mem>>) src(%dma_wait3A_772 : memref<10240x16xf32, #tpu.memory_space<hbm>>) dst(%arg15 : memref<128x16xf32, #tpu.memory_space<vmem>>)
      %add3A_773 = arith.addi %sub3A, %add3A_764 : i32
      %dma_start3A_774 = arith.constant 0 : i32
      %dma_start3A_775 = arith.constant 0 : i32
      %dma_start3A_776 = tpu.memref_slice %arg7[%add3A_773, %dma_start3A_774, %dma_start3A_775] : memref<79x1x128xi32, #tpu.memory_space<vmem>> -> memref<1x1x128xi32, #tpu.memory_space<vmem>>
      %dma_start3A_777 = tpu.memref_squeeze %dma_start3A_776 : memref<1x1x128xi32, #tpu.memory_space<vmem>> -> memref<128xi32, #tpu.memory_space<vmem>>
      %dma_start3A_778 = arith.constant 0 : i32
      %dma_start3A_779 = arith.constant 0 : i32
      %dma_start3A_780 = tpu.memref_slice %arg33[%dma_start3A_778, %dma_start3A_779] : memref<10240x16xf32, #tpu.memory_space<vmem_shared>> -> memref<10240x16xf32, #tpu.memory_space<vmem_shared>>
      tpu.enqueue_indirect_dma source(%arg15 : memref<128x16xf32, #tpu.memory_space<vmem>>) target(%dma_start3A_780 : memref<10240x16xf32, #tpu.memory_space<vmem_shared>>) offsets(%dma_start3A_777 : memref<128xi32, #tpu.memory_space<vmem>>) semaphore(%arg31 : memref<!tpu.dma_semaphore, #tpu.memory_space<semaphore_mem>>) {add = true}
      %dma_wait3A_781 = arith.constant 0 : i32
      %dma_wait3A_782 = arith.constant 0 : i32
      %dma_wait3A_783 = arith.constant 0 : i32
      %dma_wait3A_784 = tpu.memref_slice %arg7[%dma_wait3A_781, %dma_wait3A_782, %dma_wait3A_783] : memref<79x1x128xi32, #tpu.memory_space<vmem>> -> memref<1x1x128xi32, #tpu.memory_space<vmem>>
      %dma_wait3A_785 = tpu.memref_squeeze %dma_wait3A_784 : memref<1x1x128xi32, #tpu.memory_space<vmem>> -> memref<128xi32, #tpu.memory_space<vmem>>
      %dma_wait3A_786 = arith.constant 0 : i32
      %dma_wait3A_787 = arith.constant 0 : i32
      %dma_wait3A_788 = tpu.memref_slice %arg33[%dma_wait3A_786, %dma_wait3A_787] : memref<10240x16xf32, #tpu.memory_space<vmem_shared>> -> memref<10240x16xf32, #tpu.memory_space<vmem_shared>>
      tpu.wait_indirect_dma semaphore(%arg27 : memref<!tpu.dma_semaphore, #tpu.memory_space<semaphore_mem>>) src(%arg11 : memref<128x16xf32, #tpu.memory_space<vmem>>) dst(%dma_wait3A_788 : memref<10240x16xf32, #tpu.memory_space<vmem_shared>>)
      %add3A_789 = arith.addi %sub3A, %add3A_764 : i32
      %add3A_790 = arith.constant 4 : i32
      %add3A_791 = arith.addi %add3A_789, %add3A_790 : i32
      %dma_start3A_792 = arith.constant 0 : i32
      %dma_start3A_793 = arith.constant 0 : i32
      %dma_start3A_794 = tpu.memref_slice %arg6[%add3A_791, %dma_start3A_792, %dma_start3A_793] : memref<79x1x128xi32, #tpu.memory_space<vmem>> -> memref<1x1x128xi32, #tpu.memory_space<vmem>>
      %dma_start3A_795 = tpu.memref_squeeze %dma_start3A_794 : memref<1x1x128xi32, #tpu.memory_space<vmem>> -> memref<128xi32, #tpu.memory_space<vmem>>
      %dma_start3A_796 = arith.constant 0 : i32
      %dma_start3A_797 = arith.constant 0 : i32
      %dma_start3A_798 = tpu.memref_slice %arg2[%dma_start3A_796, %dma_start3A_797] : memref<10240x16xf32, #tpu.memory_space<hbm>> -> memref<10240x16xf32, #tpu.memory_space<hbm>>
      tpu.enqueue_indirect_dma source(%dma_start3A_798 : memref<10240x16xf32, #tpu.memory_space<hbm>>) target(%arg11 : memref<128x16xf32, #tpu.memory_space<vmem>>) offsets(%dma_start3A_795 : memref<128xi32, #tpu.memory_space<vmem>>) semaphore(%arg19 : memref<!tpu.dma_semaphore, #tpu.memory_space<semaphore_mem>>)
    }
    %scan3A_347 = arith.constant 8 : i32
    %gt3A = arith.constant 72 : i32
    %gt3A_348 = arith.cmpi sgt, %select_n3A, %gt3A : i32
    %convert_element_type3A = arith.extui %gt3A_348 : i1 to i32
    %cond3A = arith.constant 0 : i32
    %cond3A_349 = arith.cmpi ne, %convert_element_type3A, %cond3A : i32
    scf.if %cond3A_349 {
      %add3A_494 = arith.constant 72 : i32
      %add3A_495 = arith.addi %sub3A, %add3A_494 : i32
      %dma_wait3A_496 = arith.constant 0 : i32
      %dma_wait3A_497 = arith.constant 0 : i32
      %dma_wait3A_498 = tpu.memref_slice %arg6[%add3A_495, %dma_wait3A_496, %dma_wait3A_497] : memref<79x1x128xi32, #tpu.memory_space<vmem>> -> memref<1x1x128xi32, #tpu.memory_space<vmem>>
      %dma_wait3A_499 = tpu.memref_squeeze %dma_wait3A_498 : memref<1x1x128xi32, #tpu.memory_space<vmem>> -> memref<128xi32, #tpu.memory_space<vmem>>
      %dma_wait3A_500 = arith.constant 0 : i32
      %dma_wait3A_501 = arith.constant 0 : i32
      %dma_wait3A_502 = tpu.memref_slice %arg2[%dma_wait3A_500, %dma_wait3A_501] : memref<10240x16xf32, #tpu.memory_space<hbm>> -> memref<10240x16xf32, #tpu.memory_space<hbm>>
      tpu.wait_indirect_dma semaphore(%arg16 : memref<!tpu.dma_semaphore, #tpu.memory_space<semaphore_mem>>) src(%dma_wait3A_502 : memref<10240x16xf32, #tpu.memory_space<hbm>>) dst(%arg8 : memref<128x16xf32, #tpu.memory_space<vmem>>)
      %add3A_503 = arith.constant 72 : i32
      %add3A_504 = arith.addi %sub3A, %add3A_503 : i32
      %dma_start3A_505 = arith.constant 0 : i32
      %dma_start3A_506 = arith.constant 0 : i32
      %dma_start3A_507 = tpu.memref_slice %arg7[%add3A_504, %dma_start3A_505, %dma_start3A_506] : memref<79x1x128xi32, #tpu.memory_space<vmem>> -> memref<1x1x128xi32, #tpu.memory_space<vmem>>
      %dma_start3A_508 = tpu.memref_squeeze %dma_start3A_507 : memref<1x1x128xi32, #tpu.memory_space<vmem>> -> memref<128xi32, #tpu.memory_space<vmem>>
      %dma_start3A_509 = arith.constant 0 : i32
      %dma_start3A_510 = arith.constant 0 : i32
      %dma_start3A_511 = tpu.memref_slice %arg33[%dma_start3A_509, %dma_start3A_510] : memref<10240x16xf32, #tpu.memory_space<vmem_shared>> -> memref<10240x16xf32, #tpu.memory_space<vmem_shared>>
      tpu.enqueue_indirect_dma source(%arg8 : memref<128x16xf32, #tpu.memory_space<vmem>>) target(%dma_start3A_511 : memref<10240x16xf32, #tpu.memory_space<vmem_shared>>) offsets(%dma_start3A_508 : memref<128xi32, #tpu.memory_space<vmem>>) semaphore(%arg24 : memref<!tpu.dma_semaphore, #tpu.memory_space<semaphore_mem>>) {add = true}
    } else {
    }
    %gt3A_350 = arith.constant 76 : i32
    %gt3A_351 = arith.cmpi sgt, %select_n3A, %gt3A_350 : i32
    %convert_element_type3A_352 = arith.extui %gt3A_351 : i1 to i32
    %cond3A_353 = arith.constant 0 : i32
    %cond3A_354 = arith.cmpi ne, %convert_element_type3A_352, %cond3A_353 : i32
    scf.if %cond3A_354 {
      %dma_wait3A_494 = arith.constant 0 : i32
      %dma_wait3A_495 = arith.constant 0 : i32
      %dma_wait3A_496 = arith.constant 0 : i32
      %dma_wait3A_497 = tpu.memref_slice %arg7[%dma_wait3A_494, %dma_wait3A_495, %dma_wait3A_496] : memref<79x1x128xi32, #tpu.memory_space<vmem>> -> memref<1x1x128xi32, #tpu.memory_space<vmem>>
      %dma_wait3A_498 = tpu.memref_squeeze %dma_wait3A_497 : memref<1x1x128xi32, #tpu.memory_space<vmem>> -> memref<128xi32, #tpu.memory_space<vmem>>
      %dma_wait3A_499 = arith.constant 0 : i32
      %dma_wait3A_500 = arith.constant 0 : i32
      %dma_wait3A_501 = tpu.memref_slice %arg33[%dma_wait3A_499, %dma_wait3A_500] : memref<10240x16xf32, #tpu.memory_space<vmem_shared>> -> memref<10240x16xf32, #tpu.memory_space<vmem_shared>>
      tpu.wait_indirect_dma semaphore(%arg28 : memref<!tpu.dma_semaphore, #tpu.memory_space<semaphore_mem>>) src(%arg12 : memref<128x16xf32, #tpu.memory_space<vmem>>) dst(%dma_wait3A_501 : memref<10240x16xf32, #tpu.memory_space<vmem_shared>>)
      %add3A_502 = arith.constant 72 : i32
      %add3A_503 = arith.addi %sub3A, %add3A_502 : i32
      %add3A_504 = arith.constant 4 : i32
      %add3A_505 = arith.addi %add3A_503, %add3A_504 : i32
      %dma_start3A_506 = arith.constant 0 : i32
      %dma_start3A_507 = arith.constant 0 : i32
      %dma_start3A_508 = tpu.memref_slice %arg6[%add3A_505, %dma_start3A_506, %dma_start3A_507] : memref<79x1x128xi32, #tpu.memory_space<vmem>> -> memref<1x1x128xi32, #tpu.memory_space<vmem>>
      %dma_start3A_509 = tpu.memref_squeeze %dma_start3A_508 : memref<1x1x128xi32, #tpu.memory_space<vmem>> -> memref<128xi32, #tpu.memory_space<vmem>>
      %dma_start3A_510 = arith.constant 0 : i32
      %dma_start3A_511 = arith.constant 0 : i32
      %dma_start3A_512 = tpu.memref_slice %arg2[%dma_start3A_510, %dma_start3A_511] : memref<10240x16xf32, #tpu.memory_space<hbm>> -> memref<10240x16xf32, #tpu.memory_space<hbm>>
      tpu.enqueue_indirect_dma source(%dma_start3A_512 : memref<10240x16xf32, #tpu.memory_space<hbm>>) target(%arg12 : memref<128x16xf32, #tpu.memory_space<vmem>>) offsets(%dma_start3A_509 : memref<128xi32, #tpu.memory_space<vmem>>) semaphore(%arg20 : memref<!tpu.dma_semaphore, #tpu.memory_space<semaphore_mem>>)
    } else {
    }
    %gt3A_355 = arith.constant 73 : i32
    %gt3A_356 = arith.cmpi sgt, %select_n3A, %gt3A_355 : i32
    %convert_element_type3A_357 = arith.extui %gt3A_356 : i1 to i32
    %cond3A_358 = arith.constant 0 : i32
    %cond3A_359 = arith.cmpi ne, %convert_element_type3A_357, %cond3A_358 : i32
    scf.if %cond3A_359 {
      %add3A_494 = arith.constant 73 : i32
      %add3A_495 = arith.addi %sub3A, %add3A_494 : i32
      %dma_wait3A_496 = arith.constant 0 : i32
      %dma_wait3A_497 = arith.constant 0 : i32
      %dma_wait3A_498 = tpu.memref_slice %arg6[%add3A_495, %dma_wait3A_496, %dma_wait3A_497] : memref<79x1x128xi32, #tpu.memory_space<vmem>> -> memref<1x1x128xi32, #tpu.memory_space<vmem>>
      %dma_wait3A_499 = tpu.memref_squeeze %dma_wait3A_498 : memref<1x1x128xi32, #tpu.memory_space<vmem>> -> memref<128xi32, #tpu.memory_space<vmem>>
      %dma_wait3A_500 = arith.constant 0 : i32
      %dma_wait3A_501 = arith.constant 0 : i32
      %dma_wait3A_502 = tpu.memref_slice %arg2[%dma_wait3A_500, %dma_wait3A_501] : memref<10240x16xf32, #tpu.memory_space<hbm>> -> memref<10240x16xf32, #tpu.memory_space<hbm>>
      tpu.wait_indirect_dma semaphore(%arg17 : memref<!tpu.dma_semaphore, #tpu.memory_space<semaphore_mem>>) src(%dma_wait3A_502 : memref<10240x16xf32, #tpu.memory_space<hbm>>) dst(%arg9 : memref<128x16xf32, #tpu.memory_space<vmem>>)
      %add3A_503 = arith.constant 73 : i32
      %add3A_504 = arith.addi %sub3A, %add3A_503 : i32
      %dma_start3A_505 = arith.constant 0 : i32
      %dma_start3A_506 = arith.constant 0 : i32
      %dma_start3A_507 = tpu.memref_slice %arg7[%add3A_504, %dma_start3A_505, %dma_start3A_506] : memref<79x1x128xi32, #tpu.memory_space<vmem>> -> memref<1x1x128xi32, #tpu.memory_space<vmem>>
      %dma_start3A_508 = tpu.memref_squeeze %dma_start3A_507 : memref<1x1x128xi32, #tpu.memory_space<vmem>> -> memref<128xi32, #tpu.memory_space<vmem>>
      %dma_start3A_509 = arith.constant 0 : i32
      %dma_start3A_510 = arith.constant 0 : i32
      %dma_start3A_511 = tpu.memref_slice %arg33[%dma_start3A_509, %dma_start3A_510] : memref<10240x16xf32, #tpu.memory_space<vmem_shared>> -> memref<10240x16xf32, #tpu.memory_space<vmem_shared>>
      tpu.enqueue_indirect_dma source(%arg9 : memref<128x16xf32, #tpu.memory_space<vmem>>) target(%dma_start3A_511 : memref<10240x16xf32, #tpu.memory_space<vmem_shared>>) offsets(%dma_start3A_508 : memref<128xi32, #tpu.memory_space<vmem>>) semaphore(%arg25 : memref<!tpu.dma_semaphore, #tpu.memory_space<semaphore_mem>>) {add = true}
    } else {
    }
    %gt3A_360 = arith.constant 77 : i32
    %gt3A_361 = arith.cmpi sgt, %select_n3A, %gt3A_360 : i32
    %convert_element_type3A_362 = arith.extui %gt3A_361 : i1 to i32
    %cond3A_363 = arith.constant 0 : i32
    %cond3A_364 = arith.cmpi ne, %convert_element_type3A_362, %cond3A_363 : i32
    scf.if %cond3A_364 {
      %dma_wait3A_494 = arith.constant 0 : i32
      %dma_wait3A_495 = arith.constant 0 : i32
      %dma_wait3A_496 = arith.constant 0 : i32
      %dma_wait3A_497 = tpu.memref_slice %arg7[%dma_wait3A_494, %dma_wait3A_495, %dma_wait3A_496] : memref<79x1x128xi32, #tpu.memory_space<vmem>> -> memref<1x1x128xi32, #tpu.memory_space<vmem>>
      %dma_wait3A_498 = tpu.memref_squeeze %dma_wait3A_497 : memref<1x1x128xi32, #tpu.memory_space<vmem>> -> memref<128xi32, #tpu.memory_space<vmem>>
      %dma_wait3A_499 = arith.constant 0 : i32
      %dma_wait3A_500 = arith.constant 0 : i32
      %dma_wait3A_501 = tpu.memref_slice %arg33[%dma_wait3A_499, %dma_wait3A_500] : memref<10240x16xf32, #tpu.memory_space<vmem_shared>> -> memref<10240x16xf32, #tpu.memory_space<vmem_shared>>
      tpu.wait_indirect_dma semaphore(%arg29 : memref<!tpu.dma_semaphore, #tpu.memory_space<semaphore_mem>>) src(%arg13 : memref<128x16xf32, #tpu.memory_space<vmem>>) dst(%dma_wait3A_501 : memref<10240x16xf32, #tpu.memory_space<vmem_shared>>)
      %add3A_502 = arith.constant 73 : i32
      %add3A_503 = arith.addi %sub3A, %add3A_502 : i32
      %add3A_504 = arith.constant 4 : i32
      %add3A_505 = arith.addi %add3A_503, %add3A_504 : i32
      %dma_start3A_506 = arith.constant 0 : i32
      %dma_start3A_507 = arith.constant 0 : i32
      %dma_start3A_508 = tpu.memref_slice %arg6[%add3A_505, %dma_start3A_506, %dma_start3A_507] : memref<79x1x128xi32, #tpu.memory_space<vmem>> -> memref<1x1x128xi32, #tpu.memory_space<vmem>>
      %dma_start3A_509 = tpu.memref_squeeze %dma_start3A_508 : memref<1x1x128xi32, #tpu.memory_space<vmem>> -> memref<128xi32, #tpu.memory_space<vmem>>
      %dma_start3A_510 = arith.constant 0 : i32
      %dma_start3A_511 = arith.constant 0 : i32
      %dma_start3A_512 = tpu.memref_slice %arg2[%dma_start3A_510, %dma_start3A_511] : memref<10240x16xf32, #tpu.memory_space<hbm>> -> memref<10240x16xf32, #tpu.memory_space<hbm>>
      tpu.enqueue_indirect_dma source(%dma_start3A_512 : memref<10240x16xf32, #tpu.memory_space<hbm>>) target(%arg13 : memref<128x16xf32, #tpu.memory_space<vmem>>) offsets(%dma_start3A_509 : memref<128xi32, #tpu.memory_space<vmem>>) semaphore(%arg21 : memref<!tpu.dma_semaphore, #tpu.memory_space<semaphore_mem>>)
    } else {
    }
    %gt3A_365 = arith.constant 74 : i32
    %gt3A_366 = arith.cmpi sgt, %select_n3A, %gt3A_365 : i32
    %convert_element_type3A_367 = arith.extui %gt3A_366 : i1 to i32
    %cond3A_368 = arith.constant 0 : i32
    %cond3A_369 = arith.cmpi ne, %convert_element_type3A_367, %cond3A_368 : i32
    scf.if %cond3A_369 {
      %add3A_494 = arith.constant 74 : i32
      %add3A_495 = arith.addi %sub3A, %add3A_494 : i32
      %dma_wait3A_496 = arith.constant 0 : i32
      %dma_wait3A_497 = arith.constant 0 : i32
      %dma_wait3A_498 = tpu.memref_slice %arg6[%add3A_495, %dma_wait3A_496, %dma_wait3A_497] : memref<79x1x128xi32, #tpu.memory_space<vmem>> -> memref<1x1x128xi32, #tpu.memory_space<vmem>>
      %dma_wait3A_499 = tpu.memref_squeeze %dma_wait3A_498 : memref<1x1x128xi32, #tpu.memory_space<vmem>> -> memref<128xi32, #tpu.memory_space<vmem>>
      %dma_wait3A_500 = arith.constant 0 : i32
      %dma_wait3A_501 = arith.constant 0 : i32
      %dma_wait3A_502 = tpu.memref_slice %arg2[%dma_wait3A_500, %dma_wait3A_501] : memref<10240x16xf32, #tpu.memory_space<hbm>> -> memref<10240x16xf32, #tpu.memory_space<hbm>>
      tpu.wait_indirect_dma semaphore(%arg18 : memref<!tpu.dma_semaphore, #tpu.memory_space<semaphore_mem>>) src(%dma_wait3A_502 : memref<10240x16xf32, #tpu.memory_space<hbm>>) dst(%arg10 : memref<128x16xf32, #tpu.memory_space<vmem>>)
      %add3A_503 = arith.constant 74 : i32
      %add3A_504 = arith.addi %sub3A, %add3A_503 : i32
      %dma_start3A_505 = arith.constant 0 : i32
      %dma_start3A_506 = arith.constant 0 : i32
      %dma_start3A_507 = tpu.memref_slice %arg7[%add3A_504, %dma_start3A_505, %dma_start3A_506] : memref<79x1x128xi32, #tpu.memory_space<vmem>> -> memref<1x1x128xi32, #tpu.memory_space<vmem>>
      %dma_start3A_508 = tpu.memref_squeeze %dma_start3A_507 : memref<1x1x128xi32, #tpu.memory_space<vmem>> -> memref<128xi32, #tpu.memory_space<vmem>>
      %dma_start3A_509 = arith.constant 0 : i32
      %dma_start3A_510 = arith.constant 0 : i32
      %dma_start3A_511 = tpu.memref_slice %arg33[%dma_start3A_509, %dma_start3A_510] : memref<10240x16xf32, #tpu.memory_space<vmem_shared>> -> memref<10240x16xf32, #tpu.memory_space<vmem_shared>>
      tpu.enqueue_indirect_dma source(%arg10 : memref<128x16xf32, #tpu.memory_space<vmem>>) target(%dma_start3A_511 : memref<10240x16xf32, #tpu.memory_space<vmem_shared>>) offsets(%dma_start3A_508 : memref<128xi32, #tpu.memory_space<vmem>>) semaphore(%arg26 : memref<!tpu.dma_semaphore, #tpu.memory_space<semaphore_mem>>) {add = true}
    } else {
    }
    %gt3A_370 = arith.constant 78 : i32
    %gt3A_371 = arith.cmpi sgt, %select_n3A, %gt3A_370 : i32
    %convert_element_type3A_372 = arith.extui %gt3A_371 : i1 to i32
    %cond3A_373 = arith.constant 0 : i32
    %cond3A_374 = arith.cmpi ne, %convert_element_type3A_372, %cond3A_373 : i32
    scf.if %cond3A_374 {
      %dma_wait3A_494 = arith.constant 0 : i32
      %dma_wait3A_495 = arith.constant 0 : i32
      %dma_wait3A_496 = arith.constant 0 : i32
      %dma_wait3A_497 = tpu.memref_slice %arg7[%dma_wait3A_494, %dma_wait3A_495, %dma_wait3A_496] : memref<79x1x128xi32, #tpu.memory_space<vmem>> -> memref<1x1x128xi32, #tpu.memory_space<vmem>>
      %dma_wait3A_498 = tpu.memref_squeeze %dma_wait3A_497 : memref<1x1x128xi32, #tpu.memory_space<vmem>> -> memref<128xi32, #tpu.memory_space<vmem>>
      %dma_wait3A_499 = arith.constant 0 : i32
      %dma_wait3A_500 = arith.constant 0 : i32
      %dma_wait3A_501 = tpu.memref_slice %arg33[%dma_wait3A_499, %dma_wait3A_500] : memref<10240x16xf32, #tpu.memory_space<vmem_shared>> -> memref<10240x16xf32, #tpu.memory_space<vmem_shared>>
      tpu.wait_indirect_dma semaphore(%arg30 : memref<!tpu.dma_semaphore, #tpu.memory_space<semaphore_mem>>) src(%arg14 : memref<128x16xf32, #tpu.memory_space<vmem>>) dst(%dma_wait3A_501 : memref<10240x16xf32, #tpu.memory_space<vmem_shared>>)
      %add3A_502 = arith.constant 74 : i32
      %add3A_503 = arith.addi %sub3A, %add3A_502 : i32
      %add3A_504 = arith.constant 4 : i32
      %add3A_505 = arith.addi %add3A_503, %add3A_504 : i32
      %dma_start3A_506 = arith.constant 0 : i32
      %dma_start3A_507 = arith.constant 0 : i32
      %dma_start3A_508 = tpu.memref_slice %arg6[%add3A_505, %dma_start3A_506, %dma_start3A_507] : memref<79x1x128xi32, #tpu.memory_space<vmem>> -> memref<1x1x128xi32, #tpu.memory_space<vmem>>
      %dma_start3A_509 = tpu.memref_squeeze %dma_start3A_508 : memref<1x1x128xi32, #tpu.memory_space<vmem>> -> memref<128xi32, #tpu.memory_space<vmem>>
      %dma_start3A_510 = arith.constant 0 : i32
      %dma_start3A_511 = arith.constant 0 : i32
      %dma_start3A_512 = tpu.memref_slice %arg2[%dma_start3A_510, %dma_start3A_511] : memref<10240x16xf32, #tpu.memory_space<hbm>> -> memref<10240x16xf32, #tpu.memory_space<hbm>>
      tpu.enqueue_indirect_dma source(%dma_start3A_512 : memref<10240x16xf32, #tpu.memory_space<hbm>>) target(%arg14 : memref<128x16xf32, #tpu.memory_space<vmem>>) offsets(%dma_start3A_509 : memref<128xi32, #tpu.memory_space<vmem>>) semaphore(%arg22 : memref<!tpu.dma_semaphore, #tpu.memory_space<semaphore_mem>>)
    } else {
    }
    %gt3A_375 = arith.constant 75 : i32
    %gt3A_376 = arith.cmpi sgt, %select_n3A, %gt3A_375 : i32
    %convert_element_type3A_377 = arith.extui %gt3A_376 : i1 to i32
    %cond3A_378 = arith.constant 0 : i32
    %cond3A_379 = arith.cmpi ne, %convert_element_type3A_377, %cond3A_378 : i32
    scf.if %cond3A_379 {
      %add3A_494 = arith.constant 75 : i32
      %add3A_495 = arith.addi %sub3A, %add3A_494 : i32
      %dma_wait3A_496 = arith.constant 0 : i32
      %dma_wait3A_497 = arith.constant 0 : i32
      %dma_wait3A_498 = tpu.memref_slice %arg6[%add3A_495, %dma_wait3A_496, %dma_wait3A_497] : memref<79x1x128xi32, #tpu.memory_space<vmem>> -> memref<1x1x128xi32, #tpu.memory_space<vmem>>
      %dma_wait3A_499 = tpu.memref_squeeze %dma_wait3A_498 : memref<1x1x128xi32, #tpu.memory_space<vmem>> -> memref<128xi32, #tpu.memory_space<vmem>>
      %dma_wait3A_500 = arith.constant 0 : i32
      %dma_wait3A_501 = arith.constant 0 : i32
      %dma_wait3A_502 = tpu.memref_slice %arg2[%dma_wait3A_500, %dma_wait3A_501] : memref<10240x16xf32, #tpu.memory_space<hbm>> -> memref<10240x16xf32, #tpu.memory_space<hbm>>
      tpu.wait_indirect_dma semaphore(%arg19 : memref<!tpu.dma_semaphore, #tpu.memory_space<semaphore_mem>>) src(%dma_wait3A_502 : memref<10240x16xf32, #tpu.memory_space<hbm>>) dst(%arg11 : memref<128x16xf32, #tpu.memory_space<vmem>>)
      %add3A_503 = arith.constant 75 : i32
      %add3A_504 = arith.addi %sub3A, %add3A_503 : i32
      %dma_start3A_505 = arith.constant 0 : i32
      %dma_start3A_506 = arith.constant 0 : i32
      %dma_start3A_507 = tpu.memref_slice %arg7[%add3A_504, %dma_start3A_505, %dma_start3A_506] : memref<79x1x128xi32, #tpu.memory_space<vmem>> -> memref<1x1x128xi32, #tpu.memory_space<vmem>>
      %dma_start3A_508 = tpu.memref_squeeze %dma_start3A_507 : memref<1x1x128xi32, #tpu.memory_space<vmem>> -> memref<128xi32, #tpu.memory_space<vmem>>
      %dma_start3A_509 = arith.constant 0 : i32
      %dma_start3A_510 = arith.constant 0 : i32
      %dma_start3A_511 = tpu.memref_slice %arg33[%dma_start3A_509, %dma_start3A_510] : memref<10240x16xf32, #tpu.memory_space<vmem_shared>> -> memref<10240x16xf32, #tpu.memory_space<vmem_shared>>
      tpu.enqueue_indirect_dma source(%arg11 : memref<128x16xf32, #tpu.memory_space<vmem>>) target(%dma_start3A_511 : memref<10240x16xf32, #tpu.memory_space<vmem_shared>>) offsets(%dma_start3A_508 : memref<128xi32, #tpu.memory_space<vmem>>) semaphore(%arg27 : memref<!tpu.dma_semaphore, #tpu.memory_space<semaphore_mem>>) {add = true}
    } else {
    }
    %gt3A_380 = arith.constant 79 : i32
    %gt3A_381 = arith.cmpi sgt, %select_n3A, %gt3A_380 : i32
    %convert_element_type3A_382 = arith.extui %gt3A_381 : i1 to i32
    %cond3A_383 = arith.constant 0 : i32
    %cond3A_384 = arith.cmpi ne, %convert_element_type3A_382, %cond3A_383 : i32
    scf.if %cond3A_384 {
      %dma_wait3A_494 = arith.constant 0 : i32
      %dma_wait3A_495 = arith.constant 0 : i32
      %dma_wait3A_496 = arith.constant 0 : i32
      %dma_wait3A_497 = tpu.memref_slice %arg7[%dma_wait3A_494, %dma_wait3A_495, %dma_wait3A_496] : memref<79x1x128xi32, #tpu.memory_space<vmem>> -> memref<1x1x128xi32, #tpu.memory_space<vmem>>
      %dma_wait3A_498 = tpu.memref_squeeze %dma_wait3A_497 : memref<1x1x128xi32, #tpu.memory_space<vmem>> -> memref<128xi32, #tpu.memory_space<vmem>>
      %dma_wait3A_499 = arith.constant 0 : i32
      %dma_wait3A_500 = arith.constant 0 : i32
      %dma_wait3A_501 = tpu.memref_slice %arg33[%dma_wait3A_499, %dma_wait3A_500] : memref<10240x16xf32, #tpu.memory_space<vmem_shared>> -> memref<10240x16xf32, #tpu.memory_space<vmem_shared>>
      tpu.wait_indirect_dma semaphore(%arg31 : memref<!tpu.dma_semaphore, #tpu.memory_space<semaphore_mem>>) src(%arg15 : memref<128x16xf32, #tpu.memory_space<vmem>>) dst(%dma_wait3A_501 : memref<10240x16xf32, #tpu.memory_space<vmem_shared>>)
      %add3A_502 = arith.constant 75 : i32
      %add3A_503 = arith.addi %sub3A, %add3A_502 : i32
      %add3A_504 = arith.constant 4 : i32
      %add3A_505 = arith.addi %add3A_503, %add3A_504 : i32
      %dma_start3A_506 = arith.constant 0 : i32
      %dma_start3A_507 = arith.constant 0 : i32
      %dma_start3A_508 = tpu.memref_slice %arg6[%add3A_505, %dma_start3A_506, %dma_start3A_507] : memref<79x1x128xi32, #tpu.memory_space<vmem>> -> memref<1x1x128xi32, #tpu.memory_space<vmem>>
      %dma_start3A_509 = tpu.memref_squeeze %dma_start3A_508 : memref<1x1x128xi32, #tpu.memory_space<vmem>> -> memref<128xi32, #tpu.memory_space<vmem>>
      %dma_start3A_510 = arith.constant 0 : i32
      %dma_start3A_511 = arith.constant 0 : i32
      %dma_start3A_512 = tpu.memref_slice %arg2[%dma_start3A_510, %dma_start3A_511] : memref<10240x16xf32, #tpu.memory_space<hbm>> -> memref<10240x16xf32, #tpu.memory_space<hbm>>
      tpu.enqueue_indirect_dma source(%dma_start3A_512 : memref<10240x16xf32, #tpu.memory_space<hbm>>) target(%arg15 : memref<128x16xf32, #tpu.memory_space<vmem>>) offsets(%dma_start3A_509 : memref<128xi32, #tpu.memory_space<vmem>>) semaphore(%arg23 : memref<!tpu.dma_semaphore, #tpu.memory_space<semaphore_mem>>)
    } else {
    }
    %gt3A_385 = arith.constant 76 : i32
    %gt3A_386 = arith.cmpi sgt, %select_n3A, %gt3A_385 : i32
    %convert_element_type3A_387 = arith.extui %gt3A_386 : i1 to i32
    %cond3A_388 = arith.constant 0 : i32
    %cond3A_389 = arith.cmpi ne, %convert_element_type3A_387, %cond3A_388 : i32
    scf.if %cond3A_389 {
      %add3A_494 = arith.constant 76 : i32
      %add3A_495 = arith.addi %sub3A, %add3A_494 : i32
      %dma_wait3A_496 = arith.constant 0 : i32
      %dma_wait3A_497 = arith.constant 0 : i32
      %dma_wait3A_498 = tpu.memref_slice %arg6[%add3A_495, %dma_wait3A_496, %dma_wait3A_497] : memref<79x1x128xi32, #tpu.memory_space<vmem>> -> memref<1x1x128xi32, #tpu.memory_space<vmem>>
      %dma_wait3A_499 = tpu.memref_squeeze %dma_wait3A_498 : memref<1x1x128xi32, #tpu.memory_space<vmem>> -> memref<128xi32, #tpu.memory_space<vmem>>
      %dma_wait3A_500 = arith.constant 0 : i32
      %dma_wait3A_501 = arith.constant 0 : i32
      %dma_wait3A_502 = tpu.memref_slice %arg2[%dma_wait3A_500, %dma_wait3A_501] : memref<10240x16xf32, #tpu.memory_space<hbm>> -> memref<10240x16xf32, #tpu.memory_space<hbm>>
      tpu.wait_indirect_dma semaphore(%arg20 : memref<!tpu.dma_semaphore, #tpu.memory_space<semaphore_mem>>) src(%dma_wait3A_502 : memref<10240x16xf32, #tpu.memory_space<hbm>>) dst(%arg12 : memref<128x16xf32, #tpu.memory_space<vmem>>)
      %add3A_503 = arith.constant 76 : i32
      %add3A_504 = arith.addi %sub3A, %add3A_503 : i32
      %dma_start3A_505 = arith.constant 0 : i32
      %dma_start3A_506 = arith.constant 0 : i32
      %dma_start3A_507 = tpu.memref_slice %arg7[%add3A_504, %dma_start3A_505, %dma_start3A_506] : memref<79x1x128xi32, #tpu.memory_space<vmem>> -> memref<1x1x128xi32, #tpu.memory_space<vmem>>
      %dma_start3A_508 = tpu.memref_squeeze %dma_start3A_507 : memref<1x1x128xi32, #tpu.memory_space<vmem>> -> memref<128xi32, #tpu.memory_space<vmem>>
      %dma_start3A_509 = arith.constant 0 : i32
      %dma_start3A_510 = arith.constant 0 : i32
      %dma_start3A_511 = tpu.memref_slice %arg33[%dma_start3A_509, %dma_start3A_510] : memref<10240x16xf32, #tpu.memory_space<vmem_shared>> -> memref<10240x16xf32, #tpu.memory_space<vmem_shared>>
      tpu.enqueue_indirect_dma source(%arg12 : memref<128x16xf32, #tpu.memory_space<vmem>>) target(%dma_start3A_511 : memref<10240x16xf32, #tpu.memory_space<vmem_shared>>) offsets(%dma_start3A_508 : memref<128xi32, #tpu.memory_space<vmem>>) semaphore(%arg28 : memref<!tpu.dma_semaphore, #tpu.memory_space<semaphore_mem>>) {add = true}
    } else {
    }
    %gt3A_390 = arith.constant 80 : i32
    %gt3A_391 = arith.cmpi sgt, %select_n3A, %gt3A_390 : i32
    %convert_element_type3A_392 = arith.extui %gt3A_391 : i1 to i32
    %cond3A_393 = arith.constant 0 : i32
    %cond3A_394 = arith.cmpi ne, %convert_element_type3A_392, %cond3A_393 : i32
    scf.if %cond3A_394 {
      %dma_wait3A_494 = arith.constant 0 : i32
      %dma_wait3A_495 = arith.constant 0 : i32
      %dma_wait3A_496 = arith.constant 0 : i32
      %dma_wait3A_497 = tpu.memref_slice %arg7[%dma_wait3A_494, %dma_wait3A_495, %dma_wait3A_496] : memref<79x1x128xi32, #tpu.memory_space<vmem>> -> memref<1x1x128xi32, #tpu.memory_space<vmem>>
      %dma_wait3A_498 = tpu.memref_squeeze %dma_wait3A_497 : memref<1x1x128xi32, #tpu.memory_space<vmem>> -> memref<128xi32, #tpu.memory_space<vmem>>
      %dma_wait3A_499 = arith.constant 0 : i32
      %dma_wait3A_500 = arith.constant 0 : i32
      %dma_wait3A_501 = tpu.memref_slice %arg33[%dma_wait3A_499, %dma_wait3A_500] : memref<10240x16xf32, #tpu.memory_space<vmem_shared>> -> memref<10240x16xf32, #tpu.memory_space<vmem_shared>>
      tpu.wait_indirect_dma semaphore(%arg24 : memref<!tpu.dma_semaphore, #tpu.memory_space<semaphore_mem>>) src(%arg8 : memref<128x16xf32, #tpu.memory_space<vmem>>) dst(%dma_wait3A_501 : memref<10240x16xf32, #tpu.memory_space<vmem_shared>>)
      %add3A_502 = arith.constant 76 : i32
      %add3A_503 = arith.addi %sub3A, %add3A_502 : i32
      %add3A_504 = arith.constant 4 : i32
      %add3A_505 = arith.addi %add3A_503, %add3A_504 : i32
      %dma_start3A_506 = arith.constant 0 : i32
      %dma_start3A_507 = arith.constant 0 : i32
      %dma_start3A_508 = tpu.memref_slice %arg6[%add3A_505, %dma_start3A_506, %dma_start3A_507] : memref<79x1x128xi32, #tpu.memory_space<vmem>> -> memref<1x1x128xi32, #tpu.memory_space<vmem>>
      %dma_start3A_509 = tpu.memref_squeeze %dma_start3A_508 : memref<1x1x128xi32, #tpu.memory_space<vmem>> -> memref<128xi32, #tpu.memory_space<vmem>>
      %dma_start3A_510 = arith.constant 0 : i32
      %dma_start3A_511 = arith.constant 0 : i32
      %dma_start3A_512 = tpu.memref_slice %arg2[%dma_start3A_510, %dma_start3A_511] : memref<10240x16xf32, #tpu.memory_space<hbm>> -> memref<10240x16xf32, #tpu.memory_space<hbm>>
      tpu.enqueue_indirect_dma source(%dma_start3A_512 : memref<10240x16xf32, #tpu.memory_space<hbm>>) target(%arg8 : memref<128x16xf32, #tpu.memory_space<vmem>>) offsets(%dma_start3A_509 : memref<128xi32, #tpu.memory_space<vmem>>) semaphore(%arg16 : memref<!tpu.dma_semaphore, #tpu.memory_space<semaphore_mem>>)
    } else {
    }
    %gt3A_395 = arith.constant 77 : i32
    %gt3A_396 = arith.cmpi sgt, %select_n3A, %gt3A_395 : i32
    %convert_element_type3A_397 = arith.extui %gt3A_396 : i1 to i32
    %cond3A_398 = arith.constant 0 : i32
    %cond3A_399 = arith.cmpi ne, %convert_element_type3A_397, %cond3A_398 : i32
    scf.if %cond3A_399 {
      %add3A_494 = arith.constant 77 : i32
      %add3A_495 = arith.addi %sub3A, %add3A_494 : i32
      %dma_wait3A_496 = arith.constant 0 : i32
      %dma_wait3A_497 = arith.constant 0 : i32
      %dma_wait3A_498 = tpu.memref_slice %arg6[%add3A_495, %dma_wait3A_496, %dma_wait3A_497] : memref<79x1x128xi32, #tpu.memory_space<vmem>> -> memref<1x1x128xi32, #tpu.memory_space<vmem>>
      %dma_wait3A_499 = tpu.memref_squeeze %dma_wait3A_498 : memref<1x1x128xi32, #tpu.memory_space<vmem>> -> memref<128xi32, #tpu.memory_space<vmem>>
      %dma_wait3A_500 = arith.constant 0 : i32
      %dma_wait3A_501 = arith.constant 0 : i32
      %dma_wait3A_502 = tpu.memref_slice %arg2[%dma_wait3A_500, %dma_wait3A_501] : memref<10240x16xf32, #tpu.memory_space<hbm>> -> memref<10240x16xf32, #tpu.memory_space<hbm>>
      tpu.wait_indirect_dma semaphore(%arg21 : memref<!tpu.dma_semaphore, #tpu.memory_space<semaphore_mem>>) src(%dma_wait3A_502 : memref<10240x16xf32, #tpu.memory_space<hbm>>) dst(%arg13 : memref<128x16xf32, #tpu.memory_space<vmem>>)
      %add3A_503 = arith.constant 77 : i32
      %add3A_504 = arith.addi %sub3A, %add3A_503 : i32
      %dma_start3A_505 = arith.constant 0 : i32
      %dma_start3A_506 = arith.constant 0 : i32
      %dma_start3A_507 = tpu.memref_slice %arg7[%add3A_504, %dma_start3A_505, %dma_start3A_506] : memref<79x1x128xi32, #tpu.memory_space<vmem>> -> memref<1x1x128xi32, #tpu.memory_space<vmem>>
      %dma_start3A_508 = tpu.memref_squeeze %dma_start3A_507 : memref<1x1x128xi32, #tpu.memory_space<vmem>> -> memref<128xi32, #tpu.memory_space<vmem>>
      %dma_start3A_509 = arith.constant 0 : i32
      %dma_start3A_510 = arith.constant 0 : i32
      %dma_start3A_511 = tpu.memref_slice %arg33[%dma_start3A_509, %dma_start3A_510] : memref<10240x16xf32, #tpu.memory_space<vmem_shared>> -> memref<10240x16xf32, #tpu.memory_space<vmem_shared>>
      tpu.enqueue_indirect_dma source(%arg13 : memref<128x16xf32, #tpu.memory_space<vmem>>) target(%dma_start3A_511 : memref<10240x16xf32, #tpu.memory_space<vmem_shared>>) offsets(%dma_start3A_508 : memref<128xi32, #tpu.memory_space<vmem>>) semaphore(%arg29 : memref<!tpu.dma_semaphore, #tpu.memory_space<semaphore_mem>>) {add = true}
    } else {
    }
    %gt3A_400 = arith.constant 81 : i32
    %gt3A_401 = arith.cmpi sgt, %select_n3A, %gt3A_400 : i32
    %convert_element_type3A_402 = arith.extui %gt3A_401 : i1 to i32
    %cond3A_403 = arith.constant 0 : i32
    %cond3A_404 = arith.cmpi ne, %convert_element_type3A_402, %cond3A_403 : i32
    scf.if %cond3A_404 {
      %dma_wait3A_494 = arith.constant 0 : i32
      %dma_wait3A_495 = arith.constant 0 : i32
      %dma_wait3A_496 = arith.constant 0 : i32
      %dma_wait3A_497 = tpu.memref_slice %arg7[%dma_wait3A_494, %dma_wait3A_495, %dma_wait3A_496] : memref<79x1x128xi32, #tpu.memory_space<vmem>> -> memref<1x1x128xi32, #tpu.memory_space<vmem>>
      %dma_wait3A_498 = tpu.memref_squeeze %dma_wait3A_497 : memref<1x1x128xi32, #tpu.memory_space<vmem>> -> memref<128xi32, #tpu.memory_space<vmem>>
      %dma_wait3A_499 = arith.constant 0 : i32
      %dma_wait3A_500 = arith.constant 0 : i32
      %dma_wait3A_501 = tpu.memref_slice %arg33[%dma_wait3A_499, %dma_wait3A_500] : memref<10240x16xf32, #tpu.memory_space<vmem_shared>> -> memref<10240x16xf32, #tpu.memory_space<vmem_shared>>
      tpu.wait_indirect_dma semaphore(%arg25 : memref<!tpu.dma_semaphore, #tpu.memory_space<semaphore_mem>>) src(%arg9 : memref<128x16xf32, #tpu.memory_space<vmem>>) dst(%dma_wait3A_501 : memref<10240x16xf32, #tpu.memory_space<vmem_shared>>)
      %add3A_502 = arith.constant 77 : i32
      %add3A_503 = arith.addi %sub3A, %add3A_502 : i32
      %add3A_504 = arith.constant 4 : i32
      %add3A_505 = arith.addi %add3A_503, %add3A_504 : i32
      %dma_start3A_506 = arith.constant 0 : i32
      %dma_start3A_507 = arith.constant 0 : i32
      %dma_start3A_508 = tpu.memref_slice %arg6[%add3A_505, %dma_start3A_506, %dma_start3A_507] : memref<79x1x128xi32, #tpu.memory_space<vmem>> -> memref<1x1x128xi32, #tpu.memory_space<vmem>>
      %dma_start3A_509 = tpu.memref_squeeze %dma_start3A_508 : memref<1x1x128xi32, #tpu.memory_space<vmem>> -> memref<128xi32, #tpu.memory_space<vmem>>
      %dma_start3A_510 = arith.constant 0 : i32
      %dma_start3A_511 = arith.constant 0 : i32
      %dma_start3A_512 = tpu.memref_slice %arg2[%dma_start3A_510, %dma_start3A_511] : memref<10240x16xf32, #tpu.memory_space<hbm>> -> memref<10240x16xf32, #tpu.memory_space<hbm>>
      tpu.enqueue_indirect_dma source(%dma_start3A_512 : memref<10240x16xf32, #tpu.memory_space<hbm>>) target(%arg9 : memref<128x16xf32, #tpu.memory_space<vmem>>) offsets(%dma_start3A_509 : memref<128xi32, #tpu.memory_space<vmem>>) semaphore(%arg17 : memref<!tpu.dma_semaphore, #tpu.memory_space<semaphore_mem>>)
    } else {
    }
    %gt3A_405 = arith.constant 78 : i32
    %gt3A_406 = arith.cmpi sgt, %select_n3A, %gt3A_405 : i32
    %convert_element_type3A_407 = arith.extui %gt3A_406 : i1 to i32
    %cond3A_408 = arith.constant 0 : i32
    %cond3A_409 = arith.cmpi ne, %convert_element_type3A_407, %cond3A_408 : i32
    scf.if %cond3A_409 {
      %add3A_494 = arith.constant 78 : i32
      %add3A_495 = arith.addi %sub3A, %add3A_494 : i32
      %dma_wait3A_496 = arith.constant 0 : i32
      %dma_wait3A_497 = arith.constant 0 : i32
      %dma_wait3A_498 = tpu.memref_slice %arg6[%add3A_495, %dma_wait3A_496, %dma_wait3A_497] : memref<79x1x128xi32, #tpu.memory_space<vmem>> -> memref<1x1x128xi32, #tpu.memory_space<vmem>>
      %dma_wait3A_499 = tpu.memref_squeeze %dma_wait3A_498 : memref<1x1x128xi32, #tpu.memory_space<vmem>> -> memref<128xi32, #tpu.memory_space<vmem>>
      %dma_wait3A_500 = arith.constant 0 : i32
      %dma_wait3A_501 = arith.constant 0 : i32
      %dma_wait3A_502 = tpu.memref_slice %arg2[%dma_wait3A_500, %dma_wait3A_501] : memref<10240x16xf32, #tpu.memory_space<hbm>> -> memref<10240x16xf32, #tpu.memory_space<hbm>>
      tpu.wait_indirect_dma semaphore(%arg22 : memref<!tpu.dma_semaphore, #tpu.memory_space<semaphore_mem>>) src(%dma_wait3A_502 : memref<10240x16xf32, #tpu.memory_space<hbm>>) dst(%arg14 : memref<128x16xf32, #tpu.memory_space<vmem>>)
      %add3A_503 = arith.constant 78 : i32
      %add3A_504 = arith.addi %sub3A, %add3A_503 : i32
      %dma_start3A_505 = arith.constant 0 : i32
      %dma_start3A_506 = arith.constant 0 : i32
      %dma_start3A_507 = tpu.memref_slice %arg7[%add3A_504, %dma_start3A_505, %dma_start3A_506] : memref<79x1x128xi32, #tpu.memory_space<vmem>> -> memref<1x1x128xi32, #tpu.memory_space<vmem>>
      %dma_start3A_508 = tpu.memref_squeeze %dma_start3A_507 : memref<1x1x128xi32, #tpu.memory_space<vmem>> -> memref<128xi32, #tpu.memory_space<vmem>>
      %dma_start3A_509 = arith.constant 0 : i32
      %dma_start3A_510 = arith.constant 0 : i32
      %dma_start3A_511 = tpu.memref_slice %arg33[%dma_start3A_509, %dma_start3A_510] : memref<10240x16xf32, #tpu.memory_space<vmem_shared>> -> memref<10240x16xf32, #tpu.memory_space<vmem_shared>>
      tpu.enqueue_indirect_dma source(%arg14 : memref<128x16xf32, #tpu.memory_space<vmem>>) target(%dma_start3A_511 : memref<10240x16xf32, #tpu.memory_space<vmem_shared>>) offsets(%dma_start3A_508 : memref<128xi32, #tpu.memory_space<vmem>>) semaphore(%arg30 : memref<!tpu.dma_semaphore, #tpu.memory_space<semaphore_mem>>) {add = true}
    } else {
    }
    %gt3A_410 = arith.constant 82 : i32
    %gt3A_411 = arith.cmpi sgt, %select_n3A, %gt3A_410 : i32
    %convert_element_type3A_412 = arith.extui %gt3A_411 : i1 to i32
    %cond3A_413 = arith.constant 0 : i32
    %cond3A_414 = arith.cmpi ne, %convert_element_type3A_412, %cond3A_413 : i32
    scf.if %cond3A_414 {
      %dma_wait3A_494 = arith.constant 0 : i32
      %dma_wait3A_495 = arith.constant 0 : i32
      %dma_wait3A_496 = arith.constant 0 : i32
      %dma_wait3A_497 = tpu.memref_slice %arg7[%dma_wait3A_494, %dma_wait3A_495, %dma_wait3A_496] : memref<79x1x128xi32, #tpu.memory_space<vmem>> -> memref<1x1x128xi32, #tpu.memory_space<vmem>>
      %dma_wait3A_498 = tpu.memref_squeeze %dma_wait3A_497 : memref<1x1x128xi32, #tpu.memory_space<vmem>> -> memref<128xi32, #tpu.memory_space<vmem>>
      %dma_wait3A_499 = arith.constant 0 : i32
      %dma_wait3A_500 = arith.constant 0 : i32
      %dma_wait3A_501 = tpu.memref_slice %arg33[%dma_wait3A_499, %dma_wait3A_500] : memref<10240x16xf32, #tpu.memory_space<vmem_shared>> -> memref<10240x16xf32, #tpu.memory_space<vmem_shared>>
      tpu.wait_indirect_dma semaphore(%arg26 : memref<!tpu.dma_semaphore, #tpu.memory_space<semaphore_mem>>) src(%arg10 : memref<128x16xf32, #tpu.memory_space<vmem>>) dst(%dma_wait3A_501 : memref<10240x16xf32, #tpu.memory_space<vmem_shared>>)
      %add3A_502 = arith.constant 78 : i32
      %add3A_503 = arith.addi %sub3A, %add3A_502 : i32
      %add3A_504 = arith.constant 4 : i32
      %add3A_505 = arith.addi %add3A_503, %add3A_504 : i32
      %dma_start3A_506 = arith.constant 0 : i32
      %dma_start3A_507 = arith.constant 0 : i32
      %dma_start3A_508 = tpu.memref_slice %arg6[%add3A_505, %dma_start3A_506, %dma_start3A_507] : memref<79x1x128xi32, #tpu.memory_space<vmem>> -> memref<1x1x128xi32, #tpu.memory_space<vmem>>
      %dma_start3A_509 = tpu.memref_squeeze %dma_start3A_508 : memref<1x1x128xi32, #tpu.memory_space<vmem>> -> memref<128xi32, #tpu.memory_space<vmem>>
      %dma_start3A_510 = arith.constant 0 : i32
      %dma_start3A_511 = arith.constant 0 : i32
      %dma_start3A_512 = tpu.memref_slice %arg2[%dma_start3A_510, %dma_start3A_511] : memref<10240x16xf32, #tpu.memory_space<hbm>> -> memref<10240x16xf32, #tpu.memory_space<hbm>>
      tpu.enqueue_indirect_dma source(%dma_start3A_512 : memref<10240x16xf32, #tpu.memory_space<hbm>>) target(%arg10 : memref<128x16xf32, #tpu.memory_space<vmem>>) offsets(%dma_start3A_509 : memref<128xi32, #tpu.memory_space<vmem>>) semaphore(%arg18 : memref<!tpu.dma_semaphore, #tpu.memory_space<semaphore_mem>>)
    } else {
    }
    %gt3A_415 = arith.constant 79 : i32
    %gt3A_416 = arith.cmpi sgt, %select_n3A, %gt3A_415 : i32
    %convert_element_type3A_417 = arith.extui %gt3A_416 : i1 to i32
    %cond3A_418 = arith.constant 0 : i32
    %cond3A_419 = arith.cmpi ne, %convert_element_type3A_417, %cond3A_418 : i32
    scf.if %cond3A_419 {
      %add3A_494 = arith.constant 79 : i32
      %add3A_495 = arith.addi %sub3A, %add3A_494 : i32
      %dma_wait3A_496 = arith.constant 0 : i32
      %dma_wait3A_497 = arith.constant 0 : i32
      %dma_wait3A_498 = tpu.memref_slice %arg6[%add3A_495, %dma_wait3A_496, %dma_wait3A_497] : memref<79x1x128xi32, #tpu.memory_space<vmem>> -> memref<1x1x128xi32, #tpu.memory_space<vmem>>
      %dma_wait3A_499 = tpu.memref_squeeze %dma_wait3A_498 : memref<1x1x128xi32, #tpu.memory_space<vmem>> -> memref<128xi32, #tpu.memory_space<vmem>>
      %dma_wait3A_500 = arith.constant 0 : i32
      %dma_wait3A_501 = arith.constant 0 : i32
      %dma_wait3A_502 = tpu.memref_slice %arg2[%dma_wait3A_500, %dma_wait3A_501] : memref<10240x16xf32, #tpu.memory_space<hbm>> -> memref<10240x16xf32, #tpu.memory_space<hbm>>
      tpu.wait_indirect_dma semaphore(%arg23 : memref<!tpu.dma_semaphore, #tpu.memory_space<semaphore_mem>>) src(%dma_wait3A_502 : memref<10240x16xf32, #tpu.memory_space<hbm>>) dst(%arg15 : memref<128x16xf32, #tpu.memory_space<vmem>>)
      %add3A_503 = arith.constant 79 : i32
      %add3A_504 = arith.addi %sub3A, %add3A_503 : i32
      %dma_start3A_505 = arith.constant 0 : i32
      %dma_start3A_506 = arith.constant 0 : i32
      %dma_start3A_507 = tpu.memref_slice %arg7[%add3A_504, %dma_start3A_505, %dma_start3A_506] : memref<79x1x128xi32, #tpu.memory_space<vmem>> -> memref<1x1x128xi32, #tpu.memory_space<vmem>>
      %dma_start3A_508 = tpu.memref_squeeze %dma_start3A_507 : memref<1x1x128xi32, #tpu.memory_space<vmem>> -> memref<128xi32, #tpu.memory_space<vmem>>
      %dma_start3A_509 = arith.constant 0 : i32
      %dma_start3A_510 = arith.constant 0 : i32
      %dma_start3A_511 = tpu.memref_slice %arg33[%dma_start3A_509, %dma_start3A_510] : memref<10240x16xf32, #tpu.memory_space<vmem_shared>> -> memref<10240x16xf32, #tpu.memory_space<vmem_shared>>
      tpu.enqueue_indirect_dma source(%arg15 : memref<128x16xf32, #tpu.memory_space<vmem>>) target(%dma_start3A_511 : memref<10240x16xf32, #tpu.memory_space<vmem_shared>>) offsets(%dma_start3A_508 : memref<128xi32, #tpu.memory_space<vmem>>) semaphore(%arg31 : memref<!tpu.dma_semaphore, #tpu.memory_space<semaphore_mem>>) {add = true}
    } else {
    }
    %gt3A_420 = arith.constant 83 : i32
    %gt3A_421 = arith.cmpi sgt, %select_n3A, %gt3A_420 : i32
    %convert_element_type3A_422 = arith.extui %gt3A_421 : i1 to i32
    %cond3A_423 = arith.constant 0 : i32
    %cond3A_424 = arith.cmpi ne, %convert_element_type3A_422, %cond3A_423 : i32
    scf.if %cond3A_424 {
      %dma_wait3A_494 = arith.constant 0 : i32
      %dma_wait3A_495 = arith.constant 0 : i32
      %dma_wait3A_496 = arith.constant 0 : i32
      %dma_wait3A_497 = tpu.memref_slice %arg7[%dma_wait3A_494, %dma_wait3A_495, %dma_wait3A_496] : memref<79x1x128xi32, #tpu.memory_space<vmem>> -> memref<1x1x128xi32, #tpu.memory_space<vmem>>
      %dma_wait3A_498 = tpu.memref_squeeze %dma_wait3A_497 : memref<1x1x128xi32, #tpu.memory_space<vmem>> -> memref<128xi32, #tpu.memory_space<vmem>>
      %dma_wait3A_499 = arith.constant 0 : i32
      %dma_wait3A_500 = arith.constant 0 : i32
      %dma_wait3A_501 = tpu.memref_slice %arg33[%dma_wait3A_499, %dma_wait3A_500] : memref<10240x16xf32, #tpu.memory_space<vmem_shared>> -> memref<10240x16xf32, #tpu.memory_space<vmem_shared>>
      tpu.wait_indirect_dma semaphore(%arg27 : memref<!tpu.dma_semaphore, #tpu.memory_space<semaphore_mem>>) src(%arg11 : memref<128x16xf32, #tpu.memory_space<vmem>>) dst(%dma_wait3A_501 : memref<10240x16xf32, #tpu.memory_space<vmem_shared>>)
      %add3A_502 = arith.constant 79 : i32
      %add3A_503 = arith.addi %sub3A, %add3A_502 : i32
      %add3A_504 = arith.constant 4 : i32
      %add3A_505 = arith.addi %add3A_503, %add3A_504 : i32
      %dma_start3A_506 = arith.constant 0 : i32
      %dma_start3A_507 = arith.constant 0 : i32
      %dma_start3A_508 = tpu.memref_slice %arg6[%add3A_505, %dma_start3A_506, %dma_start3A_507] : memref<79x1x128xi32, #tpu.memory_space<vmem>> -> memref<1x1x128xi32, #tpu.memory_space<vmem>>
      %dma_start3A_509 = tpu.memref_squeeze %dma_start3A_508 : memref<1x1x128xi32, #tpu.memory_space<vmem>> -> memref<128xi32, #tpu.memory_space<vmem>>
      %dma_start3A_510 = arith.constant 0 : i32
      %dma_start3A_511 = arith.constant 0 : i32
      %dma_start3A_512 = tpu.memref_slice %arg2[%dma_start3A_510, %dma_start3A_511] : memref<10240x16xf32, #tpu.memory_space<hbm>> -> memref<10240x16xf32, #tpu.memory_space<hbm>>
      tpu.enqueue_indirect_dma source(%dma_start3A_512 : memref<10240x16xf32, #tpu.memory_space<hbm>>) target(%arg11 : memref<128x16xf32, #tpu.memory_space<vmem>>) offsets(%dma_start3A_509 : memref<128xi32, #tpu.memory_space<vmem>>) semaphore(%arg19 : memref<!tpu.dma_semaphore, #tpu.memory_space<semaphore_mem>>)
    } else {
    }
    %dma_wait3A_425 = arith.constant 0 : i32
    %dma_wait3A_426 = arith.constant 0 : i32
    %dma_wait3A_427 = arith.constant 0 : i32
    %dma_wait3A_428 = tpu.memref_slice %arg7[%dma_wait3A_425, %dma_wait3A_426, %dma_wait3A_427] : memref<79x1x128xi32, #tpu.memory_space<vmem>> -> memref<1x1x128xi32, #tpu.memory_space<vmem>>
    %dma_wait3A_429 = tpu.memref_squeeze %dma_wait3A_428 : memref<1x1x128xi32, #tpu.memory_space<vmem>> -> memref<128xi32, #tpu.memory_space<vmem>>
    %dma_wait3A_430 = arith.constant 0 : i32
    %dma_wait3A_431 = arith.constant 0 : i32
    %dma_wait3A_432 = tpu.memref_slice %arg33[%dma_wait3A_430, %dma_wait3A_431] : memref<10240x16xf32, #tpu.memory_space<vmem_shared>> -> memref<10240x16xf32, #tpu.memory_space<vmem_shared>>
    tpu.wait_indirect_dma semaphore(%arg24 : memref<!tpu.dma_semaphore, #tpu.memory_space<semaphore_mem>>) src(%arg8 : memref<128x16xf32, #tpu.memory_space<vmem>>) dst(%dma_wait3A_432 : memref<10240x16xf32, #tpu.memory_space<vmem_shared>>)
    %dma_wait3A_433 = arith.constant 0 : i32
    %dma_wait3A_434 = arith.constant 0 : i32
    %dma_wait3A_435 = arith.constant 0 : i32
    %dma_wait3A_436 = tpu.memref_slice %arg7[%dma_wait3A_433, %dma_wait3A_434, %dma_wait3A_435] : memref<79x1x128xi32, #tpu.memory_space<vmem>> -> memref<1x1x128xi32, #tpu.memory_space<vmem>>
    %dma_wait3A_437 = tpu.memref_squeeze %dma_wait3A_436 : memref<1x1x128xi32, #tpu.memory_space<vmem>> -> memref<128xi32, #tpu.memory_space<vmem>>
    %dma_wait3A_438 = arith.constant 0 : i32
    %dma_wait3A_439 = arith.constant 0 : i32
    %dma_wait3A_440 = tpu.memref_slice %arg33[%dma_wait3A_438, %dma_wait3A_439] : memref<10240x16xf32, #tpu.memory_space<vmem_shared>> -> memref<10240x16xf32, #tpu.memory_space<vmem_shared>>
    tpu.wait_indirect_dma semaphore(%arg25 : memref<!tpu.dma_semaphore, #tpu.memory_space<semaphore_mem>>) src(%arg9 : memref<128x16xf32, #tpu.memory_space<vmem>>) dst(%dma_wait3A_440 : memref<10240x16xf32, #tpu.memory_space<vmem_shared>>)
    %dma_wait3A_441 = arith.constant 0 : i32
    %dma_wait3A_442 = arith.constant 0 : i32
    %dma_wait3A_443 = arith.constant 0 : i32
    %dma_wait3A_444 = tpu.memref_slice %arg7[%dma_wait3A_441, %dma_wait3A_442, %dma_wait3A_443] : memref<79x1x128xi32, #tpu.memory_space<vmem>> -> memref<1x1x128xi32, #tpu.memory_space<vmem>>
    %dma_wait3A_445 = tpu.memref_squeeze %dma_wait3A_444 : memref<1x1x128xi32, #tpu.memory_space<vmem>> -> memref<128xi32, #tpu.memory_space<vmem>>
    %dma_wait3A_446 = arith.constant 0 : i32
    %dma_wait3A_447 = arith.constant 0 : i32
    %dma_wait3A_448 = tpu.memref_slice %arg33[%dma_wait3A_446, %dma_wait3A_447] : memref<10240x16xf32, #tpu.memory_space<vmem_shared>> -> memref<10240x16xf32, #tpu.memory_space<vmem_shared>>
    tpu.wait_indirect_dma semaphore(%arg26 : memref<!tpu.dma_semaphore, #tpu.memory_space<semaphore_mem>>) src(%arg10 : memref<128x16xf32, #tpu.memory_space<vmem>>) dst(%dma_wait3A_448 : memref<10240x16xf32, #tpu.memory_space<vmem_shared>>)
    %dma_wait3A_449 = arith.constant 0 : i32
    %dma_wait3A_450 = arith.constant 0 : i32
    %dma_wait3A_451 = arith.constant 0 : i32
    %dma_wait3A_452 = tpu.memref_slice %arg7[%dma_wait3A_449, %dma_wait3A_450, %dma_wait3A_451] : memref<79x1x128xi32, #tpu.memory_space<vmem>> -> memref<1x1x128xi32, #tpu.memory_space<vmem>>
    %dma_wait3A_453 = tpu.memref_squeeze %dma_wait3A_452 : memref<1x1x128xi32, #tpu.memory_space<vmem>> -> memref<128xi32, #tpu.memory_space<vmem>>
    %dma_wait3A_454 = arith.constant 0 : i32
    %dma_wait3A_455 = arith.constant 0 : i32
    %dma_wait3A_456 = tpu.memref_slice %arg33[%dma_wait3A_454, %dma_wait3A_455] : memref<10240x16xf32, #tpu.memory_space<vmem_shared>> -> memref<10240x16xf32, #tpu.memory_space<vmem_shared>>
    tpu.wait_indirect_dma semaphore(%arg27 : memref<!tpu.dma_semaphore, #tpu.memory_space<semaphore_mem>>) src(%arg11 : memref<128x16xf32, #tpu.memory_space<vmem>>) dst(%dma_wait3A_456 : memref<10240x16xf32, #tpu.memory_space<vmem_shared>>)
    %dma_wait3A_457 = arith.constant 0 : i32
    %dma_wait3A_458 = arith.constant 0 : i32
    %dma_wait3A_459 = arith.constant 0 : i32
    %dma_wait3A_460 = tpu.memref_slice %arg7[%dma_wait3A_457, %dma_wait3A_458, %dma_wait3A_459] : memref<79x1x128xi32, #tpu.memory_space<vmem>> -> memref<1x1x128xi32, #tpu.memory_space<vmem>>
    %dma_wait3A_461 = tpu.memref_squeeze %dma_wait3A_460 : memref<1x1x128xi32, #tpu.memory_space<vmem>> -> memref<128xi32, #tpu.memory_space<vmem>>
    %dma_wait3A_462 = arith.constant 0 : i32
    %dma_wait3A_463 = arith.constant 0 : i32
    %dma_wait3A_464 = tpu.memref_slice %arg33[%dma_wait3A_462, %dma_wait3A_463] : memref<10240x16xf32, #tpu.memory_space<vmem_shared>> -> memref<10240x16xf32, #tpu.memory_space<vmem_shared>>
    tpu.wait_indirect_dma semaphore(%arg28 : memref<!tpu.dma_semaphore, #tpu.memory_space<semaphore_mem>>) src(%arg12 : memref<128x16xf32, #tpu.memory_space<vmem>>) dst(%dma_wait3A_464 : memref<10240x16xf32, #tpu.memory_space<vmem_shared>>)
    %dma_wait3A_465 = arith.constant 0 : i32
    %dma_wait3A_466 = arith.constant 0 : i32
    %dma_wait3A_467 = arith.constant 0 : i32
    %dma_wait3A_468 = tpu.memref_slice %arg7[%dma_wait3A_465, %dma_wait3A_466, %dma_wait3A_467] : memref<79x1x128xi32, #tpu.memory_space<vmem>> -> memref<1x1x128xi32, #tpu.memory_space<vmem>>
    %dma_wait3A_469 = tpu.memref_squeeze %dma_wait3A_468 : memref<1x1x128xi32, #tpu.memory_space<vmem>> -> memref<128xi32, #tpu.memory_space<vmem>>
    %dma_wait3A_470 = arith.constant 0 : i32
    %dma_wait3A_471 = arith.constant 0 : i32
    %dma_wait3A_472 = tpu.memref_slice %arg33[%dma_wait3A_470, %dma_wait3A_471] : memref<10240x16xf32, #tpu.memory_space<vmem_shared>> -> memref<10240x16xf32, #tpu.memory_space<vmem_shared>>
    tpu.wait_indirect_dma semaphore(%arg29 : memref<!tpu.dma_semaphore, #tpu.memory_space<semaphore_mem>>) src(%arg13 : memref<128x16xf32, #tpu.memory_space<vmem>>) dst(%dma_wait3A_472 : memref<10240x16xf32, #tpu.memory_space<vmem_shared>>)
    %dma_wait3A_473 = arith.constant 0 : i32
    %dma_wait3A_474 = arith.constant 0 : i32
    %dma_wait3A_475 = arith.constant 0 : i32
    %dma_wait3A_476 = tpu.memref_slice %arg7[%dma_wait3A_473, %dma_wait3A_474, %dma_wait3A_475] : memref<79x1x128xi32, #tpu.memory_space<vmem>> -> memref<1x1x128xi32, #tpu.memory_space<vmem>>
    %dma_wait3A_477 = tpu.memref_squeeze %dma_wait3A_476 : memref<1x1x128xi32, #tpu.memory_space<vmem>> -> memref<128xi32, #tpu.memory_space<vmem>>
    %dma_wait3A_478 = arith.constant 0 : i32
    %dma_wait3A_479 = arith.constant 0 : i32
    %dma_wait3A_480 = tpu.memref_slice %arg33[%dma_wait3A_478, %dma_wait3A_479] : memref<10240x16xf32, #tpu.memory_space<vmem_shared>> -> memref<10240x16xf32, #tpu.memory_space<vmem_shared>>
    tpu.wait_indirect_dma semaphore(%arg30 : memref<!tpu.dma_semaphore, #tpu.memory_space<semaphore_mem>>) src(%arg14 : memref<128x16xf32, #tpu.memory_space<vmem>>) dst(%dma_wait3A_480 : memref<10240x16xf32, #tpu.memory_space<vmem_shared>>)
    %dma_wait3A_481 = arith.constant 0 : i32
    %dma_wait3A_482 = arith.constant 0 : i32
    %dma_wait3A_483 = arith.constant 0 : i32
    %dma_wait3A_484 = tpu.memref_slice %arg7[%dma_wait3A_481, %dma_wait3A_482, %dma_wait3A_483] : memref<79x1x128xi32, #tpu.memory_space<vmem>> -> memref<1x1x128xi32, #tpu.memory_space<vmem>>
    %dma_wait3A_485 = tpu.memref_squeeze %dma_wait3A_484 : memref<1x1x128xi32, #tpu.memory_space<vmem>> -> memref<128xi32, #tpu.memory_space<vmem>>
    %dma_wait3A_486 = arith.constant 0 : i32
    %dma_wait3A_487 = arith.constant 0 : i32
    %dma_wait3A_488 = tpu.memref_slice %arg33[%dma_wait3A_486, %dma_wait3A_487] : memref<10240x16xf32, #tpu.memory_space<vmem_shared>> -> memref<10240x16xf32, #tpu.memory_space<vmem_shared>>
    tpu.wait_indirect_dma semaphore(%arg31 : memref<!tpu.dma_semaphore, #tpu.memory_space<semaphore_mem>>) src(%arg15 : memref<128x16xf32, #tpu.memory_space<vmem>>) dst(%dma_wait3A_488 : memref<10240x16xf32, #tpu.memory_space<vmem_shared>>)
    %barrier3A_489 = arith.constant 0 : index
    tpu.barrier barrier_id(%barrier3A_489)
    %mul3A_490 = arith.constant 640 : i32
    %mul3A_491 = arith.muli %arg1, %mul3A_490 : i32
    %mul3A_492 = arith.constant 640 : i32
    %mul3A_493 = arith.muli %arg1, %mul3A_492 : i32
    "tpu.region"() ({
      %run_scoped3A = tpu.sem_alloc : memref<!tpu.dma_semaphore, #tpu.memory_space<semaphore_mem>>
      %dma_start3A_494 = arith.constant 0 : i32
      %dma_start3A_495 = tpu.memref_slice %arg5[%arg0, %mul3A_493, %dma_start3A_494] : memref<2x10240x16xf32, #tpu.memory_space<hbm>> -> memref<1x640x16xf32, #tpu.memory_space<hbm>>
      %dma_start3A_496 = tpu.memref_squeeze %dma_start3A_495 : memref<1x640x16xf32, #tpu.memory_space<hbm>> -> memref<640x16xf32, #tpu.memory_space<hbm>>
      %dma_start3A_497 = arith.constant 0 : i32
      %dma_start3A_498 = tpu.memref_slice %arg33[%mul3A_491, %dma_start3A_497] : memref<10240x16xf32, #tpu.memory_space<vmem_shared>> -> memref<640x16xf32, #tpu.memory_space<vmem_shared>>
      tpu.enqueue_dma source(%dma_start3A_498 : memref<640x16xf32, #tpu.memory_space<vmem_shared>>) target(%dma_start3A_496 : memref<640x16xf32, #tpu.memory_space<hbm>>) target_semaphore(%run_scoped3A : memref<!tpu.dma_semaphore, #tpu.memory_space<semaphore_mem>>)
      %dma_wait3A_499 = arith.constant 0 : i32
      %dma_wait3A_500 = tpu.memref_slice %arg5[%arg0, %mul3A_493, %dma_wait3A_499] : memref<2x10240x16xf32, #tpu.memory_space<hbm>> -> memref<1x640x16xf32, #tpu.memory_space<hbm>>
      %dma_wait3A_501 = tpu.memref_squeeze %dma_wait3A_500 : memref<1x640x16xf32, #tpu.memory_space<hbm>> -> memref<640x16xf32, #tpu.memory_space<hbm>>
      %dma_wait3A_502 = arith.constant 0 : i32
      %dma_wait3A_503 = tpu.memref_slice %arg33[%mul3A_491, %dma_wait3A_502] : memref<10240x16xf32, #tpu.memory_space<vmem_shared>> -> memref<640x16xf32, #tpu.memory_space<vmem_shared>>
      tpu.wait_dma2 semaphore(%run_scoped3A : memref<!tpu.dma_semaphore, #tpu.memory_space<semaphore_mem>>) src(%dma_wait3A_503 : memref<640x16xf32, #tpu.memory_space<vmem_shared>>) dst(%dma_wait3A_501 : memref<640x16xf32, #tpu.memory_space<hbm>>)
      tpu.yield
    }) : () -> ()
    return
  }
}

#map = affine_map<(d0, d1) -> (0, 0)>
#map1 = affine_map<(d0, d1) -> (0, 0, 0)>
module attributes {stable_mosaic.version = 14 : i64} {
  func.func @_sc_aggregate(%arg0: i32, %arg1: i32, %arg2: memref<10240x16xf32, #tpu.memory_space<hbm>>, %arg3: memref<2500x2x128xi32, #tpu.memory_space<hbm>>, %arg4: memref<10240x16xf32, #tpu.memory_space<hbm>>, %arg5: memref<2x10240x16xf32, #tpu.memory_space<hbm>>, %arg6: memref<79x1x128xi32, #tpu.memory_space<vmem>>, %arg7: memref<79x1x128xi32, #tpu.memory_space<vmem>>, %arg8: memref<128x16xf32, #tpu.memory_space<vmem>>, %arg9: memref<128x16xf32, #tpu.memory_space<vmem>>, %arg10: memref<128x16xf32, #tpu.memory_space<vmem>>, %arg11: memref<128x16xf32, #tpu.memory_space<vmem>>, %arg12: memref<128x16xf32, #tpu.memory_space<vmem>>, %arg13: memref<128x16xf32, #tpu.memory_space<vmem>>, %arg14: memref<128x16xf32, #tpu.memory_space<vmem>>, %arg15: memref<128x16xf32, #tpu.memory_space<vmem>>, %arg16: memref<!tpu.dma_semaphore, #tpu.memory_space<semaphore_mem>>, %arg17: memref<!tpu.dma_semaphore, #tpu.memory_space<semaphore_mem>>, %arg18: memref<!tpu.dma_semaphore, #tpu.memory_space<semaphore_mem>>, %arg19: memref<!tpu.dma_semaphore, #tpu.memory_space<semaphore_mem>>, %arg20: memref<!tpu.dma_semaphore, #tpu.memory_space<semaphore_mem>>, %arg21: memref<!tpu.dma_semaphore, #tpu.memory_space<semaphore_mem>>, %arg22: memref<!tpu.dma_semaphore, #tpu.memory_space<semaphore_mem>>, %arg23: memref<!tpu.dma_semaphore, #tpu.memory_space<semaphore_mem>>, %arg24: memref<!tpu.dma_semaphore, #tpu.memory_space<semaphore_mem>>, %arg25: memref<!tpu.dma_semaphore, #tpu.memory_space<semaphore_mem>>, %arg26: memref<!tpu.dma_semaphore, #tpu.memory_space<semaphore_mem>>, %arg27: memref<!tpu.dma_semaphore, #tpu.memory_space<semaphore_mem>>, %arg28: memref<!tpu.dma_semaphore, #tpu.memory_space<semaphore_mem>>, %arg29: memref<!tpu.dma_semaphore, #tpu.memory_space<semaphore_mem>>, %arg30: memref<!tpu.dma_semaphore, #tpu.memory_space<semaphore_mem>>, %arg31: memref<!tpu.dma_semaphore, #tpu.memory_space<semaphore_mem>>, %arg32: memref<!tpu.dma_semaphore, #tpu.memory_space<semaphore_mem>>, %arg33: memref<10240x16xf32, #tpu.memory_space<vmem_shared>>) attributes {dimension_semantics = [#tpu.dimension_semantics<core_parallel>, #tpu.dimension_semantics<subcore_parallel>], iteration_bounds = array<i64: 2, 16>, scalar_prefetch = 0 : i64, scratch_operands = 28 : i64, tpu.core_type = #tpu.core_type<sc_vector_subcore>, window_params = [{transform_indices = #map}, {transform_indices = #map1}, {transform_indices = #map}, {transform_indices = #map1}]} {
    %mul3A = arith.constant 16 : i32
    %mul3A_0 = arith.muli %arg0, %mul3A : i32
    %add3A = arith.addi %mul3A_0, %arg1 : i32
    %lt3A = arith.constant 4 : i32
    %lt3A_1 = arith.cmpi slt, %add3A, %lt3A : i32
    %jit3A = arith.constant 79 : i32
    %jit3A_2 = arith.constant 78 : i32
    %select_n3A = arith.select %lt3A_1, %jit3A, %jit3A_2 : i32
    %mul3A_3 = arith.constant 78 : i32
    %mul3A_4 = arith.muli %mul3A_3, %add3A : i32
    %min3A = arith.constant 4 : i32
    %min3A_5 = arith.minsi %add3A, %min3A : i32
    %add3A_6 = arith.addi %mul3A_4, %min3A_5 : i32
    %min3A_7 = arith.constant 2421 : i32
    %min3A_8 = arith.minsi %add3A_6, %min3A_7 : i32
    %sub3A = arith.subi %add3A_6, %min3A_8 : i32
    %mul3A_9 = arith.constant 640 : i32
    %mul3A_10 = arith.muli %arg1, %mul3A_9 : i32
    %mul3A_11 = arith.constant 640 : i32
    %mul3A_12 = arith.muli %arg1, %mul3A_11 : i32
    %dma_start3A = arith.constant 0 : i32
    %dma_start3A_13 = tpu.memref_slice %arg33[%mul3A_12, %dma_start3A] : memref<10240x16xf32, #tpu.memory_space<vmem_shared>> -> memref<640x16xf32, #tpu.memory_space<vmem_shared>>
    %dma_start3A_14 = arith.constant 0 : i32
    %dma_start3A_15 = tpu.memref_slice %arg4[%mul3A_10, %dma_start3A_14] : memref<10240x16xf32, #tpu.memory_space<hbm>> -> memref<640x16xf32, #tpu.memory_space<hbm>>
    tpu.enqueue_dma source(%dma_start3A_15 : memref<640x16xf32, #tpu.memory_space<hbm>>) target(%dma_start3A_13 : memref<640x16xf32, #tpu.memory_space<vmem_shared>>) target_semaphore(%arg32 : memref<!tpu.dma_semaphore, #tpu.memory_space<semaphore_mem>>)
    %dma_start3A_16 = arith.constant 0 : i32
    %dma_start3A_17 = arith.constant 0 : i32
    %dma_start3A_18 = tpu.memref_slice %arg3[%min3A_8, %dma_start3A_16, %dma_start3A_17] : memref<2500x2x128xi32, #tpu.memory_space<hbm>> -> memref<79x1x128xi32, #tpu.memory_space<hbm>>
    %dma_start3A_19 = arith.constant 0 : i32
    %dma_start3A_20 = arith.constant 0 : i32
    %dma_start3A_21 = tpu.memref_slice %arg3[%min3A_8, %dma_start3A_19, %dma_start3A_20] : memref<2500x2x128xi32, #tpu.memory_space<hbm>> -> memref<79x1x128xi32, #tpu.memory_space<hbm>>
    tpu.enqueue_dma source(%dma_start3A_21 : memref<79x1x128xi32, #tpu.memory_space<hbm>>) target(%arg6 : memref<79x1x128xi32, #tpu.memory_space<vmem>>) target_semaphore(%arg16 : memref<!tpu.dma_semaphore, #tpu.memory_space<semaphore_mem>>)
    %dma_start3A_22 = arith.constant 1 : i32
    %dma_start3A_23 = arith.constant 0 : i32
    %dma_start3A_24 = tpu.memref_slice %arg3[%min3A_8, %dma_start3A_22, %dma_start3A_23] : memref<2500x2x128xi32, #tpu.memory_space<hbm>> -> memref<79x1x128xi32, #tpu.memory_space<hbm>>
    %dma_start3A_25 = arith.constant 1 : i32
    %dma_start3A_26 = arith.constant 0 : i32
    %dma_start3A_27 = tpu.memref_slice %arg3[%min3A_8, %dma_start3A_25, %dma_start3A_26] : memref<2500x2x128xi32, #tpu.memory_space<hbm>> -> memref<79x1x128xi32, #tpu.memory_space<hbm>>
    tpu.enqueue_dma source(%dma_start3A_27 : memref<79x1x128xi32, #tpu.memory_space<hbm>>) target(%arg7 : memref<79x1x128xi32, #tpu.memory_space<vmem>>) target_semaphore(%arg17 : memref<!tpu.dma_semaphore, #tpu.memory_space<semaphore_mem>>)
    %dma_wait3A = arith.constant 0 : i32
    %dma_wait3A_28 = tpu.memref_slice %arg33[%mul3A_12, %dma_wait3A] : memref<10240x16xf32, #tpu.memory_space<vmem_shared>> -> memref<640x16xf32, #tpu.memory_space<vmem_shared>>
    %dma_wait3A_29 = arith.constant 0 : i32
    %dma_wait3A_30 = tpu.memref_slice %arg4[%mul3A_10, %dma_wait3A_29] : memref<10240x16xf32, #tpu.memory_space<hbm>> -> memref<640x16xf32, #tpu.memory_space<hbm>>
    tpu.wait_dma2 semaphore(%arg32 : memref<!tpu.dma_semaphore, #tpu.memory_space<semaphore_mem>>) src(%dma_wait3A_30 : memref<640x16xf32, #tpu.memory_space<hbm>>) dst(%dma_wait3A_28 : memref<640x16xf32, #tpu.memory_space<vmem_shared>>)
    %dma_wait3A_31 = arith.constant 0 : i32
    %dma_wait3A_32 = arith.constant 0 : i32
    %dma_wait3A_33 = tpu.memref_slice %arg3[%min3A_8, %dma_wait3A_31, %dma_wait3A_32] : memref<2500x2x128xi32, #tpu.memory_space<hbm>> -> memref<79x1x128xi32, #tpu.memory_space<hbm>>
    %dma_wait3A_34 = arith.constant 0 : i32
    %dma_wait3A_35 = arith.constant 0 : i32
    %dma_wait3A_36 = tpu.memref_slice %arg3[%min3A_8, %dma_wait3A_34, %dma_wait3A_35] : memref<2500x2x128xi32, #tpu.memory_space<hbm>> -> memref<79x1x128xi32, #tpu.memory_space<hbm>>
    tpu.wait_dma2 semaphore(%arg16 : memref<!tpu.dma_semaphore, #tpu.memory_space<semaphore_mem>>) src(%dma_wait3A_36 : memref<79x1x128xi32, #tpu.memory_space<hbm>>) dst(%arg6 : memref<79x1x128xi32, #tpu.memory_space<vmem>>)
    %dma_wait3A_37 = arith.constant 1 : i32
    %dma_wait3A_38 = arith.constant 0 : i32
    %dma_wait3A_39 = tpu.memref_slice %arg3[%min3A_8, %dma_wait3A_37, %dma_wait3A_38] : memref<2500x2x128xi32, #tpu.memory_space<hbm>> -> memref<79x1x128xi32, #tpu.memory_space<hbm>>
    %dma_wait3A_40 = arith.constant 1 : i32
    %dma_wait3A_41 = arith.constant 0 : i32
    %dma_wait3A_42 = tpu.memref_slice %arg3[%min3A_8, %dma_wait3A_40, %dma_wait3A_41] : memref<2500x2x128xi32, #tpu.memory_space<hbm>> -> memref<79x1x128xi32, #tpu.memory_space<hbm>>
    tpu.wait_dma2 semaphore(%arg17 : memref<!tpu.dma_semaphore, #tpu.memory_space<semaphore_mem>>) src(%dma_wait3A_42 : memref<79x1x128xi32, #tpu.memory_space<hbm>>) dst(%arg7 : memref<79x1x128xi32, #tpu.memory_space<vmem>>)
    %barrier3A = arith.constant 0 : index
    tpu.barrier barrier_id(%barrier3A)
    %add3A_43 = arith.constant 0 : i32
    %add3A_44 = arith.addi %sub3A, %add3A_43 : i32
    %dma_start3A_45 = arith.constant 0 : i32
    %dma_start3A_46 = arith.constant 0 : i32
    %dma_start3A_47 = tpu.memref_slice %arg6[%add3A_44, %dma_start3A_45, %dma_start3A_46] : memref<79x1x128xi32, #tpu.memory_space<vmem>> -> memref<1x1x128xi32, #tpu.memory_space<vmem>>
    %dma_start3A_48 = tpu.memref_squeeze %dma_start3A_47 : memref<1x1x128xi32, #tpu.memory_space<vmem>> -> memref<128xi32, #tpu.memory_space<vmem>>
    %dma_start3A_49 = arith.constant 0 : i32
    %dma_start3A_50 = arith.constant 0 : i32
    %dma_start3A_51 = tpu.memref_slice %arg2[%dma_start3A_49, %dma_start3A_50] : memref<10240x16xf32, #tpu.memory_space<hbm>> -> memref<10240x16xf32, #tpu.memory_space<hbm>>
    tpu.enqueue_indirect_dma source(%dma_start3A_51 : memref<10240x16xf32, #tpu.memory_space<hbm>>) target(%arg8 : memref<128x16xf32, #tpu.memory_space<vmem>>) offsets(%dma_start3A_48 : memref<128xi32, #tpu.memory_space<vmem>>) semaphore(%arg16 : memref<!tpu.dma_semaphore, #tpu.memory_space<semaphore_mem>>)
    %add3A_52 = arith.constant 1 : i32
    %add3A_53 = arith.addi %sub3A, %add3A_52 : i32
    %dma_start3A_54 = arith.constant 0 : i32
    %dma_start3A_55 = arith.constant 0 : i32
    %dma_start3A_56 = tpu.memref_slice %arg6[%add3A_53, %dma_start3A_54, %dma_start3A_55] : memref<79x1x128xi32, #tpu.memory_space<vmem>> -> memref<1x1x128xi32, #tpu.memory_space<vmem>>
    %dma_start3A_57 = tpu.memref_squeeze %dma_start3A_56 : memref<1x1x128xi32, #tpu.memory_space<vmem>> -> memref<128xi32, #tpu.memory_space<vmem>>
    %dma_start3A_58 = arith.constant 0 : i32
    %dma_start3A_59 = arith.constant 0 : i32
    %dma_start3A_60 = tpu.memref_slice %arg2[%dma_start3A_58, %dma_start3A_59] : memref<10240x16xf32, #tpu.memory_space<hbm>> -> memref<10240x16xf32, #tpu.memory_space<hbm>>
    tpu.enqueue_indirect_dma source(%dma_start3A_60 : memref<10240x16xf32, #tpu.memory_space<hbm>>) target(%arg9 : memref<128x16xf32, #tpu.memory_space<vmem>>) offsets(%dma_start3A_57 : memref<128xi32, #tpu.memory_space<vmem>>) semaphore(%arg17 : memref<!tpu.dma_semaphore, #tpu.memory_space<semaphore_mem>>)
    %add3A_61 = arith.constant 2 : i32
    %add3A_62 = arith.addi %sub3A, %add3A_61 : i32
    %dma_start3A_63 = arith.constant 0 : i32
    %dma_start3A_64 = arith.constant 0 : i32
    %dma_start3A_65 = tpu.memref_slice %arg6[%add3A_62, %dma_start3A_63, %dma_start3A_64] : memref<79x1x128xi32, #tpu.memory_space<vmem>> -> memref<1x1x128xi32, #tpu.memory_space<vmem>>
    %dma_start3A_66 = tpu.memref_squeeze %dma_start3A_65 : memref<1x1x128xi32, #tpu.memory_space<vmem>> -> memref<128xi32, #tpu.memory_space<vmem>>
    %dma_start3A_67 = arith.constant 0 : i32
    %dma_start3A_68 = arith.constant 0 : i32
    %dma_start3A_69 = tpu.memref_slice %arg2[%dma_start3A_67, %dma_start3A_68] : memref<10240x16xf32, #tpu.memory_space<hbm>> -> memref<10240x16xf32, #tpu.memory_space<hbm>>
    tpu.enqueue_indirect_dma source(%dma_start3A_69 : memref<10240x16xf32, #tpu.memory_space<hbm>>) target(%arg10 : memref<128x16xf32, #tpu.memory_space<vmem>>) offsets(%dma_start3A_66 : memref<128xi32, #tpu.memory_space<vmem>>) semaphore(%arg18 : memref<!tpu.dma_semaphore, #tpu.memory_space<semaphore_mem>>)
    %add3A_70 = arith.constant 3 : i32
    %add3A_71 = arith.addi %sub3A, %add3A_70 : i32
    %dma_start3A_72 = arith.constant 0 : i32
    %dma_start3A_73 = arith.constant 0 : i32
    %dma_start3A_74 = tpu.memref_slice %arg6[%add3A_71, %dma_start3A_72, %dma_start3A_73] : memref<79x1x128xi32, #tpu.memory_space<vmem>> -> memref<1x1x128xi32, #tpu.memory_space<vmem>>
    %dma_start3A_75 = tpu.memref_squeeze %dma_start3A_74 : memref<1x1x128xi32, #tpu.memory_space<vmem>> -> memref<128xi32, #tpu.memory_space<vmem>>
    %dma_start3A_76 = arith.constant 0 : i32
    %dma_start3A_77 = arith.constant 0 : i32
    %dma_start3A_78 = tpu.memref_slice %arg2[%dma_start3A_76, %dma_start3A_77] : memref<10240x16xf32, #tpu.memory_space<hbm>> -> memref<10240x16xf32, #tpu.memory_space<hbm>>
    tpu.enqueue_indirect_dma source(%dma_start3A_78 : memref<10240x16xf32, #tpu.memory_space<hbm>>) target(%arg11 : memref<128x16xf32, #tpu.memory_space<vmem>>) offsets(%dma_start3A_75 : memref<128xi32, #tpu.memory_space<vmem>>) semaphore(%arg19 : memref<!tpu.dma_semaphore, #tpu.memory_space<semaphore_mem>>)
    %add3A_79 = arith.constant 0 : i32
    %add3A_80 = arith.addi %sub3A, %add3A_79 : i32
    %dma_wait3A_81 = arith.constant 0 : i32
    %dma_wait3A_82 = arith.constant 0 : i32
    %dma_wait3A_83 = tpu.memref_slice %arg6[%add3A_80, %dma_wait3A_81, %dma_wait3A_82] : memref<79x1x128xi32, #tpu.memory_space<vmem>> -> memref<1x1x128xi32, #tpu.memory_space<vmem>>
    %dma_wait3A_84 = tpu.memref_squeeze %dma_wait3A_83 : memref<1x1x128xi32, #tpu.memory_space<vmem>> -> memref<128xi32, #tpu.memory_space<vmem>>
    %dma_wait3A_85 = arith.constant 0 : i32
    %dma_wait3A_86 = arith.constant 0 : i32
    %dma_wait3A_87 = tpu.memref_slice %arg2[%dma_wait3A_85, %dma_wait3A_86] : memref<10240x16xf32, #tpu.memory_space<hbm>> -> memref<10240x16xf32, #tpu.memory_space<hbm>>
    tpu.wait_indirect_dma semaphore(%arg16 : memref<!tpu.dma_semaphore, #tpu.memory_space<semaphore_mem>>) src(%dma_wait3A_87 : memref<10240x16xf32, #tpu.memory_space<hbm>>) dst(%arg8 : memref<128x16xf32, #tpu.memory_space<vmem>>)
    %add3A_88 = arith.constant 0 : i32
    %add3A_89 = arith.addi %sub3A, %add3A_88 : i32
    %dma_start3A_90 = arith.constant 0 : i32
    %dma_start3A_91 = arith.constant 0 : i32
    %dma_start3A_92 = tpu.memref_slice %arg7[%add3A_89, %dma_start3A_90, %dma_start3A_91] : memref<79x1x128xi32, #tpu.memory_space<vmem>> -> memref<1x1x128xi32, #tpu.memory_space<vmem>>
    %dma_start3A_93 = tpu.memref_squeeze %dma_start3A_92 : memref<1x1x128xi32, #tpu.memory_space<vmem>> -> memref<128xi32, #tpu.memory_space<vmem>>
    %dma_start3A_94 = arith.constant 0 : i32
    %dma_start3A_95 = arith.constant 0 : i32
    %dma_start3A_96 = tpu.memref_slice %arg33[%dma_start3A_94, %dma_start3A_95] : memref<10240x16xf32, #tpu.memory_space<vmem_shared>> -> memref<10240x16xf32, #tpu.memory_space<vmem_shared>>
    tpu.enqueue_indirect_dma source(%arg8 : memref<128x16xf32, #tpu.memory_space<vmem>>) target(%dma_start3A_96 : memref<10240x16xf32, #tpu.memory_space<vmem_shared>>) offsets(%dma_start3A_93 : memref<128xi32, #tpu.memory_space<vmem>>) semaphore(%arg24 : memref<!tpu.dma_semaphore, #tpu.memory_space<semaphore_mem>>) {add = true}
    %add3A_97 = arith.constant 0 : i32
    %add3A_98 = arith.addi %sub3A, %add3A_97 : i32
    %add3A_99 = arith.constant 4 : i32
    %add3A_100 = arith.addi %add3A_98, %add3A_99 : i32
    %dma_start3A_101 = arith.constant 0 : i32
    %dma_start3A_102 = arith.constant 0 : i32
    %dma_start3A_103 = tpu.memref_slice %arg6[%add3A_100, %dma_start3A_101, %dma_start3A_102] : memref<79x1x128xi32, #tpu.memory_space<vmem>> -> memref<1x1x128xi32, #tpu.memory_space<vmem>>
    %dma_start3A_104 = tpu.memref_squeeze %dma_start3A_103 : memref<1x1x128xi32, #tpu.memory_space<vmem>> -> memref<128xi32, #tpu.memory_space<vmem>>
    %dma_start3A_105 = arith.constant 0 : i32
    %dma_start3A_106 = arith.constant 0 : i32
    %dma_start3A_107 = tpu.memref_slice %arg2[%dma_start3A_105, %dma_start3A_106] : memref<10240x16xf32, #tpu.memory_space<hbm>> -> memref<10240x16xf32, #tpu.memory_space<hbm>>
    tpu.enqueue_indirect_dma source(%dma_start3A_107 : memref<10240x16xf32, #tpu.memory_space<hbm>>) target(%arg12 : memref<128x16xf32, #tpu.memory_space<vmem>>) offsets(%dma_start3A_104 : memref<128xi32, #tpu.memory_space<vmem>>) semaphore(%arg20 : memref<!tpu.dma_semaphore, #tpu.memory_space<semaphore_mem>>)
    %add3A_108 = arith.constant 1 : i32
    %add3A_109 = arith.addi %sub3A, %add3A_108 : i32
    %dma_wait3A_110 = arith.constant 0 : i32
    %dma_wait3A_111 = arith.constant 0 : i32
    %dma_wait3A_112 = tpu.memref_slice %arg6[%add3A_109, %dma_wait3A_110, %dma_wait3A_111] : memref<79x1x128xi32, #tpu.memory_space<vmem>> -> memref<1x1x128xi32, #tpu.memory_space<vmem>>
    %dma_wait3A_113 = tpu.memref_squeeze %dma_wait3A_112 : memref<1x1x128xi32, #tpu.memory_space<vmem>> -> memref<128xi32, #tpu.memory_space<vmem>>
    %dma_wait3A_114 = arith.constant 0 : i32
    %dma_wait3A_115 = arith.constant 0 : i32
    %dma_wait3A_116 = tpu.memref_slice %arg2[%dma_wait3A_114, %dma_wait3A_115] : memref<10240x16xf32, #tpu.memory_space<hbm>> -> memref<10240x16xf32, #tpu.memory_space<hbm>>
    tpu.wait_indirect_dma semaphore(%arg17 : memref<!tpu.dma_semaphore, #tpu.memory_space<semaphore_mem>>) src(%dma_wait3A_116 : memref<10240x16xf32, #tpu.memory_space<hbm>>) dst(%arg9 : memref<128x16xf32, #tpu.memory_space<vmem>>)
    %add3A_117 = arith.constant 1 : i32
    %add3A_118 = arith.addi %sub3A, %add3A_117 : i32
    %dma_start3A_119 = arith.constant 0 : i32
    %dma_start3A_120 = arith.constant 0 : i32
    %dma_start3A_121 = tpu.memref_slice %arg7[%add3A_118, %dma_start3A_119, %dma_start3A_120] : memref<79x1x128xi32, #tpu.memory_space<vmem>> -> memref<1x1x128xi32, #tpu.memory_space<vmem>>
    %dma_start3A_122 = tpu.memref_squeeze %dma_start3A_121 : memref<1x1x128xi32, #tpu.memory_space<vmem>> -> memref<128xi32, #tpu.memory_space<vmem>>
    %dma_start3A_123 = arith.constant 0 : i32
    %dma_start3A_124 = arith.constant 0 : i32
    %dma_start3A_125 = tpu.memref_slice %arg33[%dma_start3A_123, %dma_start3A_124] : memref<10240x16xf32, #tpu.memory_space<vmem_shared>> -> memref<10240x16xf32, #tpu.memory_space<vmem_shared>>
    tpu.enqueue_indirect_dma source(%arg9 : memref<128x16xf32, #tpu.memory_space<vmem>>) target(%dma_start3A_125 : memref<10240x16xf32, #tpu.memory_space<vmem_shared>>) offsets(%dma_start3A_122 : memref<128xi32, #tpu.memory_space<vmem>>) semaphore(%arg25 : memref<!tpu.dma_semaphore, #tpu.memory_space<semaphore_mem>>) {add = true}
    %add3A_126 = arith.constant 1 : i32
    %add3A_127 = arith.addi %sub3A, %add3A_126 : i32
    %add3A_128 = arith.constant 4 : i32
    %add3A_129 = arith.addi %add3A_127, %add3A_128 : i32
    %dma_start3A_130 = arith.constant 0 : i32
    %dma_start3A_131 = arith.constant 0 : i32
    %dma_start3A_132 = tpu.memref_slice %arg6[%add3A_129, %dma_start3A_130, %dma_start3A_131] : memref<79x1x128xi32, #tpu.memory_space<vmem>> -> memref<1x1x128xi32, #tpu.memory_space<vmem>>
    %dma_start3A_133 = tpu.memref_squeeze %dma_start3A_132 : memref<1x1x128xi32, #tpu.memory_space<vmem>> -> memref<128xi32, #tpu.memory_space<vmem>>
    %dma_start3A_134 = arith.constant 0 : i32
    %dma_start3A_135 = arith.constant 0 : i32
    %dma_start3A_136 = tpu.memref_slice %arg2[%dma_start3A_134, %dma_start3A_135] : memref<10240x16xf32, #tpu.memory_space<hbm>> -> memref<10240x16xf32, #tpu.memory_space<hbm>>
    tpu.enqueue_indirect_dma source(%dma_start3A_136 : memref<10240x16xf32, #tpu.memory_space<hbm>>) target(%arg13 : memref<128x16xf32, #tpu.memory_space<vmem>>) offsets(%dma_start3A_133 : memref<128xi32, #tpu.memory_space<vmem>>) semaphore(%arg21 : memref<!tpu.dma_semaphore, #tpu.memory_space<semaphore_mem>>)
    %add3A_137 = arith.constant 2 : i32
    %add3A_138 = arith.addi %sub3A, %add3A_137 : i32
    %dma_wait3A_139 = arith.constant 0 : i32
    %dma_wait3A_140 = arith.constant 0 : i32
    %dma_wait3A_141 = tpu.memref_slice %arg6[%add3A_138, %dma_wait3A_139, %dma_wait3A_140] : memref<79x1x128xi32, #tpu.memory_space<vmem>> -> memref<1x1x128xi32, #tpu.memory_space<vmem>>
    %dma_wait3A_142 = tpu.memref_squeeze %dma_wait3A_141 : memref<1x1x128xi32, #tpu.memory_space<vmem>> -> memref<128xi32, #tpu.memory_space<vmem>>
    %dma_wait3A_143 = arith.constant 0 : i32
    %dma_wait3A_144 = arith.constant 0 : i32
    %dma_wait3A_145 = tpu.memref_slice %arg2[%dma_wait3A_143, %dma_wait3A_144] : memref<10240x16xf32, #tpu.memory_space<hbm>> -> memref<10240x16xf32, #tpu.memory_space<hbm>>
    tpu.wait_indirect_dma semaphore(%arg18 : memref<!tpu.dma_semaphore, #tpu.memory_space<semaphore_mem>>) src(%dma_wait3A_145 : memref<10240x16xf32, #tpu.memory_space<hbm>>) dst(%arg10 : memref<128x16xf32, #tpu.memory_space<vmem>>)
    %add3A_146 = arith.constant 2 : i32
    %add3A_147 = arith.addi %sub3A, %add3A_146 : i32
    %dma_start3A_148 = arith.constant 0 : i32
    %dma_start3A_149 = arith.constant 0 : i32
    %dma_start3A_150 = tpu.memref_slice %arg7[%add3A_147, %dma_start3A_148, %dma_start3A_149] : memref<79x1x128xi32, #tpu.memory_space<vmem>> -> memref<1x1x128xi32, #tpu.memory_space<vmem>>
    %dma_start3A_151 = tpu.memref_squeeze %dma_start3A_150 : memref<1x1x128xi32, #tpu.memory_space<vmem>> -> memref<128xi32, #tpu.memory_space<vmem>>
    %dma_start3A_152 = arith.constant 0 : i32
    %dma_start3A_153 = arith.constant 0 : i32
    %dma_start3A_154 = tpu.memref_slice %arg33[%dma_start3A_152, %dma_start3A_153] : memref<10240x16xf32, #tpu.memory_space<vmem_shared>> -> memref<10240x16xf32, #tpu.memory_space<vmem_shared>>
    tpu.enqueue_indirect_dma source(%arg10 : memref<128x16xf32, #tpu.memory_space<vmem>>) target(%dma_start3A_154 : memref<10240x16xf32, #tpu.memory_space<vmem_shared>>) offsets(%dma_start3A_151 : memref<128xi32, #tpu.memory_space<vmem>>) semaphore(%arg26 : memref<!tpu.dma_semaphore, #tpu.memory_space<semaphore_mem>>) {add = true}
    %add3A_155 = arith.constant 2 : i32
    %add3A_156 = arith.addi %sub3A, %add3A_155 : i32
    %add3A_157 = arith.constant 4 : i32
    %add3A_158 = arith.addi %add3A_156, %add3A_157 : i32
    %dma_start3A_159 = arith.constant 0 : i32
    %dma_start3A_160 = arith.constant 0 : i32
    %dma_start3A_161 = tpu.memref_slice %arg6[%add3A_158, %dma_start3A_159, %dma_start3A_160] : memref<79x1x128xi32, #tpu.memory_space<vmem>> -> memref<1x1x128xi32, #tpu.memory_space<vmem>>
    %dma_start3A_162 = tpu.memref_squeeze %dma_start3A_161 : memref<1x1x128xi32, #tpu.memory_space<vmem>> -> memref<128xi32, #tpu.memory_space<vmem>>
    %dma_start3A_163 = arith.constant 0 : i32
    %dma_start3A_164 = arith.constant 0 : i32
    %dma_start3A_165 = tpu.memref_slice %arg2[%dma_start3A_163, %dma_start3A_164] : memref<10240x16xf32, #tpu.memory_space<hbm>> -> memref<10240x16xf32, #tpu.memory_space<hbm>>
    tpu.enqueue_indirect_dma source(%dma_start3A_165 : memref<10240x16xf32, #tpu.memory_space<hbm>>) target(%arg14 : memref<128x16xf32, #tpu.memory_space<vmem>>) offsets(%dma_start3A_162 : memref<128xi32, #tpu.memory_space<vmem>>) semaphore(%arg22 : memref<!tpu.dma_semaphore, #tpu.memory_space<semaphore_mem>>)
    %add3A_166 = arith.constant 3 : i32
    %add3A_167 = arith.addi %sub3A, %add3A_166 : i32
    %dma_wait3A_168 = arith.constant 0 : i32
    %dma_wait3A_169 = arith.constant 0 : i32
    %dma_wait3A_170 = tpu.memref_slice %arg6[%add3A_167, %dma_wait3A_168, %dma_wait3A_169] : memref<79x1x128xi32, #tpu.memory_space<vmem>> -> memref<1x1x128xi32, #tpu.memory_space<vmem>>
    %dma_wait3A_171 = tpu.memref_squeeze %dma_wait3A_170 : memref<1x1x128xi32, #tpu.memory_space<vmem>> -> memref<128xi32, #tpu.memory_space<vmem>>
    %dma_wait3A_172 = arith.constant 0 : i32
    %dma_wait3A_173 = arith.constant 0 : i32
    %dma_wait3A_174 = tpu.memref_slice %arg2[%dma_wait3A_172, %dma_wait3A_173] : memref<10240x16xf32, #tpu.memory_space<hbm>> -> memref<10240x16xf32, #tpu.memory_space<hbm>>
    tpu.wait_indirect_dma semaphore(%arg19 : memref<!tpu.dma_semaphore, #tpu.memory_space<semaphore_mem>>) src(%dma_wait3A_174 : memref<10240x16xf32, #tpu.memory_space<hbm>>) dst(%arg11 : memref<128x16xf32, #tpu.memory_space<vmem>>)
    %add3A_175 = arith.constant 3 : i32
    %add3A_176 = arith.addi %sub3A, %add3A_175 : i32
    %dma_start3A_177 = arith.constant 0 : i32
    %dma_start3A_178 = arith.constant 0 : i32
    %dma_start3A_179 = tpu.memref_slice %arg7[%add3A_176, %dma_start3A_177, %dma_start3A_178] : memref<79x1x128xi32, #tpu.memory_space<vmem>> -> memref<1x1x128xi32, #tpu.memory_space<vmem>>
    %dma_start3A_180 = tpu.memref_squeeze %dma_start3A_179 : memref<1x1x128xi32, #tpu.memory_space<vmem>> -> memref<128xi32, #tpu.memory_space<vmem>>
    %dma_start3A_181 = arith.constant 0 : i32
    %dma_start3A_182 = arith.constant 0 : i32
    %dma_start3A_183 = tpu.memref_slice %arg33[%dma_start3A_181, %dma_start3A_182] : memref<10240x16xf32, #tpu.memory_space<vmem_shared>> -> memref<10240x16xf32, #tpu.memory_space<vmem_shared>>
    tpu.enqueue_indirect_dma source(%arg11 : memref<128x16xf32, #tpu.memory_space<vmem>>) target(%dma_start3A_183 : memref<10240x16xf32, #tpu.memory_space<vmem_shared>>) offsets(%dma_start3A_180 : memref<128xi32, #tpu.memory_space<vmem>>) semaphore(%arg27 : memref<!tpu.dma_semaphore, #tpu.memory_space<semaphore_mem>>) {add = true}
    %add3A_184 = arith.constant 3 : i32
    %add3A_185 = arith.addi %sub3A, %add3A_184 : i32
    %add3A_186 = arith.constant 4 : i32
    %add3A_187 = arith.addi %add3A_185, %add3A_186 : i32
    %dma_start3A_188 = arith.constant 0 : i32
    %dma_start3A_189 = arith.constant 0 : i32
    %dma_start3A_190 = tpu.memref_slice %arg6[%add3A_187, %dma_start3A_188, %dma_start3A_189] : memref<79x1x128xi32, #tpu.memory_space<vmem>> -> memref<1x1x128xi32, #tpu.memory_space<vmem>>
    %dma_start3A_191 = tpu.memref_squeeze %dma_start3A_190 : memref<1x1x128xi32, #tpu.memory_space<vmem>> -> memref<128xi32, #tpu.memory_space<vmem>>
    %dma_start3A_192 = arith.constant 0 : i32
    %dma_start3A_193 = arith.constant 0 : i32
    %dma_start3A_194 = tpu.memref_slice %arg2[%dma_start3A_192, %dma_start3A_193] : memref<10240x16xf32, #tpu.memory_space<hbm>> -> memref<10240x16xf32, #tpu.memory_space<hbm>>
    tpu.enqueue_indirect_dma source(%dma_start3A_194 : memref<10240x16xf32, #tpu.memory_space<hbm>>) target(%arg15 : memref<128x16xf32, #tpu.memory_space<vmem>>) offsets(%dma_start3A_191 : memref<128xi32, #tpu.memory_space<vmem>>) semaphore(%arg23 : memref<!tpu.dma_semaphore, #tpu.memory_space<semaphore_mem>>)
    %add3A_195 = arith.constant 4 : i32
    %add3A_196 = arith.addi %sub3A, %add3A_195 : i32
    %dma_wait3A_197 = arith.constant 0 : i32
    %dma_wait3A_198 = arith.constant 0 : i32
    %dma_wait3A_199 = tpu.memref_slice %arg6[%add3A_196, %dma_wait3A_197, %dma_wait3A_198] : memref<79x1x128xi32, #tpu.memory_space<vmem>> -> memref<1x1x128xi32, #tpu.memory_space<vmem>>
    %dma_wait3A_200 = tpu.memref_squeeze %dma_wait3A_199 : memref<1x1x128xi32, #tpu.memory_space<vmem>> -> memref<128xi32, #tpu.memory_space<vmem>>
    %dma_wait3A_201 = arith.constant 0 : i32
    %dma_wait3A_202 = arith.constant 0 : i32
    %dma_wait3A_203 = tpu.memref_slice %arg2[%dma_wait3A_201, %dma_wait3A_202] : memref<10240x16xf32, #tpu.memory_space<hbm>> -> memref<10240x16xf32, #tpu.memory_space<hbm>>
    tpu.wait_indirect_dma semaphore(%arg20 : memref<!tpu.dma_semaphore, #tpu.memory_space<semaphore_mem>>) src(%dma_wait3A_203 : memref<10240x16xf32, #tpu.memory_space<hbm>>) dst(%arg12 : memref<128x16xf32, #tpu.memory_space<vmem>>)
    %add3A_204 = arith.constant 4 : i32
    %add3A_205 = arith.addi %sub3A, %add3A_204 : i32
    %dma_start3A_206 = arith.constant 0 : i32
    %dma_start3A_207 = arith.constant 0 : i32
    %dma_start3A_208 = tpu.memref_slice %arg7[%add3A_205, %dma_start3A_206, %dma_start3A_207] : memref<79x1x128xi32, #tpu.memory_space<vmem>> -> memref<1x1x128xi32, #tpu.memory_space<vmem>>
    %dma_start3A_209 = tpu.memref_squeeze %dma_start3A_208 : memref<1x1x128xi32, #tpu.memory_space<vmem>> -> memref<128xi32, #tpu.memory_space<vmem>>
    %dma_start3A_210 = arith.constant 0 : i32
    %dma_start3A_211 = arith.constant 0 : i32
    %dma_start3A_212 = tpu.memref_slice %arg33[%dma_start3A_210, %dma_start3A_211] : memref<10240x16xf32, #tpu.memory_space<vmem_shared>> -> memref<10240x16xf32, #tpu.memory_space<vmem_shared>>
    tpu.enqueue_indirect_dma source(%arg12 : memref<128x16xf32, #tpu.memory_space<vmem>>) target(%dma_start3A_212 : memref<10240x16xf32, #tpu.memory_space<vmem_shared>>) offsets(%dma_start3A_209 : memref<128xi32, #tpu.memory_space<vmem>>) semaphore(%arg28 : memref<!tpu.dma_semaphore, #tpu.memory_space<semaphore_mem>>) {add = true}
    %dma_wait3A_213 = arith.constant 0 : i32
    %dma_wait3A_214 = arith.constant 0 : i32
    %dma_wait3A_215 = arith.constant 0 : i32
    %dma_wait3A_216 = tpu.memref_slice %arg7[%dma_wait3A_213, %dma_wait3A_214, %dma_wait3A_215] : memref<79x1x128xi32, #tpu.memory_space<vmem>> -> memref<1x1x128xi32, #tpu.memory_space<vmem>>
    %dma_wait3A_217 = tpu.memref_squeeze %dma_wait3A_216 : memref<1x1x128xi32, #tpu.memory_space<vmem>> -> memref<128xi32, #tpu.memory_space<vmem>>
    %dma_wait3A_218 = arith.constant 0 : i32
    %dma_wait3A_219 = arith.constant 0 : i32
    %dma_wait3A_220 = tpu.memref_slice %arg33[%dma_wait3A_218, %dma_wait3A_219] : memref<10240x16xf32, #tpu.memory_space<vmem_shared>> -> memref<10240x16xf32, #tpu.memory_space<vmem_shared>>
    tpu.wait_indirect_dma semaphore(%arg24 : memref<!tpu.dma_semaphore, #tpu.memory_space<semaphore_mem>>) src(%arg8 : memref<128x16xf32, #tpu.memory_space<vmem>>) dst(%dma_wait3A_220 : memref<10240x16xf32, #tpu.memory_space<vmem_shared>>)
    %add3A_221 = arith.constant 4 : i32
    %add3A_222 = arith.addi %sub3A, %add3A_221 : i32
    %add3A_223 = arith.constant 4 : i32
    %add3A_224 = arith.addi %add3A_222, %add3A_223 : i32
    %dma_start3A_225 = arith.constant 0 : i32
    %dma_start3A_226 = arith.constant 0 : i32
    %dma_start3A_227 = tpu.memref_slice %arg6[%add3A_224, %dma_start3A_225, %dma_start3A_226] : memref<79x1x128xi32, #tpu.memory_space<vmem>> -> memref<1x1x128xi32, #tpu.memory_space<vmem>>
    %dma_start3A_228 = tpu.memref_squeeze %dma_start3A_227 : memref<1x1x128xi32, #tpu.memory_space<vmem>> -> memref<128xi32, #tpu.memory_space<vmem>>
    %dma_start3A_229 = arith.constant 0 : i32
    %dma_start3A_230 = arith.constant 0 : i32
    %dma_start3A_231 = tpu.memref_slice %arg2[%dma_start3A_229, %dma_start3A_230] : memref<10240x16xf32, #tpu.memory_space<hbm>> -> memref<10240x16xf32, #tpu.memory_space<hbm>>
    tpu.enqueue_indirect_dma source(%dma_start3A_231 : memref<10240x16xf32, #tpu.memory_space<hbm>>) target(%arg8 : memref<128x16xf32, #tpu.memory_space<vmem>>) offsets(%dma_start3A_228 : memref<128xi32, #tpu.memory_space<vmem>>) semaphore(%arg16 : memref<!tpu.dma_semaphore, #tpu.memory_space<semaphore_mem>>)
    %add3A_232 = arith.constant 5 : i32
    %add3A_233 = arith.addi %sub3A, %add3A_232 : i32
    %dma_wait3A_234 = arith.constant 0 : i32
    %dma_wait3A_235 = arith.constant 0 : i32
    %dma_wait3A_236 = tpu.memref_slice %arg6[%add3A_233, %dma_wait3A_234, %dma_wait3A_235] : memref<79x1x128xi32, #tpu.memory_space<vmem>> -> memref<1x1x128xi32, #tpu.memory_space<vmem>>
    %dma_wait3A_237 = tpu.memref_squeeze %dma_wait3A_236 : memref<1x1x128xi32, #tpu.memory_space<vmem>> -> memref<128xi32, #tpu.memory_space<vmem>>
    %dma_wait3A_238 = arith.constant 0 : i32
    %dma_wait3A_239 = arith.constant 0 : i32
    %dma_wait3A_240 = tpu.memref_slice %arg2[%dma_wait3A_238, %dma_wait3A_239] : memref<10240x16xf32, #tpu.memory_space<hbm>> -> memref<10240x16xf32, #tpu.memory_space<hbm>>
    tpu.wait_indirect_dma semaphore(%arg21 : memref<!tpu.dma_semaphore, #tpu.memory_space<semaphore_mem>>) src(%dma_wait3A_240 : memref<10240x16xf32, #tpu.memory_space<hbm>>) dst(%arg13 : memref<128x16xf32, #tpu.memory_space<vmem>>)
    %add3A_241 = arith.constant 5 : i32
    %add3A_242 = arith.addi %sub3A, %add3A_241 : i32
    %dma_start3A_243 = arith.constant 0 : i32
    %dma_start3A_244 = arith.constant 0 : i32
    %dma_start3A_245 = tpu.memref_slice %arg7[%add3A_242, %dma_start3A_243, %dma_start3A_244] : memref<79x1x128xi32, #tpu.memory_space<vmem>> -> memref<1x1x128xi32, #tpu.memory_space<vmem>>
    %dma_start3A_246 = tpu.memref_squeeze %dma_start3A_245 : memref<1x1x128xi32, #tpu.memory_space<vmem>> -> memref<128xi32, #tpu.memory_space<vmem>>
    %dma_start3A_247 = arith.constant 0 : i32
    %dma_start3A_248 = arith.constant 0 : i32
    %dma_start3A_249 = tpu.memref_slice %arg33[%dma_start3A_247, %dma_start3A_248] : memref<10240x16xf32, #tpu.memory_space<vmem_shared>> -> memref<10240x16xf32, #tpu.memory_space<vmem_shared>>
    tpu.enqueue_indirect_dma source(%arg13 : memref<128x16xf32, #tpu.memory_space<vmem>>) target(%dma_start3A_249 : memref<10240x16xf32, #tpu.memory_space<vmem_shared>>) offsets(%dma_start3A_246 : memref<128xi32, #tpu.memory_space<vmem>>) semaphore(%arg29 : memref<!tpu.dma_semaphore, #tpu.memory_space<semaphore_mem>>) {add = true}
    %dma_wait3A_250 = arith.constant 0 : i32
    %dma_wait3A_251 = arith.constant 0 : i32
    %dma_wait3A_252 = arith.constant 0 : i32
    %dma_wait3A_253 = tpu.memref_slice %arg7[%dma_wait3A_250, %dma_wait3A_251, %dma_wait3A_252] : memref<79x1x128xi32, #tpu.memory_space<vmem>> -> memref<1x1x128xi32, #tpu.memory_space<vmem>>
    %dma_wait3A_254 = tpu.memref_squeeze %dma_wait3A_253 : memref<1x1x128xi32, #tpu.memory_space<vmem>> -> memref<128xi32, #tpu.memory_space<vmem>>
    %dma_wait3A_255 = arith.constant 0 : i32
    %dma_wait3A_256 = arith.constant 0 : i32
    %dma_wait3A_257 = tpu.memref_slice %arg33[%dma_wait3A_255, %dma_wait3A_256] : memref<10240x16xf32, #tpu.memory_space<vmem_shared>> -> memref<10240x16xf32, #tpu.memory_space<vmem_shared>>
    tpu.wait_indirect_dma semaphore(%arg25 : memref<!tpu.dma_semaphore, #tpu.memory_space<semaphore_mem>>) src(%arg9 : memref<128x16xf32, #tpu.memory_space<vmem>>) dst(%dma_wait3A_257 : memref<10240x16xf32, #tpu.memory_space<vmem_shared>>)
    %add3A_258 = arith.constant 5 : i32
    %add3A_259 = arith.addi %sub3A, %add3A_258 : i32
    %add3A_260 = arith.constant 4 : i32
    %add3A_261 = arith.addi %add3A_259, %add3A_260 : i32
    %dma_start3A_262 = arith.constant 0 : i32
    %dma_start3A_263 = arith.constant 0 : i32
    %dma_start3A_264 = tpu.memref_slice %arg6[%add3A_261, %dma_start3A_262, %dma_start3A_263] : memref<79x1x128xi32, #tpu.memory_space<vmem>> -> memref<1x1x128xi32, #tpu.memory_space<vmem>>
    %dma_start3A_265 = tpu.memref_squeeze %dma_start3A_264 : memref<1x1x128xi32, #tpu.memory_space<vmem>> -> memref<128xi32, #tpu.memory_space<vmem>>
    %dma_start3A_266 = arith.constant 0 : i32
    %dma_start3A_267 = arith.constant 0 : i32
    %dma_start3A_268 = tpu.memref_slice %arg2[%dma_start3A_266, %dma_start3A_267] : memref<10240x16xf32, #tpu.memory_space<hbm>> -> memref<10240x16xf32, #tpu.memory_space<hbm>>
    tpu.enqueue_indirect_dma source(%dma_start3A_268 : memref<10240x16xf32, #tpu.memory_space<hbm>>) target(%arg9 : memref<128x16xf32, #tpu.memory_space<vmem>>) offsets(%dma_start3A_265 : memref<128xi32, #tpu.memory_space<vmem>>) semaphore(%arg17 : memref<!tpu.dma_semaphore, #tpu.memory_space<semaphore_mem>>)
    %add3A_269 = arith.constant 6 : i32
    %add3A_270 = arith.addi %sub3A, %add3A_269 : i32
    %dma_wait3A_271 = arith.constant 0 : i32
    %dma_wait3A_272 = arith.constant 0 : i32
    %dma_wait3A_273 = tpu.memref_slice %arg6[%add3A_270, %dma_wait3A_271, %dma_wait3A_272] : memref<79x1x128xi32, #tpu.memory_space<vmem>> -> memref<1x1x128xi32, #tpu.memory_space<vmem>>
    %dma_wait3A_274 = tpu.memref_squeeze %dma_wait3A_273 : memref<1x1x128xi32, #tpu.memory_space<vmem>> -> memref<128xi32, #tpu.memory_space<vmem>>
    %dma_wait3A_275 = arith.constant 0 : i32
    %dma_wait3A_276 = arith.constant 0 : i32
    %dma_wait3A_277 = tpu.memref_slice %arg2[%dma_wait3A_275, %dma_wait3A_276] : memref<10240x16xf32, #tpu.memory_space<hbm>> -> memref<10240x16xf32, #tpu.memory_space<hbm>>
    tpu.wait_indirect_dma semaphore(%arg22 : memref<!tpu.dma_semaphore, #tpu.memory_space<semaphore_mem>>) src(%dma_wait3A_277 : memref<10240x16xf32, #tpu.memory_space<hbm>>) dst(%arg14 : memref<128x16xf32, #tpu.memory_space<vmem>>)
    %add3A_278 = arith.constant 6 : i32
    %add3A_279 = arith.addi %sub3A, %add3A_278 : i32
    %dma_start3A_280 = arith.constant 0 : i32
    %dma_start3A_281 = arith.constant 0 : i32
    %dma_start3A_282 = tpu.memref_slice %arg7[%add3A_279, %dma_start3A_280, %dma_start3A_281] : memref<79x1x128xi32, #tpu.memory_space<vmem>> -> memref<1x1x128xi32, #tpu.memory_space<vmem>>
    %dma_start3A_283 = tpu.memref_squeeze %dma_start3A_282 : memref<1x1x128xi32, #tpu.memory_space<vmem>> -> memref<128xi32, #tpu.memory_space<vmem>>
    %dma_start3A_284 = arith.constant 0 : i32
    %dma_start3A_285 = arith.constant 0 : i32
    %dma_start3A_286 = tpu.memref_slice %arg33[%dma_start3A_284, %dma_start3A_285] : memref<10240x16xf32, #tpu.memory_space<vmem_shared>> -> memref<10240x16xf32, #tpu.memory_space<vmem_shared>>
    tpu.enqueue_indirect_dma source(%arg14 : memref<128x16xf32, #tpu.memory_space<vmem>>) target(%dma_start3A_286 : memref<10240x16xf32, #tpu.memory_space<vmem_shared>>) offsets(%dma_start3A_283 : memref<128xi32, #tpu.memory_space<vmem>>) semaphore(%arg30 : memref<!tpu.dma_semaphore, #tpu.memory_space<semaphore_mem>>) {add = true}
    %dma_wait3A_287 = arith.constant 0 : i32
    %dma_wait3A_288 = arith.constant 0 : i32
    %dma_wait3A_289 = arith.constant 0 : i32
    %dma_wait3A_290 = tpu.memref_slice %arg7[%dma_wait3A_287, %dma_wait3A_288, %dma_wait3A_289] : memref<79x1x128xi32, #tpu.memory_space<vmem>> -> memref<1x1x128xi32, #tpu.memory_space<vmem>>
    %dma_wait3A_291 = tpu.memref_squeeze %dma_wait3A_290 : memref<1x1x128xi32, #tpu.memory_space<vmem>> -> memref<128xi32, #tpu.memory_space<vmem>>
    %dma_wait3A_292 = arith.constant 0 : i32
    %dma_wait3A_293 = arith.constant 0 : i32
    %dma_wait3A_294 = tpu.memref_slice %arg33[%dma_wait3A_292, %dma_wait3A_293] : memref<10240x16xf32, #tpu.memory_space<vmem_shared>> -> memref<10240x16xf32, #tpu.memory_space<vmem_shared>>
    tpu.wait_indirect_dma semaphore(%arg26 : memref<!tpu.dma_semaphore, #tpu.memory_space<semaphore_mem>>) src(%arg10 : memref<128x16xf32, #tpu.memory_space<vmem>>) dst(%dma_wait3A_294 : memref<10240x16xf32, #tpu.memory_space<vmem_shared>>)
    %add3A_295 = arith.constant 6 : i32
    %add3A_296 = arith.addi %sub3A, %add3A_295 : i32
    %add3A_297 = arith.constant 4 : i32
    %add3A_298 = arith.addi %add3A_296, %add3A_297 : i32
    %dma_start3A_299 = arith.constant 0 : i32
    %dma_start3A_300 = arith.constant 0 : i32
    %dma_start3A_301 = tpu.memref_slice %arg6[%add3A_298, %dma_start3A_299, %dma_start3A_300] : memref<79x1x128xi32, #tpu.memory_space<vmem>> -> memref<1x1x128xi32, #tpu.memory_space<vmem>>
    %dma_start3A_302 = tpu.memref_squeeze %dma_start3A_301 : memref<1x1x128xi32, #tpu.memory_space<vmem>> -> memref<128xi32, #tpu.memory_space<vmem>>
    %dma_start3A_303 = arith.constant 0 : i32
    %dma_start3A_304 = arith.constant 0 : i32
    %dma_start3A_305 = tpu.memref_slice %arg2[%dma_start3A_303, %dma_start3A_304] : memref<10240x16xf32, #tpu.memory_space<hbm>> -> memref<10240x16xf32, #tpu.memory_space<hbm>>
    tpu.enqueue_indirect_dma source(%dma_start3A_305 : memref<10240x16xf32, #tpu.memory_space<hbm>>) target(%arg10 : memref<128x16xf32, #tpu.memory_space<vmem>>) offsets(%dma_start3A_302 : memref<128xi32, #tpu.memory_space<vmem>>) semaphore(%arg18 : memref<!tpu.dma_semaphore, #tpu.memory_space<semaphore_mem>>)
    %add3A_306 = arith.constant 7 : i32
    %add3A_307 = arith.addi %sub3A, %add3A_306 : i32
    %dma_wait3A_308 = arith.constant 0 : i32
    %dma_wait3A_309 = arith.constant 0 : i32
    %dma_wait3A_310 = tpu.memref_slice %arg6[%add3A_307, %dma_wait3A_308, %dma_wait3A_309] : memref<79x1x128xi32, #tpu.memory_space<vmem>> -> memref<1x1x128xi32, #tpu.memory_space<vmem>>
    %dma_wait3A_311 = tpu.memref_squeeze %dma_wait3A_310 : memref<1x1x128xi32, #tpu.memory_space<vmem>> -> memref<128xi32, #tpu.memory_space<vmem>>
    %dma_wait3A_312 = arith.constant 0 : i32
    %dma_wait3A_313 = arith.constant 0 : i32
    %dma_wait3A_314 = tpu.memref_slice %arg2[%dma_wait3A_312, %dma_wait3A_313] : memref<10240x16xf32, #tpu.memory_space<hbm>> -> memref<10240x16xf32, #tpu.memory_space<hbm>>
    tpu.wait_indirect_dma semaphore(%arg23 : memref<!tpu.dma_semaphore, #tpu.memory_space<semaphore_mem>>) src(%dma_wait3A_314 : memref<10240x16xf32, #tpu.memory_space<hbm>>) dst(%arg15 : memref<128x16xf32, #tpu.memory_space<vmem>>)
    %add3A_315 = arith.constant 7 : i32
    %add3A_316 = arith.addi %sub3A, %add3A_315 : i32
    %dma_start3A_317 = arith.constant 0 : i32
    %dma_start3A_318 = arith.constant 0 : i32
    %dma_start3A_319 = tpu.memref_slice %arg7[%add3A_316, %dma_start3A_317, %dma_start3A_318] : memref<79x1x128xi32, #tpu.memory_space<vmem>> -> memref<1x1x128xi32, #tpu.memory_space<vmem>>
    %dma_start3A_320 = tpu.memref_squeeze %dma_start3A_319 : memref<1x1x128xi32, #tpu.memory_space<vmem>> -> memref<128xi32, #tpu.memory_space<vmem>>
    %dma_start3A_321 = arith.constant 0 : i32
    %dma_start3A_322 = arith.constant 0 : i32
    %dma_start3A_323 = tpu.memref_slice %arg33[%dma_start3A_321, %dma_start3A_322] : memref<10240x16xf32, #tpu.memory_space<vmem_shared>> -> memref<10240x16xf32, #tpu.memory_space<vmem_shared>>
    tpu.enqueue_indirect_dma source(%arg15 : memref<128x16xf32, #tpu.memory_space<vmem>>) target(%dma_start3A_323 : memref<10240x16xf32, #tpu.memory_space<vmem_shared>>) offsets(%dma_start3A_320 : memref<128xi32, #tpu.memory_space<vmem>>) semaphore(%arg31 : memref<!tpu.dma_semaphore, #tpu.memory_space<semaphore_mem>>) {add = true}
    %dma_wait3A_324 = arith.constant 0 : i32
    %dma_wait3A_325 = arith.constant 0 : i32
    %dma_wait3A_326 = arith.constant 0 : i32
    %dma_wait3A_327 = tpu.memref_slice %arg7[%dma_wait3A_324, %dma_wait3A_325, %dma_wait3A_326] : memref<79x1x128xi32, #tpu.memory_space<vmem>> -> memref<1x1x128xi32, #tpu.memory_space<vmem>>
    %dma_wait3A_328 = tpu.memref_squeeze %dma_wait3A_327 : memref<1x1x128xi32, #tpu.memory_space<vmem>> -> memref<128xi32, #tpu.memory_space<vmem>>
    %dma_wait3A_329 = arith.constant 0 : i32
    %dma_wait3A_330 = arith.constant 0 : i32
    %dma_wait3A_331 = tpu.memref_slice %arg33[%dma_wait3A_329, %dma_wait3A_330] : memref<10240x16xf32, #tpu.memory_space<vmem_shared>> -> memref<10240x16xf32, #tpu.memory_space<vmem_shared>>
    tpu.wait_indirect_dma semaphore(%arg27 : memref<!tpu.dma_semaphore, #tpu.memory_space<semaphore_mem>>) src(%arg11 : memref<128x16xf32, #tpu.memory_space<vmem>>) dst(%dma_wait3A_331 : memref<10240x16xf32, #tpu.memory_space<vmem_shared>>)
    %add3A_332 = arith.constant 7 : i32
    %add3A_333 = arith.addi %sub3A, %add3A_332 : i32
    %add3A_334 = arith.constant 4 : i32
    %add3A_335 = arith.addi %add3A_333, %add3A_334 : i32
    %dma_start3A_336 = arith.constant 0 : i32
    %dma_start3A_337 = arith.constant 0 : i32
    %dma_start3A_338 = tpu.memref_slice %arg6[%add3A_335, %dma_start3A_336, %dma_start3A_337] : memref<79x1x128xi32, #tpu.memory_space<vmem>> -> memref<1x1x128xi32, #tpu.memory_space<vmem>>
    %dma_start3A_339 = tpu.memref_squeeze %dma_start3A_338 : memref<1x1x128xi32, #tpu.memory_space<vmem>> -> memref<128xi32, #tpu.memory_space<vmem>>
    %dma_start3A_340 = arith.constant 0 : i32
    %dma_start3A_341 = arith.constant 0 : i32
    %dma_start3A_342 = tpu.memref_slice %arg2[%dma_start3A_340, %dma_start3A_341] : memref<10240x16xf32, #tpu.memory_space<hbm>> -> memref<10240x16xf32, #tpu.memory_space<hbm>>
    tpu.enqueue_indirect_dma source(%dma_start3A_342 : memref<10240x16xf32, #tpu.memory_space<hbm>>) target(%arg11 : memref<128x16xf32, #tpu.memory_space<vmem>>) offsets(%dma_start3A_339 : memref<128xi32, #tpu.memory_space<vmem>>) semaphore(%arg19 : memref<!tpu.dma_semaphore, #tpu.memory_space<semaphore_mem>>)
    %scan3A = arith.constant 0 : i32
    %scan3A_343 = arith.constant 1 : i32
    %scan3A_344 = arith.constant 8 : i32
    %scan3A_345 = arith.addi %scan3A_343, %scan3A_344 : i32
    %scan3A_346 = arith.constant 1 : i32
    scf.for %scan3A_494 = %scan3A_343 to %scan3A_345 step %scan3A_346  : i32 {
      %mul3A_495 = arith.constant 8 : i32
      %mul3A_496 = arith.muli %mul3A_495, %scan3A_494 : i32
      %add3A_497 = arith.constant 0 : i32
      %add3A_498 = arith.addi %mul3A_496, %add3A_497 : i32
      %add3A_499 = arith.addi %sub3A, %add3A_498 : i32
      %dma_wait3A_500 = arith.constant 0 : i32
      %dma_wait3A_501 = arith.constant 0 : i32
      %dma_wait3A_502 = tpu.memref_slice %arg6[%add3A_499, %dma_wait3A_500, %dma_wait3A_501] : memref<79x1x128xi32, #tpu.memory_space<vmem>> -> memref<1x1x128xi32, #tpu.memory_space<vmem>>
      %dma_wait3A_503 = tpu.memref_squeeze %dma_wait3A_502 : memref<1x1x128xi32, #tpu.memory_space<vmem>> -> memref<128xi32, #tpu.memory_space<vmem>>
      %dma_wait3A_504 = arith.constant 0 : i32
      %dma_wait3A_505 = arith.constant 0 : i32
      %dma_wait3A_506 = tpu.memref_slice %arg2[%dma_wait3A_504, %dma_wait3A_505] : memref<10240x16xf32, #tpu.memory_space<hbm>> -> memref<10240x16xf32, #tpu.memory_space<hbm>>
      tpu.wait_indirect_dma semaphore(%arg16 : memref<!tpu.dma_semaphore, #tpu.memory_space<semaphore_mem>>) src(%dma_wait3A_506 : memref<10240x16xf32, #tpu.memory_space<hbm>>) dst(%arg8 : memref<128x16xf32, #tpu.memory_space<vmem>>)
      %add3A_507 = arith.addi %sub3A, %add3A_498 : i32
      %dma_start3A_508 = arith.constant 0 : i32
      %dma_start3A_509 = arith.constant 0 : i32
      %dma_start3A_510 = tpu.memref_slice %arg7[%add3A_507, %dma_start3A_508, %dma_start3A_509] : memref<79x1x128xi32, #tpu.memory_space<vmem>> -> memref<1x1x128xi32, #tpu.memory_space<vmem>>
      %dma_start3A_511 = tpu.memref_squeeze %dma_start3A_510 : memref<1x1x128xi32, #tpu.memory_space<vmem>> -> memref<128xi32, #tpu.memory_space<vmem>>
      %dma_start3A_512 = arith.constant 0 : i32
      %dma_start3A_513 = arith.constant 0 : i32
      %dma_start3A_514 = tpu.memref_slice %arg33[%dma_start3A_512, %dma_start3A_513] : memref<10240x16xf32, #tpu.memory_space<vmem_shared>> -> memref<10240x16xf32, #tpu.memory_space<vmem_shared>>
      tpu.enqueue_indirect_dma source(%arg8 : memref<128x16xf32, #tpu.memory_space<vmem>>) target(%dma_start3A_514 : memref<10240x16xf32, #tpu.memory_space<vmem_shared>>) offsets(%dma_start3A_511 : memref<128xi32, #tpu.memory_space<vmem>>) semaphore(%arg24 : memref<!tpu.dma_semaphore, #tpu.memory_space<semaphore_mem>>) {add = true}
      %dma_wait3A_515 = arith.constant 0 : i32
      %dma_wait3A_516 = arith.constant 0 : i32
      %dma_wait3A_517 = arith.constant 0 : i32
      %dma_wait3A_518 = tpu.memref_slice %arg7[%dma_wait3A_515, %dma_wait3A_516, %dma_wait3A_517] : memref<79x1x128xi32, #tpu.memory_space<vmem>> -> memref<1x1x128xi32, #tpu.memory_space<vmem>>
      %dma_wait3A_519 = tpu.memref_squeeze %dma_wait3A_518 : memref<1x1x128xi32, #tpu.memory_space<vmem>> -> memref<128xi32, #tpu.memory_space<vmem>>
      %dma_wait3A_520 = arith.constant 0 : i32
      %dma_wait3A_521 = arith.constant 0 : i32
      %dma_wait3A_522 = tpu.memref_slice %arg33[%dma_wait3A_520, %dma_wait3A_521] : memref<10240x16xf32, #tpu.memory_space<vmem_shared>> -> memref<10240x16xf32, #tpu.memory_space<vmem_shared>>
      tpu.wait_indirect_dma semaphore(%arg28 : memref<!tpu.dma_semaphore, #tpu.memory_space<semaphore_mem>>) src(%arg12 : memref<128x16xf32, #tpu.memory_space<vmem>>) dst(%dma_wait3A_522 : memref<10240x16xf32, #tpu.memory_space<vmem_shared>>)
      %add3A_523 = arith.addi %sub3A, %add3A_498 : i32
      %add3A_524 = arith.constant 4 : i32
      %add3A_525 = arith.addi %add3A_523, %add3A_524 : i32
      %dma_start3A_526 = arith.constant 0 : i32
      %dma_start3A_527 = arith.constant 0 : i32
      %dma_start3A_528 = tpu.memref_slice %arg6[%add3A_525, %dma_start3A_526, %dma_start3A_527] : memref<79x1x128xi32, #tpu.memory_space<vmem>> -> memref<1x1x128xi32, #tpu.memory_space<vmem>>
      %dma_start3A_529 = tpu.memref_squeeze %dma_start3A_528 : memref<1x1x128xi32, #tpu.memory_space<vmem>> -> memref<128xi32, #tpu.memory_space<vmem>>
      %dma_start3A_530 = arith.constant 0 : i32
      %dma_start3A_531 = arith.constant 0 : i32
      %dma_start3A_532 = tpu.memref_slice %arg2[%dma_start3A_530, %dma_start3A_531] : memref<10240x16xf32, #tpu.memory_space<hbm>> -> memref<10240x16xf32, #tpu.memory_space<hbm>>
      tpu.enqueue_indirect_dma source(%dma_start3A_532 : memref<10240x16xf32, #tpu.memory_space<hbm>>) target(%arg12 : memref<128x16xf32, #tpu.memory_space<vmem>>) offsets(%dma_start3A_529 : memref<128xi32, #tpu.memory_space<vmem>>) semaphore(%arg20 : memref<!tpu.dma_semaphore, #tpu.memory_space<semaphore_mem>>)
      %mul3A_533 = arith.constant 8 : i32
      %mul3A_534 = arith.muli %mul3A_533, %scan3A_494 : i32
      %add3A_535 = arith.constant 1 : i32
      %add3A_536 = arith.addi %mul3A_534, %add3A_535 : i32
      %add3A_537 = arith.addi %sub3A, %add3A_536 : i32
      %dma_wait3A_538 = arith.constant 0 : i32
      %dma_wait3A_539 = arith.constant 0 : i32
      %dma_wait3A_540 = tpu.memref_slice %arg6[%add3A_537, %dma_wait3A_538, %dma_wait3A_539] : memref<79x1x128xi32, #tpu.memory_space<vmem>> -> memref<1x1x128xi32, #tpu.memory_space<vmem>>
      %dma_wait3A_541 = tpu.memref_squeeze %dma_wait3A_540 : memref<1x1x128xi32, #tpu.memory_space<vmem>> -> memref<128xi32, #tpu.memory_space<vmem>>
      %dma_wait3A_542 = arith.constant 0 : i32
      %dma_wait3A_543 = arith.constant 0 : i32
      %dma_wait3A_544 = tpu.memref_slice %arg2[%dma_wait3A_542, %dma_wait3A_543] : memref<10240x16xf32, #tpu.memory_space<hbm>> -> memref<10240x16xf32, #tpu.memory_space<hbm>>
      tpu.wait_indirect_dma semaphore(%arg17 : memref<!tpu.dma_semaphore, #tpu.memory_space<semaphore_mem>>) src(%dma_wait3A_544 : memref<10240x16xf32, #tpu.memory_space<hbm>>) dst(%arg9 : memref<128x16xf32, #tpu.memory_space<vmem>>)
      %add3A_545 = arith.addi %sub3A, %add3A_536 : i32
      %dma_start3A_546 = arith.constant 0 : i32
      %dma_start3A_547 = arith.constant 0 : i32
      %dma_start3A_548 = tpu.memref_slice %arg7[%add3A_545, %dma_start3A_546, %dma_start3A_547] : memref<79x1x128xi32, #tpu.memory_space<vmem>> -> memref<1x1x128xi32, #tpu.memory_space<vmem>>
      %dma_start3A_549 = tpu.memref_squeeze %dma_start3A_548 : memref<1x1x128xi32, #tpu.memory_space<vmem>> -> memref<128xi32, #tpu.memory_space<vmem>>
      %dma_start3A_550 = arith.constant 0 : i32
      %dma_start3A_551 = arith.constant 0 : i32
      %dma_start3A_552 = tpu.memref_slice %arg33[%dma_start3A_550, %dma_start3A_551] : memref<10240x16xf32, #tpu.memory_space<vmem_shared>> -> memref<10240x16xf32, #tpu.memory_space<vmem_shared>>
      tpu.enqueue_indirect_dma source(%arg9 : memref<128x16xf32, #tpu.memory_space<vmem>>) target(%dma_start3A_552 : memref<10240x16xf32, #tpu.memory_space<vmem_shared>>) offsets(%dma_start3A_549 : memref<128xi32, #tpu.memory_space<vmem>>) semaphore(%arg25 : memref<!tpu.dma_semaphore, #tpu.memory_space<semaphore_mem>>) {add = true}
      %dma_wait3A_553 = arith.constant 0 : i32
      %dma_wait3A_554 = arith.constant 0 : i32
      %dma_wait3A_555 = arith.constant 0 : i32
      %dma_wait3A_556 = tpu.memref_slice %arg7[%dma_wait3A_553, %dma_wait3A_554, %dma_wait3A_555] : memref<79x1x128xi32, #tpu.memory_space<vmem>> -> memref<1x1x128xi32, #tpu.memory_space<vmem>>
      %dma_wait3A_557 = tpu.memref_squeeze %dma_wait3A_556 : memref<1x1x128xi32, #tpu.memory_space<vmem>> -> memref<128xi32, #tpu.memory_space<vmem>>
      %dma_wait3A_558 = arith.constant 0 : i32
      %dma_wait3A_559 = arith.constant 0 : i32
      %dma_wait3A_560 = tpu.memref_slice %arg33[%dma_wait3A_558, %dma_wait3A_559] : memref<10240x16xf32, #tpu.memory_space<vmem_shared>> -> memref<10240x16xf32, #tpu.memory_space<vmem_shared>>
      tpu.wait_indirect_dma semaphore(%arg29 : memref<!tpu.dma_semaphore, #tpu.memory_space<semaphore_mem>>) src(%arg13 : memref<128x16xf32, #tpu.memory_space<vmem>>) dst(%dma_wait3A_560 : memref<10240x16xf32, #tpu.memory_space<vmem_shared>>)
      %add3A_561 = arith.addi %sub3A, %add3A_536 : i32
      %add3A_562 = arith.constant 4 : i32
      %add3A_563 = arith.addi %add3A_561, %add3A_562 : i32
      %dma_start3A_564 = arith.constant 0 : i32
      %dma_start3A_565 = arith.constant 0 : i32
      %dma_start3A_566 = tpu.memref_slice %arg6[%add3A_563, %dma_start3A_564, %dma_start3A_565] : memref<79x1x128xi32, #tpu.memory_space<vmem>> -> memref<1x1x128xi32, #tpu.memory_space<vmem>>
      %dma_start3A_567 = tpu.memref_squeeze %dma_start3A_566 : memref<1x1x128xi32, #tpu.memory_space<vmem>> -> memref<128xi32, #tpu.memory_space<vmem>>
      %dma_start3A_568 = arith.constant 0 : i32
      %dma_start3A_569 = arith.constant 0 : i32
      %dma_start3A_570 = tpu.memref_slice %arg2[%dma_start3A_568, %dma_start3A_569] : memref<10240x16xf32, #tpu.memory_space<hbm>> -> memref<10240x16xf32, #tpu.memory_space<hbm>>
      tpu.enqueue_indirect_dma source(%dma_start3A_570 : memref<10240x16xf32, #tpu.memory_space<hbm>>) target(%arg13 : memref<128x16xf32, #tpu.memory_space<vmem>>) offsets(%dma_start3A_567 : memref<128xi32, #tpu.memory_space<vmem>>) semaphore(%arg21 : memref<!tpu.dma_semaphore, #tpu.memory_space<semaphore_mem>>)
      %mul3A_571 = arith.constant 8 : i32
      %mul3A_572 = arith.muli %mul3A_571, %scan3A_494 : i32
      %add3A_573 = arith.constant 2 : i32
      %add3A_574 = arith.addi %mul3A_572, %add3A_573 : i32
      %add3A_575 = arith.addi %sub3A, %add3A_574 : i32
      %dma_wait3A_576 = arith.constant 0 : i32
      %dma_wait3A_577 = arith.constant 0 : i32
      %dma_wait3A_578 = tpu.memref_slice %arg6[%add3A_575, %dma_wait3A_576, %dma_wait3A_577] : memref<79x1x128xi32, #tpu.memory_space<vmem>> -> memref<1x1x128xi32, #tpu.memory_space<vmem>>
      %dma_wait3A_579 = tpu.memref_squeeze %dma_wait3A_578 : memref<1x1x128xi32, #tpu.memory_space<vmem>> -> memref<128xi32, #tpu.memory_space<vmem>>
      %dma_wait3A_580 = arith.constant 0 : i32
      %dma_wait3A_581 = arith.constant 0 : i32
      %dma_wait3A_582 = tpu.memref_slice %arg2[%dma_wait3A_580, %dma_wait3A_581] : memref<10240x16xf32, #tpu.memory_space<hbm>> -> memref<10240x16xf32, #tpu.memory_space<hbm>>
      tpu.wait_indirect_dma semaphore(%arg18 : memref<!tpu.dma_semaphore, #tpu.memory_space<semaphore_mem>>) src(%dma_wait3A_582 : memref<10240x16xf32, #tpu.memory_space<hbm>>) dst(%arg10 : memref<128x16xf32, #tpu.memory_space<vmem>>)
      %add3A_583 = arith.addi %sub3A, %add3A_574 : i32
      %dma_start3A_584 = arith.constant 0 : i32
      %dma_start3A_585 = arith.constant 0 : i32
      %dma_start3A_586 = tpu.memref_slice %arg7[%add3A_583, %dma_start3A_584, %dma_start3A_585] : memref<79x1x128xi32, #tpu.memory_space<vmem>> -> memref<1x1x128xi32, #tpu.memory_space<vmem>>
      %dma_start3A_587 = tpu.memref_squeeze %dma_start3A_586 : memref<1x1x128xi32, #tpu.memory_space<vmem>> -> memref<128xi32, #tpu.memory_space<vmem>>
      %dma_start3A_588 = arith.constant 0 : i32
      %dma_start3A_589 = arith.constant 0 : i32
      %dma_start3A_590 = tpu.memref_slice %arg33[%dma_start3A_588, %dma_start3A_589] : memref<10240x16xf32, #tpu.memory_space<vmem_shared>> -> memref<10240x16xf32, #tpu.memory_space<vmem_shared>>
      tpu.enqueue_indirect_dma source(%arg10 : memref<128x16xf32, #tpu.memory_space<vmem>>) target(%dma_start3A_590 : memref<10240x16xf32, #tpu.memory_space<vmem_shared>>) offsets(%dma_start3A_587 : memref<128xi32, #tpu.memory_space<vmem>>) semaphore(%arg26 : memref<!tpu.dma_semaphore, #tpu.memory_space<semaphore_mem>>) {add = true}
      %dma_wait3A_591 = arith.constant 0 : i32
      %dma_wait3A_592 = arith.constant 0 : i32
      %dma_wait3A_593 = arith.constant 0 : i32
      %dma_wait3A_594 = tpu.memref_slice %arg7[%dma_wait3A_591, %dma_wait3A_592, %dma_wait3A_593] : memref<79x1x128xi32, #tpu.memory_space<vmem>> -> memref<1x1x128xi32, #tpu.memory_space<vmem>>
      %dma_wait3A_595 = tpu.memref_squeeze %dma_wait3A_594 : memref<1x1x128xi32, #tpu.memory_space<vmem>> -> memref<128xi32, #tpu.memory_space<vmem>>
      %dma_wait3A_596 = arith.constant 0 : i32
      %dma_wait3A_597 = arith.constant 0 : i32
      %dma_wait3A_598 = tpu.memref_slice %arg33[%dma_wait3A_596, %dma_wait3A_597] : memref<10240x16xf32, #tpu.memory_space<vmem_shared>> -> memref<10240x16xf32, #tpu.memory_space<vmem_shared>>
      tpu.wait_indirect_dma semaphore(%arg30 : memref<!tpu.dma_semaphore, #tpu.memory_space<semaphore_mem>>) src(%arg14 : memref<128x16xf32, #tpu.memory_space<vmem>>) dst(%dma_wait3A_598 : memref<10240x16xf32, #tpu.memory_space<vmem_shared>>)
      %add3A_599 = arith.addi %sub3A, %add3A_574 : i32
      %add3A_600 = arith.constant 4 : i32
      %add3A_601 = arith.addi %add3A_599, %add3A_600 : i32
      %dma_start3A_602 = arith.constant 0 : i32
      %dma_start3A_603 = arith.constant 0 : i32
      %dma_start3A_604 = tpu.memref_slice %arg6[%add3A_601, %dma_start3A_602, %dma_start3A_603] : memref<79x1x128xi32, #tpu.memory_space<vmem>> -> memref<1x1x128xi32, #tpu.memory_space<vmem>>
      %dma_start3A_605 = tpu.memref_squeeze %dma_start3A_604 : memref<1x1x128xi32, #tpu.memory_space<vmem>> -> memref<128xi32, #tpu.memory_space<vmem>>
      %dma_start3A_606 = arith.constant 0 : i32
      %dma_start3A_607 = arith.constant 0 : i32
      %dma_start3A_608 = tpu.memref_slice %arg2[%dma_start3A_606, %dma_start3A_607] : memref<10240x16xf32, #tpu.memory_space<hbm>> -> memref<10240x16xf32, #tpu.memory_space<hbm>>
      tpu.enqueue_indirect_dma source(%dma_start3A_608 : memref<10240x16xf32, #tpu.memory_space<hbm>>) target(%arg14 : memref<128x16xf32, #tpu.memory_space<vmem>>) offsets(%dma_start3A_605 : memref<128xi32, #tpu.memory_space<vmem>>) semaphore(%arg22 : memref<!tpu.dma_semaphore, #tpu.memory_space<semaphore_mem>>)
      %mul3A_609 = arith.constant 8 : i32
      %mul3A_610 = arith.muli %mul3A_609, %scan3A_494 : i32
      %add3A_611 = arith.constant 3 : i32
      %add3A_612 = arith.addi %mul3A_610, %add3A_611 : i32
      %add3A_613 = arith.addi %sub3A, %add3A_612 : i32
      %dma_wait3A_614 = arith.constant 0 : i32
      %dma_wait3A_615 = arith.constant 0 : i32
      %dma_wait3A_616 = tpu.memref_slice %arg6[%add3A_613, %dma_wait3A_614, %dma_wait3A_615] : memref<79x1x128xi32, #tpu.memory_space<vmem>> -> memref<1x1x128xi32, #tpu.memory_space<vmem>>
      %dma_wait3A_617 = tpu.memref_squeeze %dma_wait3A_616 : memref<1x1x128xi32, #tpu.memory_space<vmem>> -> memref<128xi32, #tpu.memory_space<vmem>>
      %dma_wait3A_618 = arith.constant 0 : i32
      %dma_wait3A_619 = arith.constant 0 : i32
      %dma_wait3A_620 = tpu.memref_slice %arg2[%dma_wait3A_618, %dma_wait3A_619] : memref<10240x16xf32, #tpu.memory_space<hbm>> -> memref<10240x16xf32, #tpu.memory_space<hbm>>
      tpu.wait_indirect_dma semaphore(%arg19 : memref<!tpu.dma_semaphore, #tpu.memory_space<semaphore_mem>>) src(%dma_wait3A_620 : memref<10240x16xf32, #tpu.memory_space<hbm>>) dst(%arg11 : memref<128x16xf32, #tpu.memory_space<vmem>>)
      %add3A_621 = arith.addi %sub3A, %add3A_612 : i32
      %dma_start3A_622 = arith.constant 0 : i32
      %dma_start3A_623 = arith.constant 0 : i32
      %dma_start3A_624 = tpu.memref_slice %arg7[%add3A_621, %dma_start3A_622, %dma_start3A_623] : memref<79x1x128xi32, #tpu.memory_space<vmem>> -> memref<1x1x128xi32, #tpu.memory_space<vmem>>
      %dma_start3A_625 = tpu.memref_squeeze %dma_start3A_624 : memref<1x1x128xi32, #tpu.memory_space<vmem>> -> memref<128xi32, #tpu.memory_space<vmem>>
      %dma_start3A_626 = arith.constant 0 : i32
      %dma_start3A_627 = arith.constant 0 : i32
      %dma_start3A_628 = tpu.memref_slice %arg33[%dma_start3A_626, %dma_start3A_627] : memref<10240x16xf32, #tpu.memory_space<vmem_shared>> -> memref<10240x16xf32, #tpu.memory_space<vmem_shared>>
      tpu.enqueue_indirect_dma source(%arg11 : memref<128x16xf32, #tpu.memory_space<vmem>>) target(%dma_start3A_628 : memref<10240x16xf32, #tpu.memory_space<vmem_shared>>) offsets(%dma_start3A_625 : memref<128xi32, #tpu.memory_space<vmem>>) semaphore(%arg27 : memref<!tpu.dma_semaphore, #tpu.memory_space<semaphore_mem>>) {add = true}
      %dma_wait3A_629 = arith.constant 0 : i32
      %dma_wait3A_630 = arith.constant 0 : i32
      %dma_wait3A_631 = arith.constant 0 : i32
      %dma_wait3A_632 = tpu.memref_slice %arg7[%dma_wait3A_629, %dma_wait3A_630, %dma_wait3A_631] : memref<79x1x128xi32, #tpu.memory_space<vmem>> -> memref<1x1x128xi32, #tpu.memory_space<vmem>>
      %dma_wait3A_633 = tpu.memref_squeeze %dma_wait3A_632 : memref<1x1x128xi32, #tpu.memory_space<vmem>> -> memref<128xi32, #tpu.memory_space<vmem>>
      %dma_wait3A_634 = arith.constant 0 : i32
      %dma_wait3A_635 = arith.constant 0 : i32
      %dma_wait3A_636 = tpu.memref_slice %arg33[%dma_wait3A_634, %dma_wait3A_635] : memref<10240x16xf32, #tpu.memory_space<vmem_shared>> -> memref<10240x16xf32, #tpu.memory_space<vmem_shared>>
      tpu.wait_indirect_dma semaphore(%arg31 : memref<!tpu.dma_semaphore, #tpu.memory_space<semaphore_mem>>) src(%arg15 : memref<128x16xf32, #tpu.memory_space<vmem>>) dst(%dma_wait3A_636 : memref<10240x16xf32, #tpu.memory_space<vmem_shared>>)
      %add3A_637 = arith.addi %sub3A, %add3A_612 : i32
      %add3A_638 = arith.constant 4 : i32
      %add3A_639 = arith.addi %add3A_637, %add3A_638 : i32
      %dma_start3A_640 = arith.constant 0 : i32
      %dma_start3A_641 = arith.constant 0 : i32
      %dma_start3A_642 = tpu.memref_slice %arg6[%add3A_639, %dma_start3A_640, %dma_start3A_641] : memref<79x1x128xi32, #tpu.memory_space<vmem>> -> memref<1x1x128xi32, #tpu.memory_space<vmem>>
      %dma_start3A_643 = tpu.memref_squeeze %dma_start3A_642 : memref<1x1x128xi32, #tpu.memory_space<vmem>> -> memref<128xi32, #tpu.memory_space<vmem>>
      %dma_start3A_644 = arith.constant 0 : i32
      %dma_start3A_645 = arith.constant 0 : i32
      %dma_start3A_646 = tpu.memref_slice %arg2[%dma_start3A_644, %dma_start3A_645] : memref<10240x16xf32, #tpu.memory_space<hbm>> -> memref<10240x16xf32, #tpu.memory_space<hbm>>
      tpu.enqueue_indirect_dma source(%dma_start3A_646 : memref<10240x16xf32, #tpu.memory_space<hbm>>) target(%arg15 : memref<128x16xf32, #tpu.memory_space<vmem>>) offsets(%dma_start3A_643 : memref<128xi32, #tpu.memory_space<vmem>>) semaphore(%arg23 : memref<!tpu.dma_semaphore, #tpu.memory_space<semaphore_mem>>)
      %mul3A_647 = arith.constant 8 : i32
      %mul3A_648 = arith.muli %mul3A_647, %scan3A_494 : i32
      %add3A_649 = arith.constant 4 : i32
      %add3A_650 = arith.addi %mul3A_648, %add3A_649 : i32
      %add3A_651 = arith.addi %sub3A, %add3A_650 : i32
      %dma_wait3A_652 = arith.constant 0 : i32
      %dma_wait3A_653 = arith.constant 0 : i32
      %dma_wait3A_654 = tpu.memref_slice %arg6[%add3A_651, %dma_wait3A_652, %dma_wait3A_653] : memref<79x1x128xi32, #tpu.memory_space<vmem>> -> memref<1x1x128xi32, #tpu.memory_space<vmem>>
      %dma_wait3A_655 = tpu.memref_squeeze %dma_wait3A_654 : memref<1x1x128xi32, #tpu.memory_space<vmem>> -> memref<128xi32, #tpu.memory_space<vmem>>
      %dma_wait3A_656 = arith.constant 0 : i32
      %dma_wait3A_657 = arith.constant 0 : i32
      %dma_wait3A_658 = tpu.memref_slice %arg2[%dma_wait3A_656, %dma_wait3A_657] : memref<10240x16xf32, #tpu.memory_space<hbm>> -> memref<10240x16xf32, #tpu.memory_space<hbm>>
      tpu.wait_indirect_dma semaphore(%arg20 : memref<!tpu.dma_semaphore, #tpu.memory_space<semaphore_mem>>) src(%dma_wait3A_658 : memref<10240x16xf32, #tpu.memory_space<hbm>>) dst(%arg12 : memref<128x16xf32, #tpu.memory_space<vmem>>)
      %add3A_659 = arith.addi %sub3A, %add3A_650 : i32
      %dma_start3A_660 = arith.constant 0 : i32
      %dma_start3A_661 = arith.constant 0 : i32
      %dma_start3A_662 = tpu.memref_slice %arg7[%add3A_659, %dma_start3A_660, %dma_start3A_661] : memref<79x1x128xi32, #tpu.memory_space<vmem>> -> memref<1x1x128xi32, #tpu.memory_space<vmem>>
      %dma_start3A_663 = tpu.memref_squeeze %dma_start3A_662 : memref<1x1x128xi32, #tpu.memory_space<vmem>> -> memref<128xi32, #tpu.memory_space<vmem>>
      %dma_start3A_664 = arith.constant 0 : i32
      %dma_start3A_665 = arith.constant 0 : i32
      %dma_start3A_666 = tpu.memref_slice %arg33[%dma_start3A_664, %dma_start3A_665] : memref<10240x16xf32, #tpu.memory_space<vmem_shared>> -> memref<10240x16xf32, #tpu.memory_space<vmem_shared>>
      tpu.enqueue_indirect_dma source(%arg12 : memref<128x16xf32, #tpu.memory_space<vmem>>) target(%dma_start3A_666 : memref<10240x16xf32, #tpu.memory_space<vmem_shared>>) offsets(%dma_start3A_663 : memref<128xi32, #tpu.memory_space<vmem>>) semaphore(%arg28 : memref<!tpu.dma_semaphore, #tpu.memory_space<semaphore_mem>>) {add = true}
      %dma_wait3A_667 = arith.constant 0 : i32
      %dma_wait3A_668 = arith.constant 0 : i32
      %dma_wait3A_669 = arith.constant 0 : i32
      %dma_wait3A_670 = tpu.memref_slice %arg7[%dma_wait3A_667, %dma_wait3A_668, %dma_wait3A_669] : memref<79x1x128xi32, #tpu.memory_space<vmem>> -> memref<1x1x128xi32, #tpu.memory_space<vmem>>
      %dma_wait3A_671 = tpu.memref_squeeze %dma_wait3A_670 : memref<1x1x128xi32, #tpu.memory_space<vmem>> -> memref<128xi32, #tpu.memory_space<vmem>>
      %dma_wait3A_672 = arith.constant 0 : i32
      %dma_wait3A_673 = arith.constant 0 : i32
      %dma_wait3A_674 = tpu.memref_slice %arg33[%dma_wait3A_672, %dma_wait3A_673] : memref<10240x16xf32, #tpu.memory_space<vmem_shared>> -> memref<10240x16xf32, #tpu.memory_space<vmem_shared>>
      tpu.wait_indirect_dma semaphore(%arg24 : memref<!tpu.dma_semaphore, #tpu.memory_space<semaphore_mem>>) src(%arg8 : memref<128x16xf32, #tpu.memory_space<vmem>>) dst(%dma_wait3A_674 : memref<10240x16xf32, #tpu.memory_space<vmem_shared>>)
      %add3A_675 = arith.addi %sub3A, %add3A_650 : i32
      %add3A_676 = arith.constant 4 : i32
      %add3A_677 = arith.addi %add3A_675, %add3A_676 : i32
      %dma_start3A_678 = arith.constant 0 : i32
      %dma_start3A_679 = arith.constant 0 : i32
      %dma_start3A_680 = tpu.memref_slice %arg6[%add3A_677, %dma_start3A_678, %dma_start3A_679] : memref<79x1x128xi32, #tpu.memory_space<vmem>> -> memref<1x1x128xi32, #tpu.memory_space<vmem>>
      %dma_start3A_681 = tpu.memref_squeeze %dma_start3A_680 : memref<1x1x128xi32, #tpu.memory_space<vmem>> -> memref<128xi32, #tpu.memory_space<vmem>>
      %dma_start3A_682 = arith.constant 0 : i32
      %dma_start3A_683 = arith.constant 0 : i32
      %dma_start3A_684 = tpu.memref_slice %arg2[%dma_start3A_682, %dma_start3A_683] : memref<10240x16xf32, #tpu.memory_space<hbm>> -> memref<10240x16xf32, #tpu.memory_space<hbm>>
      tpu.enqueue_indirect_dma source(%dma_start3A_684 : memref<10240x16xf32, #tpu.memory_space<hbm>>) target(%arg8 : memref<128x16xf32, #tpu.memory_space<vmem>>) offsets(%dma_start3A_681 : memref<128xi32, #tpu.memory_space<vmem>>) semaphore(%arg16 : memref<!tpu.dma_semaphore, #tpu.memory_space<semaphore_mem>>)
      %mul3A_685 = arith.constant 8 : i32
      %mul3A_686 = arith.muli %mul3A_685, %scan3A_494 : i32
      %add3A_687 = arith.constant 5 : i32
      %add3A_688 = arith.addi %mul3A_686, %add3A_687 : i32
      %add3A_689 = arith.addi %sub3A, %add3A_688 : i32
      %dma_wait3A_690 = arith.constant 0 : i32
      %dma_wait3A_691 = arith.constant 0 : i32
      %dma_wait3A_692 = tpu.memref_slice %arg6[%add3A_689, %dma_wait3A_690, %dma_wait3A_691] : memref<79x1x128xi32, #tpu.memory_space<vmem>> -> memref<1x1x128xi32, #tpu.memory_space<vmem>>
      %dma_wait3A_693 = tpu.memref_squeeze %dma_wait3A_692 : memref<1x1x128xi32, #tpu.memory_space<vmem>> -> memref<128xi32, #tpu.memory_space<vmem>>
      %dma_wait3A_694 = arith.constant 0 : i32
      %dma_wait3A_695 = arith.constant 0 : i32
      %dma_wait3A_696 = tpu.memref_slice %arg2[%dma_wait3A_694, %dma_wait3A_695] : memref<10240x16xf32, #tpu.memory_space<hbm>> -> memref<10240x16xf32, #tpu.memory_space<hbm>>
      tpu.wait_indirect_dma semaphore(%arg21 : memref<!tpu.dma_semaphore, #tpu.memory_space<semaphore_mem>>) src(%dma_wait3A_696 : memref<10240x16xf32, #tpu.memory_space<hbm>>) dst(%arg13 : memref<128x16xf32, #tpu.memory_space<vmem>>)
      %add3A_697 = arith.addi %sub3A, %add3A_688 : i32
      %dma_start3A_698 = arith.constant 0 : i32
      %dma_start3A_699 = arith.constant 0 : i32
      %dma_start3A_700 = tpu.memref_slice %arg7[%add3A_697, %dma_start3A_698, %dma_start3A_699] : memref<79x1x128xi32, #tpu.memory_space<vmem>> -> memref<1x1x128xi32, #tpu.memory_space<vmem>>
      %dma_start3A_701 = tpu.memref_squeeze %dma_start3A_700 : memref<1x1x128xi32, #tpu.memory_space<vmem>> -> memref<128xi32, #tpu.memory_space<vmem>>
      %dma_start3A_702 = arith.constant 0 : i32
      %dma_start3A_703 = arith.constant 0 : i32
      %dma_start3A_704 = tpu.memref_slice %arg33[%dma_start3A_702, %dma_start3A_703] : memref<10240x16xf32, #tpu.memory_space<vmem_shared>> -> memref<10240x16xf32, #tpu.memory_space<vmem_shared>>
      tpu.enqueue_indirect_dma source(%arg13 : memref<128x16xf32, #tpu.memory_space<vmem>>) target(%dma_start3A_704 : memref<10240x16xf32, #tpu.memory_space<vmem_shared>>) offsets(%dma_start3A_701 : memref<128xi32, #tpu.memory_space<vmem>>) semaphore(%arg29 : memref<!tpu.dma_semaphore, #tpu.memory_space<semaphore_mem>>) {add = true}
      %dma_wait3A_705 = arith.constant 0 : i32
      %dma_wait3A_706 = arith.constant 0 : i32
      %dma_wait3A_707 = arith.constant 0 : i32
      %dma_wait3A_708 = tpu.memref_slice %arg7[%dma_wait3A_705, %dma_wait3A_706, %dma_wait3A_707] : memref<79x1x128xi32, #tpu.memory_space<vmem>> -> memref<1x1x128xi32, #tpu.memory_space<vmem>>
      %dma_wait3A_709 = tpu.memref_squeeze %dma_wait3A_708 : memref<1x1x128xi32, #tpu.memory_space<vmem>> -> memref<128xi32, #tpu.memory_space<vmem>>
      %dma_wait3A_710 = arith.constant 0 : i32
      %dma_wait3A_711 = arith.constant 0 : i32
      %dma_wait3A_712 = tpu.memref_slice %arg33[%dma_wait3A_710, %dma_wait3A_711] : memref<10240x16xf32, #tpu.memory_space<vmem_shared>> -> memref<10240x16xf32, #tpu.memory_space<vmem_shared>>
      tpu.wait_indirect_dma semaphore(%arg25 : memref<!tpu.dma_semaphore, #tpu.memory_space<semaphore_mem>>) src(%arg9 : memref<128x16xf32, #tpu.memory_space<vmem>>) dst(%dma_wait3A_712 : memref<10240x16xf32, #tpu.memory_space<vmem_shared>>)
      %add3A_713 = arith.addi %sub3A, %add3A_688 : i32
      %add3A_714 = arith.constant 4 : i32
      %add3A_715 = arith.addi %add3A_713, %add3A_714 : i32
      %dma_start3A_716 = arith.constant 0 : i32
      %dma_start3A_717 = arith.constant 0 : i32
      %dma_start3A_718 = tpu.memref_slice %arg6[%add3A_715, %dma_start3A_716, %dma_start3A_717] : memref<79x1x128xi32, #tpu.memory_space<vmem>> -> memref<1x1x128xi32, #tpu.memory_space<vmem>>
      %dma_start3A_719 = tpu.memref_squeeze %dma_start3A_718 : memref<1x1x128xi32, #tpu.memory_space<vmem>> -> memref<128xi32, #tpu.memory_space<vmem>>
      %dma_start3A_720 = arith.constant 0 : i32
      %dma_start3A_721 = arith.constant 0 : i32
      %dma_start3A_722 = tpu.memref_slice %arg2[%dma_start3A_720, %dma_start3A_721] : memref<10240x16xf32, #tpu.memory_space<hbm>> -> memref<10240x16xf32, #tpu.memory_space<hbm>>
      tpu.enqueue_indirect_dma source(%dma_start3A_722 : memref<10240x16xf32, #tpu.memory_space<hbm>>) target(%arg9 : memref<128x16xf32, #tpu.memory_space<vmem>>) offsets(%dma_start3A_719 : memref<128xi32, #tpu.memory_space<vmem>>) semaphore(%arg17 : memref<!tpu.dma_semaphore, #tpu.memory_space<semaphore_mem>>)
      %mul3A_723 = arith.constant 8 : i32
      %mul3A_724 = arith.muli %mul3A_723, %scan3A_494 : i32
      %add3A_725 = arith.constant 6 : i32
      %add3A_726 = arith.addi %mul3A_724, %add3A_725 : i32
      %add3A_727 = arith.addi %sub3A, %add3A_726 : i32
      %dma_wait3A_728 = arith.constant 0 : i32
      %dma_wait3A_729 = arith.constant 0 : i32
      %dma_wait3A_730 = tpu.memref_slice %arg6[%add3A_727, %dma_wait3A_728, %dma_wait3A_729] : memref<79x1x128xi32, #tpu.memory_space<vmem>> -> memref<1x1x128xi32, #tpu.memory_space<vmem>>
      %dma_wait3A_731 = tpu.memref_squeeze %dma_wait3A_730 : memref<1x1x128xi32, #tpu.memory_space<vmem>> -> memref<128xi32, #tpu.memory_space<vmem>>
      %dma_wait3A_732 = arith.constant 0 : i32
      %dma_wait3A_733 = arith.constant 0 : i32
      %dma_wait3A_734 = tpu.memref_slice %arg2[%dma_wait3A_732, %dma_wait3A_733] : memref<10240x16xf32, #tpu.memory_space<hbm>> -> memref<10240x16xf32, #tpu.memory_space<hbm>>
      tpu.wait_indirect_dma semaphore(%arg22 : memref<!tpu.dma_semaphore, #tpu.memory_space<semaphore_mem>>) src(%dma_wait3A_734 : memref<10240x16xf32, #tpu.memory_space<hbm>>) dst(%arg14 : memref<128x16xf32, #tpu.memory_space<vmem>>)
      %add3A_735 = arith.addi %sub3A, %add3A_726 : i32
      %dma_start3A_736 = arith.constant 0 : i32
      %dma_start3A_737 = arith.constant 0 : i32
      %dma_start3A_738 = tpu.memref_slice %arg7[%add3A_735, %dma_start3A_736, %dma_start3A_737] : memref<79x1x128xi32, #tpu.memory_space<vmem>> -> memref<1x1x128xi32, #tpu.memory_space<vmem>>
      %dma_start3A_739 = tpu.memref_squeeze %dma_start3A_738 : memref<1x1x128xi32, #tpu.memory_space<vmem>> -> memref<128xi32, #tpu.memory_space<vmem>>
      %dma_start3A_740 = arith.constant 0 : i32
      %dma_start3A_741 = arith.constant 0 : i32
      %dma_start3A_742 = tpu.memref_slice %arg33[%dma_start3A_740, %dma_start3A_741] : memref<10240x16xf32, #tpu.memory_space<vmem_shared>> -> memref<10240x16xf32, #tpu.memory_space<vmem_shared>>
      tpu.enqueue_indirect_dma source(%arg14 : memref<128x16xf32, #tpu.memory_space<vmem>>) target(%dma_start3A_742 : memref<10240x16xf32, #tpu.memory_space<vmem_shared>>) offsets(%dma_start3A_739 : memref<128xi32, #tpu.memory_space<vmem>>) semaphore(%arg30 : memref<!tpu.dma_semaphore, #tpu.memory_space<semaphore_mem>>) {add = true}
      %dma_wait3A_743 = arith.constant 0 : i32
      %dma_wait3A_744 = arith.constant 0 : i32
      %dma_wait3A_745 = arith.constant 0 : i32
      %dma_wait3A_746 = tpu.memref_slice %arg7[%dma_wait3A_743, %dma_wait3A_744, %dma_wait3A_745] : memref<79x1x128xi32, #tpu.memory_space<vmem>> -> memref<1x1x128xi32, #tpu.memory_space<vmem>>
      %dma_wait3A_747 = tpu.memref_squeeze %dma_wait3A_746 : memref<1x1x128xi32, #tpu.memory_space<vmem>> -> memref<128xi32, #tpu.memory_space<vmem>>
      %dma_wait3A_748 = arith.constant 0 : i32
      %dma_wait3A_749 = arith.constant 0 : i32
      %dma_wait3A_750 = tpu.memref_slice %arg33[%dma_wait3A_748, %dma_wait3A_749] : memref<10240x16xf32, #tpu.memory_space<vmem_shared>> -> memref<10240x16xf32, #tpu.memory_space<vmem_shared>>
      tpu.wait_indirect_dma semaphore(%arg26 : memref<!tpu.dma_semaphore, #tpu.memory_space<semaphore_mem>>) src(%arg10 : memref<128x16xf32, #tpu.memory_space<vmem>>) dst(%dma_wait3A_750 : memref<10240x16xf32, #tpu.memory_space<vmem_shared>>)
      %add3A_751 = arith.addi %sub3A, %add3A_726 : i32
      %add3A_752 = arith.constant 4 : i32
      %add3A_753 = arith.addi %add3A_751, %add3A_752 : i32
      %dma_start3A_754 = arith.constant 0 : i32
      %dma_start3A_755 = arith.constant 0 : i32
      %dma_start3A_756 = tpu.memref_slice %arg6[%add3A_753, %dma_start3A_754, %dma_start3A_755] : memref<79x1x128xi32, #tpu.memory_space<vmem>> -> memref<1x1x128xi32, #tpu.memory_space<vmem>>
      %dma_start3A_757 = tpu.memref_squeeze %dma_start3A_756 : memref<1x1x128xi32, #tpu.memory_space<vmem>> -> memref<128xi32, #tpu.memory_space<vmem>>
      %dma_start3A_758 = arith.constant 0 : i32
      %dma_start3A_759 = arith.constant 0 : i32
      %dma_start3A_760 = tpu.memref_slice %arg2[%dma_start3A_758, %dma_start3A_759] : memref<10240x16xf32, #tpu.memory_space<hbm>> -> memref<10240x16xf32, #tpu.memory_space<hbm>>
      tpu.enqueue_indirect_dma source(%dma_start3A_760 : memref<10240x16xf32, #tpu.memory_space<hbm>>) target(%arg10 : memref<128x16xf32, #tpu.memory_space<vmem>>) offsets(%dma_start3A_757 : memref<128xi32, #tpu.memory_space<vmem>>) semaphore(%arg18 : memref<!tpu.dma_semaphore, #tpu.memory_space<semaphore_mem>>)
      %mul3A_761 = arith.constant 8 : i32
      %mul3A_762 = arith.muli %mul3A_761, %scan3A_494 : i32
      %add3A_763 = arith.constant 7 : i32
      %add3A_764 = arith.addi %mul3A_762, %add3A_763 : i32
      %add3A_765 = arith.addi %sub3A, %add3A_764 : i32
      %dma_wait3A_766 = arith.constant 0 : i32
      %dma_wait3A_767 = arith.constant 0 : i32
      %dma_wait3A_768 = tpu.memref_slice %arg6[%add3A_765, %dma_wait3A_766, %dma_wait3A_767] : memref<79x1x128xi32, #tpu.memory_space<vmem>> -> memref<1x1x128xi32, #tpu.memory_space<vmem>>
      %dma_wait3A_769 = tpu.memref_squeeze %dma_wait3A_768 : memref<1x1x128xi32, #tpu.memory_space<vmem>> -> memref<128xi32, #tpu.memory_space<vmem>>
      %dma_wait3A_770 = arith.constant 0 : i32
      %dma_wait3A_771 = arith.constant 0 : i32
      %dma_wait3A_772 = tpu.memref_slice %arg2[%dma_wait3A_770, %dma_wait3A_771] : memref<10240x16xf32, #tpu.memory_space<hbm>> -> memref<10240x16xf32, #tpu.memory_space<hbm>>
      tpu.wait_indirect_dma semaphore(%arg23 : memref<!tpu.dma_semaphore, #tpu.memory_space<semaphore_mem>>) src(%dma_wait3A_772 : memref<10240x16xf32, #tpu.memory_space<hbm>>) dst(%arg15 : memref<128x16xf32, #tpu.memory_space<vmem>>)
      %add3A_773 = arith.addi %sub3A, %add3A_764 : i32
      %dma_start3A_774 = arith.constant 0 : i32
      %dma_start3A_775 = arith.constant 0 : i32
      %dma_start3A_776 = tpu.memref_slice %arg7[%add3A_773, %dma_start3A_774, %dma_start3A_775] : memref<79x1x128xi32, #tpu.memory_space<vmem>> -> memref<1x1x128xi32, #tpu.memory_space<vmem>>
      %dma_start3A_777 = tpu.memref_squeeze %dma_start3A_776 : memref<1x1x128xi32, #tpu.memory_space<vmem>> -> memref<128xi32, #tpu.memory_space<vmem>>
      %dma_start3A_778 = arith.constant 0 : i32
      %dma_start3A_779 = arith.constant 0 : i32
      %dma_start3A_780 = tpu.memref_slice %arg33[%dma_start3A_778, %dma_start3A_779] : memref<10240x16xf32, #tpu.memory_space<vmem_shared>> -> memref<10240x16xf32, #tpu.memory_space<vmem_shared>>
      tpu.enqueue_indirect_dma source(%arg15 : memref<128x16xf32, #tpu.memory_space<vmem>>) target(%dma_start3A_780 : memref<10240x16xf32, #tpu.memory_space<vmem_shared>>) offsets(%dma_start3A_777 : memref<128xi32, #tpu.memory_space<vmem>>) semaphore(%arg31 : memref<!tpu.dma_semaphore, #tpu.memory_space<semaphore_mem>>) {add = true}
      %dma_wait3A_781 = arith.constant 0 : i32
      %dma_wait3A_782 = arith.constant 0 : i32
      %dma_wait3A_783 = arith.constant 0 : i32
      %dma_wait3A_784 = tpu.memref_slice %arg7[%dma_wait3A_781, %dma_wait3A_782, %dma_wait3A_783] : memref<79x1x128xi32, #tpu.memory_space<vmem>> -> memref<1x1x128xi32, #tpu.memory_space<vmem>>
      %dma_wait3A_785 = tpu.memref_squeeze %dma_wait3A_784 : memref<1x1x128xi32, #tpu.memory_space<vmem>> -> memref<128xi32, #tpu.memory_space<vmem>>
      %dma_wait3A_786 = arith.constant 0 : i32
      %dma_wait3A_787 = arith.constant 0 : i32
      %dma_wait3A_788 = tpu.memref_slice %arg33[%dma_wait3A_786, %dma_wait3A_787] : memref<10240x16xf32, #tpu.memory_space<vmem_shared>> -> memref<10240x16xf32, #tpu.memory_space<vmem_shared>>
      tpu.wait_indirect_dma semaphore(%arg27 : memref<!tpu.dma_semaphore, #tpu.memory_space<semaphore_mem>>) src(%arg11 : memref<128x16xf32, #tpu.memory_space<vmem>>) dst(%dma_wait3A_788 : memref<10240x16xf32, #tpu.memory_space<vmem_shared>>)
      %add3A_789 = arith.addi %sub3A, %add3A_764 : i32
      %add3A_790 = arith.constant 4 : i32
      %add3A_791 = arith.addi %add3A_789, %add3A_790 : i32
      %dma_start3A_792 = arith.constant 0 : i32
      %dma_start3A_793 = arith.constant 0 : i32
      %dma_start3A_794 = tpu.memref_slice %arg6[%add3A_791, %dma_start3A_792, %dma_start3A_793] : memref<79x1x128xi32, #tpu.memory_space<vmem>> -> memref<1x1x128xi32, #tpu.memory_space<vmem>>
      %dma_start3A_795 = tpu.memref_squeeze %dma_start3A_794 : memref<1x1x128xi32, #tpu.memory_space<vmem>> -> memref<128xi32, #tpu.memory_space<vmem>>
      %dma_start3A_796 = arith.constant 0 : i32
      %dma_start3A_797 = arith.constant 0 : i32
      %dma_start3A_798 = tpu.memref_slice %arg2[%dma_start3A_796, %dma_start3A_797] : memref<10240x16xf32, #tpu.memory_space<hbm>> -> memref<10240x16xf32, #tpu.memory_space<hbm>>
      tpu.enqueue_indirect_dma source(%dma_start3A_798 : memref<10240x16xf32, #tpu.memory_space<hbm>>) target(%arg11 : memref<128x16xf32, #tpu.memory_space<vmem>>) offsets(%dma_start3A_795 : memref<128xi32, #tpu.memory_space<vmem>>) semaphore(%arg19 : memref<!tpu.dma_semaphore, #tpu.memory_space<semaphore_mem>>)
    }
    %scan3A_347 = arith.constant 8 : i32
    %gt3A = arith.constant 72 : i32
    %gt3A_348 = arith.cmpi sgt, %select_n3A, %gt3A : i32
    %convert_element_type3A = arith.extui %gt3A_348 : i1 to i32
    %cond3A = arith.constant 0 : i32
    %cond3A_349 = arith.cmpi ne, %convert_element_type3A, %cond3A : i32
    scf.if %cond3A_349 {
      %add3A_494 = arith.constant 72 : i32
      %add3A_495 = arith.addi %sub3A, %add3A_494 : i32
      %dma_wait3A_496 = arith.constant 0 : i32
      %dma_wait3A_497 = arith.constant 0 : i32
      %dma_wait3A_498 = tpu.memref_slice %arg6[%add3A_495, %dma_wait3A_496, %dma_wait3A_497] : memref<79x1x128xi32, #tpu.memory_space<vmem>> -> memref<1x1x128xi32, #tpu.memory_space<vmem>>
      %dma_wait3A_499 = tpu.memref_squeeze %dma_wait3A_498 : memref<1x1x128xi32, #tpu.memory_space<vmem>> -> memref<128xi32, #tpu.memory_space<vmem>>
      %dma_wait3A_500 = arith.constant 0 : i32
      %dma_wait3A_501 = arith.constant 0 : i32
      %dma_wait3A_502 = tpu.memref_slice %arg2[%dma_wait3A_500, %dma_wait3A_501] : memref<10240x16xf32, #tpu.memory_space<hbm>> -> memref<10240x16xf32, #tpu.memory_space<hbm>>
      tpu.wait_indirect_dma semaphore(%arg16 : memref<!tpu.dma_semaphore, #tpu.memory_space<semaphore_mem>>) src(%dma_wait3A_502 : memref<10240x16xf32, #tpu.memory_space<hbm>>) dst(%arg8 : memref<128x16xf32, #tpu.memory_space<vmem>>)
      %add3A_503 = arith.constant 72 : i32
      %add3A_504 = arith.addi %sub3A, %add3A_503 : i32
      %dma_start3A_505 = arith.constant 0 : i32
      %dma_start3A_506 = arith.constant 0 : i32
      %dma_start3A_507 = tpu.memref_slice %arg7[%add3A_504, %dma_start3A_505, %dma_start3A_506] : memref<79x1x128xi32, #tpu.memory_space<vmem>> -> memref<1x1x128xi32, #tpu.memory_space<vmem>>
      %dma_start3A_508 = tpu.memref_squeeze %dma_start3A_507 : memref<1x1x128xi32, #tpu.memory_space<vmem>> -> memref<128xi32, #tpu.memory_space<vmem>>
      %dma_start3A_509 = arith.constant 0 : i32
      %dma_start3A_510 = arith.constant 0 : i32
      %dma_start3A_511 = tpu.memref_slice %arg33[%dma_start3A_509, %dma_start3A_510] : memref<10240x16xf32, #tpu.memory_space<vmem_shared>> -> memref<10240x16xf32, #tpu.memory_space<vmem_shared>>
      tpu.enqueue_indirect_dma source(%arg8 : memref<128x16xf32, #tpu.memory_space<vmem>>) target(%dma_start3A_511 : memref<10240x16xf32, #tpu.memory_space<vmem_shared>>) offsets(%dma_start3A_508 : memref<128xi32, #tpu.memory_space<vmem>>) semaphore(%arg24 : memref<!tpu.dma_semaphore, #tpu.memory_space<semaphore_mem>>) {add = true}
    } else {
    }
    %gt3A_350 = arith.constant 76 : i32
    %gt3A_351 = arith.cmpi sgt, %select_n3A, %gt3A_350 : i32
    %convert_element_type3A_352 = arith.extui %gt3A_351 : i1 to i32
    %cond3A_353 = arith.constant 0 : i32
    %cond3A_354 = arith.cmpi ne, %convert_element_type3A_352, %cond3A_353 : i32
    scf.if %cond3A_354 {
      %dma_wait3A_494 = arith.constant 0 : i32
      %dma_wait3A_495 = arith.constant 0 : i32
      %dma_wait3A_496 = arith.constant 0 : i32
      %dma_wait3A_497 = tpu.memref_slice %arg7[%dma_wait3A_494, %dma_wait3A_495, %dma_wait3A_496] : memref<79x1x128xi32, #tpu.memory_space<vmem>> -> memref<1x1x128xi32, #tpu.memory_space<vmem>>
      %dma_wait3A_498 = tpu.memref_squeeze %dma_wait3A_497 : memref<1x1x128xi32, #tpu.memory_space<vmem>> -> memref<128xi32, #tpu.memory_space<vmem>>
      %dma_wait3A_499 = arith.constant 0 : i32
      %dma_wait3A_500 = arith.constant 0 : i32
      %dma_wait3A_501 = tpu.memref_slice %arg33[%dma_wait3A_499, %dma_wait3A_500] : memref<10240x16xf32, #tpu.memory_space<vmem_shared>> -> memref<10240x16xf32, #tpu.memory_space<vmem_shared>>
      tpu.wait_indirect_dma semaphore(%arg28 : memref<!tpu.dma_semaphore, #tpu.memory_space<semaphore_mem>>) src(%arg12 : memref<128x16xf32, #tpu.memory_space<vmem>>) dst(%dma_wait3A_501 : memref<10240x16xf32, #tpu.memory_space<vmem_shared>>)
      %add3A_502 = arith.constant 72 : i32
      %add3A_503 = arith.addi %sub3A, %add3A_502 : i32
      %add3A_504 = arith.constant 4 : i32
      %add3A_505 = arith.addi %add3A_503, %add3A_504 : i32
      %dma_start3A_506 = arith.constant 0 : i32
      %dma_start3A_507 = arith.constant 0 : i32
      %dma_start3A_508 = tpu.memref_slice %arg6[%add3A_505, %dma_start3A_506, %dma_start3A_507] : memref<79x1x128xi32, #tpu.memory_space<vmem>> -> memref<1x1x128xi32, #tpu.memory_space<vmem>>
      %dma_start3A_509 = tpu.memref_squeeze %dma_start3A_508 : memref<1x1x128xi32, #tpu.memory_space<vmem>> -> memref<128xi32, #tpu.memory_space<vmem>>
      %dma_start3A_510 = arith.constant 0 : i32
      %dma_start3A_511 = arith.constant 0 : i32
      %dma_start3A_512 = tpu.memref_slice %arg2[%dma_start3A_510, %dma_start3A_511] : memref<10240x16xf32, #tpu.memory_space<hbm>> -> memref<10240x16xf32, #tpu.memory_space<hbm>>
      tpu.enqueue_indirect_dma source(%dma_start3A_512 : memref<10240x16xf32, #tpu.memory_space<hbm>>) target(%arg12 : memref<128x16xf32, #tpu.memory_space<vmem>>) offsets(%dma_start3A_509 : memref<128xi32, #tpu.memory_space<vmem>>) semaphore(%arg20 : memref<!tpu.dma_semaphore, #tpu.memory_space<semaphore_mem>>)
    } else {
    }
    %gt3A_355 = arith.constant 73 : i32
    %gt3A_356 = arith.cmpi sgt, %select_n3A, %gt3A_355 : i32
    %convert_element_type3A_357 = arith.extui %gt3A_356 : i1 to i32
    %cond3A_358 = arith.constant 0 : i32
    %cond3A_359 = arith.cmpi ne, %convert_element_type3A_357, %cond3A_358 : i32
    scf.if %cond3A_359 {
      %add3A_494 = arith.constant 73 : i32
      %add3A_495 = arith.addi %sub3A, %add3A_494 : i32
      %dma_wait3A_496 = arith.constant 0 : i32
      %dma_wait3A_497 = arith.constant 0 : i32
      %dma_wait3A_498 = tpu.memref_slice %arg6[%add3A_495, %dma_wait3A_496, %dma_wait3A_497] : memref<79x1x128xi32, #tpu.memory_space<vmem>> -> memref<1x1x128xi32, #tpu.memory_space<vmem>>
      %dma_wait3A_499 = tpu.memref_squeeze %dma_wait3A_498 : memref<1x1x128xi32, #tpu.memory_space<vmem>> -> memref<128xi32, #tpu.memory_space<vmem>>
      %dma_wait3A_500 = arith.constant 0 : i32
      %dma_wait3A_501 = arith.constant 0 : i32
      %dma_wait3A_502 = tpu.memref_slice %arg2[%dma_wait3A_500, %dma_wait3A_501] : memref<10240x16xf32, #tpu.memory_space<hbm>> -> memref<10240x16xf32, #tpu.memory_space<hbm>>
      tpu.wait_indirect_dma semaphore(%arg17 : memref<!tpu.dma_semaphore, #tpu.memory_space<semaphore_mem>>) src(%dma_wait3A_502 : memref<10240x16xf32, #tpu.memory_space<hbm>>) dst(%arg9 : memref<128x16xf32, #tpu.memory_space<vmem>>)
      %add3A_503 = arith.constant 73 : i32
      %add3A_504 = arith.addi %sub3A, %add3A_503 : i32
      %dma_start3A_505 = arith.constant 0 : i32
      %dma_start3A_506 = arith.constant 0 : i32
      %dma_start3A_507 = tpu.memref_slice %arg7[%add3A_504, %dma_start3A_505, %dma_start3A_506] : memref<79x1x128xi32, #tpu.memory_space<vmem>> -> memref<1x1x128xi32, #tpu.memory_space<vmem>>
      %dma_start3A_508 = tpu.memref_squeeze %dma_start3A_507 : memref<1x1x128xi32, #tpu.memory_space<vmem>> -> memref<128xi32, #tpu.memory_space<vmem>>
      %dma_start3A_509 = arith.constant 0 : i32
      %dma_start3A_510 = arith.constant 0 : i32
      %dma_start3A_511 = tpu.memref_slice %arg33[%dma_start3A_509, %dma_start3A_510] : memref<10240x16xf32, #tpu.memory_space<vmem_shared>> -> memref<10240x16xf32, #tpu.memory_space<vmem_shared>>
      tpu.enqueue_indirect_dma source(%arg9 : memref<128x16xf32, #tpu.memory_space<vmem>>) target(%dma_start3A_511 : memref<10240x16xf32, #tpu.memory_space<vmem_shared>>) offsets(%dma_start3A_508 : memref<128xi32, #tpu.memory_space<vmem>>) semaphore(%arg25 : memref<!tpu.dma_semaphore, #tpu.memory_space<semaphore_mem>>) {add = true}
    } else {
    }
    %gt3A_360 = arith.constant 77 : i32
    %gt3A_361 = arith.cmpi sgt, %select_n3A, %gt3A_360 : i32
    %convert_element_type3A_362 = arith.extui %gt3A_361 : i1 to i32
    %cond3A_363 = arith.constant 0 : i32
    %cond3A_364 = arith.cmpi ne, %convert_element_type3A_362, %cond3A_363 : i32
    scf.if %cond3A_364 {
      %dma_wait3A_494 = arith.constant 0 : i32
      %dma_wait3A_495 = arith.constant 0 : i32
      %dma_wait3A_496 = arith.constant 0 : i32
      %dma_wait3A_497 = tpu.memref_slice %arg7[%dma_wait3A_494, %dma_wait3A_495, %dma_wait3A_496] : memref<79x1x128xi32, #tpu.memory_space<vmem>> -> memref<1x1x128xi32, #tpu.memory_space<vmem>>
      %dma_wait3A_498 = tpu.memref_squeeze %dma_wait3A_497 : memref<1x1x128xi32, #tpu.memory_space<vmem>> -> memref<128xi32, #tpu.memory_space<vmem>>
      %dma_wait3A_499 = arith.constant 0 : i32
      %dma_wait3A_500 = arith.constant 0 : i32
      %dma_wait3A_501 = tpu.memref_slice %arg33[%dma_wait3A_499, %dma_wait3A_500] : memref<10240x16xf32, #tpu.memory_space<vmem_shared>> -> memref<10240x16xf32, #tpu.memory_space<vmem_shared>>
      tpu.wait_indirect_dma semaphore(%arg29 : memref<!tpu.dma_semaphore, #tpu.memory_space<semaphore_mem>>) src(%arg13 : memref<128x16xf32, #tpu.memory_space<vmem>>) dst(%dma_wait3A_501 : memref<10240x16xf32, #tpu.memory_space<vmem_shared>>)
      %add3A_502 = arith.constant 73 : i32
      %add3A_503 = arith.addi %sub3A, %add3A_502 : i32
      %add3A_504 = arith.constant 4 : i32
      %add3A_505 = arith.addi %add3A_503, %add3A_504 : i32
      %dma_start3A_506 = arith.constant 0 : i32
      %dma_start3A_507 = arith.constant 0 : i32
      %dma_start3A_508 = tpu.memref_slice %arg6[%add3A_505, %dma_start3A_506, %dma_start3A_507] : memref<79x1x128xi32, #tpu.memory_space<vmem>> -> memref<1x1x128xi32, #tpu.memory_space<vmem>>
      %dma_start3A_509 = tpu.memref_squeeze %dma_start3A_508 : memref<1x1x128xi32, #tpu.memory_space<vmem>> -> memref<128xi32, #tpu.memory_space<vmem>>
      %dma_start3A_510 = arith.constant 0 : i32
      %dma_start3A_511 = arith.constant 0 : i32
      %dma_start3A_512 = tpu.memref_slice %arg2[%dma_start3A_510, %dma_start3A_511] : memref<10240x16xf32, #tpu.memory_space<hbm>> -> memref<10240x16xf32, #tpu.memory_space<hbm>>
      tpu.enqueue_indirect_dma source(%dma_start3A_512 : memref<10240x16xf32, #tpu.memory_space<hbm>>) target(%arg13 : memref<128x16xf32, #tpu.memory_space<vmem>>) offsets(%dma_start3A_509 : memref<128xi32, #tpu.memory_space<vmem>>) semaphore(%arg21 : memref<!tpu.dma_semaphore, #tpu.memory_space<semaphore_mem>>)
    } else {
    }
    %gt3A_365 = arith.constant 74 : i32
    %gt3A_366 = arith.cmpi sgt, %select_n3A, %gt3A_365 : i32
    %convert_element_type3A_367 = arith.extui %gt3A_366 : i1 to i32
    %cond3A_368 = arith.constant 0 : i32
    %cond3A_369 = arith.cmpi ne, %convert_element_type3A_367, %cond3A_368 : i32
    scf.if %cond3A_369 {
      %add3A_494 = arith.constant 74 : i32
      %add3A_495 = arith.addi %sub3A, %add3A_494 : i32
      %dma_wait3A_496 = arith.constant 0 : i32
      %dma_wait3A_497 = arith.constant 0 : i32
      %dma_wait3A_498 = tpu.memref_slice %arg6[%add3A_495, %dma_wait3A_496, %dma_wait3A_497] : memref<79x1x128xi32, #tpu.memory_space<vmem>> -> memref<1x1x128xi32, #tpu.memory_space<vmem>>
      %dma_wait3A_499 = tpu.memref_squeeze %dma_wait3A_498 : memref<1x1x128xi32, #tpu.memory_space<vmem>> -> memref<128xi32, #tpu.memory_space<vmem>>
      %dma_wait3A_500 = arith.constant 0 : i32
      %dma_wait3A_501 = arith.constant 0 : i32
      %dma_wait3A_502 = tpu.memref_slice %arg2[%dma_wait3A_500, %dma_wait3A_501] : memref<10240x16xf32, #tpu.memory_space<hbm>> -> memref<10240x16xf32, #tpu.memory_space<hbm>>
      tpu.wait_indirect_dma semaphore(%arg18 : memref<!tpu.dma_semaphore, #tpu.memory_space<semaphore_mem>>) src(%dma_wait3A_502 : memref<10240x16xf32, #tpu.memory_space<hbm>>) dst(%arg10 : memref<128x16xf32, #tpu.memory_space<vmem>>)
      %add3A_503 = arith.constant 74 : i32
      %add3A_504 = arith.addi %sub3A, %add3A_503 : i32
      %dma_start3A_505 = arith.constant 0 : i32
      %dma_start3A_506 = arith.constant 0 : i32
      %dma_start3A_507 = tpu.memref_slice %arg7[%add3A_504, %dma_start3A_505, %dma_start3A_506] : memref<79x1x128xi32, #tpu.memory_space<vmem>> -> memref<1x1x128xi32, #tpu.memory_space<vmem>>
      %dma_start3A_508 = tpu.memref_squeeze %dma_start3A_507 : memref<1x1x128xi32, #tpu.memory_space<vmem>> -> memref<128xi32, #tpu.memory_space<vmem>>
      %dma_start3A_509 = arith.constant 0 : i32
      %dma_start3A_510 = arith.constant 0 : i32
      %dma_start3A_511 = tpu.memref_slice %arg33[%dma_start3A_509, %dma_start3A_510] : memref<10240x16xf32, #tpu.memory_space<vmem_shared>> -> memref<10240x16xf32, #tpu.memory_space<vmem_shared>>
      tpu.enqueue_indirect_dma source(%arg10 : memref<128x16xf32, #tpu.memory_space<vmem>>) target(%dma_start3A_511 : memref<10240x16xf32, #tpu.memory_space<vmem_shared>>) offsets(%dma_start3A_508 : memref<128xi32, #tpu.memory_space<vmem>>) semaphore(%arg26 : memref<!tpu.dma_semaphore, #tpu.memory_space<semaphore_mem>>) {add = true}
    } else {
    }
    %gt3A_370 = arith.constant 78 : i32
    %gt3A_371 = arith.cmpi sgt, %select_n3A, %gt3A_370 : i32
    %convert_element_type3A_372 = arith.extui %gt3A_371 : i1 to i32
    %cond3A_373 = arith.constant 0 : i32
    %cond3A_374 = arith.cmpi ne, %convert_element_type3A_372, %cond3A_373 : i32
    scf.if %cond3A_374 {
      %dma_wait3A_494 = arith.constant 0 : i32
      %dma_wait3A_495 = arith.constant 0 : i32
      %dma_wait3A_496 = arith.constant 0 : i32
      %dma_wait3A_497 = tpu.memref_slice %arg7[%dma_wait3A_494, %dma_wait3A_495, %dma_wait3A_496] : memref<79x1x128xi32, #tpu.memory_space<vmem>> -> memref<1x1x128xi32, #tpu.memory_space<vmem>>
      %dma_wait3A_498 = tpu.memref_squeeze %dma_wait3A_497 : memref<1x1x128xi32, #tpu.memory_space<vmem>> -> memref<128xi32, #tpu.memory_space<vmem>>
      %dma_wait3A_499 = arith.constant 0 : i32
      %dma_wait3A_500 = arith.constant 0 : i32
      %dma_wait3A_501 = tpu.memref_slice %arg33[%dma_wait3A_499, %dma_wait3A_500] : memref<10240x16xf32, #tpu.memory_space<vmem_shared>> -> memref<10240x16xf32, #tpu.memory_space<vmem_shared>>
      tpu.wait_indirect_dma semaphore(%arg30 : memref<!tpu.dma_semaphore, #tpu.memory_space<semaphore_mem>>) src(%arg14 : memref<128x16xf32, #tpu.memory_space<vmem>>) dst(%dma_wait3A_501 : memref<10240x16xf32, #tpu.memory_space<vmem_shared>>)
      %add3A_502 = arith.constant 74 : i32
      %add3A_503 = arith.addi %sub3A, %add3A_502 : i32
      %add3A_504 = arith.constant 4 : i32
      %add3A_505 = arith.addi %add3A_503, %add3A_504 : i32
      %dma_start3A_506 = arith.constant 0 : i32
      %dma_start3A_507 = arith.constant 0 : i32
      %dma_start3A_508 = tpu.memref_slice %arg6[%add3A_505, %dma_start3A_506, %dma_start3A_507] : memref<79x1x128xi32, #tpu.memory_space<vmem>> -> memref<1x1x128xi32, #tpu.memory_space<vmem>>
      %dma_start3A_509 = tpu.memref_squeeze %dma_start3A_508 : memref<1x1x128xi32, #tpu.memory_space<vmem>> -> memref<128xi32, #tpu.memory_space<vmem>>
      %dma_start3A_510 = arith.constant 0 : i32
      %dma_start3A_511 = arith.constant 0 : i32
      %dma_start3A_512 = tpu.memref_slice %arg2[%dma_start3A_510, %dma_start3A_511] : memref<10240x16xf32, #tpu.memory_space<hbm>> -> memref<10240x16xf32, #tpu.memory_space<hbm>>
      tpu.enqueue_indirect_dma source(%dma_start3A_512 : memref<10240x16xf32, #tpu.memory_space<hbm>>) target(%arg14 : memref<128x16xf32, #tpu.memory_space<vmem>>) offsets(%dma_start3A_509 : memref<128xi32, #tpu.memory_space<vmem>>) semaphore(%arg22 : memref<!tpu.dma_semaphore, #tpu.memory_space<semaphore_mem>>)
    } else {
    }
    %gt3A_375 = arith.constant 75 : i32
    %gt3A_376 = arith.cmpi sgt, %select_n3A, %gt3A_375 : i32
    %convert_element_type3A_377 = arith.extui %gt3A_376 : i1 to i32
    %cond3A_378 = arith.constant 0 : i32
    %cond3A_379 = arith.cmpi ne, %convert_element_type3A_377, %cond3A_378 : i32
    scf.if %cond3A_379 {
      %add3A_494 = arith.constant 75 : i32
      %add3A_495 = arith.addi %sub3A, %add3A_494 : i32
      %dma_wait3A_496 = arith.constant 0 : i32
      %dma_wait3A_497 = arith.constant 0 : i32
      %dma_wait3A_498 = tpu.memref_slice %arg6[%add3A_495, %dma_wait3A_496, %dma_wait3A_497] : memref<79x1x128xi32, #tpu.memory_space<vmem>> -> memref<1x1x128xi32, #tpu.memory_space<vmem>>
      %dma_wait3A_499 = tpu.memref_squeeze %dma_wait3A_498 : memref<1x1x128xi32, #tpu.memory_space<vmem>> -> memref<128xi32, #tpu.memory_space<vmem>>
      %dma_wait3A_500 = arith.constant 0 : i32
      %dma_wait3A_501 = arith.constant 0 : i32
      %dma_wait3A_502 = tpu.memref_slice %arg2[%dma_wait3A_500, %dma_wait3A_501] : memref<10240x16xf32, #tpu.memory_space<hbm>> -> memref<10240x16xf32, #tpu.memory_space<hbm>>
      tpu.wait_indirect_dma semaphore(%arg19 : memref<!tpu.dma_semaphore, #tpu.memory_space<semaphore_mem>>) src(%dma_wait3A_502 : memref<10240x16xf32, #tpu.memory_space<hbm>>) dst(%arg11 : memref<128x16xf32, #tpu.memory_space<vmem>>)
      %add3A_503 = arith.constant 75 : i32
      %add3A_504 = arith.addi %sub3A, %add3A_503 : i32
      %dma_start3A_505 = arith.constant 0 : i32
      %dma_start3A_506 = arith.constant 0 : i32
      %dma_start3A_507 = tpu.memref_slice %arg7[%add3A_504, %dma_start3A_505, %dma_start3A_506] : memref<79x1x128xi32, #tpu.memory_space<vmem>> -> memref<1x1x128xi32, #tpu.memory_space<vmem>>
      %dma_start3A_508 = tpu.memref_squeeze %dma_start3A_507 : memref<1x1x128xi32, #tpu.memory_space<vmem>> -> memref<128xi32, #tpu.memory_space<vmem>>
      %dma_start3A_509 = arith.constant 0 : i32
      %dma_start3A_510 = arith.constant 0 : i32
      %dma_start3A_511 = tpu.memref_slice %arg33[%dma_start3A_509, %dma_start3A_510] : memref<10240x16xf32, #tpu.memory_space<vmem_shared>> -> memref<10240x16xf32, #tpu.memory_space<vmem_shared>>
      tpu.enqueue_indirect_dma source(%arg11 : memref<128x16xf32, #tpu.memory_space<vmem>>) target(%dma_start3A_511 : memref<10240x16xf32, #tpu.memory_space<vmem_shared>>) offsets(%dma_start3A_508 : memref<128xi32, #tpu.memory_space<vmem>>) semaphore(%arg27 : memref<!tpu.dma_semaphore, #tpu.memory_space<semaphore_mem>>) {add = true}
    } else {
    }
    %gt3A_380 = arith.constant 79 : i32
    %gt3A_381 = arith.cmpi sgt, %select_n3A, %gt3A_380 : i32
    %convert_element_type3A_382 = arith.extui %gt3A_381 : i1 to i32
    %cond3A_383 = arith.constant 0 : i32
    %cond3A_384 = arith.cmpi ne, %convert_element_type3A_382, %cond3A_383 : i32
    scf.if %cond3A_384 {
      %dma_wait3A_494 = arith.constant 0 : i32
      %dma_wait3A_495 = arith.constant 0 : i32
      %dma_wait3A_496 = arith.constant 0 : i32
      %dma_wait3A_497 = tpu.memref_slice %arg7[%dma_wait3A_494, %dma_wait3A_495, %dma_wait3A_496] : memref<79x1x128xi32, #tpu.memory_space<vmem>> -> memref<1x1x128xi32, #tpu.memory_space<vmem>>
      %dma_wait3A_498 = tpu.memref_squeeze %dma_wait3A_497 : memref<1x1x128xi32, #tpu.memory_space<vmem>> -> memref<128xi32, #tpu.memory_space<vmem>>
      %dma_wait3A_499 = arith.constant 0 : i32
      %dma_wait3A_500 = arith.constant 0 : i32
      %dma_wait3A_501 = tpu.memref_slice %arg33[%dma_wait3A_499, %dma_wait3A_500] : memref<10240x16xf32, #tpu.memory_space<vmem_shared>> -> memref<10240x16xf32, #tpu.memory_space<vmem_shared>>
      tpu.wait_indirect_dma semaphore(%arg31 : memref<!tpu.dma_semaphore, #tpu.memory_space<semaphore_mem>>) src(%arg15 : memref<128x16xf32, #tpu.memory_space<vmem>>) dst(%dma_wait3A_501 : memref<10240x16xf32, #tpu.memory_space<vmem_shared>>)
      %add3A_502 = arith.constant 75 : i32
      %add3A_503 = arith.addi %sub3A, %add3A_502 : i32
      %add3A_504 = arith.constant 4 : i32
      %add3A_505 = arith.addi %add3A_503, %add3A_504 : i32
      %dma_start3A_506 = arith.constant 0 : i32
      %dma_start3A_507 = arith.constant 0 : i32
      %dma_start3A_508 = tpu.memref_slice %arg6[%add3A_505, %dma_start3A_506, %dma_start3A_507] : memref<79x1x128xi32, #tpu.memory_space<vmem>> -> memref<1x1x128xi32, #tpu.memory_space<vmem>>
      %dma_start3A_509 = tpu.memref_squeeze %dma_start3A_508 : memref<1x1x128xi32, #tpu.memory_space<vmem>> -> memref<128xi32, #tpu.memory_space<vmem>>
      %dma_start3A_510 = arith.constant 0 : i32
      %dma_start3A_511 = arith.constant 0 : i32
      %dma_start3A_512 = tpu.memref_slice %arg2[%dma_start3A_510, %dma_start3A_511] : memref<10240x16xf32, #tpu.memory_space<hbm>> -> memref<10240x16xf32, #tpu.memory_space<hbm>>
      tpu.enqueue_indirect_dma source(%dma_start3A_512 : memref<10240x16xf32, #tpu.memory_space<hbm>>) target(%arg15 : memref<128x16xf32, #tpu.memory_space<vmem>>) offsets(%dma_start3A_509 : memref<128xi32, #tpu.memory_space<vmem>>) semaphore(%arg23 : memref<!tpu.dma_semaphore, #tpu.memory_space<semaphore_mem>>)
    } else {
    }
    %gt3A_385 = arith.constant 76 : i32
    %gt3A_386 = arith.cmpi sgt, %select_n3A, %gt3A_385 : i32
    %convert_element_type3A_387 = arith.extui %gt3A_386 : i1 to i32
    %cond3A_388 = arith.constant 0 : i32
    %cond3A_389 = arith.cmpi ne, %convert_element_type3A_387, %cond3A_388 : i32
    scf.if %cond3A_389 {
      %add3A_494 = arith.constant 76 : i32
      %add3A_495 = arith.addi %sub3A, %add3A_494 : i32
      %dma_wait3A_496 = arith.constant 0 : i32
      %dma_wait3A_497 = arith.constant 0 : i32
      %dma_wait3A_498 = tpu.memref_slice %arg6[%add3A_495, %dma_wait3A_496, %dma_wait3A_497] : memref<79x1x128xi32, #tpu.memory_space<vmem>> -> memref<1x1x128xi32, #tpu.memory_space<vmem>>
      %dma_wait3A_499 = tpu.memref_squeeze %dma_wait3A_498 : memref<1x1x128xi32, #tpu.memory_space<vmem>> -> memref<128xi32, #tpu.memory_space<vmem>>
      %dma_wait3A_500 = arith.constant 0 : i32
      %dma_wait3A_501 = arith.constant 0 : i32
      %dma_wait3A_502 = tpu.memref_slice %arg2[%dma_wait3A_500, %dma_wait3A_501] : memref<10240x16xf32, #tpu.memory_space<hbm>> -> memref<10240x16xf32, #tpu.memory_space<hbm>>
      tpu.wait_indirect_dma semaphore(%arg20 : memref<!tpu.dma_semaphore, #tpu.memory_space<semaphore_mem>>) src(%dma_wait3A_502 : memref<10240x16xf32, #tpu.memory_space<hbm>>) dst(%arg12 : memref<128x16xf32, #tpu.memory_space<vmem>>)
      %add3A_503 = arith.constant 76 : i32
      %add3A_504 = arith.addi %sub3A, %add3A_503 : i32
      %dma_start3A_505 = arith.constant 0 : i32
      %dma_start3A_506 = arith.constant 0 : i32
      %dma_start3A_507 = tpu.memref_slice %arg7[%add3A_504, %dma_start3A_505, %dma_start3A_506] : memref<79x1x128xi32, #tpu.memory_space<vmem>> -> memref<1x1x128xi32, #tpu.memory_space<vmem>>
      %dma_start3A_508 = tpu.memref_squeeze %dma_start3A_507 : memref<1x1x128xi32, #tpu.memory_space<vmem>> -> memref<128xi32, #tpu.memory_space<vmem>>
      %dma_start3A_509 = arith.constant 0 : i32
      %dma_start3A_510 = arith.constant 0 : i32
      %dma_start3A_511 = tpu.memref_slice %arg33[%dma_start3A_509, %dma_start3A_510] : memref<10240x16xf32, #tpu.memory_space<vmem_shared>> -> memref<10240x16xf32, #tpu.memory_space<vmem_shared>>
      tpu.enqueue_indirect_dma source(%arg12 : memref<128x16xf32, #tpu.memory_space<vmem>>) target(%dma_start3A_511 : memref<10240x16xf32, #tpu.memory_space<vmem_shared>>) offsets(%dma_start3A_508 : memref<128xi32, #tpu.memory_space<vmem>>) semaphore(%arg28 : memref<!tpu.dma_semaphore, #tpu.memory_space<semaphore_mem>>) {add = true}
    } else {
    }
    %gt3A_390 = arith.constant 80 : i32
    %gt3A_391 = arith.cmpi sgt, %select_n3A, %gt3A_390 : i32
    %convert_element_type3A_392 = arith.extui %gt3A_391 : i1 to i32
    %cond3A_393 = arith.constant 0 : i32
    %cond3A_394 = arith.cmpi ne, %convert_element_type3A_392, %cond3A_393 : i32
    scf.if %cond3A_394 {
      %dma_wait3A_494 = arith.constant 0 : i32
      %dma_wait3A_495 = arith.constant 0 : i32
      %dma_wait3A_496 = arith.constant 0 : i32
      %dma_wait3A_497 = tpu.memref_slice %arg7[%dma_wait3A_494, %dma_wait3A_495, %dma_wait3A_496] : memref<79x1x128xi32, #tpu.memory_space<vmem>> -> memref<1x1x128xi32, #tpu.memory_space<vmem>>
      %dma_wait3A_498 = tpu.memref_squeeze %dma_wait3A_497 : memref<1x1x128xi32, #tpu.memory_space<vmem>> -> memref<128xi32, #tpu.memory_space<vmem>>
      %dma_wait3A_499 = arith.constant 0 : i32
      %dma_wait3A_500 = arith.constant 0 : i32
      %dma_wait3A_501 = tpu.memref_slice %arg33[%dma_wait3A_499, %dma_wait3A_500] : memref<10240x16xf32, #tpu.memory_space<vmem_shared>> -> memref<10240x16xf32, #tpu.memory_space<vmem_shared>>
      tpu.wait_indirect_dma semaphore(%arg24 : memref<!tpu.dma_semaphore, #tpu.memory_space<semaphore_mem>>) src(%arg8 : memref<128x16xf32, #tpu.memory_space<vmem>>) dst(%dma_wait3A_501 : memref<10240x16xf32, #tpu.memory_space<vmem_shared>>)
      %add3A_502 = arith.constant 76 : i32
      %add3A_503 = arith.addi %sub3A, %add3A_502 : i32
      %add3A_504 = arith.constant 4 : i32
      %add3A_505 = arith.addi %add3A_503, %add3A_504 : i32
      %dma_start3A_506 = arith.constant 0 : i32
      %dma_start3A_507 = arith.constant 0 : i32
      %dma_start3A_508 = tpu.memref_slice %arg6[%add3A_505, %dma_start3A_506, %dma_start3A_507] : memref<79x1x128xi32, #tpu.memory_space<vmem>> -> memref<1x1x128xi32, #tpu.memory_space<vmem>>
      %dma_start3A_509 = tpu.memref_squeeze %dma_start3A_508 : memref<1x1x128xi32, #tpu.memory_space<vmem>> -> memref<128xi32, #tpu.memory_space<vmem>>
      %dma_start3A_510 = arith.constant 0 : i32
      %dma_start3A_511 = arith.constant 0 : i32
      %dma_start3A_512 = tpu.memref_slice %arg2[%dma_start3A_510, %dma_start3A_511] : memref<10240x16xf32, #tpu.memory_space<hbm>> -> memref<10240x16xf32, #tpu.memory_space<hbm>>
      tpu.enqueue_indirect_dma source(%dma_start3A_512 : memref<10240x16xf32, #tpu.memory_space<hbm>>) target(%arg8 : memref<128x16xf32, #tpu.memory_space<vmem>>) offsets(%dma_start3A_509 : memref<128xi32, #tpu.memory_space<vmem>>) semaphore(%arg16 : memref<!tpu.dma_semaphore, #tpu.memory_space<semaphore_mem>>)
    } else {
    }
    %gt3A_395 = arith.constant 77 : i32
    %gt3A_396 = arith.cmpi sgt, %select_n3A, %gt3A_395 : i32
    %convert_element_type3A_397 = arith.extui %gt3A_396 : i1 to i32
    %cond3A_398 = arith.constant 0 : i32
    %cond3A_399 = arith.cmpi ne, %convert_element_type3A_397, %cond3A_398 : i32
    scf.if %cond3A_399 {
      %add3A_494 = arith.constant 77 : i32
      %add3A_495 = arith.addi %sub3A, %add3A_494 : i32
      %dma_wait3A_496 = arith.constant 0 : i32
      %dma_wait3A_497 = arith.constant 0 : i32
      %dma_wait3A_498 = tpu.memref_slice %arg6[%add3A_495, %dma_wait3A_496, %dma_wait3A_497] : memref<79x1x128xi32, #tpu.memory_space<vmem>> -> memref<1x1x128xi32, #tpu.memory_space<vmem>>
      %dma_wait3A_499 = tpu.memref_squeeze %dma_wait3A_498 : memref<1x1x128xi32, #tpu.memory_space<vmem>> -> memref<128xi32, #tpu.memory_space<vmem>>
      %dma_wait3A_500 = arith.constant 0 : i32
      %dma_wait3A_501 = arith.constant 0 : i32
      %dma_wait3A_502 = tpu.memref_slice %arg2[%dma_wait3A_500, %dma_wait3A_501] : memref<10240x16xf32, #tpu.memory_space<hbm>> -> memref<10240x16xf32, #tpu.memory_space<hbm>>
      tpu.wait_indirect_dma semaphore(%arg21 : memref<!tpu.dma_semaphore, #tpu.memory_space<semaphore_mem>>) src(%dma_wait3A_502 : memref<10240x16xf32, #tpu.memory_space<hbm>>) dst(%arg13 : memref<128x16xf32, #tpu.memory_space<vmem>>)
      %add3A_503 = arith.constant 77 : i32
      %add3A_504 = arith.addi %sub3A, %add3A_503 : i32
      %dma_start3A_505 = arith.constant 0 : i32
      %dma_start3A_506 = arith.constant 0 : i32
      %dma_start3A_507 = tpu.memref_slice %arg7[%add3A_504, %dma_start3A_505, %dma_start3A_506] : memref<79x1x128xi32, #tpu.memory_space<vmem>> -> memref<1x1x128xi32, #tpu.memory_space<vmem>>
      %dma_start3A_508 = tpu.memref_squeeze %dma_start3A_507 : memref<1x1x128xi32, #tpu.memory_space<vmem>> -> memref<128xi32, #tpu.memory_space<vmem>>
      %dma_start3A_509 = arith.constant 0 : i32
      %dma_start3A_510 = arith.constant 0 : i32
      %dma_start3A_511 = tpu.memref_slice %arg33[%dma_start3A_509, %dma_start3A_510] : memref<10240x16xf32, #tpu.memory_space<vmem_shared>> -> memref<10240x16xf32, #tpu.memory_space<vmem_shared>>
      tpu.enqueue_indirect_dma source(%arg13 : memref<128x16xf32, #tpu.memory_space<vmem>>) target(%dma_start3A_511 : memref<10240x16xf32, #tpu.memory_space<vmem_shared>>) offsets(%dma_start3A_508 : memref<128xi32, #tpu.memory_space<vmem>>) semaphore(%arg29 : memref<!tpu.dma_semaphore, #tpu.memory_space<semaphore_mem>>) {add = true}
    } else {
    }
    %gt3A_400 = arith.constant 81 : i32
    %gt3A_401 = arith.cmpi sgt, %select_n3A, %gt3A_400 : i32
    %convert_element_type3A_402 = arith.extui %gt3A_401 : i1 to i32
    %cond3A_403 = arith.constant 0 : i32
    %cond3A_404 = arith.cmpi ne, %convert_element_type3A_402, %cond3A_403 : i32
    scf.if %cond3A_404 {
      %dma_wait3A_494 = arith.constant 0 : i32
      %dma_wait3A_495 = arith.constant 0 : i32
      %dma_wait3A_496 = arith.constant 0 : i32
      %dma_wait3A_497 = tpu.memref_slice %arg7[%dma_wait3A_494, %dma_wait3A_495, %dma_wait3A_496] : memref<79x1x128xi32, #tpu.memory_space<vmem>> -> memref<1x1x128xi32, #tpu.memory_space<vmem>>
      %dma_wait3A_498 = tpu.memref_squeeze %dma_wait3A_497 : memref<1x1x128xi32, #tpu.memory_space<vmem>> -> memref<128xi32, #tpu.memory_space<vmem>>
      %dma_wait3A_499 = arith.constant 0 : i32
      %dma_wait3A_500 = arith.constant 0 : i32
      %dma_wait3A_501 = tpu.memref_slice %arg33[%dma_wait3A_499, %dma_wait3A_500] : memref<10240x16xf32, #tpu.memory_space<vmem_shared>> -> memref<10240x16xf32, #tpu.memory_space<vmem_shared>>
      tpu.wait_indirect_dma semaphore(%arg25 : memref<!tpu.dma_semaphore, #tpu.memory_space<semaphore_mem>>) src(%arg9 : memref<128x16xf32, #tpu.memory_space<vmem>>) dst(%dma_wait3A_501 : memref<10240x16xf32, #tpu.memory_space<vmem_shared>>)
      %add3A_502 = arith.constant 77 : i32
      %add3A_503 = arith.addi %sub3A, %add3A_502 : i32
      %add3A_504 = arith.constant 4 : i32
      %add3A_505 = arith.addi %add3A_503, %add3A_504 : i32
      %dma_start3A_506 = arith.constant 0 : i32
      %dma_start3A_507 = arith.constant 0 : i32
      %dma_start3A_508 = tpu.memref_slice %arg6[%add3A_505, %dma_start3A_506, %dma_start3A_507] : memref<79x1x128xi32, #tpu.memory_space<vmem>> -> memref<1x1x128xi32, #tpu.memory_space<vmem>>
      %dma_start3A_509 = tpu.memref_squeeze %dma_start3A_508 : memref<1x1x128xi32, #tpu.memory_space<vmem>> -> memref<128xi32, #tpu.memory_space<vmem>>
      %dma_start3A_510 = arith.constant 0 : i32
      %dma_start3A_511 = arith.constant 0 : i32
      %dma_start3A_512 = tpu.memref_slice %arg2[%dma_start3A_510, %dma_start3A_511] : memref<10240x16xf32, #tpu.memory_space<hbm>> -> memref<10240x16xf32, #tpu.memory_space<hbm>>
      tpu.enqueue_indirect_dma source(%dma_start3A_512 : memref<10240x16xf32, #tpu.memory_space<hbm>>) target(%arg9 : memref<128x16xf32, #tpu.memory_space<vmem>>) offsets(%dma_start3A_509 : memref<128xi32, #tpu.memory_space<vmem>>) semaphore(%arg17 : memref<!tpu.dma_semaphore, #tpu.memory_space<semaphore_mem>>)
    } else {
    }
    %gt3A_405 = arith.constant 78 : i32
    %gt3A_406 = arith.cmpi sgt, %select_n3A, %gt3A_405 : i32
    %convert_element_type3A_407 = arith.extui %gt3A_406 : i1 to i32
    %cond3A_408 = arith.constant 0 : i32
    %cond3A_409 = arith.cmpi ne, %convert_element_type3A_407, %cond3A_408 : i32
    scf.if %cond3A_409 {
      %add3A_494 = arith.constant 78 : i32
      %add3A_495 = arith.addi %sub3A, %add3A_494 : i32
      %dma_wait3A_496 = arith.constant 0 : i32
      %dma_wait3A_497 = arith.constant 0 : i32
      %dma_wait3A_498 = tpu.memref_slice %arg6[%add3A_495, %dma_wait3A_496, %dma_wait3A_497] : memref<79x1x128xi32, #tpu.memory_space<vmem>> -> memref<1x1x128xi32, #tpu.memory_space<vmem>>
      %dma_wait3A_499 = tpu.memref_squeeze %dma_wait3A_498 : memref<1x1x128xi32, #tpu.memory_space<vmem>> -> memref<128xi32, #tpu.memory_space<vmem>>
      %dma_wait3A_500 = arith.constant 0 : i32
      %dma_wait3A_501 = arith.constant 0 : i32
      %dma_wait3A_502 = tpu.memref_slice %arg2[%dma_wait3A_500, %dma_wait3A_501] : memref<10240x16xf32, #tpu.memory_space<hbm>> -> memref<10240x16xf32, #tpu.memory_space<hbm>>
      tpu.wait_indirect_dma semaphore(%arg22 : memref<!tpu.dma_semaphore, #tpu.memory_space<semaphore_mem>>) src(%dma_wait3A_502 : memref<10240x16xf32, #tpu.memory_space<hbm>>) dst(%arg14 : memref<128x16xf32, #tpu.memory_space<vmem>>)
      %add3A_503 = arith.constant 78 : i32
      %add3A_504 = arith.addi %sub3A, %add3A_503 : i32
      %dma_start3A_505 = arith.constant 0 : i32
      %dma_start3A_506 = arith.constant 0 : i32
      %dma_start3A_507 = tpu.memref_slice %arg7[%add3A_504, %dma_start3A_505, %dma_start3A_506] : memref<79x1x128xi32, #tpu.memory_space<vmem>> -> memref<1x1x128xi32, #tpu.memory_space<vmem>>
      %dma_start3A_508 = tpu.memref_squeeze %dma_start3A_507 : memref<1x1x128xi32, #tpu.memory_space<vmem>> -> memref<128xi32, #tpu.memory_space<vmem>>
      %dma_start3A_509 = arith.constant 0 : i32
      %dma_start3A_510 = arith.constant 0 : i32
      %dma_start3A_511 = tpu.memref_slice %arg33[%dma_start3A_509, %dma_start3A_510] : memref<10240x16xf32, #tpu.memory_space<vmem_shared>> -> memref<10240x16xf32, #tpu.memory_space<vmem_shared>>
      tpu.enqueue_indirect_dma source(%arg14 : memref<128x16xf32, #tpu.memory_space<vmem>>) target(%dma_start3A_511 : memref<10240x16xf32, #tpu.memory_space<vmem_shared>>) offsets(%dma_start3A_508 : memref<128xi32, #tpu.memory_space<vmem>>) semaphore(%arg30 : memref<!tpu.dma_semaphore, #tpu.memory_space<semaphore_mem>>) {add = true}
    } else {
    }
    %gt3A_410 = arith.constant 82 : i32
    %gt3A_411 = arith.cmpi sgt, %select_n3A, %gt3A_410 : i32
    %convert_element_type3A_412 = arith.extui %gt3A_411 : i1 to i32
    %cond3A_413 = arith.constant 0 : i32
    %cond3A_414 = arith.cmpi ne, %convert_element_type3A_412, %cond3A_413 : i32
    scf.if %cond3A_414 {
      %dma_wait3A_494 = arith.constant 0 : i32
      %dma_wait3A_495 = arith.constant 0 : i32
      %dma_wait3A_496 = arith.constant 0 : i32
      %dma_wait3A_497 = tpu.memref_slice %arg7[%dma_wait3A_494, %dma_wait3A_495, %dma_wait3A_496] : memref<79x1x128xi32, #tpu.memory_space<vmem>> -> memref<1x1x128xi32, #tpu.memory_space<vmem>>
      %dma_wait3A_498 = tpu.memref_squeeze %dma_wait3A_497 : memref<1x1x128xi32, #tpu.memory_space<vmem>> -> memref<128xi32, #tpu.memory_space<vmem>>
      %dma_wait3A_499 = arith.constant 0 : i32
      %dma_wait3A_500 = arith.constant 0 : i32
      %dma_wait3A_501 = tpu.memref_slice %arg33[%dma_wait3A_499, %dma_wait3A_500] : memref<10240x16xf32, #tpu.memory_space<vmem_shared>> -> memref<10240x16xf32, #tpu.memory_space<vmem_shared>>
      tpu.wait_indirect_dma semaphore(%arg26 : memref<!tpu.dma_semaphore, #tpu.memory_space<semaphore_mem>>) src(%arg10 : memref<128x16xf32, #tpu.memory_space<vmem>>) dst(%dma_wait3A_501 : memref<10240x16xf32, #tpu.memory_space<vmem_shared>>)
      %add3A_502 = arith.constant 78 : i32
      %add3A_503 = arith.addi %sub3A, %add3A_502 : i32
      %add3A_504 = arith.constant 4 : i32
      %add3A_505 = arith.addi %add3A_503, %add3A_504 : i32
      %dma_start3A_506 = arith.constant 0 : i32
      %dma_start3A_507 = arith.constant 0 : i32
      %dma_start3A_508 = tpu.memref_slice %arg6[%add3A_505, %dma_start3A_506, %dma_start3A_507] : memref<79x1x128xi32, #tpu.memory_space<vmem>> -> memref<1x1x128xi32, #tpu.memory_space<vmem>>
      %dma_start3A_509 = tpu.memref_squeeze %dma_start3A_508 : memref<1x1x128xi32, #tpu.memory_space<vmem>> -> memref<128xi32, #tpu.memory_space<vmem>>
      %dma_start3A_510 = arith.constant 0 : i32
      %dma_start3A_511 = arith.constant 0 : i32
      %dma_start3A_512 = tpu.memref_slice %arg2[%dma_start3A_510, %dma_start3A_511] : memref<10240x16xf32, #tpu.memory_space<hbm>> -> memref<10240x16xf32, #tpu.memory_space<hbm>>
      tpu.enqueue_indirect_dma source(%dma_start3A_512 : memref<10240x16xf32, #tpu.memory_space<hbm>>) target(%arg10 : memref<128x16xf32, #tpu.memory_space<vmem>>) offsets(%dma_start3A_509 : memref<128xi32, #tpu.memory_space<vmem>>) semaphore(%arg18 : memref<!tpu.dma_semaphore, #tpu.memory_space<semaphore_mem>>)
    } else {
    }
    %gt3A_415 = arith.constant 79 : i32
    %gt3A_416 = arith.cmpi sgt, %select_n3A, %gt3A_415 : i32
    %convert_element_type3A_417 = arith.extui %gt3A_416 : i1 to i32
    %cond3A_418 = arith.constant 0 : i32
    %cond3A_419 = arith.cmpi ne, %convert_element_type3A_417, %cond3A_418 : i32
    scf.if %cond3A_419 {
      %add3A_494 = arith.constant 79 : i32
      %add3A_495 = arith.addi %sub3A, %add3A_494 : i32
      %dma_wait3A_496 = arith.constant 0 : i32
      %dma_wait3A_497 = arith.constant 0 : i32
      %dma_wait3A_498 = tpu.memref_slice %arg6[%add3A_495, %dma_wait3A_496, %dma_wait3A_497] : memref<79x1x128xi32, #tpu.memory_space<vmem>> -> memref<1x1x128xi32, #tpu.memory_space<vmem>>
      %dma_wait3A_499 = tpu.memref_squeeze %dma_wait3A_498 : memref<1x1x128xi32, #tpu.memory_space<vmem>> -> memref<128xi32, #tpu.memory_space<vmem>>
      %dma_wait3A_500 = arith.constant 0 : i32
      %dma_wait3A_501 = arith.constant 0 : i32
      %dma_wait3A_502 = tpu.memref_slice %arg2[%dma_wait3A_500, %dma_wait3A_501] : memref<10240x16xf32, #tpu.memory_space<hbm>> -> memref<10240x16xf32, #tpu.memory_space<hbm>>
      tpu.wait_indirect_dma semaphore(%arg23 : memref<!tpu.dma_semaphore, #tpu.memory_space<semaphore_mem>>) src(%dma_wait3A_502 : memref<10240x16xf32, #tpu.memory_space<hbm>>) dst(%arg15 : memref<128x16xf32, #tpu.memory_space<vmem>>)
      %add3A_503 = arith.constant 79 : i32
      %add3A_504 = arith.addi %sub3A, %add3A_503 : i32
      %dma_start3A_505 = arith.constant 0 : i32
      %dma_start3A_506 = arith.constant 0 : i32
      %dma_start3A_507 = tpu.memref_slice %arg7[%add3A_504, %dma_start3A_505, %dma_start3A_506] : memref<79x1x128xi32, #tpu.memory_space<vmem>> -> memref<1x1x128xi32, #tpu.memory_space<vmem>>
      %dma_start3A_508 = tpu.memref_squeeze %dma_start3A_507 : memref<1x1x128xi32, #tpu.memory_space<vmem>> -> memref<128xi32, #tpu.memory_space<vmem>>
      %dma_start3A_509 = arith.constant 0 : i32
      %dma_start3A_510 = arith.constant 0 : i32
      %dma_start3A_511 = tpu.memref_slice %arg33[%dma_start3A_509, %dma_start3A_510] : memref<10240x16xf32, #tpu.memory_space<vmem_shared>> -> memref<10240x16xf32, #tpu.memory_space<vmem_shared>>
      tpu.enqueue_indirect_dma source(%arg15 : memref<128x16xf32, #tpu.memory_space<vmem>>) target(%dma_start3A_511 : memref<10240x16xf32, #tpu.memory_space<vmem_shared>>) offsets(%dma_start3A_508 : memref<128xi32, #tpu.memory_space<vmem>>) semaphore(%arg31 : memref<!tpu.dma_semaphore, #tpu.memory_space<semaphore_mem>>) {add = true}
    } else {
    }
    %gt3A_420 = arith.constant 83 : i32
    %gt3A_421 = arith.cmpi sgt, %select_n3A, %gt3A_420 : i32
    %convert_element_type3A_422 = arith.extui %gt3A_421 : i1 to i32
    %cond3A_423 = arith.constant 0 : i32
    %cond3A_424 = arith.cmpi ne, %convert_element_type3A_422, %cond3A_423 : i32
    scf.if %cond3A_424 {
      %dma_wait3A_494 = arith.constant 0 : i32
      %dma_wait3A_495 = arith.constant 0 : i32
      %dma_wait3A_496 = arith.constant 0 : i32
      %dma_wait3A_497 = tpu.memref_slice %arg7[%dma_wait3A_494, %dma_wait3A_495, %dma_wait3A_496] : memref<79x1x128xi32, #tpu.memory_space<vmem>> -> memref<1x1x128xi32, #tpu.memory_space<vmem>>
      %dma_wait3A_498 = tpu.memref_squeeze %dma_wait3A_497 : memref<1x1x128xi32, #tpu.memory_space<vmem>> -> memref<128xi32, #tpu.memory_space<vmem>>
      %dma_wait3A_499 = arith.constant 0 : i32
      %dma_wait3A_500 = arith.constant 0 : i32
      %dma_wait3A_501 = tpu.memref_slice %arg33[%dma_wait3A_499, %dma_wait3A_500] : memref<10240x16xf32, #tpu.memory_space<vmem_shared>> -> memref<10240x16xf32, #tpu.memory_space<vmem_shared>>
      tpu.wait_indirect_dma semaphore(%arg27 : memref<!tpu.dma_semaphore, #tpu.memory_space<semaphore_mem>>) src(%arg11 : memref<128x16xf32, #tpu.memory_space<vmem>>) dst(%dma_wait3A_501 : memref<10240x16xf32, #tpu.memory_space<vmem_shared>>)
      %add3A_502 = arith.constant 79 : i32
      %add3A_503 = arith.addi %sub3A, %add3A_502 : i32
      %add3A_504 = arith.constant 4 : i32
      %add3A_505 = arith.addi %add3A_503, %add3A_504 : i32
      %dma_start3A_506 = arith.constant 0 : i32
      %dma_start3A_507 = arith.constant 0 : i32
      %dma_start3A_508 = tpu.memref_slice %arg6[%add3A_505, %dma_start3A_506, %dma_start3A_507] : memref<79x1x128xi32, #tpu.memory_space<vmem>> -> memref<1x1x128xi32, #tpu.memory_space<vmem>>
      %dma_start3A_509 = tpu.memref_squeeze %dma_start3A_508 : memref<1x1x128xi32, #tpu.memory_space<vmem>> -> memref<128xi32, #tpu.memory_space<vmem>>
      %dma_start3A_510 = arith.constant 0 : i32
      %dma_start3A_511 = arith.constant 0 : i32
      %dma_start3A_512 = tpu.memref_slice %arg2[%dma_start3A_510, %dma_start3A_511] : memref<10240x16xf32, #tpu.memory_space<hbm>> -> memref<10240x16xf32, #tpu.memory_space<hbm>>
      tpu.enqueue_indirect_dma source(%dma_start3A_512 : memref<10240x16xf32, #tpu.memory_space<hbm>>) target(%arg11 : memref<128x16xf32, #tpu.memory_space<vmem>>) offsets(%dma_start3A_509 : memref<128xi32, #tpu.memory_space<vmem>>) semaphore(%arg19 : memref<!tpu.dma_semaphore, #tpu.memory_space<semaphore_mem>>)
    } else {
    }
    %dma_wait3A_425 = arith.constant 0 : i32
    %dma_wait3A_426 = arith.constant 0 : i32
    %dma_wait3A_427 = arith.constant 0 : i32
    %dma_wait3A_428 = tpu.memref_slice %arg7[%dma_wait3A_425, %dma_wait3A_426, %dma_wait3A_427] : memref<79x1x128xi32, #tpu.memory_space<vmem>> -> memref<1x1x128xi32, #tpu.memory_space<vmem>>
    %dma_wait3A_429 = tpu.memref_squeeze %dma_wait3A_428 : memref<1x1x128xi32, #tpu.memory_space<vmem>> -> memref<128xi32, #tpu.memory_space<vmem>>
    %dma_wait3A_430 = arith.constant 0 : i32
    %dma_wait3A_431 = arith.constant 0 : i32
    %dma_wait3A_432 = tpu.memref_slice %arg33[%dma_wait3A_430, %dma_wait3A_431] : memref<10240x16xf32, #tpu.memory_space<vmem_shared>> -> memref<10240x16xf32, #tpu.memory_space<vmem_shared>>
    tpu.wait_indirect_dma semaphore(%arg24 : memref<!tpu.dma_semaphore, #tpu.memory_space<semaphore_mem>>) src(%arg8 : memref<128x16xf32, #tpu.memory_space<vmem>>) dst(%dma_wait3A_432 : memref<10240x16xf32, #tpu.memory_space<vmem_shared>>)
    %dma_wait3A_433 = arith.constant 0 : i32
    %dma_wait3A_434 = arith.constant 0 : i32
    %dma_wait3A_435 = arith.constant 0 : i32
    %dma_wait3A_436 = tpu.memref_slice %arg7[%dma_wait3A_433, %dma_wait3A_434, %dma_wait3A_435] : memref<79x1x128xi32, #tpu.memory_space<vmem>> -> memref<1x1x128xi32, #tpu.memory_space<vmem>>
    %dma_wait3A_437 = tpu.memref_squeeze %dma_wait3A_436 : memref<1x1x128xi32, #tpu.memory_space<vmem>> -> memref<128xi32, #tpu.memory_space<vmem>>
    %dma_wait3A_438 = arith.constant 0 : i32
    %dma_wait3A_439 = arith.constant 0 : i32
    %dma_wait3A_440 = tpu.memref_slice %arg33[%dma_wait3A_438, %dma_wait3A_439] : memref<10240x16xf32, #tpu.memory_space<vmem_shared>> -> memref<10240x16xf32, #tpu.memory_space<vmem_shared>>
    tpu.wait_indirect_dma semaphore(%arg25 : memref<!tpu.dma_semaphore, #tpu.memory_space<semaphore_mem>>) src(%arg9 : memref<128x16xf32, #tpu.memory_space<vmem>>) dst(%dma_wait3A_440 : memref<10240x16xf32, #tpu.memory_space<vmem_shared>>)
    %dma_wait3A_441 = arith.constant 0 : i32
    %dma_wait3A_442 = arith.constant 0 : i32
    %dma_wait3A_443 = arith.constant 0 : i32
    %dma_wait3A_444 = tpu.memref_slice %arg7[%dma_wait3A_441, %dma_wait3A_442, %dma_wait3A_443] : memref<79x1x128xi32, #tpu.memory_space<vmem>> -> memref<1x1x128xi32, #tpu.memory_space<vmem>>
    %dma_wait3A_445 = tpu.memref_squeeze %dma_wait3A_444 : memref<1x1x128xi32, #tpu.memory_space<vmem>> -> memref<128xi32, #tpu.memory_space<vmem>>
    %dma_wait3A_446 = arith.constant 0 : i32
    %dma_wait3A_447 = arith.constant 0 : i32
    %dma_wait3A_448 = tpu.memref_slice %arg33[%dma_wait3A_446, %dma_wait3A_447] : memref<10240x16xf32, #tpu.memory_space<vmem_shared>> -> memref<10240x16xf32, #tpu.memory_space<vmem_shared>>
    tpu.wait_indirect_dma semaphore(%arg26 : memref<!tpu.dma_semaphore, #tpu.memory_space<semaphore_mem>>) src(%arg10 : memref<128x16xf32, #tpu.memory_space<vmem>>) dst(%dma_wait3A_448 : memref<10240x16xf32, #tpu.memory_space<vmem_shared>>)
    %dma_wait3A_449 = arith.constant 0 : i32
    %dma_wait3A_450 = arith.constant 0 : i32
    %dma_wait3A_451 = arith.constant 0 : i32
    %dma_wait3A_452 = tpu.memref_slice %arg7[%dma_wait3A_449, %dma_wait3A_450, %dma_wait3A_451] : memref<79x1x128xi32, #tpu.memory_space<vmem>> -> memref<1x1x128xi32, #tpu.memory_space<vmem>>
    %dma_wait3A_453 = tpu.memref_squeeze %dma_wait3A_452 : memref<1x1x128xi32, #tpu.memory_space<vmem>> -> memref<128xi32, #tpu.memory_space<vmem>>
    %dma_wait3A_454 = arith.constant 0 : i32
    %dma_wait3A_455 = arith.constant 0 : i32
    %dma_wait3A_456 = tpu.memref_slice %arg33[%dma_wait3A_454, %dma_wait3A_455] : memref<10240x16xf32, #tpu.memory_space<vmem_shared>> -> memref<10240x16xf32, #tpu.memory_space<vmem_shared>>
    tpu.wait_indirect_dma semaphore(%arg27 : memref<!tpu.dma_semaphore, #tpu.memory_space<semaphore_mem>>) src(%arg11 : memref<128x16xf32, #tpu.memory_space<vmem>>) dst(%dma_wait3A_456 : memref<10240x16xf32, #tpu.memory_space<vmem_shared>>)
    %dma_wait3A_457 = arith.constant 0 : i32
    %dma_wait3A_458 = arith.constant 0 : i32
    %dma_wait3A_459 = arith.constant 0 : i32
    %dma_wait3A_460 = tpu.memref_slice %arg7[%dma_wait3A_457, %dma_wait3A_458, %dma_wait3A_459] : memref<79x1x128xi32, #tpu.memory_space<vmem>> -> memref<1x1x128xi32, #tpu.memory_space<vmem>>
    %dma_wait3A_461 = tpu.memref_squeeze %dma_wait3A_460 : memref<1x1x128xi32, #tpu.memory_space<vmem>> -> memref<128xi32, #tpu.memory_space<vmem>>
    %dma_wait3A_462 = arith.constant 0 : i32
    %dma_wait3A_463 = arith.constant 0 : i32
    %dma_wait3A_464 = tpu.memref_slice %arg33[%dma_wait3A_462, %dma_wait3A_463] : memref<10240x16xf32, #tpu.memory_space<vmem_shared>> -> memref<10240x16xf32, #tpu.memory_space<vmem_shared>>
    tpu.wait_indirect_dma semaphore(%arg28 : memref<!tpu.dma_semaphore, #tpu.memory_space<semaphore_mem>>) src(%arg12 : memref<128x16xf32, #tpu.memory_space<vmem>>) dst(%dma_wait3A_464 : memref<10240x16xf32, #tpu.memory_space<vmem_shared>>)
    %dma_wait3A_465 = arith.constant 0 : i32
    %dma_wait3A_466 = arith.constant 0 : i32
    %dma_wait3A_467 = arith.constant 0 : i32
    %dma_wait3A_468 = tpu.memref_slice %arg7[%dma_wait3A_465, %dma_wait3A_466, %dma_wait3A_467] : memref<79x1x128xi32, #tpu.memory_space<vmem>> -> memref<1x1x128xi32, #tpu.memory_space<vmem>>
    %dma_wait3A_469 = tpu.memref_squeeze %dma_wait3A_468 : memref<1x1x128xi32, #tpu.memory_space<vmem>> -> memref<128xi32, #tpu.memory_space<vmem>>
    %dma_wait3A_470 = arith.constant 0 : i32
    %dma_wait3A_471 = arith.constant 0 : i32
    %dma_wait3A_472 = tpu.memref_slice %arg33[%dma_wait3A_470, %dma_wait3A_471] : memref<10240x16xf32, #tpu.memory_space<vmem_shared>> -> memref<10240x16xf32, #tpu.memory_space<vmem_shared>>
    tpu.wait_indirect_dma semaphore(%arg29 : memref<!tpu.dma_semaphore, #tpu.memory_space<semaphore_mem>>) src(%arg13 : memref<128x16xf32, #tpu.memory_space<vmem>>) dst(%dma_wait3A_472 : memref<10240x16xf32, #tpu.memory_space<vmem_shared>>)
    %dma_wait3A_473 = arith.constant 0 : i32
    %dma_wait3A_474 = arith.constant 0 : i32
    %dma_wait3A_475 = arith.constant 0 : i32
    %dma_wait3A_476 = tpu.memref_slice %arg7[%dma_wait3A_473, %dma_wait3A_474, %dma_wait3A_475] : memref<79x1x128xi32, #tpu.memory_space<vmem>> -> memref<1x1x128xi32, #tpu.memory_space<vmem>>
    %dma_wait3A_477 = tpu.memref_squeeze %dma_wait3A_476 : memref<1x1x128xi32, #tpu.memory_space<vmem>> -> memref<128xi32, #tpu.memory_space<vmem>>
    %dma_wait3A_478 = arith.constant 0 : i32
    %dma_wait3A_479 = arith.constant 0 : i32
    %dma_wait3A_480 = tpu.memref_slice %arg33[%dma_wait3A_478, %dma_wait3A_479] : memref<10240x16xf32, #tpu.memory_space<vmem_shared>> -> memref<10240x16xf32, #tpu.memory_space<vmem_shared>>
    tpu.wait_indirect_dma semaphore(%arg30 : memref<!tpu.dma_semaphore, #tpu.memory_space<semaphore_mem>>) src(%arg14 : memref<128x16xf32, #tpu.memory_space<vmem>>) dst(%dma_wait3A_480 : memref<10240x16xf32, #tpu.memory_space<vmem_shared>>)
    %dma_wait3A_481 = arith.constant 0 : i32
    %dma_wait3A_482 = arith.constant 0 : i32
    %dma_wait3A_483 = arith.constant 0 : i32
    %dma_wait3A_484 = tpu.memref_slice %arg7[%dma_wait3A_481, %dma_wait3A_482, %dma_wait3A_483] : memref<79x1x128xi32, #tpu.memory_space<vmem>> -> memref<1x1x128xi32, #tpu.memory_space<vmem>>
    %dma_wait3A_485 = tpu.memref_squeeze %dma_wait3A_484 : memref<1x1x128xi32, #tpu.memory_space<vmem>> -> memref<128xi32, #tpu.memory_space<vmem>>
    %dma_wait3A_486 = arith.constant 0 : i32
    %dma_wait3A_487 = arith.constant 0 : i32
    %dma_wait3A_488 = tpu.memref_slice %arg33[%dma_wait3A_486, %dma_wait3A_487] : memref<10240x16xf32, #tpu.memory_space<vmem_shared>> -> memref<10240x16xf32, #tpu.memory_space<vmem_shared>>
    tpu.wait_indirect_dma semaphore(%arg31 : memref<!tpu.dma_semaphore, #tpu.memory_space<semaphore_mem>>) src(%arg15 : memref<128x16xf32, #tpu.memory_space<vmem>>) dst(%dma_wait3A_488 : memref<10240x16xf32, #tpu.memory_space<vmem_shared>>)
    %barrier3A_489 = arith.constant 0 : index
    tpu.barrier barrier_id(%barrier3A_489)
    %mul3A_490 = arith.constant 640 : i32
    %mul3A_491 = arith.muli %arg1, %mul3A_490 : i32
    %mul3A_492 = arith.constant 640 : i32
    %mul3A_493 = arith.muli %arg1, %mul3A_492 : i32
    "tpu.region"() ({
      %run_scoped3A = tpu.sem_alloc : memref<!tpu.dma_semaphore, #tpu.memory_space<semaphore_mem>>
      %dma_start3A_494 = arith.constant 0 : i32
      %dma_start3A_495 = tpu.memref_slice %arg5[%arg0, %mul3A_493, %dma_start3A_494] : memref<2x10240x16xf32, #tpu.memory_space<hbm>> -> memref<1x640x16xf32, #tpu.memory_space<hbm>>
      %dma_start3A_496 = tpu.memref_squeeze %dma_start3A_495 : memref<1x640x16xf32, #tpu.memory_space<hbm>> -> memref<640x16xf32, #tpu.memory_space<hbm>>
      %dma_start3A_497 = arith.constant 0 : i32
      %dma_start3A_498 = tpu.memref_slice %arg33[%mul3A_491, %dma_start3A_497] : memref<10240x16xf32, #tpu.memory_space<vmem_shared>> -> memref<640x16xf32, #tpu.memory_space<vmem_shared>>
      tpu.enqueue_dma source(%dma_start3A_498 : memref<640x16xf32, #tpu.memory_space<vmem_shared>>) target(%dma_start3A_496 : memref<640x16xf32, #tpu.memory_space<hbm>>) target_semaphore(%run_scoped3A : memref<!tpu.dma_semaphore, #tpu.memory_space<semaphore_mem>>)
      %dma_wait3A_499 = arith.constant 0 : i32
      %dma_wait3A_500 = tpu.memref_slice %arg5[%arg0, %mul3A_493, %dma_wait3A_499] : memref<2x10240x16xf32, #tpu.memory_space<hbm>> -> memref<1x640x16xf32, #tpu.memory_space<hbm>>
      %dma_wait3A_501 = tpu.memref_squeeze %dma_wait3A_500 : memref<1x640x16xf32, #tpu.memory_space<hbm>> -> memref<640x16xf32, #tpu.memory_space<hbm>>
      %dma_wait3A_502 = arith.constant 0 : i32
      %dma_wait3A_503 = tpu.memref_slice %arg33[%mul3A_491, %dma_wait3A_502] : memref<10240x16xf32, #tpu.memory_space<vmem_shared>> -> memref<640x16xf32, #tpu.memory_space<vmem_shared>>
      tpu.wait_dma2 semaphore(%run_scoped3A : memref<!tpu.dma_semaphore, #tpu.memory_space<semaphore_mem>>) src(%dma_wait3A_503 : memref<640x16xf32, #tpu.memory_space<vmem_shared>>) dst(%dma_wait3A_501 : memref<640x16xf32, #tpu.memory_space<hbm>>)
      tpu.yield
    }) : () -> ()
    return
  }
}

module attributes {stable_mosaic.version = 14 : i64} {
  func.func @_tca_body(%arg0: memref<10000x128xf32, #tpu.memory_space<vmem>>, %arg1: memref<8x128x128xf32, #tpu.memory_space<vmem>>, %arg2: memref<1250x128xf32, #tpu.memory_space<vmem>>) attributes {dimension_semantics = [], scalar_prefetch = 0 : i64, scratch_operands = 0 : i64, tpu.core_type = #tpu.core_type<tc>} {
    %get3A = arith.constant 0 : index
    %get3A_0 = arith.constant 0 : index
    %get3A_1 = vector.load %arg0[%get3A, %get3A_0] : memref<10000x128xf32, #tpu.memory_space<vmem>>, vector<10000x128xf32>
    %reshape3A = vector.shape_cast %get3A_1 : vector<10000x128xf32> to vector<1250x8x128xf32>
    %broadcast_in_dim3A = arith.constant 0.000000e+00 : f32
    %broadcast_in_dim3A_2 = vector.broadcast %broadcast_in_dim3A : f32 to vector<1250x128xf32>
    %slice3A = vector.extract_strided_slice %reshape3A {offsets = [0, 0, 0], sizes = [1250, 1, 128], strides = [1, 1, 1]} : vector<1250x8x128xf32> to vector<1250x1x128xf32>
    %squeeze3A = vector.shape_cast %slice3A : vector<1250x1x128xf32> to vector<1250x128xf32>
    %get3A_3 = arith.constant 0 : index
    %get3A_4 = arith.constant 0 : index
    %get3A_5 = arith.constant 0 : index
    %get3A_6 = vector.load %arg1[%get3A_3, %get3A_4, %get3A_5] : memref<8x128x128xf32, #tpu.memory_space<vmem>>, vector<1x128x128xf32>
    %get3A_7 = vector.shape_cast %get3A_6 : vector<1x128x128xf32> to vector<128x128xf32>
    %dot_general3A = arith.constant dense<0.000000e+00> : vector<1250x128xf32>
    %dot_general3A_8 = tpu.matmul %squeeze3A, %get3A_7, %dot_general3A {dimension_numbers = #tpu.dot_dimension_numbers<[1], [0], [0], [1], [0, 0, 1, 1], [], []>, transpose_lhs_hint = false} : vector<1250x128xf32>, vector<128x128xf32>, vector<1250x128xf32> -> vector<1250x128xf32>
    %add3A = arith.addf %broadcast_in_dim3A_2, %dot_general3A_8 : vector<1250x128xf32>
    %slice3A_9 = vector.extract_strided_slice %reshape3A {offsets = [0, 1, 0], sizes = [1250, 1, 128], strides = [1, 1, 1]} : vector<1250x8x128xf32> to vector<1250x1x128xf32>
    %squeeze3A_10 = vector.shape_cast %slice3A_9 : vector<1250x1x128xf32> to vector<1250x128xf32>
    %get3A_11 = arith.constant 1 : index
    %get3A_12 = arith.constant 0 : index
    %get3A_13 = arith.constant 0 : index
    %get3A_14 = vector.load %arg1[%get3A_11, %get3A_12, %get3A_13] : memref<8x128x128xf32, #tpu.memory_space<vmem>>, vector<1x128x128xf32>
    %get3A_15 = vector.shape_cast %get3A_14 : vector<1x128x128xf32> to vector<128x128xf32>
    %dot_general3A_16 = arith.constant dense<0.000000e+00> : vector<1250x128xf32>
    %dot_general3A_17 = tpu.matmul %squeeze3A_10, %get3A_15, %dot_general3A_16 {dimension_numbers = #tpu.dot_dimension_numbers<[1], [0], [0], [1], [0, 0, 1, 1], [], []>, transpose_lhs_hint = false} : vector<1250x128xf32>, vector<128x128xf32>, vector<1250x128xf32> -> vector<1250x128xf32>
    %add3A_18 = arith.addf %add3A, %dot_general3A_17 : vector<1250x128xf32>
    %slice3A_19 = vector.extract_strided_slice %reshape3A {offsets = [0, 2, 0], sizes = [1250, 1, 128], strides = [1, 1, 1]} : vector<1250x8x128xf32> to vector<1250x1x128xf32>
    %squeeze3A_20 = vector.shape_cast %slice3A_19 : vector<1250x1x128xf32> to vector<1250x128xf32>
    %get3A_21 = arith.constant 2 : index
    %get3A_22 = arith.constant 0 : index
    %get3A_23 = arith.constant 0 : index
    %get3A_24 = vector.load %arg1[%get3A_21, %get3A_22, %get3A_23] : memref<8x128x128xf32, #tpu.memory_space<vmem>>, vector<1x128x128xf32>
    %get3A_25 = vector.shape_cast %get3A_24 : vector<1x128x128xf32> to vector<128x128xf32>
    %dot_general3A_26 = arith.constant dense<0.000000e+00> : vector<1250x128xf32>
    %dot_general3A_27 = tpu.matmul %squeeze3A_20, %get3A_25, %dot_general3A_26 {dimension_numbers = #tpu.dot_dimension_numbers<[1], [0], [0], [1], [0, 0, 1, 1], [], []>, transpose_lhs_hint = false} : vector<1250x128xf32>, vector<128x128xf32>, vector<1250x128xf32> -> vector<1250x128xf32>
    %add3A_28 = arith.addf %add3A_18, %dot_general3A_27 : vector<1250x128xf32>
    %slice3A_29 = vector.extract_strided_slice %reshape3A {offsets = [0, 3, 0], sizes = [1250, 1, 128], strides = [1, 1, 1]} : vector<1250x8x128xf32> to vector<1250x1x128xf32>
    %squeeze3A_30 = vector.shape_cast %slice3A_29 : vector<1250x1x128xf32> to vector<1250x128xf32>
    %get3A_31 = arith.constant 3 : index
    %get3A_32 = arith.constant 0 : index
    %get3A_33 = arith.constant 0 : index
    %get3A_34 = vector.load %arg1[%get3A_31, %get3A_32, %get3A_33] : memref<8x128x128xf32, #tpu.memory_space<vmem>>, vector<1x128x128xf32>
    %get3A_35 = vector.shape_cast %get3A_34 : vector<1x128x128xf32> to vector<128x128xf32>
    %dot_general3A_36 = arith.constant dense<0.000000e+00> : vector<1250x128xf32>
    %dot_general3A_37 = tpu.matmul %squeeze3A_30, %get3A_35, %dot_general3A_36 {dimension_numbers = #tpu.dot_dimension_numbers<[1], [0], [0], [1], [0, 0, 1, 1], [], []>, transpose_lhs_hint = false} : vector<1250x128xf32>, vector<128x128xf32>, vector<1250x128xf32> -> vector<1250x128xf32>
    %add3A_38 = arith.addf %add3A_28, %dot_general3A_37 : vector<1250x128xf32>
    %slice3A_39 = vector.extract_strided_slice %reshape3A {offsets = [0, 4, 0], sizes = [1250, 1, 128], strides = [1, 1, 1]} : vector<1250x8x128xf32> to vector<1250x1x128xf32>
    %squeeze3A_40 = vector.shape_cast %slice3A_39 : vector<1250x1x128xf32> to vector<1250x128xf32>
    %get3A_41 = arith.constant 4 : index
    %get3A_42 = arith.constant 0 : index
    %get3A_43 = arith.constant 0 : index
    %get3A_44 = vector.load %arg1[%get3A_41, %get3A_42, %get3A_43] : memref<8x128x128xf32, #tpu.memory_space<vmem>>, vector<1x128x128xf32>
    %get3A_45 = vector.shape_cast %get3A_44 : vector<1x128x128xf32> to vector<128x128xf32>
    %dot_general3A_46 = arith.constant dense<0.000000e+00> : vector<1250x128xf32>
    %dot_general3A_47 = tpu.matmul %squeeze3A_40, %get3A_45, %dot_general3A_46 {dimension_numbers = #tpu.dot_dimension_numbers<[1], [0], [0], [1], [0, 0, 1, 1], [], []>, transpose_lhs_hint = false} : vector<1250x128xf32>, vector<128x128xf32>, vector<1250x128xf32> -> vector<1250x128xf32>
    %add3A_48 = arith.addf %add3A_38, %dot_general3A_47 : vector<1250x128xf32>
    %slice3A_49 = vector.extract_strided_slice %reshape3A {offsets = [0, 5, 0], sizes = [1250, 1, 128], strides = [1, 1, 1]} : vector<1250x8x128xf32> to vector<1250x1x128xf32>
    %squeeze3A_50 = vector.shape_cast %slice3A_49 : vector<1250x1x128xf32> to vector<1250x128xf32>
    %get3A_51 = arith.constant 5 : index
    %get3A_52 = arith.constant 0 : index
    %get3A_53 = arith.constant 0 : index
    %get3A_54 = vector.load %arg1[%get3A_51, %get3A_52, %get3A_53] : memref<8x128x128xf32, #tpu.memory_space<vmem>>, vector<1x128x128xf32>
    %get3A_55 = vector.shape_cast %get3A_54 : vector<1x128x128xf32> to vector<128x128xf32>
    %dot_general3A_56 = arith.constant dense<0.000000e+00> : vector<1250x128xf32>
    %dot_general3A_57 = tpu.matmul %squeeze3A_50, %get3A_55, %dot_general3A_56 {dimension_numbers = #tpu.dot_dimension_numbers<[1], [0], [0], [1], [0, 0, 1, 1], [], []>, transpose_lhs_hint = false} : vector<1250x128xf32>, vector<128x128xf32>, vector<1250x128xf32> -> vector<1250x128xf32>
    %add3A_58 = arith.addf %add3A_48, %dot_general3A_57 : vector<1250x128xf32>
    %slice3A_59 = vector.extract_strided_slice %reshape3A {offsets = [0, 6, 0], sizes = [1250, 1, 128], strides = [1, 1, 1]} : vector<1250x8x128xf32> to vector<1250x1x128xf32>
    %squeeze3A_60 = vector.shape_cast %slice3A_59 : vector<1250x1x128xf32> to vector<1250x128xf32>
    %get3A_61 = arith.constant 6 : index
    %get3A_62 = arith.constant 0 : index
    %get3A_63 = arith.constant 0 : index
    %get3A_64 = vector.load %arg1[%get3A_61, %get3A_62, %get3A_63] : memref<8x128x128xf32, #tpu.memory_space<vmem>>, vector<1x128x128xf32>
    %get3A_65 = vector.shape_cast %get3A_64 : vector<1x128x128xf32> to vector<128x128xf32>
    %dot_general3A_66 = arith.constant dense<0.000000e+00> : vector<1250x128xf32>
    %dot_general3A_67 = tpu.matmul %squeeze3A_60, %get3A_65, %dot_general3A_66 {dimension_numbers = #tpu.dot_dimension_numbers<[1], [0], [0], [1], [0, 0, 1, 1], [], []>, transpose_lhs_hint = false} : vector<1250x128xf32>, vector<128x128xf32>, vector<1250x128xf32> -> vector<1250x128xf32>
    %add3A_68 = arith.addf %add3A_58, %dot_general3A_67 : vector<1250x128xf32>
    %slice3A_69 = vector.extract_strided_slice %reshape3A {offsets = [0, 7, 0], sizes = [1250, 1, 128], strides = [1, 1, 1]} : vector<1250x8x128xf32> to vector<1250x1x128xf32>
    %squeeze3A_70 = vector.shape_cast %slice3A_69 : vector<1250x1x128xf32> to vector<1250x128xf32>
    %get3A_71 = arith.constant 7 : index
    %get3A_72 = arith.constant 0 : index
    %get3A_73 = arith.constant 0 : index
    %get3A_74 = vector.load %arg1[%get3A_71, %get3A_72, %get3A_73] : memref<8x128x128xf32, #tpu.memory_space<vmem>>, vector<1x128x128xf32>
    %get3A_75 = vector.shape_cast %get3A_74 : vector<1x128x128xf32> to vector<128x128xf32>
    %dot_general3A_76 = arith.constant dense<0.000000e+00> : vector<1250x128xf32>
    %dot_general3A_77 = tpu.matmul %squeeze3A_70, %get3A_75, %dot_general3A_76 {dimension_numbers = #tpu.dot_dimension_numbers<[1], [0], [0], [1], [0, 0, 1, 1], [], []>, transpose_lhs_hint = false} : vector<1250x128xf32>, vector<128x128xf32>, vector<1250x128xf32> -> vector<1250x128xf32>
    %add3A_78 = arith.addf %add3A_68, %dot_general3A_77 : vector<1250x128xf32>
    %swap3A = arith.constant 0 : index
    %swap3A_79 = arith.constant 0 : index
    %swap3A_80 = vector.load %arg2[%swap3A, %swap3A_79] : memref<1250x128xf32, #tpu.memory_space<vmem>>, vector<1250x128xf32>
    tpu.vector_store %arg2[%swap3A, %swap3A_79], %add3A_78 {strides = array<i32>} : memref<1250x128xf32, #tpu.memory_space<vmem>>, vector<1250x128xf32>,
    return
  }
}

module attributes {stable_mosaic.version = 14 : i64} {
  func.func @_tcb_body(%arg0: memref<1250x128xf32, #tpu.memory_space<vmem>>, %arg1: memref<16x128x128xf32, #tpu.memory_space<vmem>>, %arg2: memref<2x80x128xf32, #tpu.memory_space<vmem>>, %arg3: memref<1280x128xf32, #tpu.memory_space<vmem>>, %arg4: memref<1280x128xf32, #tpu.memory_space<vmem>>) attributes {dimension_semantics = [], scalar_prefetch = 0 : i64, scratch_operands = 0 : i64, tpu.core_type = #tpu.core_type<tc>} {
    %get3A = arith.constant 0 : index
    %get3A_0 = arith.constant 0 : index
    %get3A_1 = arith.constant 0 : index
    %get3A_2 = vector.load %arg2[%get3A, %get3A_0, %get3A_1] : memref<2x80x128xf32, #tpu.memory_space<vmem>>, vector<1x80x128xf32>
    %get3A_3 = vector.shape_cast %get3A_2 : vector<1x80x128xf32> to vector<80x128xf32>
    %get3A_4 = arith.constant 1 : index
    %get3A_5 = arith.constant 0 : index
    %get3A_6 = arith.constant 0 : index
    %get3A_7 = vector.load %arg2[%get3A_4, %get3A_5, %get3A_6] : memref<2x80x128xf32, #tpu.memory_space<vmem>>, vector<1x80x128xf32>
    %get3A_8 = vector.shape_cast %get3A_7 : vector<1x80x128xf32> to vector<80x128xf32>
    %add3A = arith.addf %get3A_3, %get3A_8 : vector<80x128xf32>
    %add3A_9 = arith.constant 1.000000e+00 : f32
    %add3A_10 = vector.broadcast %add3A_9 : f32 to vector<80x128xf32>
    %add3A_11 = arith.addf %add3A, %add3A_10 : vector<80x128xf32>
    %rsqrt3A = math.rsqrt %add3A_11 : vector<80x128xf32>
    %get3A_12 = arith.constant 0 : index
    %get3A_13 = arith.constant 0 : index
    %get3A_14 = arith.constant 0 : index
    %get3A_15 = vector.load %arg1[%get3A_12, %get3A_13, %get3A_14] : memref<16x128x128xf32, #tpu.memory_space<vmem>>, vector<1x128x128xf32>
    %get3A_16 = vector.shape_cast %get3A_15 : vector<1x128x128xf32> to vector<128x128xf32>
    %dot_general3A = arith.constant dense<0.000000e+00> : vector<80x128xf32>
    %dot_general3A_17 = tpu.matmul %rsqrt3A, %get3A_16, %dot_general3A {dimension_numbers = #tpu.dot_dimension_numbers<[1], [0], [0], [1], [0, 0, 1, 1], [], []>, transpose_lhs_hint = false} : vector<80x128xf32>, vector<128x128xf32>, vector<80x128xf32> -> vector<80x128xf32>
    %get3A_18 = arith.constant 1 : index
    %get3A_19 = arith.constant 0 : index
    %get3A_20 = arith.constant 0 : index
    %get3A_21 = vector.load %arg1[%get3A_18, %get3A_19, %get3A_20] : memref<16x128x128xf32, #tpu.memory_space<vmem>>, vector<1x128x128xf32>
    %get3A_22 = vector.shape_cast %get3A_21 : vector<1x128x128xf32> to vector<128x128xf32>
    %dot_general3A_23 = arith.constant dense<0.000000e+00> : vector<80x128xf32>
    %dot_general3A_24 = tpu.matmul %rsqrt3A, %get3A_22, %dot_general3A_23 {dimension_numbers = #tpu.dot_dimension_numbers<[1], [0], [0], [1], [0, 0, 1, 1], [], []>, transpose_lhs_hint = false} : vector<80x128xf32>, vector<128x128xf32>, vector<80x128xf32> -> vector<80x128xf32>
    %get3A_25 = arith.constant 2 : index
    %get3A_26 = arith.constant 0 : index
    %get3A_27 = arith.constant 0 : index
    %get3A_28 = vector.load %arg1[%get3A_25, %get3A_26, %get3A_27] : memref<16x128x128xf32, #tpu.memory_space<vmem>>, vector<1x128x128xf32>
    %get3A_29 = vector.shape_cast %get3A_28 : vector<1x128x128xf32> to vector<128x128xf32>
    %dot_general3A_30 = arith.constant dense<0.000000e+00> : vector<80x128xf32>
    %dot_general3A_31 = tpu.matmul %rsqrt3A, %get3A_29, %dot_general3A_30 {dimension_numbers = #tpu.dot_dimension_numbers<[1], [0], [0], [1], [0, 0, 1, 1], [], []>, transpose_lhs_hint = false} : vector<80x128xf32>, vector<128x128xf32>, vector<80x128xf32> -> vector<80x128xf32>
    %get3A_32 = arith.constant 3 : index
    %get3A_33 = arith.constant 0 : index
    %get3A_34 = arith.constant 0 : index
    %get3A_35 = vector.load %arg1[%get3A_32, %get3A_33, %get3A_34] : memref<16x128x128xf32, #tpu.memory_space<vmem>>, vector<1x128x128xf32>
    %get3A_36 = vector.shape_cast %get3A_35 : vector<1x128x128xf32> to vector<128x128xf32>
    %dot_general3A_37 = arith.constant dense<0.000000e+00> : vector<80x128xf32>
    %dot_general3A_38 = tpu.matmul %rsqrt3A, %get3A_36, %dot_general3A_37 {dimension_numbers = #tpu.dot_dimension_numbers<[1], [0], [0], [1], [0, 0, 1, 1], [], []>, transpose_lhs_hint = false} : vector<80x128xf32>, vector<128x128xf32>, vector<80x128xf32> -> vector<80x128xf32>
    %get3A_39 = arith.constant 4 : index
    %get3A_40 = arith.constant 0 : index
    %get3A_41 = arith.constant 0 : index
    %get3A_42 = vector.load %arg1[%get3A_39, %get3A_40, %get3A_41] : memref<16x128x128xf32, #tpu.memory_space<vmem>>, vector<1x128x128xf32>
    %get3A_43 = vector.shape_cast %get3A_42 : vector<1x128x128xf32> to vector<128x128xf32>
    %dot_general3A_44 = arith.constant dense<0.000000e+00> : vector<80x128xf32>
    %dot_general3A_45 = tpu.matmul %rsqrt3A, %get3A_43, %dot_general3A_44 {dimension_numbers = #tpu.dot_dimension_numbers<[1], [0], [0], [1], [0, 0, 1, 1], [], []>, transpose_lhs_hint = false} : vector<80x128xf32>, vector<128x128xf32>, vector<80x128xf32> -> vector<80x128xf32>
    %get3A_46 = arith.constant 5 : index
    %get3A_47 = arith.constant 0 : index
    %get3A_48 = arith.constant 0 : index
    %get3A_49 = vector.load %arg1[%get3A_46, %get3A_47, %get3A_48] : memref<16x128x128xf32, #tpu.memory_space<vmem>>, vector<1x128x128xf32>
    %get3A_50 = vector.shape_cast %get3A_49 : vector<1x128x128xf32> to vector<128x128xf32>
    %dot_general3A_51 = arith.constant dense<0.000000e+00> : vector<80x128xf32>
    %dot_general3A_52 = tpu.matmul %rsqrt3A, %get3A_50, %dot_general3A_51 {dimension_numbers = #tpu.dot_dimension_numbers<[1], [0], [0], [1], [0, 0, 1, 1], [], []>, transpose_lhs_hint = false} : vector<80x128xf32>, vector<128x128xf32>, vector<80x128xf32> -> vector<80x128xf32>
    %get3A_53 = arith.constant 6 : index
    %get3A_54 = arith.constant 0 : index
    %get3A_55 = arith.constant 0 : index
    %get3A_56 = vector.load %arg1[%get3A_53, %get3A_54, %get3A_55] : memref<16x128x128xf32, #tpu.memory_space<vmem>>, vector<1x128x128xf32>
    %get3A_57 = vector.shape_cast %get3A_56 : vector<1x128x128xf32> to vector<128x128xf32>
    %dot_general3A_58 = arith.constant dense<0.000000e+00> : vector<80x128xf32>
    %dot_general3A_59 = tpu.matmul %rsqrt3A, %get3A_57, %dot_general3A_58 {dimension_numbers = #tpu.dot_dimension_numbers<[1], [0], [0], [1], [0, 0, 1, 1], [], []>, transpose_lhs_hint = false} : vector<80x128xf32>, vector<128x128xf32>, vector<80x128xf32> -> vector<80x128xf32>
    %get3A_60 = arith.constant 7 : index
    %get3A_61 = arith.constant 0 : index
    %get3A_62 = arith.constant 0 : index
    %get3A_63 = vector.load %arg1[%get3A_60, %get3A_61, %get3A_62] : memref<16x128x128xf32, #tpu.memory_space<vmem>>, vector<1x128x128xf32>
    %get3A_64 = vector.shape_cast %get3A_63 : vector<1x128x128xf32> to vector<128x128xf32>
    %dot_general3A_65 = arith.constant dense<0.000000e+00> : vector<80x128xf32>
    %dot_general3A_66 = tpu.matmul %rsqrt3A, %get3A_64, %dot_general3A_65 {dimension_numbers = #tpu.dot_dimension_numbers<[1], [0], [0], [1], [0, 0, 1, 1], [], []>, transpose_lhs_hint = false} : vector<80x128xf32>, vector<128x128xf32>, vector<80x128xf32> -> vector<80x128xf32>
    %get3A_67 = arith.constant 8 : index
    %get3A_68 = arith.constant 0 : index
    %get3A_69 = arith.constant 0 : index
    %get3A_70 = vector.load %arg1[%get3A_67, %get3A_68, %get3A_69] : memref<16x128x128xf32, #tpu.memory_space<vmem>>, vector<1x128x128xf32>
    %get3A_71 = vector.shape_cast %get3A_70 : vector<1x128x128xf32> to vector<128x128xf32>
    %dot_general3A_72 = arith.constant dense<0.000000e+00> : vector<80x128xf32>
    %dot_general3A_73 = tpu.matmul %rsqrt3A, %get3A_71, %dot_general3A_72 {dimension_numbers = #tpu.dot_dimension_numbers<[1], [0], [0], [1], [0, 0, 1, 1], [], []>, transpose_lhs_hint = false} : vector<80x128xf32>, vector<128x128xf32>, vector<80x128xf32> -> vector<80x128xf32>
    %get3A_74 = arith.constant 9 : index
    %get3A_75 = arith.constant 0 : index
    %get3A_76 = arith.constant 0 : index
    %get3A_77 = vector.load %arg1[%get3A_74, %get3A_75, %get3A_76] : memref<16x128x128xf32, #tpu.memory_space<vmem>>, vector<1x128x128xf32>
    %get3A_78 = vector.shape_cast %get3A_77 : vector<1x128x128xf32> to vector<128x128xf32>
    %dot_general3A_79 = arith.constant dense<0.000000e+00> : vector<80x128xf32>
    %dot_general3A_80 = tpu.matmul %rsqrt3A, %get3A_78, %dot_general3A_79 {dimension_numbers = #tpu.dot_dimension_numbers<[1], [0], [0], [1], [0, 0, 1, 1], [], []>, transpose_lhs_hint = false} : vector<80x128xf32>, vector<128x128xf32>, vector<80x128xf32> -> vector<80x128xf32>
    %get3A_81 = arith.constant 10 : index
    %get3A_82 = arith.constant 0 : index
    %get3A_83 = arith.constant 0 : index
    %get3A_84 = vector.load %arg1[%get3A_81, %get3A_82, %get3A_83] : memref<16x128x128xf32, #tpu.memory_space<vmem>>, vector<1x128x128xf32>
    %get3A_85 = vector.shape_cast %get3A_84 : vector<1x128x128xf32> to vector<128x128xf32>
    %dot_general3A_86 = arith.constant dense<0.000000e+00> : vector<80x128xf32>
    %dot_general3A_87 = tpu.matmul %rsqrt3A, %get3A_85, %dot_general3A_86 {dimension_numbers = #tpu.dot_dimension_numbers<[1], [0], [0], [1], [0, 0, 1, 1], [], []>, transpose_lhs_hint = false} : vector<80x128xf32>, vector<128x128xf32>, vector<80x128xf32> -> vector<80x128xf32>
    %get3A_88 = arith.constant 11 : index
    %get3A_89 = arith.constant 0 : index
    %get3A_90 = arith.constant 0 : index
    %get3A_91 = vector.load %arg1[%get3A_88, %get3A_89, %get3A_90] : memref<16x128x128xf32, #tpu.memory_space<vmem>>, vector<1x128x128xf32>
    %get3A_92 = vector.shape_cast %get3A_91 : vector<1x128x128xf32> to vector<128x128xf32>
    %dot_general3A_93 = arith.constant dense<0.000000e+00> : vector<80x128xf32>
    %dot_general3A_94 = tpu.matmul %rsqrt3A, %get3A_92, %dot_general3A_93 {dimension_numbers = #tpu.dot_dimension_numbers<[1], [0], [0], [1], [0, 0, 1, 1], [], []>, transpose_lhs_hint = false} : vector<80x128xf32>, vector<128x128xf32>, vector<80x128xf32> -> vector<80x128xf32>
    %get3A_95 = arith.constant 12 : index
    %get3A_96 = arith.constant 0 : index
    %get3A_97 = arith.constant 0 : index
    %get3A_98 = vector.load %arg1[%get3A_95, %get3A_96, %get3A_97] : memref<16x128x128xf32, #tpu.memory_space<vmem>>, vector<1x128x128xf32>
    %get3A_99 = vector.shape_cast %get3A_98 : vector<1x128x128xf32> to vector<128x128xf32>
    %dot_general3A_100 = arith.constant dense<0.000000e+00> : vector<80x128xf32>
    %dot_general3A_101 = tpu.matmul %rsqrt3A, %get3A_99, %dot_general3A_100 {dimension_numbers = #tpu.dot_dimension_numbers<[1], [0], [0], [1], [0, 0, 1, 1], [], []>, transpose_lhs_hint = false} : vector<80x128xf32>, vector<128x128xf32>, vector<80x128xf32> -> vector<80x128xf32>
    %get3A_102 = arith.constant 13 : index
    %get3A_103 = arith.constant 0 : index
    %get3A_104 = arith.constant 0 : index
    %get3A_105 = vector.load %arg1[%get3A_102, %get3A_103, %get3A_104] : memref<16x128x128xf32, #tpu.memory_space<vmem>>, vector<1x128x128xf32>
    %get3A_106 = vector.shape_cast %get3A_105 : vector<1x128x128xf32> to vector<128x128xf32>
    %dot_general3A_107 = arith.constant dense<0.000000e+00> : vector<80x128xf32>
    %dot_general3A_108 = tpu.matmul %rsqrt3A, %get3A_106, %dot_general3A_107 {dimension_numbers = #tpu.dot_dimension_numbers<[1], [0], [0], [1], [0, 0, 1, 1], [], []>, transpose_lhs_hint = false} : vector<80x128xf32>, vector<128x128xf32>, vector<80x128xf32> -> vector<80x128xf32>
    %get3A_109 = arith.constant 14 : index
    %get3A_110 = arith.constant 0 : index
    %get3A_111 = arith.constant 0 : index
    %get3A_112 = vector.load %arg1[%get3A_109, %get3A_110, %get3A_111] : memref<16x128x128xf32, #tpu.memory_space<vmem>>, vector<1x128x128xf32>
    %get3A_113 = vector.shape_cast %get3A_112 : vector<1x128x128xf32> to vector<128x128xf32>
    %dot_general3A_114 = arith.constant dense<0.000000e+00> : vector<80x128xf32>
    %dot_general3A_115 = tpu.matmul %rsqrt3A, %get3A_113, %dot_general3A_114 {dimension_numbers = #tpu.dot_dimension_numbers<[1], [0], [0], [1], [0, 0, 1, 1], [], []>, transpose_lhs_hint = false} : vector<80x128xf32>, vector<128x128xf32>, vector<80x128xf32> -> vector<80x128xf32>
    %get3A_116 = arith.constant 15 : index
    %get3A_117 = arith.constant 0 : index
    %get3A_118 = arith.constant 0 : index
    %get3A_119 = vector.load %arg1[%get3A_116, %get3A_117, %get3A_118] : memref<16x128x128xf32, #tpu.memory_space<vmem>>, vector<1x128x128xf32>
    %get3A_120 = vector.shape_cast %get3A_119 : vector<1x128x128xf32> to vector<128x128xf32>
    %dot_general3A_121 = arith.constant dense<0.000000e+00> : vector<80x128xf32>
    %dot_general3A_122 = tpu.matmul %rsqrt3A, %get3A_120, %dot_general3A_121 {dimension_numbers = #tpu.dot_dimension_numbers<[1], [0], [0], [1], [0, 0, 1, 1], [], []>, transpose_lhs_hint = false} : vector<80x128xf32>, vector<128x128xf32>, vector<80x128xf32> -> vector<80x128xf32>
    %stack3A = vector.shape_cast %dot_general3A_17 : vector<80x128xf32> to vector<80x1x128xf32>
    %stack3A_123 = vector.shape_cast %dot_general3A_24 : vector<80x128xf32> to vector<80x1x128xf32>
    %stack3A_124 = vector.shape_cast %dot_general3A_31 : vector<80x128xf32> to vector<80x1x128xf32>
    %stack3A_125 = vector.shape_cast %dot_general3A_38 : vector<80x128xf32> to vector<80x1x128xf32>
    %stack3A_126 = vector.shape_cast %dot_general3A_45 : vector<80x128xf32> to vector<80x1x128xf32>
    %stack3A_127 = vector.shape_cast %dot_general3A_52 : vector<80x128xf32> to vector<80x1x128xf32>
    %stack3A_128 = vector.shape_cast %dot_general3A_59 : vector<80x128xf32> to vector<80x1x128xf32>
    %stack3A_129 = vector.shape_cast %dot_general3A_66 : vector<80x128xf32> to vector<80x1x128xf32>
    %stack3A_130 = vector.shape_cast %dot_general3A_73 : vector<80x128xf32> to vector<80x1x128xf32>
    %stack3A_131 = vector.shape_cast %dot_general3A_80 : vector<80x128xf32> to vector<80x1x128xf32>
    %stack3A_132 = vector.shape_cast %dot_general3A_87 : vector<80x128xf32> to vector<80x1x128xf32>
    %stack3A_133 = vector.shape_cast %dot_general3A_94 : vector<80x128xf32> to vector<80x1x128xf32>
    %stack3A_134 = vector.shape_cast %dot_general3A_101 : vector<80x128xf32> to vector<80x1x128xf32>
    %stack3A_135 = vector.shape_cast %dot_general3A_108 : vector<80x128xf32> to vector<80x1x128xf32>
    %stack3A_136 = vector.shape_cast %dot_general3A_115 : vector<80x128xf32> to vector<80x1x128xf32>
    %stack3A_137 = vector.shape_cast %dot_general3A_122 : vector<80x128xf32> to vector<80x1x128xf32>
    %stack3A_138 = tpu.concatenate %stack3A, %stack3A_123, %stack3A_124, %stack3A_125, %stack3A_126, %stack3A_127, %stack3A_128, %stack3A_129, %stack3A_130, %stack3A_131, %stack3A_132, %stack3A_133, %stack3A_134, %stack3A_135, %stack3A_136, %stack3A_137 in 1 : vector<80x1x128xf32>, vector<80x1x128xf32>, vector<80x1x128xf32>, vector<80x1x128xf32>, vector<80x1x128xf32>, vector<80x1x128xf32>, vector<80x1x128xf32>, vector<80x1x128xf32>, vector<80x1x128xf32>, vector<80x1x128xf32>, vector<80x1x128xf32>, vector<80x1x128xf32>, vector<80x1x128xf32>, vector<80x1x128xf32>, vector<80x1x128xf32>, vector<80x1x128xf32> -> vector<80x16x128xf32>
    %reshape3A = vector.shape_cast %stack3A_138 : vector<80x16x128xf32> to vector<1280x128xf32>
    %swap3A = arith.constant 0 : index
    %swap3A_139 = arith.constant 0 : index
    %swap3A_140 = vector.load %arg4[%swap3A, %swap3A_139] : memref<1280x128xf32, #tpu.memory_space<vmem>>, vector<1280x128xf32>
    tpu.vector_store %arg4[%swap3A, %swap3A_139], %reshape3A {strides = array<i32>} : memref<1280x128xf32, #tpu.memory_space<vmem>>, vector<1280x128xf32>,
    %get3A_141 = arith.constant 0 : index
    %get3A_142 = arith.constant 0 : index
    %get3A_143 = vector.load %arg0[%get3A_141, %get3A_142] : memref<1250x128xf32, #tpu.memory_space<vmem>>, vector<1250x128xf32>
    %slice3A = vector.extract_strided_slice %reshape3A {offsets = [0, 0], sizes = [1250, 128], strides = [1, 1]} : vector<1280x128xf32> to vector<1250x128xf32>
    %mul3A = arith.mulf %get3A_143, %slice3A : vector<1250x128xf32>
    %swap3A_144 = arith.constant 0 : index
    %swap3A_145 = arith.constant 0 : index
    %swap3A_146 = vector.load %arg3[%swap3A_144, %swap3A_145] : memref<1280x128xf32, #tpu.memory_space<vmem>>, vector<1250x128xf32>
    tpu.vector_store %arg3[%swap3A_144, %swap3A_145], %mul3A {strides = array<i32>} : memref<1280x128xf32, #tpu.memory_space<vmem>>, vector<1250x128xf32>,
    %broadcast_in_dim3A = arith.constant 0.000000e+00 : f32
    %broadcast_in_dim3A_147 = vector.broadcast %broadcast_in_dim3A : f32 to vector<30x128xf32>
    %swap3A_148 = arith.constant 1250 : index
    %swap3A_149 = arith.constant 0 : index
    %swap3A_150 = vector.load %arg3[%swap3A_148, %swap3A_149] : memref<1280x128xf32, #tpu.memory_space<vmem>>, vector<30x128xf32>
    tpu.vector_store %arg3[%swap3A_148, %swap3A_149], %broadcast_in_dim3A_147 {strides = array<i32>} : memref<1280x128xf32, #tpu.memory_space<vmem>>, vector<30x128xf32>,
    return
  }
}

module attributes {stable_mosaic.version = 14 : i64} {
  func.func @_tc2_body(%arg0: memref<2x1280x128xf32, #tpu.memory_space<vmem>>, %arg1: memref<1280x128xf32, #tpu.memory_space<vmem>>, %arg2: memref<1280x128xf32, #tpu.memory_space<vmem>>, %arg3: memref<128xf32, #tpu.memory_space<vmem>>, %arg4: memref<128x128xf32, #tpu.memory_space<vmem>>, %arg5: memref<1280x128xf32, #tpu.memory_space<vmem>>) attributes {dimension_semantics = [], scalar_prefetch = 0 : i64, scratch_operands = 0 : i64, tpu.core_type = #tpu.core_type<tc>} {
    %get3A = arith.constant 0 : index
    %get3A_0 = arith.constant 0 : index
    %get3A_1 = vector.load %arg2[%get3A, %get3A_0] : memref<1280x128xf32, #tpu.memory_space<vmem>>, vector<1280x128xf32>
    %get3A_2 = arith.constant 0 : index
    %get3A_3 = arith.constant 0 : index
    %get3A_4 = arith.constant 0 : index
    %get3A_5 = vector.load %arg0[%get3A_2, %get3A_3, %get3A_4] : memref<2x1280x128xf32, #tpu.memory_space<vmem>>, vector<1x1280x128xf32>
    %get3A_6 = vector.shape_cast %get3A_5 : vector<1x1280x128xf32> to vector<1280x128xf32>
    %get3A_7 = arith.constant 1 : index
    %get3A_8 = arith.constant 0 : index
    %get3A_9 = arith.constant 0 : index
    %get3A_10 = vector.load %arg0[%get3A_7, %get3A_8, %get3A_9] : memref<2x1280x128xf32, #tpu.memory_space<vmem>>, vector<1x1280x128xf32>
    %get3A_11 = vector.shape_cast %get3A_10 : vector<1x1280x128xf32> to vector<1280x128xf32>
    %add3A = arith.addf %get3A_6, %get3A_11 : vector<1280x128xf32>
    %get3A_12 = arith.constant 0 : index
    %get3A_13 = arith.constant 0 : index
    %get3A_14 = vector.load %arg1[%get3A_12, %get3A_13] : memref<1280x128xf32, #tpu.memory_space<vmem>>, vector<1280x128xf32>
    %add3A_15 = arith.addf %add3A, %get3A_14 : vector<1280x128xf32>
    %mul3A = arith.mulf %add3A_15, %get3A_1 : vector<1280x128xf32>
    %get3A_16 = arith.constant 0 : index
    %get3A_17 = vector.load %arg3[%get3A_16] : memref<128xf32, #tpu.memory_space<vmem>>, vector<128xf32>
    %broadcast_in_dim3A = vector.shape_cast %get3A_17 : vector<128xf32> to vector<1x128xf32>
    %add3A_18 = vector.broadcast %broadcast_in_dim3A : vector<1x128xf32> to vector<1280x128xf32>
    %add3A_19 = arith.addf %mul3A, %add3A_18 : vector<1280x128xf32>
    %max3A = arith.constant 0.000000e+00 : f32
    %max3A_20 = vector.broadcast %max3A : f32 to vector<1280x128xf32>
    %max3A_21 = arith.maximumf %add3A_19, %max3A_20 : vector<1280x128xf32>
    %get3A_22 = arith.constant 0 : index
    %get3A_23 = arith.constant 0 : index
    %get3A_24 = vector.load %arg4[%get3A_22, %get3A_23] : memref<128x128xf32, #tpu.memory_space<vmem>>, vector<128x128xf32>
    %dot_general3A = arith.constant dense<0.000000e+00> : vector<1280x128xf32>
    %dot_general3A_25 = tpu.matmul %max3A_21, %get3A_24, %dot_general3A {dimension_numbers = #tpu.dot_dimension_numbers<[1], [0], [0], [1], [0, 0, 1, 1], [], []>, transpose_lhs_hint = false} : vector<1280x128xf32>, vector<128x128xf32>, vector<1280x128xf32> -> vector<1280x128xf32>
    %mul3A_26 = arith.mulf %dot_general3A_25, %get3A_1 : vector<1280x128xf32>
    %swap3A = arith.constant 0 : index
    %swap3A_27 = arith.constant 0 : index
    %swap3A_28 = vector.load %arg5[%swap3A, %swap3A_27] : memref<1280x128xf32, #tpu.memory_space<vmem>>, vector<1280x128xf32>
    tpu.vector_store %arg5[%swap3A, %swap3A_27], %mul3A_26 {strides = array<i32>} : memref<1280x128xf32, #tpu.memory_space<vmem>>, vector<1280x128xf32>,
    return
  }
}

module attributes {stable_mosaic.version = 14 : i64} {
  func.func @_tc3_body(%arg0: memref<2x1280x128xf32, #tpu.memory_space<vmem>>, %arg1: memref<1280x128xf32, #tpu.memory_space<vmem>>, %arg2: memref<1280x128xf32, #tpu.memory_space<vmem>>, %arg3: memref<128xf32, #tpu.memory_space<vmem>>, %arg4: memref<128x128xf32, #tpu.memory_space<vmem>>, %arg5: memref<128x128xf32, #tpu.memory_space<vmem>>, %arg6: memref<1280x128xf32, #tpu.memory_space<vmem>>) attributes {dimension_semantics = [], scalar_prefetch = 0 : i64, scratch_operands = 0 : i64, tpu.core_type = #tpu.core_type<tc>} {
    %get3A = arith.constant 0 : index
    %get3A_0 = arith.constant 0 : index
    %get3A_1 = vector.load %arg2[%get3A, %get3A_0] : memref<1280x128xf32, #tpu.memory_space<vmem>>, vector<1280x128xf32>
    %get3A_2 = arith.constant 0 : index
    %get3A_3 = arith.constant 0 : index
    %get3A_4 = arith.constant 0 : index
    %get3A_5 = vector.load %arg0[%get3A_2, %get3A_3, %get3A_4] : memref<2x1280x128xf32, #tpu.memory_space<vmem>>, vector<1x1280x128xf32>
    %get3A_6 = vector.shape_cast %get3A_5 : vector<1x1280x128xf32> to vector<1280x128xf32>
    %get3A_7 = arith.constant 1 : index
    %get3A_8 = arith.constant 0 : index
    %get3A_9 = arith.constant 0 : index
    %get3A_10 = vector.load %arg0[%get3A_7, %get3A_8, %get3A_9] : memref<2x1280x128xf32, #tpu.memory_space<vmem>>, vector<1x1280x128xf32>
    %get3A_11 = vector.shape_cast %get3A_10 : vector<1x1280x128xf32> to vector<1280x128xf32>
    %add3A = arith.addf %get3A_6, %get3A_11 : vector<1280x128xf32>
    %get3A_12 = arith.constant 0 : index
    %get3A_13 = arith.constant 0 : index
    %get3A_14 = vector.load %arg1[%get3A_12, %get3A_13] : memref<1280x128xf32, #tpu.memory_space<vmem>>, vector<1280x128xf32>
    %add3A_15 = arith.addf %add3A, %get3A_14 : vector<1280x128xf32>
    %mul3A = arith.mulf %add3A_15, %get3A_1 : vector<1280x128xf32>
    %get3A_16 = arith.constant 0 : index
    %get3A_17 = vector.load %arg3[%get3A_16] : memref<128xf32, #tpu.memory_space<vmem>>, vector<128xf32>
    %broadcast_in_dim3A = vector.shape_cast %get3A_17 : vector<128xf32> to vector<1x128xf32>
    %add3A_18 = vector.broadcast %broadcast_in_dim3A : vector<1x128xf32> to vector<1280x128xf32>
    %add3A_19 = arith.addf %mul3A, %add3A_18 : vector<1280x128xf32>
    %get3A_20 = arith.constant 0 : index
    %get3A_21 = arith.constant 0 : index
    %get3A_22 = vector.load %arg4[%get3A_20, %get3A_21] : memref<128x128xf32, #tpu.memory_space<vmem>>, vector<128x128xf32>
    %dot_general3A = arith.constant dense<0.000000e+00> : vector<1280x128xf32>
    %dot_general3A_23 = tpu.matmul %add3A_19, %get3A_22, %dot_general3A {dimension_numbers = #tpu.dot_dimension_numbers<[1], [0], [0], [1], [0, 0, 1, 1], [], []>, transpose_lhs_hint = false} : vector<1280x128xf32>, vector<128x128xf32>, vector<1280x128xf32> -> vector<1280x128xf32>
    %sub3A = arith.subf %add3A_19, %dot_general3A_23 : vector<1280x128xf32>
    %exp3A = math.exp %sub3A : vector<1280x128xf32>
    %get3A_24 = arith.constant 0 : index
    %get3A_25 = arith.constant 0 : index
    %get3A_26 = vector.load %arg5[%get3A_24, %get3A_25] : memref<128x128xf32, #tpu.memory_space<vmem>>, vector<128x128xf32>
    %dot_general3A_27 = arith.constant dense<0.000000e+00> : vector<1280x128xf32>
    %dot_general3A_28 = tpu.matmul %exp3A, %get3A_26, %dot_general3A_27 {dimension_numbers = #tpu.dot_dimension_numbers<[1], [0], [0], [1], [0, 0, 1, 1], [], []>, transpose_lhs_hint = false} : vector<1280x128xf32>, vector<128x128xf32>, vector<1280x128xf32> -> vector<1280x128xf32>
    %sub3A_29 = arith.subf %add3A_19, %dot_general3A_23 : vector<1280x128xf32>
    %log3A = math.log %dot_general3A_28 : vector<1280x128xf32>
    %sub3A_30 = arith.subf %sub3A_29, %log3A : vector<1280x128xf32>
    %swap3A = arith.constant 0 : index
    %swap3A_31 = arith.constant 0 : index
    %swap3A_32 = vector.load %arg6[%swap3A, %swap3A_31] : memref<1280x128xf32, #tpu.memory_space<vmem>>, vector<1280x128xf32>
    tpu.vector_store %arg6[%swap3A, %swap3A_31], %sub3A_30 {strides = array<i32>} : memref<1280x128xf32, #tpu.memory_space<vmem>>, vector<1280x128xf32>,
    return
  }
}

</mosaic_0001>

<sc_bundles>
// kernel: kernel.12.cloned.1.call-start
scs
__scs_entry_jumppad:
0x0: {  	(pc) =	sbr.rel $0x88, $3  }
0x1: {  	(tag) =	ssettag $0x0;
	lr =	simm.s32 $0x1  }
0x2: {  	[smem:$0x3F9B] =	sst lr;
	_ =	strace $0xD0000000  }
0x3: {  	_ = 	snop  }
0x4: {  	_ = 	snop  }
0x5: {  	_ = 	snop  }
0x6: {  	_ = 	snop  }
0x7: {  	_ = 	snop  }
__scs_overlays_trampoline_lowered:
0x8: {  	[smem:$0x3FAA] =	sst s0  }
0x9: {  	[smem:$0x3FAB] =	sst s1  }
0xa: {  	[smem:$0x3FAC] =	sst s2  }
0xb: {  	[smem:$0x3FAD] =	sst s3  }
0xc: {  	[smem:$0x3FAE] =	sst s4  }
0xd: {  	[smem:$0x3FAF] =	sst s5  }
0xe: {  	[smem:$0x3FB0] =	sst s6  }
0xf: {  	[smem:$0x3FB1] =	sst s7  }
0x10: {  	[smem:$0x3FB2] =	sst s8  }
0x11: {  	[smem:$0x3FB3] =	sst s9;
	s0 =	simm.s32 @!p0 $0x0  }
0x12: {  	s1 =	sld [smem:$0x3F99];
	s0 =	simm.s32 @p0 $0x1  }
0x13: {  	[smem:$0x3FB4] =	sst s0;
	s0 =	simm.s32 @!p1 $0x0  }
0x14: {  	s2 =	sld [smem:$0x3F98];
	s0 =	simm.s32 @p1 $0x1  }
0x15: {  	[smem:$0x3FB5] =	sst s0;
	s0 =	simm.s32 @!p2 $0x0  }
0x16: {  	s3 =	sld [smem:$0x3FDB];
	s0 =	simm.s32 @p2 $0x1  }
0x17: {  	s4 =	simm.s32 $0x1BF5;
	[smem:$0x3FB7] =	sst s0  }
0x18: {  	s0 =	sld [smem:$0x3F9A];
	_ =	swait.ge [sflag:s4], $0x0  }
0x19: {  	s7 =	sld [smem:$0x3F9B]  }
0x1a: {  	s8 =	sadd.s32 $0xFFFFE003, lr  }
0x1b: {  	s9 =	sadd.s32 $0xFFFFFEF7, lr;
	s5 =	simm.s32 $0xFFFFFFFF;
	p2 =	slt.u32 s8, $0xFFFFF086  }
0x1c: {  	p1 =	slt.u32 s9, $0xF7A;
	s5 =	simm.s32 @!p2 $0x0  }
0x1d: {  	s5 =	simm.s32 @p1 $0x1;
	p0 =	seq.s32 s7, s2  }
0x1e: {  	s7 =	smul.u32 @!p0 $0xF7A, s2;
	p2 =	seq.s32 @!p0 s5, $0x0  }
0x1f: {  	s9 =	smul.u32 $0xF7A, s1;
	s8 =	simm.s32 @!p0 $0x1BF5;
	p2 =	por !p2, p0  }
0x20: {  	[sflag:s8] =	ssyncset.s32 @!p0 $0xFFFFF086;
	s6 =	sadd.s32 @!p0 s3, s7;
	s7 =	simm.s32 @!p0 $0x108  }
0x21: {  	s3 =	sadd.s32 s3, s9;
	s6 =	sadd.s32 @!p0 $0x88, s6;
	s7 =	simm.s32 @p2 $0x1082  }
0x22: {  	[simem:s7], [sflag:s8] =	dma.local @!p0 [hbm:s6], $0xF7A  }
0x23: {  	s9 =	sor.u32 $0xD0000000, s2;
	s6 =	simm.s32 $0x108;
	_ =	swait.ge @!p0 [sflag:s8], $0x0  }
0x24: {  	s3 =	sadd.s32 $0x88, s3;
	s6 =	simm.s32 @!p1 $0x1082;
	[sflag:s4] =	ssyncset.s32 $0xFFFFF086  }
0x25: {  	[simem:s6], [sflag:s4] =	dma.local [hbm:s3], $0xF7A  }
0x26: {  	[smem:$0x3F9B] =	sst s1;
	(tag) =	ssettag s2;
	_ =	strace s9  }
0x27: {  	s1 =	sld [smem:$0x3FAB]  }
0x28: {  	s2 =	sld [smem:$0x3FAC]  }
0x29: {  	s4 =	sld [smem:$0x3FAE]  }
0x2a: {  	p0 =	seq.s32 s5, $0x0;
	s5 =	sld [smem:$0x3FAF]  }
0x2b: {  	s6 =	sld [smem:$0x3FB0]  }
0x2c: {  	s7 =	sld [smem:$0x3FB1]  }
0x2d: {  	s3 =	simm.s32 $0x108;
	s8 =	sld [smem:$0x3FB2]  }
0x2e: {  	s3 =	simm.s32 @!p0 $0x1082;
	s9 =	sld [smem:$0x3FB3]  }
0x2f: {  	lr =	sadd.s32 s0, s3;
	s0 =	sld [smem:$0x3FAA]  }
0x30: {  	s3 =	sld [smem:$0x3FAD]  }
0x31: {  	[smem:$0x3FB6] =	sst s10  }
0x32: {  	s10 =	sld [smem:$0x3FB4];
	_ =	sdelay $0x3  }
0x33: {  	p0 =	seq.s32 s10, $0x1;
	s10 =	sld [smem:$0x3FB6];
	_ =	sdelay $0x3  }
0x34: {  	[smem:$0x3FB6] =	sst s10  }
0x35: {  	s10 =	sld [smem:$0x3FB5];
	_ =	sdelay $0x3  }
0x36: {  	p1 =	seq.s32 s10, $0x1;
	s10 =	sld [smem:$0x3FB6];
	_ =	sdelay $0x3  }
0x37: {  	[smem:$0x3FB6] =	sst s10  }
0x38: {  	s10 =	sld [smem:$0x3FB7]  }
0x39: {  	_ = 	snop;
	(pc) =	sbr.ind lr, $3  }
0x3a: {  	_ = 	snop  }
0x3b: {  	_ = 	snop  }
0x3c: {  	p2 =	seq.s32 s10, $0x1;
	s10 =	sld [smem:$0x3FB6]  }
0x3d: {  	_ =	shalt  }
0x3e: {  	_ =	shalt  }
0x3f: {  	_ =	shalt  }
0x40: {  	_ =	shalt  }
0x41: {  	_ =	shalt  }
0x42: {  	_ =	shalt  }
0x43: {  	_ =	shalt  }
0x44: {  	_ =	shalt  }
0x45: {  	_ =	shalt  }
0x46: {  	_ =	shalt  }
0x47: {  	_ =	shalt  }
0x48: {  	_ =	shalt  }
0x49: {  	_ =	shalt  }
0x4a: {  	_ =	shalt  }
0x4b: {  	_ =	shalt  }
0x4c: {  	_ =	shalt  }
0x4d: {  	_ =	shalt  }
0x4e: {  	_ =	shalt  }
0x4f: {  	_ =	shalt  }
0x50: {  	_ =	shalt  }
0x51: {  	_ =	shalt  }
0x52: {  	_ =	shalt  }
0x53: {  	_ =	shalt  }
0x54: {  	_ =	shalt  }
0x55: {  	_ =	shalt  }
0x56: {  	_ =	shalt  }
0x57: {  	_ =	shalt  }
0x58: {  	_ =	shalt  }
0x59: {  	_ =	shalt  }
0x5a: {  	_ =	shalt  }
0x5b: {  	_ =	shalt  }
0x5c: {  	_ =	shalt  }
0x5d: {  	_ =	shalt  }
0x5e: {  	_ =	shalt  }
0x5f: {  	_ =	shalt  }
0x60: {  	_ =	shalt  }
0x61: {  	_ =	shalt  }
0x62: {  	_ =	shalt  }
0x63: {  	_ =	shalt  }
0x64: {  	_ =	shalt  }
0x65: {  	_ =	shalt  }
0x66: {  	_ =	shalt  }
0x67: {  	_ =	shalt  }
0x68: {  	_ =	shalt  }
0x69: {  	_ =	shalt  }
0x6a: {  	_ =	shalt  }
0x6b: {  	_ =	shalt  }
0x6c: {  	_ =	shalt  }
0x6d: {  	_ =	shalt  }
0x6e: {  	_ =	shalt  }
0x6f: {  	_ =	shalt  }
0x70: {  	_ =	shalt  }
0x71: {  	_ =	shalt  }
0x72: {  	_ =	shalt  }
0x73: {  	_ =	shalt  }
0x74: {  	_ =	shalt  }
0x75: {  	_ =	shalt  }
0x76: {  	_ =	shalt  }
0x77: {  	_ =	shalt  }
0x78: {  	_ =	shalt  }
0x79: {  	_ =	shalt  }
0x7a: {  	_ =	shalt  }
0x7b: {  	_ =	shalt  }
0x7c: {  	_ =	shalt  }
0x7d: {  	_ =	shalt  }
0x7e: {  	_ =	shalt  }
0x7f: {  	_ =	shalt  }
0x80: {  	_ =	shalt  }
0x81: {  	_ =	shalt  }
0x82: {  	_ =	shalt  }
0x83: {  	_ =	shalt  }
0x84: {  	_ =	shalt  }
0x85: {  	_ =	shalt  }
0x86: {  	_ =	shalt  }
0x87: {  	_ =	shalt  }
.Lfunc_end0:
.L_simem_size_0:
called_computation.1_lowered:
.L_overlay_start_0:
0x88: {  	s2 =	sld [smem:$0x3FD9]  }
0x89: {  	s3 =	sld [smem:$0x3FFE];
	_ =	sdelay $0x1  }
0x8a: {  	s1 =	srdreg.scid  }
0x8b: {  	s0 =	sand.u32 $0x1, s1  }
0x8c: {  	s17 =	sshll.u32 s0, $0xA;
	s2 =	sadd.s32 s3, s2  }
0x8d: {  	s2 =	sadd.s32 s2, s17  }
0x8e: {  	[smem:$0x3FC2] =	sst s2  }
0x8f: {  	_ = 	snop  }
0x90: {  	s2 =	sld [smem:$0x3FC8];
	(tm) =	ssettm $0x1  }
0x91: {  	s18 =	sld [smem:$0x3FFB];
	_ =	sdelay $0x3  }
0x92: {  	_ =	strace s18  }
0x93: {  	s3 =	sld [smem:$0x3FFC];
	_ =	sdelay $0x3  }
0x94: {  	_ =	strace s3  }
0x95: {  	s3 =	sld [smem:$0x3FFD];
	_ =	sdelay $0x3  }
0x96: {  	_ =	strace s3  }
0x97: {  	_ =	strace $0x8FFFFFFF  }
0x98: {  	s19 =	sld [smem:$0x3FDB];
	_ =	sdelay $0x1  }
0x99: {  	s4 =	simm.s32 $_scs_section_size  }
0x9a: {  	s5 =	simm.s32 $_size__tile_overlayer_lowered;
	s6 =	simm.s32 $_tile_overlayer_lowered  }
0x9b: {  	s22 =	simm.s32 $0x1BFF;
	s21 =	sshll.u32 s6, $0x1;
	s3 =	sadd.s32 s4, s19  }
0x9c: {  	s7 =	simm.s32 $0x0;
	s20 =	sshll.u32 s5, $0x1;
	s5 =	sadd.s32 s21, s3  }
0x9d: {  	[timem:s7], [sflag:s22] =	dma.local [hbm:s5], s20  }
0x9e: {  	_ =	swait.ge [sflag:s22], s20  }
0x9f: {  	s4 =	ssub.s32 $0x0, s20;
	[sflag:s22] =	ssyncset.done $0x0  }
0xa0: {  	[sflag:s22] =	ssyncadd.s32 s4;
	_ =	sdelay $0x1  }
0xa1: {  	s23 =	simm.s32 $0x1B8B  }
0xa2: {  	_ =	swait.ge [sflag:s23], $0x1  }
0xa3: {  	[sflag:s23] =	ssyncset.done $0x0  }
0xa4: {  	s25 =	simm.s32 $0x1B8E;
	s24 =	sld [smem:$0x3FFE];
	[sflag:s23] =	ssyncadd.s32 $0xFFFFFFFF  }
0xa5: {  	s26 =	simm.s32 $execute0_lowered;
	[smem:$0x3FD2] =	sst s25  }
0xa6: {  	s5 =	sshll.u32 s26, $0x1;
	_ =	strace $0x80000049;
	[dreg:$0x1] =	wrdreg $0xFFFFFFFF  }
0xa7: {  	s28 =	simm.s32 $_size_execute0_lowered;
	s3 =	sadd.s32 s3, s5;
	[dreg:$0x0] =	wrdreg $0x0  }
0xa8: {  	s5 =	sshll.u32 s28, $0x1;
	[dreg:$0x2] =	wrdreg s3  }
0xa9: {  	[dreg:$0x3] =	wrdreg s5  }
0xaa: {  	[dreg:$0x4] =	wrdreg $0xC0  }
0xab: {  	_ =	task [dreg:s7], $0x5FFFF  }
0xac: {  	[dreg:$0x1] =	wrdreg $0xFFFFFFFF  }
0xad: {  	[dreg:$0x0] =	wrdreg $0x60  }
0xae: {  	[dreg:$0x2] =	wrdreg s24  }
0xaf: {  	[dreg:$0x3] =	wrdreg s2  }
0xb0: {  	[dreg:$0x4] =	wrdreg $0x8F000  }
0xb1: {  	[dreg:$0x5] =	wrdreg $0x9  }
0xb2: {  	_ =	task.clear_ibuf [dreg:s7], $0x6FFFF;
	_ =	strace $0x90000049  }
0xb3: {  	s29 =	simm.s32 $0x9;
	_ =	strace $0x8000004B  }
0xb4: {  	_ =	swait.ge [sflag:s29], $0x1  }
0xb5: {  	[sflag:s29] =	ssyncadd.s32 $0xFFFFFFFF  }
0xb6: {  	_ =	strace $0x9000004B  }
0xb7: {  	_ =	sfence  }
0xb8: {  	s30 =	sld [smem:$0x0];
	_ =	sdelay $0x2  }
0xb9: {  	s31 =	sshll.u32 s1, $0xD;
	s1 =	sshrl.u32 s1, $0x2  }
0xba: {  	s3 =	sand.u32 $0x4000, s31;
	s1 =	sadd.s32 s1, s30  }
0xbb: {  	s0 =	sor.u32 s3, s0;
	s1 =	sshll.u32 s1, $0x11  }
0xbc: {  	s0 =	sor.u32 s1, s0  }
0xbd: {  	s0 =	sadd.s32 $0x8F2B, s0  }
0xbe: {  	[sflag:s0] =	ssyncadd.remote.s32 $0x1  }
0xbf: {  	_ =	sfence.sel $0xFFFF  }
0xc0: {  	[dreg:$0x0] =	wrdreg $0xFFFFFFFF;
	(pc) =	sbr.abs _section_cstart, $3  }
0xc1: {  	[dreg:$0x1] =	wrdreg $0xFFFFFFFF  }
0xc2: {  	_ =	task.clear_ibuf [dreg:s7], $0x2FFFF;
	_ =	strace $0x9FFFFFFF  }
0xc3: {  	(tm) =	ssettm $0x7FFFFFFF  }
tec
execute0_lowered:
.L_overlay_start_1:
0x0: {  	(tag) =	ssettag $0x1  }
0x1: {  	s0 =	rddreg [dreg:$0x0]  }
0x2: {  	s1 =	rddreg [dreg:$0x1]  }
0x3: {  	s2 =	rddreg [dreg:$0x2];
	s3 =	srdreg.scid  }
0x4: {  	s14 =	stileid.u32;
	s6 =	simm.s32 $0x0;
	s3 =	sand.u32 $0x1, s3  }
0x5: {  	s5 =	smul.u32 $0x2800, s14;
	[smem:$0x7FF] =	sst s6;
	s4 =	sshll.u32 s3, $0x4  }
0x6: {  	s22 =	smul.u32 $0x28000, s3;
	_ =	strace $0x8000004A;
	s11 =	ssub.s32 $0x2, s3  }
0x7: {  	s25 =	smul.u32 $0x4E0, s3;
	s7 =	sor.u32 s14, s4;
	s8 =	sshrl.u32 s5, $0x3  }
0x8: {  	s4 =	sadd.s32 $0x2600, s0;
	s12 =	sshrl.u32 s11, $0x1;
	s9 =	smul.u32 $0x4E, s7  }
0x9: {  	s8 =	sadd.s32 s8, s0;
	s6 =	sadd.s32 s5, s22;
	s5 =	sadd.s32 s5, s2  }
0xa: {  	s10 =	smin.u32 s7, $0x4;
	s6 =	sshrl.u32 s6, $0x3;
	[dreg:$0x5] =	wrdreg s5  }
0xb: {  	s8 =	sadd.s32 $0x7600, s8;
	s18 =	sshll.u32 s10, $0x9;
	s9 =	sadd.s32 s10, s9  }
0xc: {  	s0 =	sadd.s32 s6, s0;
	s6 =	ssub.s32 s11, s12;
	s13 =	smin.u32 s9, $0x975  }
0xd: {  	[dreg:$0x6] =	wrdreg s8;
	s0 =	sadd.s32 $0xC600, s0;
	s23 =	sshll.u32 s13, $0x5  }
0xe: {  	s9 =	ssub.s32 s9, s13;
	[dreg:$0x17] =	wrdreg s0;
	s12 =	sadd.s32 s1, s23  }
0xf: {  	s13 =	sshll.u32 s9, $0x7;
	s1 =	sor.u32 s25, s10;
	s10 =	smax.u32 s6, $0x1  }
0x10: {  	s26 =	sshll.u32 s9, $0x9;
	s9 =	sshll.u32 s14, $0x6;
	[dreg:$0x19] =	wrdreg s10  }
0x11: {  	[dreg:$0x18] =	wrdreg s9  }
0x12: {  	[dreg:$0x7] =	wrdreg s12  }
0x13: {  	s29 =	smul.u32 $0x9C00, s14;
	s0 =	sor.u32 $0x1C11, s9;
	[dreg:$0x8] =	wrdreg s13  }
0x14: {  	s24 =	smul.u32 $0x9C000, s3;
	s11 =	sadd.s32 $0x10, s12;
	[dreg:$0x1a] =	wrdreg s0  }
0x15: {  	s28 =	smul.u32 $0x4E, s14;
	s12 =	sadd.s32 $0x80, s13;
	[dreg:$0x1b] =	wrdreg s11  }
0x16: {  	s17 =	sadd.s32 s29, s24;
	s14 =	sadd.s32 $0x100, s13;
	[dreg:$0x1c] =	wrdreg s12  }
0x17: {  	s5 =	sadd.s32 s18, s17;
	s17 =	sadd.s32 $0x200, s13;
	[dreg:$0x1d] =	wrdreg s14  }
0x18: {  	s3 =	sshra.s32 s26, $0x2;
	s18 =	sadd.s32 $0x2800, s13;
	[smem:$0x7F3] =	sst s17  }
0x19: {  	s15 =	sadd.s32 $0x400, s3;
	[smem:$0x7F4] =	sst s18  }
0x1a: {  	s16 =	sadd.s32 $0x480, s3;
	[dreg:$0x9] =	wrdreg s15  }
0x1b: {  	s19 =	sadd.s32 $0x500, s3;
	[dreg:$0xa] =	wrdreg s16  }
0x1c: {  	s20 =	sadd.s32 $0x580, s3;
	[dreg:$0xb] =	wrdreg s19  }
0x1d: {  	s21 =	sadd.s32 $0x4B80, s3;
	[dreg:$0xc] =	wrdreg s20  }
0x1e: {  	s30 =	simm.s32 $0x3;
	s22 =	sadd.s32 $0x2600, s3;
	[dreg:$0xd] =	wrdreg s21  }
0x1f: {  	s31 =	simm.s32 $0x7700;
	s23 =	sadd.s32 $0x4C00, s3;
	[dreg:$0xe] =	wrdreg s22  }
0x20: {  	p0 =	sgt.u32 s7, $0x3;
	s24 =	sadd.s32 $0x2680, s3;
	[dreg:$0xf] =	wrdreg s23  }
0x21: {  	s6 =	simm.s32 $0x6;
	s25 =	sadd.s32 $0x4C80, s3;
	[dreg:$0x10] =	wrdreg s24  }
0x22: {  	s1 =	sadd.s32 s28, s1;
	s28 =	sadd.s32 $0x2700, s3;
	[dreg:$0x11] =	wrdreg s25  }
0x23: {  	s9 =	simm.s32 $0xA;
	s29 =	sadd.s32 $0x4D00, s3;
	[dreg:$0x12] =	wrdreg s28  }
0x24: {  	s10 =	simm.s32 $0x7;
	s7 =	sadd.s32 $0x4E00, s3;
	[dreg:$0x13] =	wrdreg s29  }
0x25: {  	s1 =	smin.u32 s1, $0x975;
	s8 =	sadd.s32 $0x4E80, s3;
	[dreg:$0x15] =	wrdreg s7  }
0x26: {  	s17 =	simm.s32 $0x80;
	[dreg:$0x16] =	wrdreg s8;
	s15 =	sadd.s32 $0x180, s13  }
0x27: {  	s0 =	simm.s32 $0x4;
	s16 =	sadd.s32 $0x2780, s13;
	[dreg:$0x1e] =	wrdreg s15  }
0x28: {  	s11 =	simm.s32 $0xB;
	s19 =	sadd.s32 $0x280, s13;
	[dreg:$0x1f] =	wrdreg s16  }
0x29: {  	s18 =	simm.s32 $0x8;
	s20 =	sadd.s32 $0x2880, s13;
	[smem:$0x7F5] =	sst s19  }
0x2a: {  	s12 =	simm.s32 $0xE;
	s21 =	sadd.s32 $0x300, s13;
	[smem:$0x7F6] =	sst s20  }
0x2b: {  	s14 =	simm.s32 $0x10;
	s23 =	sadd.s32 $0x2900, s13;
	[smem:$0x7F7] =	sst s21  }
0x2c: {  	s1 =	sshll.u32 s1, $0x9;
	s24 =	sadd.s32 $0x380, s13;
	[smem:$0x7F8] =	sst s23  }
0x2d: {  	s25 =	sadd.s32 $0x2980, s13;
	s28 =	sadd.s32 $0x2A80, s13;
	[smem:$0x7F9] =	sst s24  }
0x2e: {  	s29 =	sadd.s32 $0x2B00, s13;
	s7 =	simm.s32 $0xD;
	[smem:$0x7FA] =	sst s25  }
0x2f: {  	s1 =	ssub.s32 s5, s1;
	s5 =	sadd.s32 $0x4D80, s3;
	[smem:$0x7FC] =	sst s28  }
0x30: {  	[smem:$0x7FD] =	sst s29;
	s21 =	simm.s32 $0x2;
	s19 =	simm.s32 $0x8700  }
0x31: {  	s3 =	simm.s32 $0x5;
	s25 =	simm.s32 $0xC;
	s22 =	sshra.s32 s1, $0x2  }
0x32: {  	s15 =	simm.s32 $0x0;
	[dreg:$0x14] =	wrdreg s5;
	s26 =	sadd.s32 $0x2780, s22  }
0x33: {  	s1 =	simm.s32 $0x7F00;
	[dreg:$0x4] =	wrdreg s26;
	s26 =	sadd.s32 $0x2A00, s13  }
0x34: {  	s5 =	simm.s32 $0x9;
	s13 =	simm.s32 $0xF;
	[smem:$0x7FB] =	sst s26  }
.LBB2_1:
0x35: {  	[smem:$0x7F1] =	sst s15  }
0x36: {  	s8 =	rddreg [dreg:$0x5]  }
0x37: {  	s20 =	rddreg [dreg:$0x6]  }
0x38: {  	s23 =	rddreg [dreg:$0x1a];
	s16 =	sshrl.u32 s8, $0x3  }
0x39: {  	[smem:$0x7F2] =	sst s16  }
0x3a: {  	[spmem:s16], [sflag:s23] =	dma.local [hbm:s20], $0x500  }
0x3b: {  	s24 =	simm.s32 $0x0;
	s26 =	simm.s32 $0x100;
	s15 =	rddreg [dreg:$0x7]  }
0x3c: {  	[tilespmem:s24], [sflag:$0x1] =	stream.strided.gather [hbm4b:s15+s17], $0x2780, s26, s17, $0x38;
	[tilespmem:$0xB700] =	vst v63  }
0x3d: {  	s29 =	simm.s32 $0x2780;
	s20 =	simm.s32 $0x11;
	s28 =	rddreg [dreg:$0x1b]  }
0x3e: {  	[tilespmem:s29], [sflag:$0x2] =	stream.strided.gather [hbm4b:s28+s17], $0x2780, s26, s17, $0x38;
	[tilespmem:$0xB700] =	vst v63  }
0x3f: {  	_ =	swait.ge [sflag:s20], $0x500  }
0x40: {  	[sflag:s20] =	ssyncset.done $0x0  }
0x41: {  	[sflag:s20] =	ssyncadd.s32 $0xFFFFFB00;
	s20 =	simm.s32 $0x1  }
0x42: {  	_ =	swait.ge [sflag:s20], $0x2780  }
0x43: {  	[sflag:s20] =	ssyncset.done $0x0  }
0x44: {  	[sflag:s20] =	ssyncadd.s32 $0xFFFFD880  }
0x45: {  	_ =	swait.ge [sflag:s21], $0x2780  }
0x46: {  	[sflag:s21] =	ssyncset.done $0x0  }
0x47: {  	[sflag:s21] =	ssyncadd.s32 $0xFFFFD880  }
0x48: {  	[bflag:$0x0] =	sbarrier.arrive $0xFFFF  }
0x49: {  	s16 =	simm.s32 $0x4F00;
	s23 =	rddreg [dreg:$0x8]  }
0x4a: {  	[tilespmem:s16], [sflag:$0x1] =	stream.indirect.gather [hbm4b:s4+s17], $0x10, s23, s17, $0xb8;
	[tilespmem:$0xB700] =	vst v63  }
0x4b: {  	s24 =	rddreg [dreg:$0x1c];
	s23 =	simm.s32 $0x5700  }
0x4c: {  	[tilespmem:s23], [sflag:$0x2] =	stream.indirect.gather [hbm4b:s4+s17], $0x10, s24, s17, $0xb8;
	[tilespmem:$0xB700] =	vst v63  }
0x4d: {  	s26 =	rddreg [dreg:$0x1d];
	s24 =	simm.s32 $0x5F00  }
0x4e: {  	[tilespmem:s24], [sflag:$0x3] =	stream.indirect.gather [hbm4b:s4+s17], $0x10, s26, s17, $0xb8;
	[tilespmem:$0xB700] =	vst v63  }
0x4f: {  	s28 =	rddreg [dreg:$0x1e];
	s26 =	simm.s32 $0x6700  }
0x50: {  	[tilespmem:s26], [sflag:$0x4] =	stream.indirect.gather [hbm4b:s4+s17], $0x10, s28, s17, $0xb8;
	[tilespmem:$0xB700] =	vst v63  }
0x51: {  	_ =	swait.ge [sflag:s20], $0x800  }
0x52: {  	[sflag:s20] =	ssyncset.done $0x0;
	s29 =	rddreg [dreg:$0x1f]  }
0x53: {  	s15 =	sld [smem:$0x7F3];
	[sflag:s20] =	ssyncadd.s32 $0xFFFFF800  }
0x54: {  	[spmem:s2] =	stream.indirect.scatter.add.f32 [tilespmem:s16], [sflag:$0x9], $0x10, s29, s17, $0xb8;
	[tilespmem:$0xB700] =	vst v63  }
0x55: {  	s28 =	simm.s32 $0x6F00  }
0x56: {  	[tilespmem:s28], [sflag:$0x5] =	stream.indirect.gather [hbm4b:s4+s17], $0x10, s15, s17, $0xb8;
	[tilespmem:$0xB700] =	vst v63  }
0x57: {  	_ =	swait.ge [sflag:s21], $0x800  }
0x58: {  	s29 =	sld [smem:$0x7F4]  }
0x59: {  	[sflag:s21] =	ssyncset.done $0x0  }
0x5a: {  	s15 =	sld [smem:$0x7F5];
	[sflag:s21] =	ssyncadd.s32 $0xFFFFF800  }
0x5b: {  	[spmem:s2] =	stream.indirect.scatter.add.f32 [tilespmem:s23], [sflag:$0xA], $0x10, s29, s17, $0xb8;
	[tilespmem:$0xB700] =	vst v63  }
0x5c: {  	s29 =	simm.s32 $0x7700  }
0x5d: {  	[tilespmem:s29], [sflag:$0x6] =	stream.indirect.gather [hbm4b:s4+s17], $0x10, s15, s17, $0xb8;
	[tilespmem:$0xB700] =	vst v63  }
0x5e: {  	_ =	swait.ge [sflag:s30], $0x800  }
0x5f: {  	s15 =	sld [smem:$0x7F6]  }
0x60: {  	[sflag:s30] =	ssyncset.done $0x0  }
0x61: {  	[sflag:s30] =	ssyncadd.s32 $0xFFFFF800  }
0x62: {  	[spmem:s2] =	stream.indirect.scatter.add.f32 [tilespmem:s24], [sflag:$0xB], $0x10, s15, s17, $0xb8;
	[tilespmem:$0xB700] =	vst v63  }
0x63: {  	s15 =	sld [smem:$0x7F7];
	_ =	sdelay $0x2  }
0x64: {  	[tilespmem:s1], [sflag:$0x7] =	stream.indirect.gather [hbm4b:s4+s17], $0x10, s15, s17, $0xb8;
	[tilespmem:$0xB700] =	vst v63  }
0x65: {  	_ =	swait.ge [sflag:s0], $0x800  }
0x66: {  	s15 =	sld [smem:$0x7F8]  }
0x67: {  	[sflag:s0] =	ssyncset.done $0x0  }
0x68: {  	[sflag:s0] =	ssyncadd.s32 $0xFFFFF800  }
0x69: {  	[spmem:s2] =	stream.indirect.scatter.add.f32 [tilespmem:s26], [sflag:$0xC], $0x10, s15, s17, $0xb8;
	[tilespmem:$0xB700] =	vst v63  }
0x6a: {  	s15 =	sld [smem:$0x7F9];
	_ =	sdelay $0x2  }
0x6b: {  	[tilespmem:s19], [sflag:$0x8] =	stream.indirect.gather [hbm4b:s4+s17], $0x10, s15, s17, $0xb8;
	[tilespmem:$0xB700] =	vst v63  }
0x6c: {  	_ =	swait.ge [sflag:s3], $0x800  }
0x6d: {  	s15 =	sld [smem:$0x7FA]  }
0x6e: {  	[sflag:s3] =	ssyncset.done $0x0  }
0x6f: {  	[sflag:s3] =	ssyncadd.s32 $0xFFFFF800  }
0x70: {  	[spmem:s2] =	stream.indirect.scatter.add.f32 [tilespmem:s28], [sflag:$0xD], $0x10, s15, s17, $0xb8;
	[tilespmem:$0xB700] =	vst v63  }
0x71: {  	_ =	swait.ge [sflag:s5], $0x800  }
0x72: {  	[sflag:s5] =	ssyncset.done $0x0  }
0x73: {  	s15 =	rddreg [dreg:$0x9];
	[sflag:s5] =	ssyncadd.s32 $0xFFFFF800  }
0x74: {  	[tilespmem:s16], [sflag:$0x1] =	stream.indirect.gather [hbm4b:s4+s17], $0x10, s15, s17, $0xb8;
	[tilespmem:$0xB700] =	vst v63  }
0x75: {  	_ =	swait.ge [sflag:s6], $0x800  }
0x76: {  	s15 =	sld [smem:$0x7FB]  }
0x77: {  	[sflag:s6] =	ssyncset.done $0x0  }
0x78: {  	[sflag:s6] =	ssyncadd.s32 $0xFFFFF800  }
0x79: {  	[spmem:s2] =	stream.indirect.scatter.add.f32 [tilespmem:s29], [sflag:$0xE], $0x10, s15, s17, $0xb8;
	[tilespmem:$0xB700] =	vst v63  }
0x7a: {  	_ =	swait.ge [sflag:s9], $0x800  }
0x7b: {  	[sflag:s9] =	ssyncset.done $0x0  }
0x7c: {  	s15 =	rddreg [dreg:$0xa];
	[sflag:s9] =	ssyncadd.s32 $0xFFFFF800  }
0x7d: {  	[tilespmem:s23], [sflag:$0x2] =	stream.indirect.gather [hbm4b:s4+s17], $0x10, s15, s17, $0xb8;
	[tilespmem:$0xB700] =	vst v63  }
0x7e: {  	_ =	swait.ge [sflag:s10], $0x800  }
0x7f: {  	s15 =	sld [smem:$0x7FC]  }
0x80: {  	[sflag:s10] =	ssyncset.done $0x0  }
0x81: {  	[sflag:s10] =	ssyncadd.s32 $0xFFFFF800  }
0x82: {  	[spmem:s2] =	stream.indirect.scatter.add.f32 [tilespmem:s1], [sflag:$0xF], $0x10, s15, s17, $0xb8;
	[tilespmem:$0xB700] =	vst v63  }
0x83: {  	_ =	swait.ge [sflag:s11], $0x800  }
0x84: {  	[sflag:s11] =	ssyncset.done $0x0  }
0x85: {  	s15 =	rddreg [dreg:$0xb];
	[sflag:s11] =	ssyncadd.s32 $0xFFFFF800  }
0x86: {  	[tilespmem:s24], [sflag:$0x3] =	stream.indirect.gather [hbm4b:s4+s17], $0x10, s15, s17, $0xb8;
	[tilespmem:$0xB700] =	vst v63  }
0x87: {  	_ =	swait.ge [sflag:s18], $0x800  }
0x88: {  	s1 =	sld [smem:$0x7FD]  }
0x89: {  	[sflag:s18] =	ssyncset.done $0x0  }
0x8a: {  	[sflag:s18] =	ssyncadd.s32 $0xFFFFF800  }
0x8b: {  	[spmem:s2] =	stream.indirect.scatter.add.f32 [tilespmem:s19], [sflag:$0x10], $0x10, s1, s17, $0xb8;
	[tilespmem:$0xB700] =	vst v63  }
0x8c: {  	_ =	swait.ge [sflag:s25], $0x800  }
0x8d: {  	[sflag:s25] =	ssyncset.done $0x0  }
0x8e: {  	s15 =	rddreg [dreg:$0xc];
	[sflag:s25] =	ssyncadd.s32 $0xFFFFF800  }
0x8f: {  	[tilespmem:s26], [sflag:$0x4] =	stream.indirect.gather [hbm4b:s4+s17], $0x10, s15, s17, $0xb8;
	[tilespmem:$0xB700] =	vst v63  }
0x90: {  	_ =	swait.ge [sflag:s20], $0x800  }
0x91: {  	s19 =	rddreg [dreg:$0x4]  }
0x92: {  	[sflag:s20] =	ssyncset.done $0x0;
	s15 =	sadd.s32 $0x0, s19  }
0x93: {  	[sflag:s20] =	ssyncadd.s32 $0xFFFFF800;
	s8 =	sadd.s32 $0x400, s15  }
0x94: {  	[spmem:s2] =	stream.indirect.scatter.add.f32 [tilespmem:s16], [sflag:$0x9], $0x10, s8, s17, $0xb8;
	[tilespmem:$0xB700] =	vst v63  }
0x95: {  	_ =	swait.ge [sflag:s7], $0x800  }
0x96: {  	s8 =	sadd.s32 $0x0, s22;
	[sflag:s7] =	ssyncset.done $0x0  }
0x97: {  	s19 =	sadd.s32 $0x600, s8;
	[sflag:s7] =	ssyncadd.s32 $0xFFFFF800  }
0x98: {  	[tilespmem:s28], [sflag:$0x5] =	stream.indirect.gather [hbm4b:s4+s17], $0x10, s19, s17, $0xb8;
	[tilespmem:$0xB700] =	vst v63  }
0x99: {  	_ =	swait.ge [sflag:s21], $0x800  }
0x9a: {  	[sflag:s21] =	ssyncset.done $0x0  }
0x9b: {  	s19 =	sadd.s32 $0x480, s15;
	[sflag:s21] =	ssyncadd.s32 $0xFFFFF800  }
0x9c: {  	[spmem:s2] =	stream.indirect.scatter.add.f32 [tilespmem:s23], [sflag:$0xA], $0x10, s19, s17, $0xb8;
	[tilespmem:$0xB700] =	vst v63  }
0x9d: {  	_ =	swait.ge [sflag:s12], $0x800  }
0x9e: {  	[sflag:s12] =	ssyncset.done $0x0  }
0x9f: {  	s19 =	sadd.s32 $0x680, s8;
	[sflag:s12] =	ssyncadd.s32 $0xFFFFF800  }
0xa0: {  	[tilespmem:s29], [sflag:$0x6] =	stream.indirect.gather [hbm4b:s4+s17], $0x10, s19, s17, $0xb8;
	[tilespmem:$0xB700] =	vst v63  }
0xa1: {  	_ =	swait.ge [sflag:s30], $0x800  }
0xa2: {  	[sflag:s30] =	ssyncset.done $0x0  }
0xa3: {  	s19 =	sadd.s32 $0x500, s15;
	[sflag:s30] =	ssyncadd.s32 $0xFFFFF800  }
0xa4: {  	[spmem:s2] =	stream.indirect.scatter.add.f32 [tilespmem:s24], [sflag:$0xB], $0x10, s19, s17, $0xb8;
	[tilespmem:$0xB700] =	vst v63  }
0xa5: {  	_ =	swait.ge [sflag:s13], $0x800  }
0xa6: {  	[sflag:s13] =	ssyncset.done $0x0  }
0xa7: {  	s1 =	simm.s32 $0x7F00;
	s19 =	sadd.s32 $0x700, s8;
	[sflag:s13] =	ssyncadd.s32 $0xFFFFF800  }
0xa8: {  	[tilespmem:s1], [sflag:$0x7] =	stream.indirect.gather [hbm4b:s4+s17], $0x10, s19, s17, $0xb8;
	[tilespmem:$0xB700] =	vst v63  }
0xa9: {  	_ =	swait.ge [sflag:s0], $0x800  }
0xaa: {  	[sflag:s0] =	ssyncset.done $0x0  }
0xab: {  	s19 =	sadd.s32 $0x580, s15;
	[sflag:s0] =	ssyncadd.s32 $0xFFFFF800  }
0xac: {  	[spmem:s2] =	stream.indirect.scatter.add.f32 [tilespmem:s26], [sflag:$0xC], $0x10, s19, s17, $0xb8;
	[tilespmem:$0xB700] =	vst v63  }
0xad: {  	_ =	swait.ge [sflag:s14], $0x800  }
0xae: {  	[sflag:s14] =	ssyncset.done $0x0  }
0xaf: {  	s20 =	simm.s32 $0x8700;
	s26 =	sadd.s32 $0x780, s8;
	[sflag:s14] =	ssyncadd.s32 $0xFFFFF800  }
0xb0: {  	[tilespmem:s20], [sflag:$0x8] =	stream.indirect.gather [hbm4b:s4+s17], $0x10, s26, s17, $0xb8;
	[tilespmem:$0xB700] =	vst v63  }
0xb1: {  	_ =	swait.ge [sflag:s3], $0x800  }
0xb2: {  	[sflag:s3] =	ssyncset.done $0x0  }
0xb3: {  	s26 =	sadd.s32 $0x600, s15;
	[sflag:s3] =	ssyncadd.s32 $0xFFFFF800  }
0xb4: {  	[spmem:s2] =	stream.indirect.scatter.add.f32 [tilespmem:s28], [sflag:$0xD], $0x10, s26, s17, $0xb8;
	[tilespmem:$0xB700] =	vst v63  }
0xb5: {  	_ =	swait.ge [sflag:s5], $0x800  }
0xb6: {  	[sflag:s5] =	ssyncset.done $0x0  }
0xb7: {  	s28 =	sadd.s32 $0x800, s8;
	[sflag:s5] =	ssyncadd.s32 $0xFFFFF800  }
0xb8: {  	[tilespmem:s16], [sflag:$0x1] =	stream.indirect.gather [hbm4b:s4+s17], $0x10, s28, s17, $0xb8;
	[tilespmem:$0xB700] =	vst v63  }
0xb9: {  	_ =	swait.ge [sflag:s6], $0x800  }
0xba: {  	[sflag:s6] =	ssyncset.done $0x0  }
0xbb: {  	s16 =	sadd.s32 $0x680, s15;
	[sflag:s6] =	ssyncadd.s32 $0xFFFFF800  }
0xbc: {  	[spmem:s2] =	stream.indirect.scatter.add.f32 [tilespmem:s29], [sflag:$0xE], $0x10, s16, s17, $0xb8;
	[tilespmem:$0xB700] =	vst v63  }
0xbd: {  	_ =	swait.ge [sflag:s9], $0x800  }
0xbe: {  	[sflag:s9] =	ssyncset.done $0x0  }
0xbf: {  	s26 =	sadd.s32 $0x880, s8;
	[sflag:s9] =	ssyncadd.s32 $0xFFFFF800  }
0xc0: {  	[tilespmem:s23], [sflag:$0x2] =	stream.indirect.gather [hbm4b:s4+s17], $0x10, s26, s17, $0xb8;
	[tilespmem:$0xB700] =	vst v63  }
0xc1: {  	_ =	swait.ge [sflag:s10], $0x800  }
0xc2: {  	[sflag:s10] =	ssyncset.done $0x0  }
0xc3: {  	s28 =	sadd.s32 $0x700, s15;
	[sflag:s10] =	ssyncadd.s32 $0xFFFFF800  }
0xc4: {  	[spmem:s2] =	stream.indirect.scatter.add.f32 [tilespmem:s1], [sflag:$0xF], $0x10, s28, s17, $0xb8;
	[tilespmem:$0xB700] =	vst v63  }
0xc5: {  	_ =	swait.ge [sflag:s11], $0x800  }
0xc6: {  	[sflag:s11] =	ssyncset.done $0x0  }
0xc7: {  	s29 =	sadd.s32 $0x900, s8;
	[sflag:s11] =	ssyncadd.s32 $0xFFFFF800  }
0xc8: {  	[tilespmem:s24], [sflag:$0x3] =	stream.indirect.gather [hbm4b:s4+s17], $0x10, s29, s17, $0xb8;
	[tilespmem:$0xB700] =	vst v63  }
0xc9: {  	_ =	swait.ge [sflag:s18], $0x800  }
0xca: {  	[sflag:s18] =	ssyncset.done $0x0  }
0xcb: {  	s15 =	sadd.s32 $0x780, s15;
	[sflag:s18] =	ssyncadd.s32 $0xFFFFF800  }
0xcc: {  	[spmem:s2] =	stream.indirect.scatter.add.f32 [tilespmem:s20], [sflag:$0x10], $0x10, s15, s17, $0xb8;
	[tilespmem:$0xB700] =	vst v63  }
0xcd: {  	_ =	swait.ge [sflag:s25], $0x800  }
0xce: {  	[sflag:s25] =	ssyncset.done $0x0  }
0xcf: {  	s8 =	sadd.s32 $0x980, s8;
	s15 =	simm.s32 $0x1000;
	[sflag:s25] =	ssyncadd.s32 $0xFFFFF800  }
.LBB2_2:
0xd0: {  	s24 =	simm.s32 $0x6700;
	s23 =	simm.s32 $0x1  }
0xd1: {  	[tilespmem:s24], [sflag:$0x4] =	stream.indirect.gather [hbm4b:s4+s17], $0x10, s8, s17, $0xb8;
	[tilespmem:$0xB700] =	vst v63  }
0xd2: {  	s28 =	smov.u32 s15;
	_ =	swait.ge [sflag:s23], $0x800  }
0xd3: {  	s16 =	sshra.s32 s28, $0x2;
	s19 =	rddreg [dreg:$0x4]  }
0xd4: {  	[sflag:s23] =	ssyncset.done $0x0;
	s8 =	sadd.s32 s16, s19  }
0xd5: {  	[sflag:s23] =	ssyncadd.s32 $0xFFFFF800;
	s23 =	simm.s32 $0x4F00;
	s29 =	sadd.s32 $0x400, s8  }
0xd6: {  	[spmem:s2] =	stream.indirect.scatter.add.f32 [tilespmem:s23], [sflag:$0x9], $0x10, s29, s17, $0xb8;
	[tilespmem:$0xB700] =	vst v63  }
0xd7: {  	_ =	swait.ge [sflag:s7], $0x800  }
0xd8: {  	s19 =	sadd.s32 s16, s22;
	[sflag:s7] =	ssyncset.done $0x0  }
0xd9: {  	s26 =	sadd.s32 $0x600, s19;
	s29 =	simm.s32 $0x6F00;
	[sflag:s7] =	ssyncadd.s32 $0xFFFFF800  }
0xda: {  	[tilespmem:s29], [sflag:$0x5] =	stream.indirect.gather [hbm4b:s4+s17], $0x10, s26, s17, $0xb8;
	[tilespmem:$0xB700] =	vst v63  }
0xdb: {  	_ =	swait.ge [sflag:s21], $0x800  }
0xdc: {  	[sflag:s21] =	ssyncset.done $0x0  }
0xdd: {  	s28 =	sadd.s32 $0x480, s8;
	s26 =	simm.s32 $0x5700;
	[sflag:s21] =	ssyncadd.s32 $0xFFFFF800  }
0xde: {  	[spmem:s2] =	stream.indirect.scatter.add.f32 [tilespmem:s26], [sflag:$0xA], $0x10, s28, s17, $0xb8;
	[tilespmem:$0xB700] =	vst v63  }
0xdf: {  	_ =	swait.ge [sflag:s12], $0x800  }
0xe0: {  	[sflag:s12] =	ssyncset.done $0x0  }
0xe1: {  	s28 =	sadd.s32 $0x680, s19;
	[sflag:s12] =	ssyncadd.s32 $0xFFFFF800  }
0xe2: {  	[tilespmem:s31], [sflag:$0x6] =	stream.indirect.gather [hbm4b:s4+s17], $0x10, s28, s17, $0xb8;
	[tilespmem:$0xB700] =	vst v63  }
0xe3: {  	_ =	swait.ge [sflag:s30], $0x800  }
0xe4: {  	[sflag:s30] =	ssyncset.done $0x0  }
0xe5: {  	s16 =	sadd.s32 $0x500, s8;
	s28 =	simm.s32 $0x5F00;
	[sflag:s30] =	ssyncadd.s32 $0xFFFFF800  }
0xe6: {  	[spmem:s2] =	stream.indirect.scatter.add.f32 [tilespmem:s28], [sflag:$0xB], $0x10, s16, s17, $0xb8;
	[tilespmem:$0xB700] =	vst v63  }
0xe7: {  	_ =	swait.ge [sflag:s13], $0x800  }
0xe8: {  	[sflag:s13] =	ssyncset.done $0x0  }
0xe9: {  	s16 =	sadd.s32 $0x700, s19;
	[sflag:s13] =	ssyncadd.s32 $0xFFFFF800  }
0xea: {  	[tilespmem:s1], [sflag:$0x7] =	stream.indirect.gather [hbm4b:s4+s17], $0x10, s16, s17, $0xb8;
	[tilespmem:$0xB700] =	vst v63  }
0xeb: {  	_ =	swait.ge [sflag:s0], $0x800  }
0xec: {  	[sflag:s0] =	ssyncset.done $0x0  }
0xed: {  	s16 =	sadd.s32 $0x580, s8;
	[sflag:s0] =	ssyncadd.s32 $0xFFFFF800  }
0xee: {  	[spmem:s2] =	stream.indirect.scatter.add.f32 [tilespmem:s24], [sflag:$0xC], $0x10, s16, s17, $0xb8;
	[tilespmem:$0xB700] =	vst v63  }
0xef: {  	_ =	swait.ge [sflag:s14], $0x800  }
0xf0: {  	[sflag:s14] =	ssyncset.done $0x0  }
0xf1: {  	s24 =	sadd.s32 $0x780, s19;
	[sflag:s14] =	ssyncadd.s32 $0xFFFFF800  }
0xf2: {  	[tilespmem:s20], [sflag:$0x8] =	stream.indirect.gather [hbm4b:s4+s17], $0x10, s24, s17, $0xb8;
	[tilespmem:$0xB700] =	vst v63  }
0xf3: {  	_ =	swait.ge [sflag:s3], $0x800  }
0xf4: {  	[sflag:s3] =	ssyncset.done $0x0  }
0xf5: {  	s24 =	sadd.s32 $0x600, s8;
	[sflag:s3] =	ssyncadd.s32 $0xFFFFF800  }
0xf6: {  	[spmem:s2] =	stream.indirect.scatter.add.f32 [tilespmem:s29], [sflag:$0xD], $0x10, s24, s17, $0xb8;
	[tilespmem:$0xB700] =	vst v63  }
0xf7: {  	_ =	swait.ge [sflag:s5], $0x800  }
0xf8: {  	[sflag:s5] =	ssyncset.done $0x0  }
0xf9: {  	s29 =	sadd.s32 $0x800, s19;
	[sflag:s5] =	ssyncadd.s32 $0xFFFFF800  }
0xfa: {  	[tilespmem:s23], [sflag:$0x1] =	stream.indirect.gather [hbm4b:s4+s17], $0x10, s29, s17, $0xb8;
	[tilespmem:$0xB700] =	vst v63  }
0xfb: {  	_ =	swait.ge [sflag:s6], $0x800  }
0xfc: {  	[sflag:s6] =	ssyncset.done $0x0  }
0xfd: {  	s23 =	sadd.s32 $0x680, s8;
	[sflag:s6] =	ssyncadd.s32 $0xFFFFF800  }
0xfe: {  	[spmem:s2] =	stream.indirect.scatter.add.f32 [tilespmem:s31], [sflag:$0xE], $0x10, s23, s17, $0xb8;
	[tilespmem:$0xB700] =	vst v63  }
0xff: {  	_ =	swait.ge [sflag:s9], $0x800  }
0x100: {  	[sflag:s9] =	ssyncset.done $0x0  }
0x101: {  	s29 =	sadd.s32 $0x880, s19;
	[sflag:s9] =	ssyncadd.s32 $0xFFFFF800  }
0x102: {  	[tilespmem:s26], [sflag:$0x2] =	stream.indirect.gather [hbm4b:s4+s17], $0x10, s29, s17, $0xb8;
	[tilespmem:$0xB700] =	vst v63  }
0x103: {  	_ =	swait.ge [sflag:s10], $0x800  }
0x104: {  	[sflag:s10] =	ssyncset.done $0x0  }
0x105: {  	s26 =	sadd.s32 $0x700, s8;
	[sflag:s10] =	ssyncadd.s32 $0xFFFFF800  }
0x106: {  	[spmem:s2] =	stream.indirect.scatter.add.f32 [tilespmem:s1], [sflag:$0xF], $0x10, s26, s17, $0xb8;
	[tilespmem:$0xB700] =	vst v63  }
0x107: {  	_ =	swait.ge [sflag:s11], $0x800  }
0x108: {  	[sflag:s11] =	ssyncset.done $0x0  }
0x109: {  	s29 =	sadd.s32 $0x900, s19;
	[sflag:s11] =	ssyncadd.s32 $0xFFFFF800  }
0x10a: {  	[tilespmem:s28], [sflag:$0x3] =	stream.indirect.gather [hbm4b:s4+s17], $0x10, s29, s17, $0xb8;
	[tilespmem:$0xB700] =	vst v63  }
0x10b: {  	_ =	swait.ge [sflag:s18], $0x800  }
0x10c: {  	p1 =	sne.s32 s15, $0x7000;
	[sflag:s18] =	ssyncset.done $0x0  }
.Ltmp0:
0x10d: {  	s8 =	sadd.s32 $0x780, s8;
	[sflag:s18] =	ssyncadd.s32 $0xFFFFF800;
	(pc) =	sbr.rel @p1 .LBB2_2-.Ltmp0, $4  }
0x10e: {  	[spmem:s2] =	stream.indirect.scatter.add.f32 [tilespmem:s20], [sflag:$0x10], $0x10, s8, s17, $0xb8;
	[tilespmem:$0xB700] =	vst v63  }
0x10f: {  	s15 =	sadd.s32 $0x1000, s15;
	_ =	swait.ge [sflag:s25], $0x800  }
0x110: {  	s24 =	simm.s32 $0x4F00;
	s23 =	simm.s32 $0x5700;
	[sflag:s25] =	ssyncset.done $0x0  }
0x111: {  	s26 =	simm.s32 $0x5F00;
	s8 =	sadd.s32 $0x980, s19;
	[sflag:s25] =	ssyncadd.s32 $0xFFFFF800  }
0x112: {  	s19 =	simm.s32 $0x6700;
	s1 =	simm.s32 $0x1  }
0x113: {  	[tilespmem:s19], [sflag:$0x4] =	stream.indirect.gather [hbm4b:s4+s17], $0x10, s8, s17, $0xb8;
	[tilespmem:$0xB700] =	vst v63  }
0x114: {  	_ =	swait.ge [sflag:s1], $0x800  }
0x115: {  	[sflag:s1] =	ssyncset.done $0x0  }
0x116: {  	s29 =	rddreg [dreg:$0xd];
	[sflag:s1] =	ssyncadd.s32 $0xFFFFF800  }
0x117: {  	[spmem:s2] =	stream.indirect.scatter.add.f32 [tilespmem:s24], [sflag:$0x9], $0x10, s29, s17, $0xb8;
	[tilespmem:$0xB700] =	vst v63  }
0x118: {  	_ =	swait.ge [sflag:s7], $0x800  }
0x119: {  	[sflag:s7] =	ssyncset.done $0x0  }
0x11a: {  	s24 =	simm.s32 $0x6F00;
	s1 =	rddreg [dreg:$0xe];
	[sflag:s7] =	ssyncadd.s32 $0xFFFFF800  }
0x11b: {  	[tilespmem:s24], [sflag:$0x5] =	stream.indirect.gather [hbm4b:s4+s17], $0x10, s1, s17, $0xb8;
	[tilespmem:$0xB700] =	vst v63  }
0x11c: {  	_ =	swait.ge [sflag:s21], $0x800  }
0x11d: {  	[sflag:s21] =	ssyncset.done $0x0  }
0x11e: {  	s15 =	rddreg [dreg:$0xf];
	[sflag:s21] =	ssyncadd.s32 $0xFFFFF800  }
0x11f: {  	[spmem:s2] =	stream.indirect.scatter.add.f32 [tilespmem:s23], [sflag:$0xA], $0x10, s15, s17, $0xb8;
	[tilespmem:$0xB700] =	vst v63  }
0x120: {  	_ =	swait.ge [sflag:s12], $0x800  }
0x121: {  	[sflag:s12] =	ssyncset.done $0x0  }
0x122: {  	s20 =	simm.s32 $0x7700;
	s16 =	rddreg [dreg:$0x10];
	[sflag:s12] =	ssyncadd.s32 $0xFFFFF800  }
0x123: {  	[tilespmem:s20], [sflag:$0x6] =	stream.indirect.gather [hbm4b:s4+s17], $0x10, s16, s17, $0xb8;
	[tilespmem:$0xB700] =	vst v63  }
0x124: {  	_ =	swait.ge [sflag:s30], $0x800  }
0x125: {  	[sflag:s30] =	ssyncset.done $0x0  }
0x126: {  	s8 =	simm.s32 @!p0 $0xF;
	s28 =	rddreg [dreg:$0x11];
	[sflag:s30] =	ssyncadd.s32 $0xFFFFF800  }
0x127: {  	[spmem:s2] =	stream.indirect.scatter.add.f32 [tilespmem:s26], [sflag:$0xB], $0x10, s28, s17, $0xb8;
	[tilespmem:$0xB700] =	vst v63  }
0x128: {  	_ =	swait.ge @!p0 [sflag:s8], $0x800  }
0x129: {  	s15 =	simm.s32 @!p0 $0x7F00;
	[sflag:s8] =	ssyncset.done @!p0 $0x0  }
0x12a: {  	s16 =	rddreg [dreg:$0x12];
	[sflag:s8] =	ssyncadd.s32 @!p0 $0xFFFFF800;
	s8 =	simm.s32 @!p0 $0x80  }
0x12b: {  	[tilespmem:s15], [sflag:$0x7] =	stream.indirect.gather @!p0 [hbm4b:s4+s8], $0x10, s16, s8, $0xb8;
	[tilespmem:$0xB700] =	vst v63  }
0x12c: {  	_ =	swait.ge [sflag:s0], $0x800  }
0x12d: {  	[sflag:s0] =	ssyncset.done $0x0  }
0x12e: {  	s29 =	rddreg [dreg:$0x13];
	[sflag:s0] =	ssyncadd.s32 $0xFFFFF800  }
0x12f: {  	[spmem:s2] =	stream.indirect.scatter.add.f32 [tilespmem:s19], [sflag:$0xC], $0x10, s29, s17, $0xb8;
	[tilespmem:$0xB700] =	vst v63  }
0x130: {  	_ =	swait.ge [sflag:s3], $0x800  }
0x131: {  	[sflag:s3] =	ssyncset.done $0x0  }
0x132: {  	s1 =	rddreg [dreg:$0x14];
	[sflag:s3] =	ssyncadd.s32 $0xFFFFF800  }
0x133: {  	[spmem:s2] =	stream.indirect.scatter.add.f32 [tilespmem:s24], [sflag:$0xD], $0x10, s1, s17, $0xb8;
	[tilespmem:$0xB700] =	vst v63  }
0x134: {  	_ =	swait.ge [sflag:s6], $0x800  }
0x135: {  	[sflag:s6] =	ssyncset.done $0x0  }
0x136: {  	s16 =	simm.s32 @!p0 $0x7;
	s19 =	rddreg [dreg:$0x15];
	[sflag:s6] =	ssyncadd.s32 $0xFFFFF800  }
0x137: {  	[spmem:s2] =	stream.indirect.scatter.add.f32 [tilespmem:s20], [sflag:$0xE], $0x10, s19, s17, $0xb8;
	[tilespmem:$0xB700] =	vst v63  }
0x138: {  	_ =	swait.ge @!p0 [sflag:s16], $0x800  }
0x139: {  	[sflag:s16] =	ssyncset.done @!p0 $0x0  }
0x13a: {  	[sflag:s16] =	ssyncadd.s32 @!p0 $0xFFFFF800;
	s16 =	rddreg [dreg:$0x16]  }
0x13b: {  	[spmem:s2] =	stream.indirect.scatter.add.f32 @!p0 [tilespmem:s15], [sflag:$0xF], $0x10, s16, s8, $0xb8;
	[tilespmem:$0xB700] =	vst v63  }
0x13c: {  	_ =	swait.ge [sflag:s5], $0x800  }
0x13d: {  	[sflag:s5] =	ssyncset.done $0x0  }
0x13e: {  	[sflag:s5] =	ssyncadd.s32 $0xFFFFF800  }
0x13f: {  	_ =	swait.ge [sflag:s9], $0x800  }
0x140: {  	[sflag:s9] =	ssyncset.done $0x0  }
0x141: {  	[sflag:s9] =	ssyncadd.s32 $0xFFFFF800  }
0x142: {  	_ =	swait.ge [sflag:s11], $0x800  }
0x143: {  	[sflag:s11] =	ssyncset.done $0x0  }
0x144: {  	[sflag:s11] =	ssyncadd.s32 $0xFFFFF800  }
0x145: {  	_ =	swait.ge [sflag:s25], $0x800  }
0x146: {  	[sflag:s25] =	ssyncset.done $0x0  }
0x147: {  	[sflag:s25] =	ssyncadd.s32 $0xFFFFF800  }
0x148: {  	_ =	swait.ge [sflag:s7], $0x800  }
0x149: {  	[sflag:s7] =	ssyncset.done $0x0  }
0x14a: {  	[sflag:s7] =	ssyncadd.s32 $0xFFFFF800  }
0x14b: {  	_ =	swait.ge [sflag:s12], $0x800  }
0x14c: {  	[sflag:s12] =	ssyncset.done $0x0  }
0x14d: {  	[sflag:s12] =	ssyncadd.s32 $0xFFFFF800  }
0x14e: {  	_ =	swait.ge [sflag:s13], $0x800  }
0x14f: {  	[sflag:s13] =	ssyncset.done $0x0  }
0x150: {  	[sflag:s13] =	ssyncadd.s32 $0xFFFFF800  }
0x151: {  	_ =	swait.ge [sflag:s14], $0x800  }
0x152: {  	[sflag:s14] =	ssyncset.done $0x0  }
0x153: {  	[sflag:s14] =	ssyncadd.s32 $0xFFFFF800  }
0x154: {  	[bflag:$0x0] =	sbarrier.arrive $0xFFFF  }
0x155: {  	s24 =	sld [smem:$0x7F2]  }
0x156: {  	s20 =	rddreg [dreg:$0x18]  }
0x157: {  	s26 =	simm.s32 $0x12;
	s23 =	rddreg [dreg:$0x17];
	s8 =	sor.u32 $0x1C12, s20  }
0x158: {  	[hbm:s23], [sflag:s8] =	dma.local [spmem:s24], $0x500  }
0x159: {  	_ =	swait.ge [sflag:s26], $0x500  }
0x15a: {  	s28 =	sld [smem:$0x7F1];
	_ =	sdelay $0x2  }
0x15b: {  	s29 =	rddreg [dreg:$0x19];
	s15 =	sadd.s32 $0x1, s28  }
0x15c: {  	p1 =	sne.s32 s15, s29  }
.Ltmp1:
0x15d: {  	_ = 	snop;
	(pc) =	sbr.rel @p1 .LBB2_1-.Ltmp1, $3  }
0x15e: {  	_ =	sdelay $0x1  }
0x15f: {  	[sflag:s26] =	ssyncset.done $0x0  }
0x160: {  	s1 =	simm.s32 $0x7F00;
	s19 =	simm.s32 $0x8700;
	[sflag:s26] =	ssyncadd.s32 $0xFFFFFB00  }
0x161: {  	_ =	sfence.sel $0x180000  }
0x162: {  	[bflag:$0x0] =	sbarrier.arrive $0xFFFF  }
0x163: {  	_ =	strace $0x9000004A  }
0x164: {  	s0 =	stileid.u32;
	[bflag:$0x2] =	sbarrier.arrive $0xFFFF  }
0x165: {  	p0 =	sne.s32 s0, $0x0;
	s0 =	rddreg [dreg:$0x3]  }
0x166: {  	s0 =	sadd.s32 @!p0 $0x100000, s0  }
0x167: {  	[sflag:s0] =	ssyncadd.tile.s32 @!p0 $0x1;
	_ =	shalt  }
.Lfunc_end2:
_tile_overlayer_lowered:
.L_overlay_start_2:
0x168: {  	(tag) =	ssettag $0x2  }
0x169: {  	s0 =	rddreg [dreg:$0x0];
	s2 =	stileid.u32  }
0x16a: {  	s1 =	rddreg [dreg:$0x1];
	p0 =	sne.s32 s2, $0x0  }
0x16b: {  	s3 =	rddreg [dreg:$0x2];
	[bflag:$0x3] =	sbarrier.arrive $0xFFFF;
	s2 =	simm.s32 @!p0 $0x1C12  }
0x16c: {  	[timem:s3], [sflag:s2] =	dma.local @!p0 [hbm:s0], s1  }
0x16d: {  	s0 =	simm.s32 @!p0 $0x12  }
0x16e: {  	_ =	swait.ge @!p0 [sflag:s0], s1  }
0x16f: {  	s1 =	ssub.s32 @!p0 $0x0, s1;
	[sflag:s0] =	ssyncset.done @!p0 $0x0  }
0x170: {  	[sflag:s0] =	ssyncadd.s32 @!p0 s1  }
0x171: {  	[bflag:$0x3] =	sbarrier.arrive $0xFFFF  }
0x172: {  	_ =	shalt  }

// kernel: kernel.15.cloned.1.call-start
scs
__scs_entry_jumppad:
0x0: {  	(pc) =	sbr.rel $0x88, $3  }
0x1: {  	(tag) =	ssettag $0x0;
	lr =	simm.s32 $0x1  }
0x2: {  	[smem:$0x3F9B] =	sst lr;
	_ =	strace $0xD0000000  }
0x3: {  	_ = 	snop  }
0x4: {  	_ = 	snop  }
0x5: {  	_ = 	snop  }
0x6: {  	_ = 	snop  }
0x7: {  	_ = 	snop  }
__scs_overlays_trampoline_lowered:
0x8: {  	[smem:$0x3FAA] =	sst s0  }
0x9: {  	[smem:$0x3FAB] =	sst s1  }
0xa: {  	[smem:$0x3FAC] =	sst s2  }
0xb: {  	[smem:$0x3FAD] =	sst s3  }
0xc: {  	[smem:$0x3FAE] =	sst s4  }
0xd: {  	[smem:$0x3FAF] =	sst s5  }
0xe: {  	[smem:$0x3FB0] =	sst s6  }
0xf: {  	[smem:$0x3FB1] =	sst s7  }
0x10: {  	[smem:$0x3FB2] =	sst s8  }
0x11: {  	[smem:$0x3FB3] =	sst s9;
	s0 =	simm.s32 @!p0 $0x0  }
0x12: {  	s1 =	sld [smem:$0x3F99];
	s0 =	simm.s32 @p0 $0x1  }
0x13: {  	[smem:$0x3FB4] =	sst s0;
	s0 =	simm.s32 @!p1 $0x0  }
0x14: {  	s2 =	sld [smem:$0x3F98];
	s0 =	simm.s32 @p1 $0x1  }
0x15: {  	[smem:$0x3FB5] =	sst s0;
	s0 =	simm.s32 @!p2 $0x0  }
0x16: {  	s3 =	sld [smem:$0x3FDB];
	s0 =	simm.s32 @p2 $0x1  }
0x17: {  	s4 =	simm.s32 $0x1BF5;
	[smem:$0x3FB7] =	sst s0  }
0x18: {  	s0 =	sld [smem:$0x3F9A];
	_ =	swait.ge [sflag:s4], $0x0  }
0x19: {  	s7 =	sld [smem:$0x3F9B]  }
0x1a: {  	s8 =	sadd.s32 $0xFFFFE003, lr  }
0x1b: {  	s9 =	sadd.s32 $0xFFFFFEF7, lr;
	s5 =	simm.s32 $0xFFFFFFFF;
	p2 =	slt.u32 s8, $0xFFFFF086  }
0x1c: {  	p1 =	slt.u32 s9, $0xF7A;
	s5 =	simm.s32 @!p2 $0x0  }
0x1d: {  	s5 =	simm.s32 @p1 $0x1;
	p0 =	seq.s32 s7, s2  }
0x1e: {  	s7 =	smul.u32 @!p0 $0xF7A, s2;
	p2 =	seq.s32 @!p0 s5, $0x0  }
0x1f: {  	s9 =	smul.u32 $0xF7A, s1;
	s8 =	simm.s32 @!p0 $0x1BF5;
	p2 =	por !p2, p0  }
0x20: {  	[sflag:s8] =	ssyncset.s32 @!p0 $0xFFFFF086;
	s6 =	sadd.s32 @!p0 s3, s7;
	s7 =	simm.s32 @!p0 $0x108  }
0x21: {  	s3 =	sadd.s32 s3, s9;
	s6 =	sadd.s32 @!p0 $0x88, s6;
	s7 =	simm.s32 @p2 $0x1082  }
0x22: {  	[simem:s7], [sflag:s8] =	dma.local @!p0 [hbm:s6], $0xF7A  }
0x23: {  	s9 =	sor.u32 $0xD0000000, s2;
	s6 =	simm.s32 $0x108;
	_ =	swait.ge @!p0 [sflag:s8], $0x0  }
0x24: {  	s3 =	sadd.s32 $0x88, s3;
	s6 =	simm.s32 @!p1 $0x1082;
	[sflag:s4] =	ssyncset.s32 $0xFFFFF086  }
0x25: {  	[simem:s6], [sflag:s4] =	dma.local [hbm:s3], $0xF7A  }
0x26: {  	[smem:$0x3F9B] =	sst s1;
	(tag) =	ssettag s2;
	_ =	strace s9  }
0x27: {  	s1 =	sld [smem:$0x3FAB]  }
0x28: {  	s2 =	sld [smem:$0x3FAC]  }
0x29: {  	s4 =	sld [smem:$0x3FAE]  }
0x2a: {  	p0 =	seq.s32 s5, $0x0;
	s5 =	sld [smem:$0x3FAF]  }
0x2b: {  	s6 =	sld [smem:$0x3FB0]  }
0x2c: {  	s7 =	sld [smem:$0x3FB1]  }
0x2d: {  	s3 =	simm.s32 $0x108;
	s8 =	sld [smem:$0x3FB2]  }
0x2e: {  	s3 =	simm.s32 @!p0 $0x1082;
	s9 =	sld [smem:$0x3FB3]  }
0x2f: {  	lr =	sadd.s32 s0, s3;
	s0 =	sld [smem:$0x3FAA]  }
0x30: {  	s3 =	sld [smem:$0x3FAD]  }
0x31: {  	[smem:$0x3FB6] =	sst s10  }
0x32: {  	s10 =	sld [smem:$0x3FB4];
	_ =	sdelay $0x3  }
0x33: {  	p0 =	seq.s32 s10, $0x1;
	s10 =	sld [smem:$0x3FB6];
	_ =	sdelay $0x3  }
0x34: {  	[smem:$0x3FB6] =	sst s10  }
0x35: {  	s10 =	sld [smem:$0x3FB5];
	_ =	sdelay $0x3  }
0x36: {  	p1 =	seq.s32 s10, $0x1;
	s10 =	sld [smem:$0x3FB6];
	_ =	sdelay $0x3  }
0x37: {  	[smem:$0x3FB6] =	sst s10  }
0x38: {  	s10 =	sld [smem:$0x3FB7]  }
0x39: {  	_ = 	snop;
	(pc) =	sbr.ind lr, $3  }
0x3a: {  	_ = 	snop  }
0x3b: {  	_ = 	snop  }
0x3c: {  	p2 =	seq.s32 s10, $0x1;
	s10 =	sld [smem:$0x3FB6]  }
0x3d: {  	_ =	shalt  }
0x3e: {  	_ =	shalt  }
0x3f: {  	_ =	shalt  }
0x40: {  	_ =	shalt  }
0x41: {  	_ =	shalt  }
0x42: {  	_ =	shalt  }
0x43: {  	_ =	shalt  }
0x44: {  	_ =	shalt  }
0x45: {  	_ =	shalt  }
0x46: {  	_ =	shalt  }
0x47: {  	_ =	shalt  }
0x48: {  	_ =	shalt  }
0x49: {  	_ =	shalt  }
0x4a: {  	_ =	shalt  }
0x4b: {  	_ =	shalt  }
0x4c: {  	_ =	shalt  }
0x4d: {  	_ =	shalt  }
0x4e: {  	_ =	shalt  }
0x4f: {  	_ =	shalt  }
0x50: {  	_ =	shalt  }
0x51: {  	_ =	shalt  }
0x52: {  	_ =	shalt  }
0x53: {  	_ =	shalt  }
0x54: {  	_ =	shalt  }
0x55: {  	_ =	shalt  }
0x56: {  	_ =	shalt  }
0x57: {  	_ =	shalt  }
0x58: {  	_ =	shalt  }
0x59: {  	_ =	shalt  }
0x5a: {  	_ =	shalt  }
0x5b: {  	_ =	shalt  }
0x5c: {  	_ =	shalt  }
0x5d: {  	_ =	shalt  }
0x5e: {  	_ =	shalt  }
0x5f: {  	_ =	shalt  }
0x60: {  	_ =	shalt  }
0x61: {  	_ =	shalt  }
0x62: {  	_ =	shalt  }
0x63: {  	_ =	shalt  }
0x64: {  	_ =	shalt  }
0x65: {  	_ =	shalt  }
0x66: {  	_ =	shalt  }
0x67: {  	_ =	shalt  }
0x68: {  	_ =	shalt  }
0x69: {  	_ =	shalt  }
0x6a: {  	_ =	shalt  }
0x6b: {  	_ =	shalt  }
0x6c: {  	_ =	shalt  }
0x6d: {  	_ =	shalt  }
0x6e: {  	_ =	shalt  }
0x6f: {  	_ =	shalt  }
0x70: {  	_ =	shalt  }
0x71: {  	_ =	shalt  }
0x72: {  	_ =	shalt  }
0x73: {  	_ =	shalt  }
0x74: {  	_ =	shalt  }
0x75: {  	_ =	shalt  }
0x76: {  	_ =	shalt  }
0x77: {  	_ =	shalt  }
0x78: {  	_ =	shalt  }
0x79: {  	_ =	shalt  }
0x7a: {  	_ =	shalt  }
0x7b: {  	_ =	shalt  }
0x7c: {  	_ =	shalt  }
0x7d: {  	_ =	shalt  }
0x7e: {  	_ =	shalt  }
0x7f: {  	_ =	shalt  }
0x80: {  	_ =	shalt  }
0x81: {  	_ =	shalt  }
0x82: {  	_ =	shalt  }
0x83: {  	_ =	shalt  }
0x84: {  	_ =	shalt  }
0x85: {  	_ =	shalt  }
0x86: {  	_ =	shalt  }
0x87: {  	_ =	shalt  }
.Lfunc_end0:
.L_simem_size_0:
called_computation.2_lowered:
.L_overlay_start_0:
0x88: {  	s2 =	sld [smem:$0x3FD9]  }
0x89: {  	s3 =	sld [smem:$0x3FFE];
	_ =	sdelay $0x1  }
0x8a: {  	s1 =	srdreg.scid  }
0x8b: {  	s0 =	sand.u32 $0x1, s1  }
0x8c: {  	s17 =	sshll.u32 s0, $0xA;
	s2 =	sadd.s32 s3, s2  }
0x8d: {  	s2 =	sadd.s32 s2, s17  }
0x8e: {  	[smem:$0x3FC2] =	sst s2  }
0x8f: {  	_ = 	snop  }
0x90: {  	s2 =	sld [smem:$0x3FC8];
	(tm) =	ssettm $0x1  }
0x91: {  	s18 =	sld [smem:$0x3FFB];
	_ =	sdelay $0x3  }
0x92: {  	_ =	strace s18  }
0x93: {  	s3 =	sld [smem:$0x3FFC];
	_ =	sdelay $0x3  }
0x94: {  	_ =	strace s3  }
0x95: {  	s3 =	sld [smem:$0x3FFD];
	_ =	sdelay $0x3  }
0x96: {  	_ =	strace s3  }
0x97: {  	_ =	strace $0x8FFFFFFF  }
0x98: {  	s19 =	sld [smem:$0x3FDB];
	_ =	sdelay $0x1  }
0x99: {  	s4 =	simm.s32 $_scs_section_size  }
0x9a: {  	s5 =	simm.s32 $_size__tile_overlayer_lowered;
	s6 =	simm.s32 $_tile_overlayer_lowered  }
0x9b: {  	s22 =	simm.s32 $0x1BFF;
	s21 =	sshll.u32 s6, $0x1;
	s3 =	sadd.s32 s4, s19  }
0x9c: {  	s7 =	simm.s32 $0x0;
	s20 =	sshll.u32 s5, $0x1;
	s5 =	sadd.s32 s21, s3  }
0x9d: {  	[timem:s7], [sflag:s22] =	dma.local [hbm:s5], s20  }
0x9e: {  	_ =	swait.ge [sflag:s22], s20  }
0x9f: {  	s4 =	ssub.s32 $0x0, s20;
	[sflag:s22] =	ssyncset.done $0x0  }
0xa0: {  	[sflag:s22] =	ssyncadd.s32 s4;
	_ =	sdelay $0x1  }
0xa1: {  	s23 =	simm.s32 $0x1B8B  }
0xa2: {  	_ =	swait.ge [sflag:s23], $0x1  }
0xa3: {  	[sflag:s23] =	ssyncset.done $0x0  }
0xa4: {  	s25 =	simm.s32 $0x1B8E;
	s24 =	sld [smem:$0x3FFE];
	[sflag:s23] =	ssyncadd.s32 $0xFFFFFFFF  }
0xa5: {  	s26 =	simm.s32 $execute0_lowered;
	[smem:$0x3FD2] =	sst s25  }
0xa6: {  	s5 =	sshll.u32 s26, $0x1;
	_ =	strace $0x8000004C;
	[dreg:$0x1] =	wrdreg $0xFFFFFFFF  }
0xa7: {  	s28 =	simm.s32 $_size_execute0_lowered;
	s3 =	sadd.s32 s3, s5;
	[dreg:$0x0] =	wrdreg $0x0  }
0xa8: {  	s5 =	sshll.u32 s28, $0x1;
	[dreg:$0x2] =	wrdreg s3  }
0xa9: {  	[dreg:$0x3] =	wrdreg s5  }
0xaa: {  	[dreg:$0x4] =	wrdreg $0xC0  }
0xab: {  	_ =	task [dreg:s7], $0x5FFFF  }
0xac: {  	[dreg:$0x1] =	wrdreg $0xFFFFFFFF  }
0xad: {  	[dreg:$0x0] =	wrdreg $0x60  }
0xae: {  	[dreg:$0x2] =	wrdreg s24  }
0xaf: {  	[dreg:$0x3] =	wrdreg s2  }
0xb0: {  	[dreg:$0x4] =	wrdreg $0x8F000  }
0xb1: {  	[dreg:$0x5] =	wrdreg $0x9  }
0xb2: {  	_ =	task.clear_ibuf [dreg:s7], $0x6FFFF;
	_ =	strace $0x9000004C  }
0xb3: {  	s29 =	simm.s32 $0x9;
	_ =	strace $0x8000004E  }
0xb4: {  	_ =	swait.ge [sflag:s29], $0x1  }
0xb5: {  	[sflag:s29] =	ssyncadd.s32 $0xFFFFFFFF  }
0xb6: {  	_ =	strace $0x9000004E  }
0xb7: {  	_ =	sfence  }
0xb8: {  	s30 =	sld [smem:$0x0];
	_ =	sdelay $0x2  }
0xb9: {  	s31 =	sshll.u32 s1, $0xD;
	s1 =	sshrl.u32 s1, $0x2  }
0xba: {  	s3 =	sand.u32 $0x4000, s31;
	s1 =	sadd.s32 s1, s30  }
0xbb: {  	s0 =	sor.u32 s3, s0;
	s1 =	sshll.u32 s1, $0x11  }
0xbc: {  	s0 =	sor.u32 s1, s0  }
0xbd: {  	s0 =	sadd.s32 $0x8F2B, s0  }
0xbe: {  	[sflag:s0] =	ssyncadd.remote.s32 $0x1  }
0xbf: {  	_ =	sfence.sel $0xFFFF  }
0xc0: {  	[dreg:$0x0] =	wrdreg $0xFFFFFFFF;
	(pc) =	sbr.abs _section_cstart, $3  }
0xc1: {  	[dreg:$0x1] =	wrdreg $0xFFFFFFFF  }
0xc2: {  	_ =	task.clear_ibuf [dreg:s7], $0x2FFFF;
	_ =	strace $0x9FFFFFFF  }
0xc3: {  	(tm) =	ssettm $0x7FFFFFFF  }
tec
execute0_lowered:
.L_overlay_start_1:
0x0: {  	(tag) =	ssettag $0x1  }
0x1: {  	s0 =	rddreg [dreg:$0x0]  }
0x2: {  	s1 =	rddreg [dreg:$0x1]  }
0x3: {  	s2 =	rddreg [dreg:$0x2];
	s3 =	srdreg.scid  }
0x4: {  	s14 =	stileid.u32;
	s6 =	simm.s32 $0x0;
	s3 =	sand.u32 $0x1, s3  }
0x5: {  	s5 =	smul.u32 $0x2800, s14;
	[smem:$0x7FF] =	sst s6;
	s4 =	sshll.u32 s3, $0x4  }
0x6: {  	s22 =	smul.u32 $0x28000, s3;
	_ =	strace $0x8000004D;
	s11 =	ssub.s32 $0x2, s3  }
0x7: {  	s25 =	smul.u32 $0x4E0, s3;
	s7 =	sor.u32 s14, s4;
	s8 =	sshrl.u32 s5, $0x3  }
0x8: {  	s4 =	sadd.s32 $0x2600, s0;
	s12 =	sshrl.u32 s11, $0x1;
	s9 =	smul.u32 $0x4E, s7  }
0x9: {  	s8 =	sadd.s32 s8, s0;
	s6 =	sadd.s32 s5, s22;
	s5 =	sadd.s32 s5, s2  }
0xa: {  	s10 =	smin.u32 s7, $0x4;
	s6 =	sshrl.u32 s6, $0x3;
	[dreg:$0x5] =	wrdreg s5  }
0xb: {  	s8 =	sadd.s32 $0x7600, s8;
	s18 =	sshll.u32 s10, $0x9;
	s9 =	sadd.s32 s10, s9  }
0xc: {  	s0 =	sadd.s32 s6, s0;
	s6 =	ssub.s32 s11, s12;
	s13 =	smin.u32 s9, $0x975  }
0xd: {  	[dreg:$0x6] =	wrdreg s8;
	s0 =	sadd.s32 $0xC600, s0;
	s23 =	sshll.u32 s13, $0x5  }
0xe: {  	s9 =	ssub.s32 s9, s13;
	[dreg:$0x17] =	wrdreg s0;
	s12 =	sadd.s32 s1, s23  }
0xf: {  	s13 =	sshll.u32 s9, $0x7;
	s1 =	sor.u32 s25, s10;
	s10 =	smax.u32 s6, $0x1  }
0x10: {  	s26 =	sshll.u32 s9, $0x9;
	s9 =	sshll.u32 s14, $0x6;
	[dreg:$0x19] =	wrdreg s10  }
0x11: {  	[dreg:$0x18] =	wrdreg s9  }
0x12: {  	[dreg:$0x7] =	wrdreg s12  }
0x13: {  	s29 =	smul.u32 $0x9C00, s14;
	s0 =	sor.u32 $0x1C11, s9;
	[dreg:$0x8] =	wrdreg s13  }
0x14: {  	s24 =	smul.u32 $0x9C000, s3;
	s11 =	sadd.s32 $0x10, s12;
	[dreg:$0x1a] =	wrdreg s0  }
0x15: {  	s28 =	smul.u32 $0x4E, s14;
	s12 =	sadd.s32 $0x80, s13;
	[dreg:$0x1b] =	wrdreg s11  }
0x16: {  	s17 =	sadd.s32 s29, s24;
	s14 =	sadd.s32 $0x100, s13;
	[dreg:$0x1c] =	wrdreg s12  }
0x17: {  	s5 =	sadd.s32 s18, s17;
	s17 =	sadd.s32 $0x200, s13;
	[dreg:$0x1d] =	wrdreg s14  }
0x18: {  	s3 =	sshra.s32 s26, $0x2;
	s18 =	sadd.s32 $0x2800, s13;
	[smem:$0x7F3] =	sst s17  }
0x19: {  	s15 =	sadd.s32 $0x400, s3;
	[smem:$0x7F4] =	sst s18  }
0x1a: {  	s16 =	sadd.s32 $0x480, s3;
	[dreg:$0x9] =	wrdreg s15  }
0x1b: {  	s19 =	sadd.s32 $0x500, s3;
	[dreg:$0xa] =	wrdreg s16  }
0x1c: {  	s20 =	sadd.s32 $0x580, s3;
	[dreg:$0xb] =	wrdreg s19  }
0x1d: {  	s21 =	sadd.s32 $0x4B80, s3;
	[dreg:$0xc] =	wrdreg s20  }
0x1e: {  	s30 =	simm.s32 $0x3;
	s22 =	sadd.s32 $0x2600, s3;
	[dreg:$0xd] =	wrdreg s21  }
0x1f: {  	s31 =	simm.s32 $0x7700;
	s23 =	sadd.s32 $0x4C00, s3;
	[dreg:$0xe] =	wrdreg s22  }
0x20: {  	p0 =	sgt.u32 s7, $0x3;
	s24 =	sadd.s32 $0x2680, s3;
	[dreg:$0xf] =	wrdreg s23  }
0x21: {  	s6 =	simm.s32 $0x6;
	s25 =	sadd.s32 $0x4C80, s3;
	[dreg:$0x10] =	wrdreg s24  }
0x22: {  	s1 =	sadd.s32 s28, s1;
	s28 =	sadd.s32 $0x2700, s3;
	[dreg:$0x11] =	wrdreg s25  }
0x23: {  	s9 =	simm.s32 $0xA;
	s29 =	sadd.s32 $0x4D00, s3;
	[dreg:$0x12] =	wrdreg s28  }
0x24: {  	s10 =	simm.s32 $0x7;
	s7 =	sadd.s32 $0x4E00, s3;
	[dreg:$0x13] =	wrdreg s29  }
0x25: {  	s1 =	smin.u32 s1, $0x975;
	s8 =	sadd.s32 $0x4E80, s3;
	[dreg:$0x15] =	wrdreg s7  }
0x26: {  	s17 =	simm.s32 $0x80;
	[dreg:$0x16] =	wrdreg s8;
	s15 =	sadd.s32 $0x180, s13  }
0x27: {  	s0 =	simm.s32 $0x4;
	s16 =	sadd.s32 $0x2780, s13;
	[dreg:$0x1e] =	wrdreg s15  }
0x28: {  	s11 =	simm.s32 $0xB;
	s19 =	sadd.s32 $0x280, s13;
	[dreg:$0x1f] =	wrdreg s16  }
0x29: {  	s18 =	simm.s32 $0x8;
	s20 =	sadd.s32 $0x2880, s13;
	[smem:$0x7F5] =	sst s19  }
0x2a: {  	s12 =	simm.s32 $0xE;
	s21 =	sadd.s32 $0x300, s13;
	[smem:$0x7F6] =	sst s20  }
0x2b: {  	s14 =	simm.s32 $0x10;
	s23 =	sadd.s32 $0x2900, s13;
	[smem:$0x7F7] =	sst s21  }
0x2c: {  	s1 =	sshll.u32 s1, $0x9;
	s24 =	sadd.s32 $0x380, s13;
	[smem:$0x7F8] =	sst s23  }
0x2d: {  	s25 =	sadd.s32 $0x2980, s13;
	s28 =	sadd.s32 $0x2A80, s13;
	[smem:$0x7F9] =	sst s24  }
0x2e: {  	s29 =	sadd.s32 $0x2B00, s13;
	s7 =	simm.s32 $0xD;
	[smem:$0x7FA] =	sst s25  }
0x2f: {  	s1 =	ssub.s32 s5, s1;
	s5 =	sadd.s32 $0x4D80, s3;
	[smem:$0x7FC] =	sst s28  }
0x30: {  	[smem:$0x7FD] =	sst s29;
	s21 =	simm.s32 $0x2;
	s19 =	simm.s32 $0x8700  }
0x31: {  	s3 =	simm.s32 $0x5;
	s25 =	simm.s32 $0xC;
	s22 =	sshra.s32 s1, $0x2  }
0x32: {  	s15 =	simm.s32 $0x0;
	[dreg:$0x14] =	wrdreg s5;
	s26 =	sadd.s32 $0x2780, s22  }
0x33: {  	s1 =	simm.s32 $0x7F00;
	[dreg:$0x4] =	wrdreg s26;
	s26 =	sadd.s32 $0x2A00, s13  }
0x34: {  	s5 =	simm.s32 $0x9;
	s13 =	simm.s32 $0xF;
	[smem:$0x7FB] =	sst s26  }
.LBB2_1:
0x35: {  	[smem:$0x7F1] =	sst s15  }
0x36: {  	s8 =	rddreg [dreg:$0x5]  }
0x37: {  	s20 =	rddreg [dreg:$0x6]  }
0x38: {  	s23 =	rddreg [dreg:$0x1a];
	s16 =	sshrl.u32 s8, $0x3  }
0x39: {  	[smem:$0x7F2] =	sst s16  }
0x3a: {  	[spmem:s16], [sflag:s23] =	dma.local [hbm:s20], $0x500  }
0x3b: {  	s24 =	simm.s32 $0x0;
	s26 =	simm.s32 $0x100;
	s15 =	rddreg [dreg:$0x7]  }
0x3c: {  	[tilespmem:s24], [sflag:$0x1] =	stream.strided.gather [hbm4b:s15+s17], $0x2780, s26, s17, $0x38;
	[tilespmem:$0xB700] =	vst v63  }
0x3d: {  	s29 =	simm.s32 $0x2780;
	s20 =	simm.s32 $0x11;
	s28 =	rddreg [dreg:$0x1b]  }
0x3e: {  	[tilespmem:s29], [sflag:$0x2] =	stream.strided.gather [hbm4b:s28+s17], $0x2780, s26, s17, $0x38;
	[tilespmem:$0xB700] =	vst v63  }
0x3f: {  	_ =	swait.ge [sflag:s20], $0x500  }
0x40: {  	[sflag:s20] =	ssyncset.done $0x0  }
0x41: {  	[sflag:s20] =	ssyncadd.s32 $0xFFFFFB00;
	s20 =	simm.s32 $0x1  }
0x42: {  	_ =	swait.ge [sflag:s20], $0x2780  }
0x43: {  	[sflag:s20] =	ssyncset.done $0x0  }
0x44: {  	[sflag:s20] =	ssyncadd.s32 $0xFFFFD880  }
0x45: {  	_ =	swait.ge [sflag:s21], $0x2780  }
0x46: {  	[sflag:s21] =	ssyncset.done $0x0  }
0x47: {  	[sflag:s21] =	ssyncadd.s32 $0xFFFFD880  }
0x48: {  	[bflag:$0x0] =	sbarrier.arrive $0xFFFF  }
0x49: {  	s16 =	simm.s32 $0x4F00;
	s23 =	rddreg [dreg:$0x8]  }
0x4a: {  	[tilespmem:s16], [sflag:$0x1] =	stream.indirect.gather [hbm4b:s4+s17], $0x10, s23, s17, $0xb8;
	[tilespmem:$0xB700] =	vst v63  }
0x4b: {  	s24 =	rddreg [dreg:$0x1c];
	s23 =	simm.s32 $0x5700  }
0x4c: {  	[tilespmem:s23], [sflag:$0x2] =	stream.indirect.gather [hbm4b:s4+s17], $0x10, s24, s17, $0xb8;
	[tilespmem:$0xB700] =	vst v63  }
0x4d: {  	s26 =	rddreg [dreg:$0x1d];
	s24 =	simm.s32 $0x5F00  }
0x4e: {  	[tilespmem:s24], [sflag:$0x3] =	stream.indirect.gather [hbm4b:s4+s17], $0x10, s26, s17, $0xb8;
	[tilespmem:$0xB700] =	vst v63  }
0x4f: {  	s28 =	rddreg [dreg:$0x1e];
	s26 =	simm.s32 $0x6700  }
0x50: {  	[tilespmem:s26], [sflag:$0x4] =	stream.indirect.gather [hbm4b:s4+s17], $0x10, s28, s17, $0xb8;
	[tilespmem:$0xB700] =	vst v63  }
0x51: {  	_ =	swait.ge [sflag:s20], $0x800  }
0x52: {  	[sflag:s20] =	ssyncset.done $0x0;
	s29 =	rddreg [dreg:$0x1f]  }
0x53: {  	s15 =	sld [smem:$0x7F3];
	[sflag:s20] =	ssyncadd.s32 $0xFFFFF800  }
0x54: {  	[spmem:s2] =	stream.indirect.scatter.add.f32 [tilespmem:s16], [sflag:$0x9], $0x10, s29, s17, $0xb8;
	[tilespmem:$0xB700] =	vst v63  }
0x55: {  	s28 =	simm.s32 $0x6F00  }
0x56: {  	[tilespmem:s28], [sflag:$0x5] =	stream.indirect.gather [hbm4b:s4+s17], $0x10, s15, s17, $0xb8;
	[tilespmem:$0xB700] =	vst v63  }
0x57: {  	_ =	swait.ge [sflag:s21], $0x800  }
0x58: {  	s29 =	sld [smem:$0x7F4]  }
0x59: {  	[sflag:s21] =	ssyncset.done $0x0  }
0x5a: {  	s15 =	sld [smem:$0x7F5];
	[sflag:s21] =	ssyncadd.s32 $0xFFFFF800  }
0x5b: {  	[spmem:s2] =	stream.indirect.scatter.add.f32 [tilespmem:s23], [sflag:$0xA], $0x10, s29, s17, $0xb8;
	[tilespmem:$0xB700] =	vst v63  }
0x5c: {  	s29 =	simm.s32 $0x7700  }
0x5d: {  	[tilespmem:s29], [sflag:$0x6] =	stream.indirect.gather [hbm4b:s4+s17], $0x10, s15, s17, $0xb8;
	[tilespmem:$0xB700] =	vst v63  }
0x5e: {  	_ =	swait.ge [sflag:s30], $0x800  }
0x5f: {  	s15 =	sld [smem:$0x7F6]  }
0x60: {  	[sflag:s30] =	ssyncset.done $0x0  }
0x61: {  	[sflag:s30] =	ssyncadd.s32 $0xFFFFF800  }
0x62: {  	[spmem:s2] =	stream.indirect.scatter.add.f32 [tilespmem:s24], [sflag:$0xB], $0x10, s15, s17, $0xb8;
	[tilespmem:$0xB700] =	vst v63  }
0x63: {  	s15 =	sld [smem:$0x7F7];
	_ =	sdelay $0x2  }
0x64: {  	[tilespmem:s1], [sflag:$0x7] =	stream.indirect.gather [hbm4b:s4+s17], $0x10, s15, s17, $0xb8;
	[tilespmem:$0xB700] =	vst v63  }
0x65: {  	_ =	swait.ge [sflag:s0], $0x800  }
0x66: {  	s15 =	sld [smem:$0x7F8]  }
0x67: {  	[sflag:s0] =	ssyncset.done $0x0  }
0x68: {  	[sflag:s0] =	ssyncadd.s32 $0xFFFFF800  }
0x69: {  	[spmem:s2] =	stream.indirect.scatter.add.f32 [tilespmem:s26], [sflag:$0xC], $0x10, s15, s17, $0xb8;
	[tilespmem:$0xB700] =	vst v63  }
0x6a: {  	s15 =	sld [smem:$0x7F9];
	_ =	sdelay $0x2  }
0x6b: {  	[tilespmem:s19], [sflag:$0x8] =	stream.indirect.gather [hbm4b:s4+s17], $0x10, s15, s17, $0xb8;
	[tilespmem:$0xB700] =	vst v63  }
0x6c: {  	_ =	swait.ge [sflag:s3], $0x800  }
0x6d: {  	s15 =	sld [smem:$0x7FA]  }
0x6e: {  	[sflag:s3] =	ssyncset.done $0x0  }
0x6f: {  	[sflag:s3] =	ssyncadd.s32 $0xFFFFF800  }
0x70: {  	[spmem:s2] =	stream.indirect.scatter.add.f32 [tilespmem:s28], [sflag:$0xD], $0x10, s15, s17, $0xb8;
	[tilespmem:$0xB700] =	vst v63  }
0x71: {  	_ =	swait.ge [sflag:s5], $0x800  }
0x72: {  	[sflag:s5] =	ssyncset.done $0x0  }
0x73: {  	s15 =	rddreg [dreg:$0x9];
	[sflag:s5] =	ssyncadd.s32 $0xFFFFF800  }
0x74: {  	[tilespmem:s16], [sflag:$0x1] =	stream.indirect.gather [hbm4b:s4+s17], $0x10, s15, s17, $0xb8;
	[tilespmem:$0xB700] =	vst v63  }
0x75: {  	_ =	swait.ge [sflag:s6], $0x800  }
0x76: {  	s15 =	sld [smem:$0x7FB]  }
0x77: {  	[sflag:s6] =	ssyncset.done $0x0  }
0x78: {  	[sflag:s6] =	ssyncadd.s32 $0xFFFFF800  }
0x79: {  	[spmem:s2] =	stream.indirect.scatter.add.f32 [tilespmem:s29], [sflag:$0xE], $0x10, s15, s17, $0xb8;
	[tilespmem:$0xB700] =	vst v63  }
0x7a: {  	_ =	swait.ge [sflag:s9], $0x800  }
0x7b: {  	[sflag:s9] =	ssyncset.done $0x0  }
0x7c: {  	s15 =	rddreg [dreg:$0xa];
	[sflag:s9] =	ssyncadd.s32 $0xFFFFF800  }
0x7d: {  	[tilespmem:s23], [sflag:$0x2] =	stream.indirect.gather [hbm4b:s4+s17], $0x10, s15, s17, $0xb8;
	[tilespmem:$0xB700] =	vst v63  }
0x7e: {  	_ =	swait.ge [sflag:s10], $0x800  }
0x7f: {  	s15 =	sld [smem:$0x7FC]  }
0x80: {  	[sflag:s10] =	ssyncset.done $0x0  }
0x81: {  	[sflag:s10] =	ssyncadd.s32 $0xFFFFF800  }
0x82: {  	[spmem:s2] =	stream.indirect.scatter.add.f32 [tilespmem:s1], [sflag:$0xF], $0x10, s15, s17, $0xb8;
	[tilespmem:$0xB700] =	vst v63  }
0x83: {  	_ =	swait.ge [sflag:s11], $0x800  }
0x84: {  	[sflag:s11] =	ssyncset.done $0x0  }
0x85: {  	s15 =	rddreg [dreg:$0xb];
	[sflag:s11] =	ssyncadd.s32 $0xFFFFF800  }
0x86: {  	[tilespmem:s24], [sflag:$0x3] =	stream.indirect.gather [hbm4b:s4+s17], $0x10, s15, s17, $0xb8;
	[tilespmem:$0xB700] =	vst v63  }
0x87: {  	_ =	swait.ge [sflag:s18], $0x800  }
0x88: {  	s1 =	sld [smem:$0x7FD]  }
0x89: {  	[sflag:s18] =	ssyncset.done $0x0  }
0x8a: {  	[sflag:s18] =	ssyncadd.s32 $0xFFFFF800  }
0x8b: {  	[spmem:s2] =	stream.indirect.scatter.add.f32 [tilespmem:s19], [sflag:$0x10], $0x10, s1, s17, $0xb8;
	[tilespmem:$0xB700] =	vst v63  }
0x8c: {  	_ =	swait.ge [sflag:s25], $0x800  }
0x8d: {  	[sflag:s25] =	ssyncset.done $0x0  }
0x8e: {  	s15 =	rddreg [dreg:$0xc];
	[sflag:s25] =	ssyncadd.s32 $0xFFFFF800  }
0x8f: {  	[tilespmem:s26], [sflag:$0x4] =	stream.indirect.gather [hbm4b:s4+s17], $0x10, s15, s17, $0xb8;
	[tilespmem:$0xB700] =	vst v63  }
0x90: {  	_ =	swait.ge [sflag:s20], $0x800  }
0x91: {  	s19 =	rddreg [dreg:$0x4]  }
0x92: {  	[sflag:s20] =	ssyncset.done $0x0;
	s15 =	sadd.s32 $0x0, s19  }
0x93: {  	[sflag:s20] =	ssyncadd.s32 $0xFFFFF800;
	s8 =	sadd.s32 $0x400, s15  }
0x94: {  	[spmem:s2] =	stream.indirect.scatter.add.f32 [tilespmem:s16], [sflag:$0x9], $0x10, s8, s17, $0xb8;
	[tilespmem:$0xB700] =	vst v63  }
0x95: {  	_ =	swait.ge [sflag:s7], $0x800  }
0x96: {  	s8 =	sadd.s32 $0x0, s22;
	[sflag:s7] =	ssyncset.done $0x0  }
0x97: {  	s19 =	sadd.s32 $0x600, s8;
	[sflag:s7] =	ssyncadd.s32 $0xFFFFF800  }
0x98: {  	[tilespmem:s28], [sflag:$0x5] =	stream.indirect.gather [hbm4b:s4+s17], $0x10, s19, s17, $0xb8;
	[tilespmem:$0xB700] =	vst v63  }
0x99: {  	_ =	swait.ge [sflag:s21], $0x800  }
0x9a: {  	[sflag:s21] =	ssyncset.done $0x0  }
0x9b: {  	s19 =	sadd.s32 $0x480, s15;
	[sflag:s21] =	ssyncadd.s32 $0xFFFFF800  }
0x9c: {  	[spmem:s2] =	stream.indirect.scatter.add.f32 [tilespmem:s23], [sflag:$0xA], $0x10, s19, s17, $0xb8;
	[tilespmem:$0xB700] =	vst v63  }
0x9d: {  	_ =	swait.ge [sflag:s12], $0x800  }
0x9e: {  	[sflag:s12] =	ssyncset.done $0x0  }
0x9f: {  	s19 =	sadd.s32 $0x680, s8;
	[sflag:s12] =	ssyncadd.s32 $0xFFFFF800  }
0xa0: {  	[tilespmem:s29], [sflag:$0x6] =	stream.indirect.gather [hbm4b:s4+s17], $0x10, s19, s17, $0xb8;
	[tilespmem:$0xB700] =	vst v63  }
0xa1: {  	_ =	swait.ge [sflag:s30], $0x800  }
0xa2: {  	[sflag:s30] =	ssyncset.done $0x0  }
0xa3: {  	s19 =	sadd.s32 $0x500, s15;
	[sflag:s30] =	ssyncadd.s32 $0xFFFFF800  }
0xa4: {  	[spmem:s2] =	stream.indirect.scatter.add.f32 [tilespmem:s24], [sflag:$0xB], $0x10, s19, s17, $0xb8;
	[tilespmem:$0xB700] =	vst v63  }
0xa5: {  	_ =	swait.ge [sflag:s13], $0x800  }
0xa6: {  	[sflag:s13] =	ssyncset.done $0x0  }
0xa7: {  	s1 =	simm.s32 $0x7F00;
	s19 =	sadd.s32 $0x700, s8;
	[sflag:s13] =	ssyncadd.s32 $0xFFFFF800  }
0xa8: {  	[tilespmem:s1], [sflag:$0x7] =	stream.indirect.gather [hbm4b:s4+s17], $0x10, s19, s17, $0xb8;
	[tilespmem:$0xB700] =	vst v63  }
0xa9: {  	_ =	swait.ge [sflag:s0], $0x800  }
0xaa: {  	[sflag:s0] =	ssyncset.done $0x0  }
0xab: {  	s19 =	sadd.s32 $0x580, s15;
	[sflag:s0] =	ssyncadd.s32 $0xFFFFF800  }
0xac: {  	[spmem:s2] =	stream.indirect.scatter.add.f32 [tilespmem:s26], [sflag:$0xC], $0x10, s19, s17, $0xb8;
	[tilespmem:$0xB700] =	vst v63  }
0xad: {  	_ =	swait.ge [sflag:s14], $0x800  }
0xae: {  	[sflag:s14] =	ssyncset.done $0x0  }
0xaf: {  	s20 =	simm.s32 $0x8700;
	s26 =	sadd.s32 $0x780, s8;
	[sflag:s14] =	ssyncadd.s32 $0xFFFFF800  }
0xb0: {  	[tilespmem:s20], [sflag:$0x8] =	stream.indirect.gather [hbm4b:s4+s17], $0x10, s26, s17, $0xb8;
	[tilespmem:$0xB700] =	vst v63  }
0xb1: {  	_ =	swait.ge [sflag:s3], $0x800  }
0xb2: {  	[sflag:s3] =	ssyncset.done $0x0  }
0xb3: {  	s26 =	sadd.s32 $0x600, s15;
	[sflag:s3] =	ssyncadd.s32 $0xFFFFF800  }
0xb4: {  	[spmem:s2] =	stream.indirect.scatter.add.f32 [tilespmem:s28], [sflag:$0xD], $0x10, s26, s17, $0xb8;
	[tilespmem:$0xB700] =	vst v63  }
0xb5: {  	_ =	swait.ge [sflag:s5], $0x800  }
0xb6: {  	[sflag:s5] =	ssyncset.done $0x0  }
0xb7: {  	s28 =	sadd.s32 $0x800, s8;
	[sflag:s5] =	ssyncadd.s32 $0xFFFFF800  }
0xb8: {  	[tilespmem:s16], [sflag:$0x1] =	stream.indirect.gather [hbm4b:s4+s17], $0x10, s28, s17, $0xb8;
	[tilespmem:$0xB700] =	vst v63  }
0xb9: {  	_ =	swait.ge [sflag:s6], $0x800  }
0xba: {  	[sflag:s6] =	ssyncset.done $0x0  }
0xbb: {  	s16 =	sadd.s32 $0x680, s15;
	[sflag:s6] =	ssyncadd.s32 $0xFFFFF800  }
0xbc: {  	[spmem:s2] =	stream.indirect.scatter.add.f32 [tilespmem:s29], [sflag:$0xE], $0x10, s16, s17, $0xb8;
	[tilespmem:$0xB700] =	vst v63  }
0xbd: {  	_ =	swait.ge [sflag:s9], $0x800  }
0xbe: {  	[sflag:s9] =	ssyncset.done $0x0  }
0xbf: {  	s26 =	sadd.s32 $0x880, s8;
	[sflag:s9] =	ssyncadd.s32 $0xFFFFF800  }
0xc0: {  	[tilespmem:s23], [sflag:$0x2] =	stream.indirect.gather [hbm4b:s4+s17], $0x10, s26, s17, $0xb8;
	[tilespmem:$0xB700] =	vst v63  }
0xc1: {  	_ =	swait.ge [sflag:s10], $0x800  }
0xc2: {  	[sflag:s10] =	ssyncset.done $0x0  }
0xc3: {  	s28 =	sadd.s32 $0x700, s15;
	[sflag:s10] =	ssyncadd.s32 $0xFFFFF800  }
0xc4: {  	[spmem:s2] =	stream.indirect.scatter.add.f32 [tilespmem:s1], [sflag:$0xF], $0x10, s28, s17, $0xb8;
	[tilespmem:$0xB700] =	vst v63  }
0xc5: {  	_ =	swait.ge [sflag:s11], $0x800  }
0xc6: {  	[sflag:s11] =	ssyncset.done $0x0  }
0xc7: {  	s29 =	sadd.s32 $0x900, s8;
	[sflag:s11] =	ssyncadd.s32 $0xFFFFF800  }
0xc8: {  	[tilespmem:s24], [sflag:$0x3] =	stream.indirect.gather [hbm4b:s4+s17], $0x10, s29, s17, $0xb8;
	[tilespmem:$0xB700] =	vst v63  }
0xc9: {  	_ =	swait.ge [sflag:s18], $0x800  }
0xca: {  	[sflag:s18] =	ssyncset.done $0x0  }
0xcb: {  	s15 =	sadd.s32 $0x780, s15;
	[sflag:s18] =	ssyncadd.s32 $0xFFFFF800  }
0xcc: {  	[spmem:s2] =	stream.indirect.scatter.add.f32 [tilespmem:s20], [sflag:$0x10], $0x10, s15, s17, $0xb8;
	[tilespmem:$0xB700] =	vst v63  }
0xcd: {  	_ =	swait.ge [sflag:s25], $0x800  }
0xce: {  	[sflag:s25] =	ssyncset.done $0x0  }
0xcf: {  	s8 =	sadd.s32 $0x980, s8;
	s15 =	simm.s32 $0x1000;
	[sflag:s25] =	ssyncadd.s32 $0xFFFFF800  }
.LBB2_2:
0xd0: {  	s24 =	simm.s32 $0x6700;
	s23 =	simm.s32 $0x1  }
0xd1: {  	[tilespmem:s24], [sflag:$0x4] =	stream.indirect.gather [hbm4b:s4+s17], $0x10, s8, s17, $0xb8;
	[tilespmem:$0xB700] =	vst v63  }
0xd2: {  	s28 =	smov.u32 s15;
	_ =	swait.ge [sflag:s23], $0x800  }
0xd3: {  	s16 =	sshra.s32 s28, $0x2;
	s19 =	rddreg [dreg:$0x4]  }
0xd4: {  	[sflag:s23] =	ssyncset.done $0x0;
	s8 =	sadd.s32 s16, s19  }
0xd5: {  	[sflag:s23] =	ssyncadd.s32 $0xFFFFF800;
	s23 =	simm.s32 $0x4F00;
	s29 =	sadd.s32 $0x400, s8  }
0xd6: {  	[spmem:s2] =	stream.indirect.scatter.add.f32 [tilespmem:s23], [sflag:$0x9], $0x10, s29, s17, $0xb8;
	[tilespmem:$0xB700] =	vst v63  }
0xd7: {  	_ =	swait.ge [sflag:s7], $0x800  }
0xd8: {  	s19 =	sadd.s32 s16, s22;
	[sflag:s7] =	ssyncset.done $0x0  }
0xd9: {  	s26 =	sadd.s32 $0x600, s19;
	s29 =	simm.s32 $0x6F00;
	[sflag:s7] =	ssyncadd.s32 $0xFFFFF800  }
0xda: {  	[tilespmem:s29], [sflag:$0x5] =	stream.indirect.gather [hbm4b:s4+s17], $0x10, s26, s17, $0xb8;
	[tilespmem:$0xB700] =	vst v63  }
0xdb: {  	_ =	swait.ge [sflag:s21], $0x800  }
0xdc: {  	[sflag:s21] =	ssyncset.done $0x0  }
0xdd: {  	s28 =	sadd.s32 $0x480, s8;
	s26 =	simm.s32 $0x5700;
	[sflag:s21] =	ssyncadd.s32 $0xFFFFF800  }
0xde: {  	[spmem:s2] =	stream.indirect.scatter.add.f32 [tilespmem:s26], [sflag:$0xA], $0x10, s28, s17, $0xb8;
	[tilespmem:$0xB700] =	vst v63  }
0xdf: {  	_ =	swait.ge [sflag:s12], $0x800  }
0xe0: {  	[sflag:s12] =	ssyncset.done $0x0  }
0xe1: {  	s28 =	sadd.s32 $0x680, s19;
	[sflag:s12] =	ssyncadd.s32 $0xFFFFF800  }
0xe2: {  	[tilespmem:s31], [sflag:$0x6] =	stream.indirect.gather [hbm4b:s4+s17], $0x10, s28, s17, $0xb8;
	[tilespmem:$0xB700] =	vst v63  }
0xe3: {  	_ =	swait.ge [sflag:s30], $0x800  }
0xe4: {  	[sflag:s30] =	ssyncset.done $0x0  }
0xe5: {  	s16 =	sadd.s32 $0x500, s8;
	s28 =	simm.s32 $0x5F00;
	[sflag:s30] =	ssyncadd.s32 $0xFFFFF800  }
0xe6: {  	[spmem:s2] =	stream.indirect.scatter.add.f32 [tilespmem:s28], [sflag:$0xB], $0x10, s16, s17, $0xb8;
	[tilespmem:$0xB700] =	vst v63  }
0xe7: {  	_ =	swait.ge [sflag:s13], $0x800  }
0xe8: {  	[sflag:s13] =	ssyncset.done $0x0  }
0xe9: {  	s16 =	sadd.s32 $0x700, s19;
	[sflag:s13] =	ssyncadd.s32 $0xFFFFF800  }
0xea: {  	[tilespmem:s1], [sflag:$0x7] =	stream.indirect.gather [hbm4b:s4+s17], $0x10, s16, s17, $0xb8;
	[tilespmem:$0xB700] =	vst v63  }
0xeb: {  	_ =	swait.ge [sflag:s0], $0x800  }
0xec: {  	[sflag:s0] =	ssyncset.done $0x0  }
0xed: {  	s16 =	sadd.s32 $0x580, s8;
	[sflag:s0] =	ssyncadd.s32 $0xFFFFF800  }
0xee: {  	[spmem:s2] =	stream.indirect.scatter.add.f32 [tilespmem:s24], [sflag:$0xC], $0x10, s16, s17, $0xb8;
	[tilespmem:$0xB700] =	vst v63  }
0xef: {  	_ =	swait.ge [sflag:s14], $0x800  }
0xf0: {  	[sflag:s14] =	ssyncset.done $0x0  }
0xf1: {  	s24 =	sadd.s32 $0x780, s19;
	[sflag:s14] =	ssyncadd.s32 $0xFFFFF800  }
0xf2: {  	[tilespmem:s20], [sflag:$0x8] =	stream.indirect.gather [hbm4b:s4+s17], $0x10, s24, s17, $0xb8;
	[tilespmem:$0xB700] =	vst v63  }
0xf3: {  	_ =	swait.ge [sflag:s3], $0x800  }
0xf4: {  	[sflag:s3] =	ssyncset.done $0x0  }
0xf5: {  	s24 =	sadd.s32 $0x600, s8;
	[sflag:s3] =	ssyncadd.s32 $0xFFFFF800  }
0xf6: {  	[spmem:s2] =	stream.indirect.scatter.add.f32 [tilespmem:s29], [sflag:$0xD], $0x10, s24, s17, $0xb8;
	[tilespmem:$0xB700] =	vst v63  }
0xf7: {  	_ =	swait.ge [sflag:s5], $0x800  }
0xf8: {  	[sflag:s5] =	ssyncset.done $0x0  }
0xf9: {  	s29 =	sadd.s32 $0x800, s19;
	[sflag:s5] =	ssyncadd.s32 $0xFFFFF800  }
0xfa: {  	[tilespmem:s23], [sflag:$0x1] =	stream.indirect.gather [hbm4b:s4+s17], $0x10, s29, s17, $0xb8;
	[tilespmem:$0xB700] =	vst v63  }
0xfb: {  	_ =	swait.ge [sflag:s6], $0x800  }
0xfc: {  	[sflag:s6] =	ssyncset.done $0x0  }
0xfd: {  	s23 =	sadd.s32 $0x680, s8;
	[sflag:s6] =	ssyncadd.s32 $0xFFFFF800  }
0xfe: {  	[spmem:s2] =	stream.indirect.scatter.add.f32 [tilespmem:s31], [sflag:$0xE], $0x10, s23, s17, $0xb8;
	[tilespmem:$0xB700] =	vst v63  }
0xff: {  	_ =	swait.ge [sflag:s9], $0x800  }
0x100: {  	[sflag:s9] =	ssyncset.done $0x0  }
0x101: {  	s29 =	sadd.s32 $0x880, s19;
	[sflag:s9] =	ssyncadd.s32 $0xFFFFF800  }
0x102: {  	[tilespmem:s26], [sflag:$0x2] =	stream.indirect.gather [hbm4b:s4+s17], $0x10, s29, s17, $0xb8;
	[tilespmem:$0xB700] =	vst v63  }
0x103: {  	_ =	swait.ge [sflag:s10], $0x800  }
0x104: {  	[sflag:s10] =	ssyncset.done $0x0  }
0x105: {  	s26 =	sadd.s32 $0x700, s8;
	[sflag:s10] =	ssyncadd.s32 $0xFFFFF800  }
0x106: {  	[spmem:s2] =	stream.indirect.scatter.add.f32 [tilespmem:s1], [sflag:$0xF], $0x10, s26, s17, $0xb8;
	[tilespmem:$0xB700] =	vst v63  }
0x107: {  	_ =	swait.ge [sflag:s11], $0x800  }
0x108: {  	[sflag:s11] =	ssyncset.done $0x0  }
0x109: {  	s29 =	sadd.s32 $0x900, s19;
	[sflag:s11] =	ssyncadd.s32 $0xFFFFF800  }
0x10a: {  	[tilespmem:s28], [sflag:$0x3] =	stream.indirect.gather [hbm4b:s4+s17], $0x10, s29, s17, $0xb8;
	[tilespmem:$0xB700] =	vst v63  }
0x10b: {  	_ =	swait.ge [sflag:s18], $0x800  }
0x10c: {  	p1 =	sne.s32 s15, $0x7000;
	[sflag:s18] =	ssyncset.done $0x0  }
.Ltmp0:
0x10d: {  	s8 =	sadd.s32 $0x780, s8;
	[sflag:s18] =	ssyncadd.s32 $0xFFFFF800;
	(pc) =	sbr.rel @p1 .LBB2_2-.Ltmp0, $4  }
0x10e: {  	[spmem:s2] =	stream.indirect.scatter.add.f32 [tilespmem:s20], [sflag:$0x10], $0x10, s8, s17, $0xb8;
	[tilespmem:$0xB700] =	vst v63  }
0x10f: {  	s15 =	sadd.s32 $0x1000, s15;
	_ =	swait.ge [sflag:s25], $0x800  }
0x110: {  	s24 =	simm.s32 $0x4F00;
	s23 =	simm.s32 $0x5700;
	[sflag:s25] =	ssyncset.done $0x0  }
0x111: {  	s26 =	simm.s32 $0x5F00;
	s8 =	sadd.s32 $0x980, s19;
	[sflag:s25] =	ssyncadd.s32 $0xFFFFF800  }
0x112: {  	s19 =	simm.s32 $0x6700;
	s1 =	simm.s32 $0x1  }
0x113: {  	[tilespmem:s19], [sflag:$0x4] =	stream.indirect.gather [hbm4b:s4+s17], $0x10, s8, s17, $0xb8;
	[tilespmem:$0xB700] =	vst v63  }
0x114: {  	_ =	swait.ge [sflag:s1], $0x800  }
0x115: {  	[sflag:s1] =	ssyncset.done $0x0  }
0x116: {  	s29 =	rddreg [dreg:$0xd];
	[sflag:s1] =	ssyncadd.s32 $0xFFFFF800  }
0x117: {  	[spmem:s2] =	stream.indirect.scatter.add.f32 [tilespmem:s24], [sflag:$0x9], $0x10, s29, s17, $0xb8;
	[tilespmem:$0xB700] =	vst v63  }
0x118: {  	_ =	swait.ge [sflag:s7], $0x800  }
0x119: {  	[sflag:s7] =	ssyncset.done $0x0  }
0x11a: {  	s24 =	simm.s32 $0x6F00;
	s1 =	rddreg [dreg:$0xe];
	[sflag:s7] =	ssyncadd.s32 $0xFFFFF800  }
0x11b: {  	[tilespmem:s24], [sflag:$0x5] =	stream.indirect.gather [hbm4b:s4+s17], $0x10, s1, s17, $0xb8;
	[tilespmem:$0xB700] =	vst v63  }
0x11c: {  	_ =	swait.ge [sflag:s21], $0x800  }
0x11d: {  	[sflag:s21] =	ssyncset.done $0x0  }
0x11e: {  	s15 =	rddreg [dreg:$0xf];
	[sflag:s21] =	ssyncadd.s32 $0xFFFFF800  }
0x11f: {  	[spmem:s2] =	stream.indirect.scatter.add.f32 [tilespmem:s23], [sflag:$0xA], $0x10, s15, s17, $0xb8;
	[tilespmem:$0xB700] =	vst v63  }
0x120: {  	_ =	swait.ge [sflag:s12], $0x800  }
0x121: {  	[sflag:s12] =	ssyncset.done $0x0  }
0x122: {  	s20 =	simm.s32 $0x7700;
	s16 =	rddreg [dreg:$0x10];
	[sflag:s12] =	ssyncadd.s32 $0xFFFFF800  }
0x123: {  	[tilespmem:s20], [sflag:$0x6] =	stream.indirect.gather [hbm4b:s4+s17], $0x10, s16, s17, $0xb8;
	[tilespmem:$0xB700] =	vst v63  }
0x124: {  	_ =	swait.ge [sflag:s30], $0x800  }
0x125: {  	[sflag:s30] =	ssyncset.done $0x0  }
0x126: {  	s8 =	simm.s32 @!p0 $0xF;
	s28 =	rddreg [dreg:$0x11];
	[sflag:s30] =	ssyncadd.s32 $0xFFFFF800  }
0x127: {  	[spmem:s2] =	stream.indirect.scatter.add.f32 [tilespmem:s26], [sflag:$0xB], $0x10, s28, s17, $0xb8;
	[tilespmem:$0xB700] =	vst v63  }
0x128: {  	_ =	swait.ge @!p0 [sflag:s8], $0x800  }
0x129: {  	s15 =	simm.s32 @!p0 $0x7F00;
	[sflag:s8] =	ssyncset.done @!p0 $0x0  }
0x12a: {  	s16 =	rddreg [dreg:$0x12];
	[sflag:s8] =	ssyncadd.s32 @!p0 $0xFFFFF800;
	s8 =	simm.s32 @!p0 $0x80  }
0x12b: {  	[tilespmem:s15], [sflag:$0x7] =	stream.indirect.gather @!p0 [hbm4b:s4+s8], $0x10, s16, s8, $0xb8;
	[tilespmem:$0xB700] =	vst v63  }
0x12c: {  	_ =	swait.ge [sflag:s0], $0x800  }
0x12d: {  	[sflag:s0] =	ssyncset.done $0x0  }
0x12e: {  	s29 =	rddreg [dreg:$0x13];
	[sflag:s0] =	ssyncadd.s32 $0xFFFFF800  }
0x12f: {  	[spmem:s2] =	stream.indirect.scatter.add.f32 [tilespmem:s19], [sflag:$0xC], $0x10, s29, s17, $0xb8;
	[tilespmem:$0xB700] =	vst v63  }
0x130: {  	_ =	swait.ge [sflag:s3], $0x800  }
0x131: {  	[sflag:s3] =	ssyncset.done $0x0  }
0x132: {  	s1 =	rddreg [dreg:$0x14];
	[sflag:s3] =	ssyncadd.s32 $0xFFFFF800  }
0x133: {  	[spmem:s2] =	stream.indirect.scatter.add.f32 [tilespmem:s24], [sflag:$0xD], $0x10, s1, s17, $0xb8;
	[tilespmem:$0xB700] =	vst v63  }
0x134: {  	_ =	swait.ge [sflag:s6], $0x800  }
0x135: {  	[sflag:s6] =	ssyncset.done $0x0  }
0x136: {  	s16 =	simm.s32 @!p0 $0x7;
	s19 =	rddreg [dreg:$0x15];
	[sflag:s6] =	ssyncadd.s32 $0xFFFFF800  }
0x137: {  	[spmem:s2] =	stream.indirect.scatter.add.f32 [tilespmem:s20], [sflag:$0xE], $0x10, s19, s17, $0xb8;
	[tilespmem:$0xB700] =	vst v63  }
0x138: {  	_ =	swait.ge @!p0 [sflag:s16], $0x800  }
0x139: {  	[sflag:s16] =	ssyncset.done @!p0 $0x0  }
0x13a: {  	[sflag:s16] =	ssyncadd.s32 @!p0 $0xFFFFF800;
	s16 =	rddreg [dreg:$0x16]  }
0x13b: {  	[spmem:s2] =	stream.indirect.scatter.add.f32 @!p0 [tilespmem:s15], [sflag:$0xF], $0x10, s16, s8, $0xb8;
	[tilespmem:$0xB700] =	vst v63  }
0x13c: {  	_ =	swait.ge [sflag:s5], $0x800  }
0x13d: {  	[sflag:s5] =	ssyncset.done $0x0  }
0x13e: {  	[sflag:s5] =	ssyncadd.s32 $0xFFFFF800  }
0x13f: {  	_ =	swait.ge [sflag:s9], $0x800  }
0x140: {  	[sflag:s9] =	ssyncset.done $0x0  }
0x141: {  	[sflag:s9] =	ssyncadd.s32 $0xFFFFF800  }
0x142: {  	_ =	swait.ge [sflag:s11], $0x800  }
0x143: {  	[sflag:s11] =	ssyncset.done $0x0  }
0x144: {  	[sflag:s11] =	ssyncadd.s32 $0xFFFFF800  }
0x145: {  	_ =	swait.ge [sflag:s25], $0x800  }
0x146: {  	[sflag:s25] =	ssyncset.done $0x0  }
0x147: {  	[sflag:s25] =	ssyncadd.s32 $0xFFFFF800  }
0x148: {  	_ =	swait.ge [sflag:s7], $0x800  }
0x149: {  	[sflag:s7] =	ssyncset.done $0x0  }
0x14a: {  	[sflag:s7] =	ssyncadd.s32 $0xFFFFF800  }
0x14b: {  	_ =	swait.ge [sflag:s12], $0x800  }
0x14c: {  	[sflag:s12] =	ssyncset.done $0x0  }
0x14d: {  	[sflag:s12] =	ssyncadd.s32 $0xFFFFF800  }
0x14e: {  	_ =	swait.ge [sflag:s13], $0x800  }
0x14f: {  	[sflag:s13] =	ssyncset.done $0x0  }
0x150: {  	[sflag:s13] =	ssyncadd.s32 $0xFFFFF800  }
0x151: {  	_ =	swait.ge [sflag:s14], $0x800  }
0x152: {  	[sflag:s14] =	ssyncset.done $0x0  }
0x153: {  	[sflag:s14] =	ssyncadd.s32 $0xFFFFF800  }
0x154: {  	[bflag:$0x0] =	sbarrier.arrive $0xFFFF  }
0x155: {  	s24 =	sld [smem:$0x7F2]  }
0x156: {  	s20 =	rddreg [dreg:$0x18]  }
0x157: {  	s26 =	simm.s32 $0x12;
	s23 =	rddreg [dreg:$0x17];
	s8 =	sor.u32 $0x1C12, s20  }
0x158: {  	[hbm:s23], [sflag:s8] =	dma.local [spmem:s24], $0x500  }
0x159: {  	_ =	swait.ge [sflag:s26], $0x500  }
0x15a: {  	s28 =	sld [smem:$0x7F1];
	_ =	sdelay $0x2  }
0x15b: {  	s29 =	rddreg [dreg:$0x19];
	s15 =	sadd.s32 $0x1, s28  }
0x15c: {  	p1 =	sne.s32 s15, s29  }
.Ltmp1:
0x15d: {  	_ = 	snop;
	(pc) =	sbr.rel @p1 .LBB2_1-.Ltmp1, $3  }
0x15e: {  	_ =	sdelay $0x1  }
0x15f: {  	[sflag:s26] =	ssyncset.done $0x0  }
0x160: {  	s1 =	simm.s32 $0x7F00;
	s19 =	simm.s32 $0x8700;
	[sflag:s26] =	ssyncadd.s32 $0xFFFFFB00  }
0x161: {  	_ =	sfence.sel $0x180000  }
0x162: {  	[bflag:$0x0] =	sbarrier.arrive $0xFFFF  }
0x163: {  	_ =	strace $0x9000004D  }
0x164: {  	s0 =	stileid.u32;
	[bflag:$0x2] =	sbarrier.arrive $0xFFFF  }
0x165: {  	p0 =	sne.s32 s0, $0x0;
	s0 =	rddreg [dreg:$0x3]  }
0x166: {  	s0 =	sadd.s32 @!p0 $0x100000, s0  }
0x167: {  	[sflag:s0] =	ssyncadd.tile.s32 @!p0 $0x1;
	_ =	shalt  }
.Lfunc_end2:
_tile_overlayer_lowered:
.L_overlay_start_2:
0x168: {  	(tag) =	ssettag $0x2  }
0x169: {  	s0 =	rddreg [dreg:$0x0];
	s2 =	stileid.u32  }
0x16a: {  	s1 =	rddreg [dreg:$0x1];
	p0 =	sne.s32 s2, $0x0  }
0x16b: {  	s3 =	rddreg [dreg:$0x2];
	[bflag:$0x3] =	sbarrier.arrive $0xFFFF;
	s2 =	simm.s32 @!p0 $0x1C12  }
0x16c: {  	[timem:s3], [sflag:s2] =	dma.local @!p0 [hbm:s0], s1  }
0x16d: {  	s0 =	simm.s32 @!p0 $0x12  }
0x16e: {  	_ =	swait.ge @!p0 [sflag:s0], s1  }
0x16f: {  	s1 =	ssub.s32 @!p0 $0x0, s1;
	[sflag:s0] =	ssyncset.done @!p0 $0x0  }
0x170: {  	[sflag:s0] =	ssyncadd.s32 @!p0 s1  }
0x171: {  	[bflag:$0x3] =	sbarrier.arrive $0xFFFF  }
0x172: {  	_ =	shalt  }

// kernel: kernel.9.cloned.1.call-start
scs
__scs_entry_jumppad:
0x0: {  	(pc) =	sbr.rel $0x88, $3  }
0x1: {  	(tag) =	ssettag $0x0;
	lr =	simm.s32 $0x1  }
0x2: {  	[smem:$0x3F9B] =	sst lr;
	_ =	strace $0xD0000000  }
0x3: {  	_ = 	snop  }
0x4: {  	_ = 	snop  }
0x5: {  	_ = 	snop  }
0x6: {  	_ = 	snop  }
0x7: {  	_ = 	snop  }
__scs_overlays_trampoline_lowered:
0x8: {  	[smem:$0x3FAA] =	sst s0  }
0x9: {  	[smem:$0x3FAB] =	sst s1  }
0xa: {  	[smem:$0x3FAC] =	sst s2  }
0xb: {  	[smem:$0x3FAD] =	sst s3  }
0xc: {  	[smem:$0x3FAE] =	sst s4  }
0xd: {  	[smem:$0x3FAF] =	sst s5  }
0xe: {  	[smem:$0x3FB0] =	sst s6  }
0xf: {  	[smem:$0x3FB1] =	sst s7  }
0x10: {  	[smem:$0x3FB2] =	sst s8  }
0x11: {  	[smem:$0x3FB3] =	sst s9;
	s0 =	simm.s32 @!p0 $0x0  }
0x12: {  	s1 =	sld [smem:$0x3F99];
	s0 =	simm.s32 @p0 $0x1  }
0x13: {  	[smem:$0x3FB4] =	sst s0;
	s0 =	simm.s32 @!p1 $0x0  }
0x14: {  	s2 =	sld [smem:$0x3F98];
	s0 =	simm.s32 @p1 $0x1  }
0x15: {  	[smem:$0x3FB5] =	sst s0;
	s0 =	simm.s32 @!p2 $0x0  }
0x16: {  	s3 =	sld [smem:$0x3FDB];
	s0 =	simm.s32 @p2 $0x1  }
0x17: {  	s4 =	simm.s32 $0x1BF5;
	[smem:$0x3FB7] =	sst s0  }
0x18: {  	s0 =	sld [smem:$0x3F9A];
	_ =	swait.ge [sflag:s4], $0x0  }
0x19: {  	s7 =	sld [smem:$0x3F9B]  }
0x1a: {  	s8 =	sadd.s32 $0xFFFFE003, lr  }
0x1b: {  	s9 =	sadd.s32 $0xFFFFFEF7, lr;
	s5 =	simm.s32 $0xFFFFFFFF;
	p2 =	slt.u32 s8, $0xFFFFF086  }
0x1c: {  	p1 =	slt.u32 s9, $0xF7A;
	s5 =	simm.s32 @!p2 $0x0  }
0x1d: {  	s5 =	simm.s32 @p1 $0x1;
	p0 =	seq.s32 s7, s2  }
0x1e: {  	s7 =	smul.u32 @!p0 $0xF7A, s2;
	p2 =	seq.s32 @!p0 s5, $0x0  }
0x1f: {  	s9 =	smul.u32 $0xF7A, s1;
	s8 =	simm.s32 @!p0 $0x1BF5;
	p2 =	por !p2, p0  }
0x20: {  	[sflag:s8] =	ssyncset.s32 @!p0 $0xFFFFF086;
	s6 =	sadd.s32 @!p0 s3, s7;
	s7 =	simm.s32 @!p0 $0x108  }
0x21: {  	s3 =	sadd.s32 s3, s9;
	s6 =	sadd.s32 @!p0 $0x88, s6;
	s7 =	simm.s32 @p2 $0x1082  }
0x22: {  	[simem:s7], [sflag:s8] =	dma.local @!p0 [hbm:s6], $0xF7A  }
0x23: {  	s9 =	sor.u32 $0xD0000000, s2;
	s6 =	simm.s32 $0x108;
	_ =	swait.ge @!p0 [sflag:s8], $0x0  }
0x24: {  	s3 =	sadd.s32 $0x88, s3;
	s6 =	simm.s32 @!p1 $0x1082;
	[sflag:s4] =	ssyncset.s32 $0xFFFFF086  }
0x25: {  	[simem:s6], [sflag:s4] =	dma.local [hbm:s3], $0xF7A  }
0x26: {  	[smem:$0x3F9B] =	sst s1;
	(tag) =	ssettag s2;
	_ =	strace s9  }
0x27: {  	s1 =	sld [smem:$0x3FAB]  }
0x28: {  	s2 =	sld [smem:$0x3FAC]  }
0x29: {  	s4 =	sld [smem:$0x3FAE]  }
0x2a: {  	p0 =	seq.s32 s5, $0x0;
	s5 =	sld [smem:$0x3FAF]  }
0x2b: {  	s6 =	sld [smem:$0x3FB0]  }
0x2c: {  	s7 =	sld [smem:$0x3FB1]  }
0x2d: {  	s3 =	simm.s32 $0x108;
	s8 =	sld [smem:$0x3FB2]  }
0x2e: {  	s3 =	simm.s32 @!p0 $0x1082;
	s9 =	sld [smem:$0x3FB3]  }
0x2f: {  	lr =	sadd.s32 s0, s3;
	s0 =	sld [smem:$0x3FAA]  }
0x30: {  	s3 =	sld [smem:$0x3FAD]  }
0x31: {  	[smem:$0x3FB6] =	sst s10  }
0x32: {  	s10 =	sld [smem:$0x3FB4];
	_ =	sdelay $0x3  }
0x33: {  	p0 =	seq.s32 s10, $0x1;
	s10 =	sld [smem:$0x3FB6];
	_ =	sdelay $0x3  }
0x34: {  	[smem:$0x3FB6] =	sst s10  }
0x35: {  	s10 =	sld [smem:$0x3FB5];
	_ =	sdelay $0x3  }
0x36: {  	p1 =	seq.s32 s10, $0x1;
	s10 =	sld [smem:$0x3FB6];
	_ =	sdelay $0x3  }
0x37: {  	[smem:$0x3FB6] =	sst s10  }
0x38: {  	s10 =	sld [smem:$0x3FB7]  }
0x39: {  	_ = 	snop;
	(pc) =	sbr.ind lr, $3  }
0x3a: {  	_ = 	snop  }
0x3b: {  	_ = 	snop  }
0x3c: {  	p2 =	seq.s32 s10, $0x1;
	s10 =	sld [smem:$0x3FB6]  }
0x3d: {  	_ =	shalt  }
0x3e: {  	_ =	shalt  }
0x3f: {  	_ =	shalt  }
0x40: {  	_ =	shalt  }
0x41: {  	_ =	shalt  }
0x42: {  	_ =	shalt  }
0x43: {  	_ =	shalt  }
0x44: {  	_ =	shalt  }
0x45: {  	_ =	shalt  }
0x46: {  	_ =	shalt  }
0x47: {  	_ =	shalt  }
0x48: {  	_ =	shalt  }
0x49: {  	_ =	shalt  }
0x4a: {  	_ =	shalt  }
0x4b: {  	_ =	shalt  }
0x4c: {  	_ =	shalt  }
0x4d: {  	_ =	shalt  }
0x4e: {  	_ =	shalt  }
0x4f: {  	_ =	shalt  }
0x50: {  	_ =	shalt  }
0x51: {  	_ =	shalt  }
0x52: {  	_ =	shalt  }
0x53: {  	_ =	shalt  }
0x54: {  	_ =	shalt  }
0x55: {  	_ =	shalt  }
0x56: {  	_ =	shalt  }
0x57: {  	_ =	shalt  }
0x58: {  	_ =	shalt  }
0x59: {  	_ =	shalt  }
0x5a: {  	_ =	shalt  }
0x5b: {  	_ =	shalt  }
0x5c: {  	_ =	shalt  }
0x5d: {  	_ =	shalt  }
0x5e: {  	_ =	shalt  }
0x5f: {  	_ =	shalt  }
0x60: {  	_ =	shalt  }
0x61: {  	_ =	shalt  }
0x62: {  	_ =	shalt  }
0x63: {  	_ =	shalt  }
0x64: {  	_ =	shalt  }
0x65: {  	_ =	shalt  }
0x66: {  	_ =	shalt  }
0x67: {  	_ =	shalt  }
0x68: {  	_ =	shalt  }
0x69: {  	_ =	shalt  }
0x6a: {  	_ =	shalt  }
0x6b: {  	_ =	shalt  }
0x6c: {  	_ =	shalt  }
0x6d: {  	_ =	shalt  }
0x6e: {  	_ =	shalt  }
0x6f: {  	_ =	shalt  }
0x70: {  	_ =	shalt  }
0x71: {  	_ =	shalt  }
0x72: {  	_ =	shalt  }
0x73: {  	_ =	shalt  }
0x74: {  	_ =	shalt  }
0x75: {  	_ =	shalt  }
0x76: {  	_ =	shalt  }
0x77: {  	_ =	shalt  }
0x78: {  	_ =	shalt  }
0x79: {  	_ =	shalt  }
0x7a: {  	_ =	shalt  }
0x7b: {  	_ =	shalt  }
0x7c: {  	_ =	shalt  }
0x7d: {  	_ =	shalt  }
0x7e: {  	_ =	shalt  }
0x7f: {  	_ =	shalt  }
0x80: {  	_ =	shalt  }
0x81: {  	_ =	shalt  }
0x82: {  	_ =	shalt  }
0x83: {  	_ =	shalt  }
0x84: {  	_ =	shalt  }
0x85: {  	_ =	shalt  }
0x86: {  	_ =	shalt  }
0x87: {  	_ =	shalt  }
.Lfunc_end0:
.L_simem_size_0:
called_computation_lowered:
.L_overlay_start_0:
0x88: {  	s2 =	sld [smem:$0x3FD9]  }
0x89: {  	s3 =	sld [smem:$0x3FFE];
	_ =	sdelay $0x1  }
0x8a: {  	s1 =	srdreg.scid  }
0x8b: {  	s0 =	sand.u32 $0x1, s1  }
0x8c: {  	s17 =	sshll.u32 s0, $0xA;
	s2 =	sadd.s32 s3, s2  }
0x8d: {  	s2 =	sadd.s32 s2, s17  }
0x8e: {  	[smem:$0x3FC2] =	sst s2  }
0x8f: {  	_ = 	snop  }
0x90: {  	s2 =	sld [smem:$0x3FC8]  }
0x91: {  	s18 =	sld [smem:$0x3FD0];
	(tm) =	ssettm $0x1  }
0x92: {  	s4 =	sld [smem:$0x3FFB];
	_ =	sdelay $0x3  }
0x93: {  	_ =	strace s4  }
0x94: {  	s4 =	sld [smem:$0x3FFC];
	_ =	sdelay $0x3  }
0x95: {  	_ =	strace s4  }
0x96: {  	s4 =	sld [smem:$0x3FFD];
	_ =	sdelay $0x3  }
0x97: {  	_ =	strace s4  }
0x98: {  	_ =	strace $0x8FFFFFFF  }
0x99: {  	s19 =	sld [smem:$0x3FDB];
	_ =	sdelay $0x1  }
0x9a: {  	s5 =	simm.s32 $_scs_section_size  }
0x9b: {  	s6 =	simm.s32 $_size__tile_overlayer_lowered;
	s7 =	simm.s32 $_tile_overlayer_lowered  }
0x9c: {  	s22 =	simm.s32 $0x1BFF;
	s21 =	sshll.u32 s7, $0x1;
	s4 =	sadd.s32 s5, s19  }
0x9d: {  	s8 =	simm.s32 $0x0;
	s20 =	sshll.u32 s6, $0x1;
	s6 =	sadd.s32 s21, s4  }
0x9e: {  	[timem:s8], [sflag:s22] =	dma.local [hbm:s6], s20  }
0x9f: {  	_ =	swait.ge [sflag:s22], s20  }
0xa0: {  	s5 =	ssub.s32 $0x0, s20;
	[sflag:s22] =	ssyncset.done $0x0  }
0xa1: {  	[sflag:s22] =	ssyncadd.s32 s5;
	_ =	sdelay $0x1  }
0xa2: {  	s23 =	simm.s32 $0x1B8B  }
0xa3: {  	_ =	swait.ge [sflag:s23], $0x1  }
0xa4: {  	[sflag:s23] =	ssyncset.done $0x0  }
0xa5: {  	s25 =	simm.s32 $0x1B8E;
	s24 =	sld [smem:$0x3FFE];
	[sflag:s23] =	ssyncadd.s32 $0xFFFFFFFF  }
0xa6: {  	s26 =	simm.s32 $execute0_lowered;
	[smem:$0x3FD2] =	sst s25  }
0xa7: {  	s6 =	sshll.u32 s26, $0x1;
	_ =	strace $0x80000046;
	[dreg:$0x1] =	wrdreg $0xFFFFFFFF  }
0xa8: {  	s28 =	simm.s32 $_size_execute0_lowered;
	s4 =	sadd.s32 s4, s6;
	[dreg:$0x0] =	wrdreg $0x0  }
0xa9: {  	s6 =	sshll.u32 s28, $0x1;
	[dreg:$0x2] =	wrdreg s4  }
0xaa: {  	[dreg:$0x3] =	wrdreg s6  }
0xab: {  	[dreg:$0x4] =	wrdreg $0xC0  }
0xac: {  	_ =	task [dreg:s8], $0x5FFFF  }
0xad: {  	[dreg:$0x1] =	wrdreg $0xFFFFFFFF  }
0xae: {  	[dreg:$0x0] =	wrdreg $0x60  }
0xaf: {  	[dreg:$0x2] =	wrdreg s2  }
0xb0: {  	[dreg:$0x3] =	wrdreg s24  }
0xb1: {  	[dreg:$0x4] =	wrdreg s18  }
0xb2: {  	[dreg:$0x5] =	wrdreg $0x28000  }
0xb3: {  	[dreg:$0x6] =	wrdreg $0x9  }
0xb4: {  	_ =	task.clear_ibuf [dreg:s8], $0x7FFFF;
	_ =	strace $0x90000046  }
0xb5: {  	s29 =	simm.s32 $0x9;
	_ =	strace $0x80000048  }
0xb6: {  	_ =	swait.ge [sflag:s29], $0x1  }
0xb7: {  	[sflag:s29] =	ssyncadd.s32 $0xFFFFFFFF  }
0xb8: {  	_ =	strace $0x90000048  }
0xb9: {  	_ =	sfence  }
0xba: {  	s30 =	sld [smem:$0x0];
	_ =	sdelay $0x2  }
0xbb: {  	s31 =	sshll.u32 s1, $0xD;
	s1 =	sshrl.u32 s1, $0x2  }
0xbc: {  	s3 =	sand.u32 $0x4000, s31;
	s1 =	sadd.s32 s1, s30  }
0xbd: {  	s0 =	sor.u32 s3, s0;
	s1 =	sshll.u32 s1, $0x11  }
0xbe: {  	s0 =	sor.u32 s1, s0  }
0xbf: {  	s0 =	sadd.s32 $0x8F2B, s0  }
0xc0: {  	[sflag:s0] =	ssyncadd.remote.s32 $0x1  }
0xc1: {  	_ =	sfence.sel $0xFFFF  }
0xc2: {  	[dreg:$0x0] =	wrdreg $0xFFFFFFFF;
	(pc) =	sbr.abs _section_cstart, $3  }
0xc3: {  	[dreg:$0x1] =	wrdreg $0xFFFFFFFF  }
0xc4: {  	_ =	task.clear_ibuf [dreg:s8], $0x2FFFF;
	_ =	strace $0x9FFFFFFF  }
0xc5: {  	(tm) =	ssettm $0x7FFFFFFF  }
tec
execute0_lowered:
.L_overlay_start_1:
0x0: {  	(tag) =	ssettag $0x1  }
0x1: {  	s7 =	rddreg [dreg:$0x0]  }
0x2: {  	s4 =	rddreg [dreg:$0x1]  }
0x3: {  	s8 =	rddreg [dreg:$0x2]  }
0x4: {  	s2 =	rddreg [dreg:$0x3]  }
0x5: {  	s0 =	rddreg [dreg:$0x4]  }
0x6: {  	s3 =	simm.s32 $0x0;
	s1 =	stileid.u32;
	s5 =	srdreg.scid  }
0x7: {  	s18 =	simm.s32 $0x0;
	[smem:$0x7FF] =	sst s3;
	s9 =	smul.u32 $0x280, s1  }
0x8: {  	s5 =	sand.u32 $0x1, s5;
	s17 =	sshll.u32 s1, $0x6;
	s31 =	smul.u32 $0x4E, s1  }
0x9: {  	_ =	strace $0x80000047;
	s6 =	ssub.s32 $0x2, s5;
	s13 =	smul.u32 $0x2800, s5  }
0xa: {  	s10 =	sshll.u32 s5, $0x4;
	s16 =	smul.u32 $0x4E0, s5;
	s11 =	sshrl.u32 s9, $0x3  }
0xb: {  	s12 =	sshrl.u32 s6, $0x1;
	s10 =	sor.u32 s1, s10;
	s15 =	sadd.s32 s9, s2  }
0xc: {  	s11 =	sadd.s32 s11, s4;
	s12 =	ssub.s32 s6, s12;
	s30 =	smul.u32 $0x4E, s10  }
0xd: {  	p0 =	slt.u32 s10, $0x4;
	s4 =	simm.s32 $0x4F;
	s10 =	smin.u32 s10, $0x4  }
0xe: {  	s9 =	sadd.s32 s9, s13;
	s13 =	simm.s32 $0x100;
	s4 =	simm.s32 @!p0 $0x4E  }
0xf: {  	s5 =	sadd.s32 $0x2600, s11;
	s9 =	sshrl.u32 s9, $0x3;
	s11 =	sshrl.u32 s15, $0x3  }
0x10: {  	s15 =	simm.s32 $0x2780;
	s6 =	sadd.s32 s10, s30;
	s10 =	sor.u32 s16, s10  }
0x11: {  	s8 =	sadd.s32 s8, s9;
	s9 =	smax.u32 s12, $0x1;
	s12 =	simm.s32 $0x80  }
0x12: {  	s16 =	sor.u32 $0x1C02, s17;
	s14 =	smin.u32 s6, $0x975;
	s10 =	sadd.s32 s31, s10  }
0x13: {  	s6 =	sor.u32 $0x1C01, s17;
	s14 =	sshll.u32 s14, $0x5;
	s10 =	smax.u32 s10, $0x975  }
0x14: {  	s17 =	simm.s32 $0x2;
	s7 =	sadd.s32 s14, s7;
	s10 =	sshll.u32 s10, $0x7  }
0x15: {  	v0 =	vimm.f32 $1.000000000e+00;
	s14 =	simm.s32 $0x1;
	s7 =	sadd.s32 $0x10, s7;
	s10 =	sadd.s32 $0xFFFB4580, s10  }
.LBB2_1:
0x16: {  	[spmem:s11], [sflag:s6] =	dma.local [hbm:s5], $0x50  }
0x17: {  	[tilespmem:s3], [sflag:$0x1] =	stream.strided.gather [hbm4b:s7+s12], $0x2780, s13, s12, $0x38;
	[tilespmem:$0x2A80] =	vst v63  }
0x18: {  	_ =	swait.ge [sflag:s14], $0x50  }
0x19: {  	[sflag:s14] =	ssyncset.done $0x0  }
0x1a: {  	[sflag:s14] =	ssyncadd.s32 $0xFFFFFFB0  }
0x1b: {  	_ =	swait.ge [sflag:s14], $0x2780  }
0x1c: {  	[sflag:s14] =	ssyncset.done $0x0  }
0x1d: {  	[sflag:s14] =	ssyncadd.s32 $0xFFFFD880  }
0x1e: {  	[tilespmem:$0x2780] =	vst v0  }
0x1f: {  	[tilespmem:$0x2790] =	vst v0  }
0x20: {  	[tilespmem:$0x27A0] =	vst v0  }
0x21: {  	[tilespmem:$0x27B0] =	vst v0  }
0x22: {  	p0 =	sne.s32 s4, $0x1;
	[tilespmem:$0x27C0] =	vst v0  }
.Ltmp0:
0x23: {  	[tilespmem:$0x27D0] =	vst v0;
	(pc) =	sbr.rel @!p0 .LBB2_3-.Ltmp0, $4  }
0x24: {  	[tilespmem:$0x27E0] =	vst v0  }
0x25: {  	[tilespmem:$0x27F0] =	vst v0  }
0x26: {  	s19 =	sadd.s32 $0xFFFFFFFF, s4;
	s20 =	smov.u32 s10;
	[bflag:$0x0] =	sbarrier.arrive $0xFFFF  }
0x27: {  	[spmem:s2] =	stream.indirect.scatter.add.f32 [tilespmem:s15], [sflag:$0x1], $0x1, s10, s12, $0xb8;
	[tilespmem:$0x2A80] =	vst v63  }
.LBB2_2:
0x28: {  	p1 =	sne.s32 s19, $0x1  }
.Ltmp1:
0x29: {  	_ = 	snop;
	(pc) =	sbr.rel @p1 .LBB2_2-.Ltmp1, $3  }
0x2a: {  	_ = 	snop  }
0x2b: {  	s19 =	sadd.s32 $0xFFFFFFFF, s19;
	s20 =	sadd.s32 $0x80, s20;
	_ =	sdelay $0x1  }
0x2c: {  	[spmem:s2] =	stream.indirect.scatter.add.f32 [tilespmem:s15], [sflag:$0x1], $0x1, s20, s12, $0xb8;
	[tilespmem:$0x2A80] =	vst v63  }
.LBB2_3:
.Ltmp2:
0x2d: {  	(pc) =	sbr.rel @!p0 .LBB2_5-.Ltmp2, $3  }
0x2e: {  	_ =	sdelay $0x1  }
0x2f: {  	_ =	swait.ge [sflag:s14], $0x80  }
0x30: {  	s19 =	sadd.s32 $0xFFFFFFFF, s4;
	[sflag:s14] =	ssyncset.done $0x0  }
.LBB2_4:
0x31: {  	p0 =	sne.s32 s19, $0x1;
	s19 =	sadd.s32 $0xFFFFFFFF, s19;
	[sflag:s14] =	ssyncadd.s32 $0xFFFFFF80  }
.Ltmp3:
0x32: {  	(pc) =	sbr.rel @p0 .LBB2_4-.Ltmp3, $3  }
0x33: {  	_ =	sdelay $0x1  }
0x34: {  	_ =	swait.ge [sflag:s14], $0x80  }
0x35: {  	[sflag:s14] =	ssyncset.done $0x0  }
.LBB2_5:
0x36: {  	s18 =	sadd.s32 $0x1, s18  }
0x37: {  	[sflag:s14] =	ssyncadd.s32 $0xFFFFFF80;
	p0 =	sne.s32 s18, s9  }
.Ltmp4:
0x38: {  	[bflag:$0x0] =	sbarrier.arrive $0xFFFF;
	(pc) =	sbr.rel @p0 .LBB2_1-.Ltmp4, $4  }
0x39: {  	[hbm:s8], [sflag:s16] =	dma.local [spmem:s11], $0x50  }
0x3a: {  	_ =	swait.ge [sflag:s17], $0x50  }
0x3b: {  	[sflag:s17] =	ssyncset.done $0x0  }
0x3c: {  	[sflag:s17] =	ssyncadd.s32 $0xFFFFFFB0  }
0x3d: {  	_ =	sfence.sel $0x180000  }
0x3e: {  	[bflag:$0x0] =	sbarrier.arrive $0xFFFF  }
0x3f: {  	p0 =	sne.s32 s1, $0x0;
	_ =	strace $0x90000047  }
0x40: {  	s0 =	sadd.s32 @!p0 $0x100000, s0;
	[bflag:$0x2] =	sbarrier.arrive $0xFFFF  }
0x41: {  	[sflag:s0] =	ssyncadd.tile.s32 @!p0 $0x1;
	_ =	shalt  }
.Lfunc_end2:
_tile_overlayer_lowered:
.L_overlay_start_2:
0x42: {  	(tag) =	ssettag $0x2  }
0x43: {  	s0 =	rddreg [dreg:$0x0];
	s2 =	stileid.u32  }
0x44: {  	s1 =	rddreg [dreg:$0x1];
	p0 =	sne.s32 s2, $0x0  }
0x45: {  	s3 =	rddreg [dreg:$0x2];
	[bflag:$0x3] =	sbarrier.arrive $0xFFFF;
	s2 =	simm.s32 @!p0 $0x1C02  }
0x46: {  	[timem:s3], [sflag:s2] =	dma.local @!p0 [hbm:s0], s1  }
0x47: {  	s0 =	simm.s32 @!p0 $0x2  }
0x48: {  	_ =	swait.ge @!p0 [sflag:s0], s1  }
0x49: {  	s1 =	ssub.s32 @!p0 $0x0, s1;
	[sflag:s0] =	ssyncset.done @!p0 $0x0  }
0x4a: {  	[sflag:s0] =	ssyncadd.s32 @!p0 s1  }
0x4b: {  	[bflag:$0x3] =	sbarrier.arrive $0xFFFF  }
0x4c: {  	_ =	shalt  }

</sc_bundles>
